<compile_context>
chip_gen: v7x
topology: tpu7x:2x2x1
jax: 0.10.2.dev20260603
libtpu: 0.0.44.dev20260713+nightly
codegen_flags: <defaults>
</compile_context>

<pallas_src>
import functools

import jax
import jax.numpy as jnp
from jax import lax
from jax.experimental import pallas as pl
from jax.experimental.pallas import tpu as pltpu
from jax.experimental.pallas import tpu_sc as plsc

BATCH = 512
INST = 2
D_IN = 256
D_SAE = 16384
D_LVL0 = 4096
K_LVL0 = BATCH * INST * 32
K_LVL1 = BATCH * INST * 64

ROWS = BATCH * INST
N_TILES = 16
ROWS_PER_TILE = ROWS // N_TILES
LANES = 16
HIST = 65536
CHUNK = HIST // N_TILES
CHUNK_V = CHUNK // LANES
_UNROLL = 4



_BB = 256
_FB = 2048


def _enc_body(x_ref, w_ref, b_ref, out_ref):
    for i in range(INST):
        acc = lax.dot_general(
            x_ref[:, i, :], w_ref[i], (((1,), (1,)), ((), ())),
            preferred_element_type=jnp.float32)
        acc = acc + b_ref[i][None, :]
        out_ref[:, i, :] = jnp.maximum(acc, 0.0)


def _encoder(xf, w_enc, b_enc):
    nb = BATCH // _BB
    nf = D_SAE // _FB
    return pl.pallas_call(
        _enc_body,
        grid=(nb, nf),
        in_specs=[
            pl.BlockSpec((_BB, INST, D_IN), lambda b, f: (b, 0, 0)),
            pl.BlockSpec((INST, _FB, D_IN), lambda b, f: (0, f, 0)),
            pl.BlockSpec((INST, _FB), lambda b, f: (0, f)),
        ],
        out_specs=pl.BlockSpec((_BB, INST, _FB), lambda b, f: (b, 0, f)),
        out_shape=jax.ShapeDtypeStruct((BATCH, INST, D_SAE), jnp.float32),
    )(xf, w_enc, b_enc)



def _sc_select(acts2):
    mesh = plsc.VectorSubcoreMesh(core_axis_name="c", subcore_axis_name="s")
    kern = pl.kernel(
        _sc_select_wrapped,
        out_type=(
            jax.ShapeDtypeStruct((INST, LANES), jnp.float32),
            jax.ShapeDtypeStruct((INST, N_TILES, N_TILES + 1, CHUNK), jnp.int32),
        ),
        mesh=mesh,
        compiler_params=pltpu.CompilerParams(needs_layout_passes=False),
        scratch_types=[
            pltpu.VMEM((D_SAE,), jnp.float32),
            pltpu.VMEM((N_TILES, CHUNK), jnp.int32),
            pltpu.VMEM((CHUNK,), jnp.int32),
            pltpu.VMEM((CHUNK,), jnp.int32),
            pltpu.VMEM((LANES,), jnp.int32),
            pltpu.VMEM((N_TILES, LANES), jnp.int32),
            pltpu.VMEM((LANES,), jnp.int32),
            pltpu.VMEM((LANES,), jnp.float32),
        ],
    )
    return kern(acts2)[0]


def _sc_select_wrapped(acts_hbm, out_hbm, hist_hbm, buf, hist, merged, tmp,
                       totv, totv2, resv, thrv):
    core = lax.axis_index("c")
    sub = lax.axis_index("s")

    n_vregs_row = jnp.where(core == 0, D_LVL0 // LANES, D_SAE // LANES)
    k_target = jnp.where(core == 0, jnp.int32(K_LVL0), jnp.int32(K_LVL1))
    zeros16 = jnp.zeros((LANES,), jnp.int32)
    iota = lax.iota(jnp.int32, LANES)

    def zero_ref(ref, n_v):
        def zbody(j, _):
            ref[pl.ds(j * LANES, LANES)] = zeros16
            return 0
        lax.fori_loop(0, n_v, zbody, 0)

    def extract_lane(vec, lane):
        sel = jnp.where(iota == lane, vec, jnp.zeros_like(vec))
        return lax.reduce_sum_p.bind(sel, axes=(0,))

    def splat(x):
        return jnp.full((LANES,), x, dtype=jnp.int32)

    def zero_hist():
        for r in range(N_TILES):
            def zbody(j, _):
                hist[r, pl.ds(j * LANES, LANES)] = zeros16
                return 0
            lax.fori_loop(0, CHUNK_V, zbody, 0)

    def stream_histogram(mode, b1):
        zero_hist()
        b1v = splat(b1)

        ones16 = jnp.ones((LANES,), jnp.int32)

        def row_body(rr, _):
            r = sub * ROWS_PER_TILE + rr
            pltpu.sync_copy(acts_hbm.at[r], buf)

            def vbody(j, _):
                for u in range(_UNROLL):
                    v = buf[pl.ds((j * _UNROLL + u) * LANES, LANES)]
                    pos = v > 0.0
                    bits = plsc.bitcast(v, jnp.int32)
                    hi = lax.shift_right_logical(bits, 16)
                    if mode == 0:
                        bkt = hi
                        m = pos
                    else:
                        bkt = lax.bitwise_and(bits, jnp.int32(0xFFFF))
                        m = jnp.logical_and(pos, hi == b1v)
                    cnt, last = plsc.scan_count(bkt, mask=m)
                    row = lax.shift_right_logical(bkt, 12)
                    col = lax.bitwise_and(bkt, jnp.int32(CHUNK - 1))
                    plsc.addupdate_scatter(hist, [row, col], cnt, mask=last)
                return 0

            lax.fori_loop(0, n_vregs_row // _UNROLL, vbody, 0)
            return 0

        lax.fori_loop(0, ROWS_PER_TILE, row_body, 0)

    def merge_and_scan(k_want):
        pltpu.sync_copy(hist, hist_hbm.at[core, sub, pl.ds(0, N_TILES)])
        plsc.subcore_barrier()

        zero_ref(merged, CHUNK_V)

        def mbody(t, _):
            pltpu.sync_copy(hist_hbm.at[core, t, sub], tmp)

            def abody(j, _):
                s = pl.ds(j * LANES, LANES)
                merged[s] = merged[s] + tmp[s]
                return 0

            lax.fori_loop(0, CHUNK_V, abody, 0)
            return 0

        lax.fori_loop(0, N_TILES, mbody, 0)

        def tbody(j, acc):
            return acc + merged[pl.ds(j * LANES, LANES)]

        tot_vec = lax.fori_loop(0, CHUNK_V, tbody, zeros16)
        chunk_tot = lax.reduce_sum_p.bind(tot_vec, axes=(0,))
        totv[pl.ds(0, LANES)] = splat(chunk_tot)
        pltpu.sync_copy(totv, hist_hbm.at[core, sub, N_TILES, pl.ds(0, LANES)])
        plsc.subcore_barrier()

        for t in range(N_TILES):
            pltpu.sync_copy(hist_hbm.at[core, t, N_TILES, pl.ds(0, LANES)],
                            totv2.at[t])

        def sbody(i, carry):
            acc, cstar, above = carry
            t = N_TILES - 1 - i
            tvec = totv2[t]
            tt = extract_lane(tvec, jnp.int32(0))
            new_acc = acc + tt
            found = jnp.logical_and(cstar < 0, new_acc >= k_want)
            cstar = jnp.where(found, t, cstar)
            above = jnp.where(found, acc, above)
            return new_acc, cstar, above

        _, cstar, above = lax.fori_loop(
            0, N_TILES, sbody,
            (jnp.int32(0), jnp.int32(-1), jnp.int32(0)))

        def cbody(i, carry):
            cum, bsel, cgt = carry
            jv = CHUNK_V - 1 - i
            v = merged[pl.ds(jv * LANES, LANES)]
            rv = lax.rev(v, (0,))
            cs = plsc.cumsum(rv)
            cumincl = splat(cum) + cs
            crossed = cumincl >= splat(k_want)
            any_crossed = lax.reduce_max_p.bind(
                crossed.astype(jnp.int32), axes=(0,)) > 0
            lane = plsc.all_reduce_ffs(crossed)
            if lane.ndim != 0:
                lane = extract_lane(lane, jnp.int32(0))
            found = jnp.logical_and(bsel < 0, any_crossed)
            bucket = jv * LANES + (LANES - 1 - lane)
            cnt_at = extract_lane(rv, lane)
            cumincl_at = extract_lane(cumincl, lane)
            bsel = jnp.where(found, bucket, bsel)
            cgt = jnp.where(found, cumincl_at - cnt_at, cgt)
            cum = cum + lax.reduce_sum_p.bind(rv, axes=(0,))
            return cum, bsel, cgt

        _, bsel, cgt = lax.fori_loop(
            0, CHUNK_V, cbody,
            (above, jnp.int32(-1), jnp.int32(0)))

        @pl.when(sub == 0)
        def _():
            resv[pl.ds(0, LANES)] = zeros16
            pltpu.sync_copy(resv, hist_hbm.at[core, 0, N_TILES, pl.ds(LANES, LANES)])

        plsc.subcore_barrier()

        @pl.when(jnp.logical_and(cstar >= 0, sub == cstar))
        def _():
            bucket_g = cstar * CHUNK + bsel
            vec = jnp.where(iota == 0, splat(bucket_g),
                            jnp.where(iota == 1, splat(cgt),
                                      jnp.where(iota == 2, splat(1),
                                                zeros16)))
            resv[pl.ds(0, LANES)] = vec
            pltpu.sync_copy(resv, hist_hbm.at[core, 0, N_TILES, pl.ds(LANES, LANES)])

        plsc.subcore_barrier()
        pltpu.sync_copy(hist_hbm.at[core, 0, N_TILES, pl.ds(LANES, LANES)], resv)
        vec = resv[pl.ds(0, LANES)]
        bucket = extract_lane(vec, jnp.int32(0))
        count_gt = extract_lane(vec, jnp.int32(1))
        valid = extract_lane(vec, jnp.int32(2))
        return bucket, count_gt, valid, cstar

    stream_histogram(0, jnp.int32(0))
    b1, cgt1, valid1, _ = merge_and_scan(k_target)

    k_rem = k_target - cgt1
    stream_histogram(1, b1)
    b2, _, valid2, cstar2 = merge_and_scan(k_rem)

    thr_bits = lax.bitwise_or(lax.shift_left(b1, 16), b2)
    thr_vec = plsc.bitcast(splat(thr_bits), jnp.float32)
    ok = jnp.logical_and(valid1 > 0, valid2 > 0)
    thr_vec = jnp.where(ok, thr_vec, jnp.zeros((LANES,), jnp.float32))
    writer = jnp.where(cstar2 >= 0, cstar2, jnp.int32(0))

    @pl.when(sub == writer)
    def _():
        thrv[pl.ds(0, LANES)] = thr_vec
        pltpu.sync_copy(thrv, out_hbm.at[core])



def _dec_body(nf_total, acts_ref, w_ref, b_ref, thr_ref, topk_ref, recon_ref):
    nf = pl.program_id(1)
    t = thr_ref[0, 0]
    for i in range(INST):
        a = acts_ref[:, i, :]
        masked = jnp.where(a >= t, a, 0.0)
        topk_ref[:, i, :] = masked
        part = lax.dot_general(
            masked, w_ref[i], (((1,), (1,)), ((), ())),
            preferred_element_type=jnp.float32)

        @pl.when(nf == 0)
        def _():
            recon_ref[:, i, :] = part

        @pl.when(nf > 0)
        def _():
            recon_ref[:, i, :] += part

        @pl.when(nf == nf_total - 1)
        def _():
            recon_ref[:, i, :] = jnp.maximum(
                recon_ref[:, i, :] + b_ref[i][None, :], 0.0)


def _decoder(acts, w_dec, b_dec, thr, d_level):
    nb = BATCH // _BB
    nf = d_level // _FB
    return pl.pallas_call(
        functools.partial(_dec_body, nf),
        grid=(nb, nf),
        in_specs=[
            pl.BlockSpec((_BB, INST, _FB), lambda b, f: (b, 0, f)),
            pl.BlockSpec((INST, D_IN, _FB), lambda b, f: (0, 0, f)),
            pl.BlockSpec((INST, D_IN), lambda b, f: (0, 0)),
            pl.BlockSpec((1, 1), lambda b, f: (0, 0)),
        ],
        out_specs=[
            pl.BlockSpec((_BB, INST, _FB), lambda b, f: (b, 0, f)),
            pl.BlockSpec((_BB, INST, D_IN), lambda b, f: (b, 0, 0)),
        ],
        out_shape=[
            jax.ShapeDtypeStruct((BATCH, INST, d_level), jnp.float32),
            jax.ShapeDtypeStruct((BATCH, INST, D_IN), jnp.float32),
        ],
    )(acts, w_dec, b_dec, thr)


def kernel(x, W_enc, W_dec, b_enc, b_dec):
    xf = x.reshape(BATCH, INST, D_IN * x.shape[2])
    acts = _encoder(xf, W_enc, b_enc)

    thr = _sc_select(acts.reshape(ROWS, D_SAE))
    thr0 = thr[0, 0].reshape(1, 1)
    thr1 = thr[1, 0].reshape(1, 1)

    topk0, recon0 = _decoder(acts, W_dec, b_dec, thr0, D_LVL0)
    topk1, recon1 = _decoder(acts, W_dec, b_dec, thr1, D_SAE)

    return ((recon0, recon1), (topk0, topk1), topk1)

# --- scband reference (transcript-rebuilt; emitter-appended) ---
"""Pipeline reference for scband-sae-5875515261481 (READ-ONLY COPY).

The authoritative reference and input builder live on the scoring server;
editing this copy changes nothing except your own understanding.
"""

import jax, jax.numpy as jnp
import numpy as np

BATCH, INST, SEQ, IN_SAE = 512, 2, 1, 256
D_SAE = 16384
TOPK_MAP = {4096: 32, 16384: 64}


def setup_inputs(seed: int = 0) -> dict:
    key = jax.random.key(seed)
    k1, k2 = jax.random.split(key)
    x = jax.random.normal(k1, (BATCH, INST, SEQ, IN_SAE), dtype=jnp.float32)
    in_dim = IN_SAE * SEQ
    # kaiming_normal_ fan_in, relu: std = sqrt(2 / fan_in)
    W_enc = jax.random.normal(k2, (INST, D_SAE, in_dim), dtype=jnp.float32) * np.sqrt(2.0 / in_dim)
    # W_dec initialized as transpose of W_enc[..., :n_input_ae]
    W_dec = jnp.transpose(W_enc[..., :IN_SAE], (0, 2, 1))
    b_enc = jnp.zeros((INST, D_SAE), dtype=jnp.float32)
    b_dec = jnp.zeros((INST, IN_SAE), dtype=jnp.float32)
    return {"x": x, "W_enc": W_enc, "W_dec": W_dec, "b_enc": b_enc, "b_dec": b_dec}


def reference(x, W_enc, W_dec, b_enc, b_dec):
    batch = x.shape[0]
    xf = x.reshape(batch, INST, -1)
    acts_enc = jnp.einsum('bid,ijd->bij', xf, W_enc) + b_enc
    acts_enc = jax.nn.relu(acts_enc)
    d_levels = sorted(TOPK_MAP.keys())
    recon_levels = []
    topk_levels = []
    acts_out = acts_enc
    for d_l in d_levels:
        level = acts_enc[..., :d_l]
        k = batch * INST * TOPK_MAP[d_l]
        flat = level.reshape(-1)
        vals, idxs = jax.lax.top_k(flat, k)
        topk = jnp.zeros_like(flat).at[idxs].set(vals).reshape(level.shape)
        topk_levels.append(topk)
        recon = jnp.einsum('bij,ikj->bik', topk, W_dec[..., :d_l]) + b_dec
        recon = jax.nn.relu(recon)
        recon_levels.append(recon)
        # In the torch code, when d_l == d_sae the slice is contiguous, so
        # .ravel().zero_().scatter_(...) mutates acts_enc in place: the returned
        # acts_enc aliases the top-k-masked activations of the full level.
        if d_l == D_SAE:
            acts_out = topk
    return (tuple(recon_levels), tuple(topk_levels), acts_out)

if __name__ == "__main__":
    import jax
    _d = setup_inputs()
    print(jax.jit(kernel)(*tuple(_d.values())))

</pallas_src>

<mosaic_0001>
#map = affine_map<(d0, d1) -> (0, 0)>
#map1 = affine_map<(d0, d1) -> (0, 0, 0, 0)>
module attributes {stable_mosaic.version = 14 : i64} {
  func.func @_sc_select_wrapped(%arg0: i32, %arg1: i32, %arg2: memref<1024x16384xf32, #tpu.memory_space<hbm>>, %arg3: memref<2x16xf32, #tpu.memory_space<hbm>>, %arg4: memref<2x16x17x4096xi32, #tpu.memory_space<hbm>>, %arg5: memref<16384xf32, #tpu.memory_space<vmem>>, %arg6: memref<16x4096xi32, #tpu.memory_space<vmem>>, %arg7: memref<4096xi32, #tpu.memory_space<vmem>>, %arg8: memref<4096xi32, #tpu.memory_space<vmem>>, %arg9: memref<16xi32, #tpu.memory_space<vmem>>, %arg10: memref<16x16xi32, #tpu.memory_space<vmem>>, %arg11: memref<16xi32, #tpu.memory_space<vmem>>, %arg12: memref<16xf32, #tpu.memory_space<vmem>>) attributes {dimension_semantics = [#tpu.dimension_semantics<core_parallel>, #tpu.dimension_semantics<subcore_parallel>], iteration_bounds = array<i64: 2, 16>, scalar_prefetch = 0 : i64, scratch_operands = 8 : i64, tpu.core_type = #tpu.core_type<sc_vector_subcore>, window_params = [{transform_indices = #map}, {transform_indices = #map}, {transform_indices = #map1}]} {
    %eq3A = arith.constant 0 : i32
    %eq3A_0 = arith.cmpi eq, %arg0, %eq3A : i32
    %jit3A = arith.constant 256 : i32
    %jit3A_1 = arith.constant 1024 : i32
    %select_n3A = arith.select %eq3A_0, %jit3A, %jit3A_1 : i32
    %eq3A_2 = arith.constant 0 : i32
    %eq3A_3 = arith.cmpi eq, %arg0, %eq3A_2 : i32
    %jit3A_4 = arith.constant 32768 : i32
    %jit3A_5 = arith.constant 65536 : i32
    %select_n3A_6 = arith.select %eq3A_3, %jit3A_4, %jit3A_5 : i32
    %broadcast_in_dim3A = arith.constant 0 : i32
    %broadcast_in_dim3A_7 = vector.broadcast %broadcast_in_dim3A : i32 to vector<16xi32>
    %iota3A = tpu.iota {dimensions = array<i32: 0>} : vector<16xi32>
    %scan3A = arith.constant 0 : i32
    %scan3A_8 = arith.constant 0 : i32
    %scan3A_9 = arith.constant 256 : i32
    %scan3A_10 = arith.addi %scan3A_8, %scan3A_9 : i32
    %scan3A_11 = arith.constant 1 : i32
    %scan3A_12 = scf.for %scan3A_546 = %scan3A_8 to %scan3A_10 step %scan3A_11 iter_args(%scan3A_547 = %scan3A) -> (i32)  : i32 {
      %mul3A = arith.constant 16 : i32
      %mul3A_548 = arith.muli %scan3A_546, %mul3A : i32
      %swap3A_549 = arith.constant 0 : i32
      %swap3A_550 = arith.index_cast %swap3A_549 : i32 to index
      %swap3A_551 = arith.index_cast %mul3A_548 : i32 to index
      %swap3A_552 = tpu.vector_load %arg6[%swap3A_550, %swap3A_551] {strides = array<i32>} : memref<16x4096xi32, #tpu.memory_space<vmem>>, vector<16xi32>,
      tpu.vector_store %arg6[%swap3A_550, %swap3A_551], %broadcast_in_dim3A_7 {strides = array<i32>} : memref<16x4096xi32, #tpu.memory_space<vmem>>, vector<16xi32>,
      %scan3A_553 = arith.constant 0 : i32
      scf.yield %scan3A_553 : i32
    }
    %scan3A_13 = arith.constant 256 : i32
    %scan3A_14 = arith.constant 0 : i32
    %scan3A_15 = arith.constant 0 : i32
    %scan3A_16 = arith.constant 256 : i32
    %scan3A_17 = arith.addi %scan3A_15, %scan3A_16 : i32
    %scan3A_18 = arith.constant 1 : i32
    %scan3A_19 = scf.for %scan3A_546 = %scan3A_15 to %scan3A_17 step %scan3A_18 iter_args(%scan3A_547 = %scan3A_14) -> (i32)  : i32 {
      %mul3A = arith.constant 16 : i32
      %mul3A_548 = arith.muli %scan3A_546, %mul3A : i32
      %swap3A_549 = arith.constant 1 : i32
      %swap3A_550 = arith.index_cast %swap3A_549 : i32 to index
      %swap3A_551 = arith.index_cast %mul3A_548 : i32 to index
      %swap3A_552 = tpu.vector_load %arg6[%swap3A_550, %swap3A_551] {strides = array<i32>} : memref<16x4096xi32, #tpu.memory_space<vmem>>, vector<16xi32>,
      tpu.vector_store %arg6[%swap3A_550, %swap3A_551], %broadcast_in_dim3A_7 {strides = array<i32>} : memref<16x4096xi32, #tpu.memory_space<vmem>>, vector<16xi32>,
      %scan3A_553 = arith.constant 0 : i32
      scf.yield %scan3A_553 : i32
    }
    %scan3A_20 = arith.constant 256 : i32
    %scan3A_21 = arith.constant 0 : i32
    %scan3A_22 = arith.constant 0 : i32
    %scan3A_23 = arith.constant 256 : i32
    %scan3A_24 = arith.addi %scan3A_22, %scan3A_23 : i32
    %scan3A_25 = arith.constant 1 : i32
    %scan3A_26 = scf.for %scan3A_546 = %scan3A_22 to %scan3A_24 step %scan3A_25 iter_args(%scan3A_547 = %scan3A_21) -> (i32)  : i32 {
      %mul3A = arith.constant 16 : i32
      %mul3A_548 = arith.muli %scan3A_546, %mul3A : i32
      %swap3A_549 = arith.constant 2 : i32
      %swap3A_550 = arith.index_cast %swap3A_549 : i32 to index
      %swap3A_551 = arith.index_cast %mul3A_548 : i32 to index
      %swap3A_552 = tpu.vector_load %arg6[%swap3A_550, %swap3A_551] {strides = array<i32>} : memref<16x4096xi32, #tpu.memory_space<vmem>>, vector<16xi32>,
      tpu.vector_store %arg6[%swap3A_550, %swap3A_551], %broadcast_in_dim3A_7 {strides = array<i32>} : memref<16x4096xi32, #tpu.memory_space<vmem>>, vector<16xi32>,
      %scan3A_553 = arith.constant 0 : i32
      scf.yield %scan3A_553 : i32
    }
    %scan3A_27 = arith.constant 256 : i32
    %scan3A_28 = arith.constant 0 : i32
    %scan3A_29 = arith.constant 0 : i32
    %scan3A_30 = arith.constant 256 : i32
    %scan3A_31 = arith.addi %scan3A_29, %scan3A_30 : i32
    %scan3A_32 = arith.constant 1 : i32
    %scan3A_33 = scf.for %scan3A_546 = %scan3A_29 to %scan3A_31 step %scan3A_32 iter_args(%scan3A_547 = %scan3A_28) -> (i32)  : i32 {
      %mul3A = arith.constant 16 : i32
      %mul3A_548 = arith.muli %scan3A_546, %mul3A : i32
      %swap3A_549 = arith.constant 3 : i32
      %swap3A_550 = arith.index_cast %swap3A_549 : i32 to index
      %swap3A_551 = arith.index_cast %mul3A_548 : i32 to index
      %swap3A_552 = tpu.vector_load %arg6[%swap3A_550, %swap3A_551] {strides = array<i32>} : memref<16x4096xi32, #tpu.memory_space<vmem>>, vector<16xi32>,
      tpu.vector_store %arg6[%swap3A_550, %swap3A_551], %broadcast_in_dim3A_7 {strides = array<i32>} : memref<16x4096xi32, #tpu.memory_space<vmem>>, vector<16xi32>,
      %scan3A_553 = arith.constant 0 : i32
      scf.yield %scan3A_553 : i32
    }
    %scan3A_34 = arith.constant 256 : i32
    %scan3A_35 = arith.constant 0 : i32
    %scan3A_36 = arith.constant 0 : i32
    %scan3A_37 = arith.constant 256 : i32
    %scan3A_38 = arith.addi %scan3A_36, %scan3A_37 : i32
    %scan3A_39 = arith.constant 1 : i32
    %scan3A_40 = scf.for %scan3A_546 = %scan3A_36 to %scan3A_38 step %scan3A_39 iter_args(%scan3A_547 = %scan3A_35) -> (i32)  : i32 {
      %mul3A = arith.constant 16 : i32
      %mul3A_548 = arith.muli %scan3A_546, %mul3A : i32
      %swap3A_549 = arith.constant 4 : i32
      %swap3A_550 = arith.index_cast %swap3A_549 : i32 to index
      %swap3A_551 = arith.index_cast %mul3A_548 : i32 to index
      %swap3A_552 = tpu.vector_load %arg6[%swap3A_550, %swap3A_551] {strides = array<i32>} : memref<16x4096xi32, #tpu.memory_space<vmem>>, vector<16xi32>,
      tpu.vector_store %arg6[%swap3A_550, %swap3A_551], %broadcast_in_dim3A_7 {strides = array<i32>} : memref<16x4096xi32, #tpu.memory_space<vmem>>, vector<16xi32>,
      %scan3A_553 = arith.constant 0 : i32
      scf.yield %scan3A_553 : i32
    }
    %scan3A_41 = arith.constant 256 : i32
    %scan3A_42 = arith.constant 0 : i32
    %scan3A_43 = arith.constant 0 : i32
    %scan3A_44 = arith.constant 256 : i32
    %scan3A_45 = arith.addi %scan3A_43, %scan3A_44 : i32
    %scan3A_46 = arith.constant 1 : i32
    %scan3A_47 = scf.for %scan3A_546 = %scan3A_43 to %scan3A_45 step %scan3A_46 iter_args(%scan3A_547 = %scan3A_42) -> (i32)  : i32 {
      %mul3A = arith.constant 16 : i32
      %mul3A_548 = arith.muli %scan3A_546, %mul3A : i32
      %swap3A_549 = arith.constant 5 : i32
      %swap3A_550 = arith.index_cast %swap3A_549 : i32 to index
      %swap3A_551 = arith.index_cast %mul3A_548 : i32 to index
      %swap3A_552 = tpu.vector_load %arg6[%swap3A_550, %swap3A_551] {strides = array<i32>} : memref<16x4096xi32, #tpu.memory_space<vmem>>, vector<16xi32>,
      tpu.vector_store %arg6[%swap3A_550, %swap3A_551], %broadcast_in_dim3A_7 {strides = array<i32>} : memref<16x4096xi32, #tpu.memory_space<vmem>>, vector<16xi32>,
      %scan3A_553 = arith.constant 0 : i32
      scf.yield %scan3A_553 : i32
    }
    %scan3A_48 = arith.constant 256 : i32
    %scan3A_49 = arith.constant 0 : i32
    %scan3A_50 = arith.constant 0 : i32
    %scan3A_51 = arith.constant 256 : i32
    %scan3A_52 = arith.addi %scan3A_50, %scan3A_51 : i32
    %scan3A_53 = arith.constant 1 : i32
    %scan3A_54 = scf.for %scan3A_546 = %scan3A_50 to %scan3A_52 step %scan3A_53 iter_args(%scan3A_547 = %scan3A_49) -> (i32)  : i32 {
      %mul3A = arith.constant 16 : i32
      %mul3A_548 = arith.muli %scan3A_546, %mul3A : i32
      %swap3A_549 = arith.constant 6 : i32
      %swap3A_550 = arith.index_cast %swap3A_549 : i32 to index
      %swap3A_551 = arith.index_cast %mul3A_548 : i32 to index
      %swap3A_552 = tpu.vector_load %arg6[%swap3A_550, %swap3A_551] {strides = array<i32>} : memref<16x4096xi32, #tpu.memory_space<vmem>>, vector<16xi32>,
      tpu.vector_store %arg6[%swap3A_550, %swap3A_551], %broadcast_in_dim3A_7 {strides = array<i32>} : memref<16x4096xi32, #tpu.memory_space<vmem>>, vector<16xi32>,
      %scan3A_553 = arith.constant 0 : i32
      scf.yield %scan3A_553 : i32
    }
    %scan3A_55 = arith.constant 256 : i32
    %scan3A_56 = arith.constant 0 : i32
    %scan3A_57 = arith.constant 0 : i32
    %scan3A_58 = arith.constant 256 : i32
    %scan3A_59 = arith.addi %scan3A_57, %scan3A_58 : i32
    %scan3A_60 = arith.constant 1 : i32
    %scan3A_61 = scf.for %scan3A_546 = %scan3A_57 to %scan3A_59 step %scan3A_60 iter_args(%scan3A_547 = %scan3A_56) -> (i32)  : i32 {
      %mul3A = arith.constant 16 : i32
      %mul3A_548 = arith.muli %scan3A_546, %mul3A : i32
      %swap3A_549 = arith.constant 7 : i32
      %swap3A_550 = arith.index_cast %swap3A_549 : i32 to index
      %swap3A_551 = arith.index_cast %mul3A_548 : i32 to index
      %swap3A_552 = tpu.vector_load %arg6[%swap3A_550, %swap3A_551] {strides = array<i32>} : memref<16x4096xi32, #tpu.memory_space<vmem>>, vector<16xi32>,
      tpu.vector_store %arg6[%swap3A_550, %swap3A_551], %broadcast_in_dim3A_7 {strides = array<i32>} : memref<16x4096xi32, #tpu.memory_space<vmem>>, vector<16xi32>,
      %scan3A_553 = arith.constant 0 : i32
      scf.yield %scan3A_553 : i32
    }
    %scan3A_62 = arith.constant 256 : i32
    %scan3A_63 = arith.constant 0 : i32
    %scan3A_64 = arith.constant 0 : i32
    %scan3A_65 = arith.constant 256 : i32
    %scan3A_66 = arith.addi %scan3A_64, %scan3A_65 : i32
    %scan3A_67 = arith.constant 1 : i32
    %scan3A_68 = scf.for %scan3A_546 = %scan3A_64 to %scan3A_66 step %scan3A_67 iter_args(%scan3A_547 = %scan3A_63) -> (i32)  : i32 {
      %mul3A = arith.constant 16 : i32
      %mul3A_548 = arith.muli %scan3A_546, %mul3A : i32
      %swap3A_549 = arith.constant 8 : i32
      %swap3A_550 = arith.index_cast %swap3A_549 : i32 to index
      %swap3A_551 = arith.index_cast %mul3A_548 : i32 to index
      %swap3A_552 = tpu.vector_load %arg6[%swap3A_550, %swap3A_551] {strides = array<i32>} : memref<16x4096xi32, #tpu.memory_space<vmem>>, vector<16xi32>,
      tpu.vector_store %arg6[%swap3A_550, %swap3A_551], %broadcast_in_dim3A_7 {strides = array<i32>} : memref<16x4096xi32, #tpu.memory_space<vmem>>, vector<16xi32>,
      %scan3A_553 = arith.constant 0 : i32
      scf.yield %scan3A_553 : i32
    }
    %scan3A_69 = arith.constant 256 : i32
    %scan3A_70 = arith.constant 0 : i32
    %scan3A_71 = arith.constant 0 : i32
    %scan3A_72 = arith.constant 256 : i32
    %scan3A_73 = arith.addi %scan3A_71, %scan3A_72 : i32
    %scan3A_74 = arith.constant 1 : i32
    %scan3A_75 = scf.for %scan3A_546 = %scan3A_71 to %scan3A_73 step %scan3A_74 iter_args(%scan3A_547 = %scan3A_70) -> (i32)  : i32 {
      %mul3A = arith.constant 16 : i32
      %mul3A_548 = arith.muli %scan3A_546, %mul3A : i32
      %swap3A_549 = arith.constant 9 : i32
      %swap3A_550 = arith.index_cast %swap3A_549 : i32 to index
      %swap3A_551 = arith.index_cast %mul3A_548 : i32 to index
      %swap3A_552 = tpu.vector_load %arg6[%swap3A_550, %swap3A_551] {strides = array<i32>} : memref<16x4096xi32, #tpu.memory_space<vmem>>, vector<16xi32>,
      tpu.vector_store %arg6[%swap3A_550, %swap3A_551], %broadcast_in_dim3A_7 {strides = array<i32>} : memref<16x4096xi32, #tpu.memory_space<vmem>>, vector<16xi32>,
      %scan3A_553 = arith.constant 0 : i32
      scf.yield %scan3A_553 : i32
    }
    %scan3A_76 = arith.constant 256 : i32
    %scan3A_77 = arith.constant 0 : i32
    %scan3A_78 = arith.constant 0 : i32
    %scan3A_79 = arith.constant 256 : i32
    %scan3A_80 = arith.addi %scan3A_78, %scan3A_79 : i32
    %scan3A_81 = arith.constant 1 : i32
    %scan3A_82 = scf.for %scan3A_546 = %scan3A_78 to %scan3A_80 step %scan3A_81 iter_args(%scan3A_547 = %scan3A_77) -> (i32)  : i32 {
      %mul3A = arith.constant 16 : i32
      %mul3A_548 = arith.muli %scan3A_546, %mul3A : i32
      %swap3A_549 = arith.constant 10 : i32
      %swap3A_550 = arith.index_cast %swap3A_549 : i32 to index
      %swap3A_551 = arith.index_cast %mul3A_548 : i32 to index
      %swap3A_552 = tpu.vector_load %arg6[%swap3A_550, %swap3A_551] {strides = array<i32>} : memref<16x4096xi32, #tpu.memory_space<vmem>>, vector<16xi32>,
      tpu.vector_store %arg6[%swap3A_550, %swap3A_551], %broadcast_in_dim3A_7 {strides = array<i32>} : memref<16x4096xi32, #tpu.memory_space<vmem>>, vector<16xi32>,
      %scan3A_553 = arith.constant 0 : i32
      scf.yield %scan3A_553 : i32
    }
    %scan3A_83 = arith.constant 256 : i32
    %scan3A_84 = arith.constant 0 : i32
    %scan3A_85 = arith.constant 0 : i32
    %scan3A_86 = arith.constant 256 : i32
    %scan3A_87 = arith.addi %scan3A_85, %scan3A_86 : i32
    %scan3A_88 = arith.constant 1 : i32
    %scan3A_89 = scf.for %scan3A_546 = %scan3A_85 to %scan3A_87 step %scan3A_88 iter_args(%scan3A_547 = %scan3A_84) -> (i32)  : i32 {
      %mul3A = arith.constant 16 : i32
      %mul3A_548 = arith.muli %scan3A_546, %mul3A : i32
      %swap3A_549 = arith.constant 11 : i32
      %swap3A_550 = arith.index_cast %swap3A_549 : i32 to index
      %swap3A_551 = arith.index_cast %mul3A_548 : i32 to index
      %swap3A_552 = tpu.vector_load %arg6[%swap3A_550, %swap3A_551] {strides = array<i32>} : memref<16x4096xi32, #tpu.memory_space<vmem>>, vector<16xi32>,
      tpu.vector_store %arg6[%swap3A_550, %swap3A_551], %broadcast_in_dim3A_7 {strides = array<i32>} : memref<16x4096xi32, #tpu.memory_space<vmem>>, vector<16xi32>,
      %scan3A_553 = arith.constant 0 : i32
      scf.yield %scan3A_553 : i32
    }
    %scan3A_90 = arith.constant 256 : i32
    %scan3A_91 = arith.constant 0 : i32
    %scan3A_92 = arith.constant 0 : i32
    %scan3A_93 = arith.constant 256 : i32
    %scan3A_94 = arith.addi %scan3A_92, %scan3A_93 : i32
    %scan3A_95 = arith.constant 1 : i32
    %scan3A_96 = scf.for %scan3A_546 = %scan3A_92 to %scan3A_94 step %scan3A_95 iter_args(%scan3A_547 = %scan3A_91) -> (i32)  : i32 {
      %mul3A = arith.constant 16 : i32
      %mul3A_548 = arith.muli %scan3A_546, %mul3A : i32
      %swap3A_549 = arith.constant 12 : i32
      %swap3A_550 = arith.index_cast %swap3A_549 : i32 to index
      %swap3A_551 = arith.index_cast %mul3A_548 : i32 to index
      %swap3A_552 = tpu.vector_load %arg6[%swap3A_550, %swap3A_551] {strides = array<i32>} : memref<16x4096xi32, #tpu.memory_space<vmem>>, vector<16xi32>,
      tpu.vector_store %arg6[%swap3A_550, %swap3A_551], %broadcast_in_dim3A_7 {strides = array<i32>} : memref<16x4096xi32, #tpu.memory_space<vmem>>, vector<16xi32>,
      %scan3A_553 = arith.constant 0 : i32
      scf.yield %scan3A_553 : i32
    }
    %scan3A_97 = arith.constant 256 : i32
    %scan3A_98 = arith.constant 0 : i32
    %scan3A_99 = arith.constant 0 : i32
    %scan3A_100 = arith.constant 256 : i32
    %scan3A_101 = arith.addi %scan3A_99, %scan3A_100 : i32
    %scan3A_102 = arith.constant 1 : i32
    %scan3A_103 = scf.for %scan3A_546 = %scan3A_99 to %scan3A_101 step %scan3A_102 iter_args(%scan3A_547 = %scan3A_98) -> (i32)  : i32 {
      %mul3A = arith.constant 16 : i32
      %mul3A_548 = arith.muli %scan3A_546, %mul3A : i32
      %swap3A_549 = arith.constant 13 : i32
      %swap3A_550 = arith.index_cast %swap3A_549 : i32 to index
      %swap3A_551 = arith.index_cast %mul3A_548 : i32 to index
      %swap3A_552 = tpu.vector_load %arg6[%swap3A_550, %swap3A_551] {strides = array<i32>} : memref<16x4096xi32, #tpu.memory_space<vmem>>, vector<16xi32>,
      tpu.vector_store %arg6[%swap3A_550, %swap3A_551], %broadcast_in_dim3A_7 {strides = array<i32>} : memref<16x4096xi32, #tpu.memory_space<vmem>>, vector<16xi32>,
      %scan3A_553 = arith.constant 0 : i32
      scf.yield %scan3A_553 : i32
    }
    %scan3A_104 = arith.constant 256 : i32
    %scan3A_105 = arith.constant 0 : i32
    %scan3A_106 = arith.constant 0 : i32
    %scan3A_107 = arith.constant 256 : i32
    %scan3A_108 = arith.addi %scan3A_106, %scan3A_107 : i32
    %scan3A_109 = arith.constant 1 : i32
    %scan3A_110 = scf.for %scan3A_546 = %scan3A_106 to %scan3A_108 step %scan3A_109 iter_args(%scan3A_547 = %scan3A_105) -> (i32)  : i32 {
      %mul3A = arith.constant 16 : i32
      %mul3A_548 = arith.muli %scan3A_546, %mul3A : i32
      %swap3A_549 = arith.constant 14 : i32
      %swap3A_550 = arith.index_cast %swap3A_549 : i32 to index
      %swap3A_551 = arith.index_cast %mul3A_548 : i32 to index
      %swap3A_552 = tpu.vector_load %arg6[%swap3A_550, %swap3A_551] {strides = array<i32>} : memref<16x4096xi32, #tpu.memory_space<vmem>>, vector<16xi32>,
      tpu.vector_store %arg6[%swap3A_550, %swap3A_551], %broadcast_in_dim3A_7 {strides = array<i32>} : memref<16x4096xi32, #tpu.memory_space<vmem>>, vector<16xi32>,
      %scan3A_553 = arith.constant 0 : i32
      scf.yield %scan3A_553 : i32
    }
    %scan3A_111 = arith.constant 256 : i32
    %scan3A_112 = arith.constant 0 : i32
    %scan3A_113 = arith.constant 0 : i32
    %scan3A_114 = arith.constant 256 : i32
    %scan3A_115 = arith.addi %scan3A_113, %scan3A_114 : i32
    %scan3A_116 = arith.constant 1 : i32
    %scan3A_117 = scf.for %scan3A_546 = %scan3A_113 to %scan3A_115 step %scan3A_116 iter_args(%scan3A_547 = %scan3A_112) -> (i32)  : i32 {
      %mul3A = arith.constant 16 : i32
      %mul3A_548 = arith.muli %scan3A_546, %mul3A : i32
      %swap3A_549 = arith.constant 15 : i32
      %swap3A_550 = arith.index_cast %swap3A_549 : i32 to index
      %swap3A_551 = arith.index_cast %mul3A_548 : i32 to index
      %swap3A_552 = tpu.vector_load %arg6[%swap3A_550, %swap3A_551] {strides = array<i32>} : memref<16x4096xi32, #tpu.memory_space<vmem>>, vector<16xi32>,
      tpu.vector_store %arg6[%swap3A_550, %swap3A_551], %broadcast_in_dim3A_7 {strides = array<i32>} : memref<16x4096xi32, #tpu.memory_space<vmem>>, vector<16xi32>,
      %scan3A_553 = arith.constant 0 : i32
      scf.yield %scan3A_553 : i32
    }
    %scan3A_118 = arith.constant 256 : i32
    %broadcast_in_dim3A_119 = arith.constant 0 : i32
    %broadcast_in_dim3A_120 = vector.broadcast %broadcast_in_dim3A_119 : i32 to vector<16xi32>
    %broadcast_in_dim3A_121 = arith.constant 1 : i32
    %broadcast_in_dim3A_122 = vector.broadcast %broadcast_in_dim3A_121 : i32 to vector<16xi32>
    %scan3A_123 = arith.constant 0 : i32
    %scan3A_124 = arith.constant 0 : i32
    %scan3A_125 = arith.constant 64 : i32
    %scan3A_126 = arith.addi %scan3A_124, %scan3A_125 : i32
    %scan3A_127 = arith.constant 1 : i32
    %scan3A_128 = scf.for %scan3A_546 = %scan3A_124 to %scan3A_126 step %scan3A_127 iter_args(%scan3A_547 = %scan3A_123) -> (i32)  : i32 {
      %mul3A = arith.constant 64 : i32
      %mul3A_548 = arith.muli %arg1, %mul3A : i32
      %add3A = arith.addi %mul3A_548, %scan3A_546 : i32
      "tpu.region"() ({
        %run_scoped3A_581 = tpu.sem_alloc : memref<!tpu.dma_semaphore, #tpu.memory_space<semaphore_mem>>
        %dma_start3A = arith.constant 0 : i32
        %dma_start3A_582 = tpu.memref_slice %arg2[%add3A, %dma_start3A] : memref<1024x16384xf32, #tpu.memory_space<hbm>> -> memref<1x16384xf32, #tpu.memory_space<hbm>>
        %dma_start3A_583 = tpu.memref_squeeze %dma_start3A_582 : memref<1x16384xf32, #tpu.memory_space<hbm>> -> memref<16384xf32, #tpu.memory_space<hbm>>
        %dma_start3A_584 = arith.constant 0 : i32
        %dma_start3A_585 = tpu.memref_slice %arg2[%add3A, %dma_start3A_584] : memref<1024x16384xf32, #tpu.memory_space<hbm>> -> memref<1x16384xf32, #tpu.memory_space<hbm>>
        %dma_start3A_586 = tpu.memref_squeeze %dma_start3A_585 : memref<1x16384xf32, #tpu.memory_space<hbm>> -> memref<16384xf32, #tpu.memory_space<hbm>>
        tpu.enqueue_dma source(%dma_start3A_586 : memref<16384xf32, #tpu.memory_space<hbm>>) target(%arg5 : memref<16384xf32, #tpu.memory_space<vmem>>) target_semaphore(%run_scoped3A_581 : memref<!tpu.dma_semaphore, #tpu.memory_space<semaphore_mem>>)
        %dma_wait3A = arith.constant 0 : i32
        %dma_wait3A_587 = tpu.memref_slice %arg2[%add3A, %dma_wait3A] : memref<1024x16384xf32, #tpu.memory_space<hbm>> -> memref<1x16384xf32, #tpu.memory_space<hbm>>
        %dma_wait3A_588 = tpu.memref_squeeze %dma_wait3A_587 : memref<1x16384xf32, #tpu.memory_space<hbm>> -> memref<16384xf32, #tpu.memory_space<hbm>>
        %dma_wait3A_589 = arith.constant 0 : i32
        %dma_wait3A_590 = tpu.memref_slice %arg2[%add3A, %dma_wait3A_589] : memref<1024x16384xf32, #tpu.memory_space<hbm>> -> memref<1x16384xf32, #tpu.memory_space<hbm>>
        %dma_wait3A_591 = tpu.memref_squeeze %dma_wait3A_590 : memref<1x16384xf32, #tpu.memory_space<hbm>> -> memref<16384xf32, #tpu.memory_space<hbm>>
        tpu.wait_dma2 semaphore(%run_scoped3A_581 : memref<!tpu.dma_semaphore, #tpu.memory_space<semaphore_mem>>) src(%dma_wait3A_591 : memref<16384xf32, #tpu.memory_space<hbm>>) dst(%arg5 : memref<16384xf32, #tpu.memory_space<vmem>>)
        tpu.yield
      }) : () -> ()
      %jit3A_549 = arith.constant 4 : i32
      %div3A = arith.divsi %select_n3A, %jit3A_549 : i32
      %sign3A = arith.constant 0 : i32
      %sign3A_550 = arith.cmpi sgt, %select_n3A, %sign3A : i32
      %sign3A_551 = arith.extui %sign3A_550 : i1 to i32
      %sign3A_552 = arith.constant 0 : i32
      %sign3A_553 = arith.cmpi slt, %select_n3A, %sign3A_552 : i32
      %sign3A_554 = arith.extui %sign3A_553 : i1 to i32
      %sign3A_555 = arith.subi %sign3A_551, %sign3A_554 : i32
      %sign3A_556 = arith.constant 0 : i32
      %sign3A_557 = arith.cmpi sgt, %jit3A_549, %sign3A_556 : i32
      %sign3A_558 = arith.extui %sign3A_557 : i1 to i32
      %sign3A_559 = arith.constant 0 : i32
      %sign3A_560 = arith.cmpi slt, %jit3A_549, %sign3A_559 : i32
      %sign3A_561 = arith.extui %sign3A_560 : i1 to i32
      %sign3A_562 = arith.subi %sign3A_558, %sign3A_561 : i32
      %ne3A = arith.cmpi ne, %sign3A_555, %sign3A_562 : i32
      %rem3A = arith.remsi %select_n3A, %jit3A_549 : i32
      %ne3A_563 = arith.constant 0 : i32
      %ne3A_564 = arith.cmpi ne, %rem3A, %ne3A_563 : i32
      %and3A_565 = arith.andi %ne3A, %ne3A_564 : i1
      %sub3A_566 = arith.constant 1 : i32
      %sub3A_567 = arith.subi %div3A, %sub3A_566 : i32
      %select_n3A_568 = arith.select %and3A_565, %sub3A_567, %div3A : i32
      %while3A = arith.constant 0 : i32
      %while3A_569 = arith.constant 0 : i32
      %while3A_570 = arith.subi %select_n3A_568, %while3A : i32
      %while3A_571 = arith.addi %while3A, %while3A_570 : i32
      %while3A_572 = arith.constant 1 : i32
      %while3A_573 = arith.divsi %while3A_570, %while3A_572 : i32
      %while3A_574 = arith.muli %while3A_573, %while3A_572 : i32
      %while3A_575 = arith.addi %while3A, %while3A_574 : i32
      %while3A_576 = arith.constant 1 : i32
      %while3A_577 = scf.for %while3A_581 = %while3A to %while3A_575 step %while3A_576 iter_args(%while3A_582 = %while3A_569) -> (i32)  : i32 {
        %mul3A_583 = arith.constant 4 : i32
        %mul3A_584 = arith.muli %while3A_581, %mul3A_583 : i32
        %add3A_585 = arith.constant 0 : i32
        %add3A_586 = arith.addi %mul3A_584, %add3A_585 : i32
        %mul3A_587 = arith.constant 16 : i32
        %mul3A_588 = arith.muli %add3A_586, %mul3A_587 : i32
        %get3A_589 = arith.index_cast %mul3A_588 : i32 to index
        %get3A_590 = tpu.vector_load %arg5[%get3A_589] {strides = array<i32>} : memref<16384xf32, #tpu.memory_space<vmem>>, vector<16xf32>,
        %gt3A_591 = arith.constant 0.000000e+00 : f32
        %gt3A_592 = vector.broadcast %gt3A_591 : f32 to vector<16xf32>
        %gt3A_593 = arith.cmpf ogt, %get3A_590, %gt3A_592 : vector<16xf32>
        %bitcast3A_594 = vector.bitcast %get3A_590 : vector<16xf32> to vector<16xi32>
        %shift_right_logical3A = arith.constant 16 : i32
        %shift_right_logical3A_595 = vector.broadcast %shift_right_logical3A : i32 to vector<16xi32>
        %shift_right_logical3A_596 = arith.shrui %bitcast3A_594, %shift_right_logical3A_595 : vector<16xi32>
        %unique3A, %unique3A_597 = tpu.scan_count mask(%gt3A_593 : vector<16xi1>) value(%shift_right_logical3A_596 : vector<16xi32>) : vector<16xi1>, vector<16xi32>
        %shift_right_logical3A_598 = arith.constant 12 : i32
        %shift_right_logical3A_599 = vector.broadcast %shift_right_logical3A_598 : i32 to vector<16xi32>
        %shift_right_logical3A_600 = arith.shrui %shift_right_logical3A_596, %shift_right_logical3A_599 : vector<16xi32>
        %and3A_601 = arith.constant 4095 : i32
        %and3A_602 = vector.broadcast %and3A_601 : i32 to vector<16xi32>
        %and3A_603 = arith.andi %shift_right_logical3A_596, %and3A_602 : vector<16xi32>
        tpu.vector_store_idx %arg6[%shift_right_logical3A_600, %and3A_603], %unique3A_597 masked %unique3A {add = true} : memref<16x4096xi32, #tpu.memory_space<vmem>>[vector<16xi32>, vector<16xi32>], vector<16xi32>, vector<16xi1>
        %mul3A_604 = arith.constant 4 : i32
        %mul3A_605 = arith.muli %while3A_581, %mul3A_604 : i32
        %add3A_606 = arith.constant 1 : i32
        %add3A_607 = arith.addi %mul3A_605, %add3A_606 : i32
        %mul3A_608 = arith.constant 16 : i32
        %mul3A_609 = arith.muli %add3A_607, %mul3A_608 : i32
        %get3A_610 = arith.index_cast %mul3A_609 : i32 to index
        %get3A_611 = tpu.vector_load %arg5[%get3A_610] {strides = array<i32>} : memref<16384xf32, #tpu.memory_space<vmem>>, vector<16xf32>,
        %gt3A_612 = arith.constant 0.000000e+00 : f32
        %gt3A_613 = vector.broadcast %gt3A_612 : f32 to vector<16xf32>
        %gt3A_614 = arith.cmpf ogt, %get3A_611, %gt3A_613 : vector<16xf32>
        %bitcast3A_615 = vector.bitcast %get3A_611 : vector<16xf32> to vector<16xi32>
        %shift_right_logical3A_616 = arith.constant 16 : i32
        %shift_right_logical3A_617 = vector.broadcast %shift_right_logical3A_616 : i32 to vector<16xi32>
        %shift_right_logical3A_618 = arith.shrui %bitcast3A_615, %shift_right_logical3A_617 : vector<16xi32>
        %unique3A_619, %unique3A_620 = tpu.scan_count mask(%gt3A_614 : vector<16xi1>) value(%shift_right_logical3A_618 : vector<16xi32>) : vector<16xi1>, vector<16xi32>
        %shift_right_logical3A_621 = arith.constant 12 : i32
        %shift_right_logical3A_622 = vector.broadcast %shift_right_logical3A_621 : i32 to vector<16xi32>
        %shift_right_logical3A_623 = arith.shrui %shift_right_logical3A_618, %shift_right_logical3A_622 : vector<16xi32>
        %and3A_624 = arith.constant 4095 : i32
        %and3A_625 = vector.broadcast %and3A_624 : i32 to vector<16xi32>
        %and3A_626 = arith.andi %shift_right_logical3A_618, %and3A_625 : vector<16xi32>
        tpu.vector_store_idx %arg6[%shift_right_logical3A_623, %and3A_626], %unique3A_620 masked %unique3A_619 {add = true} : memref<16x4096xi32, #tpu.memory_space<vmem>>[vector<16xi32>, vector<16xi32>], vector<16xi32>, vector<16xi1>
        %mul3A_627 = arith.constant 4 : i32
        %mul3A_628 = arith.muli %while3A_581, %mul3A_627 : i32
        %add3A_629 = arith.constant 2 : i32
        %add3A_630 = arith.addi %mul3A_628, %add3A_629 : i32
        %mul3A_631 = arith.constant 16 : i32
        %mul3A_632 = arith.muli %add3A_630, %mul3A_631 : i32
        %get3A_633 = arith.index_cast %mul3A_632 : i32 to index
        %get3A_634 = tpu.vector_load %arg5[%get3A_633] {strides = array<i32>} : memref<16384xf32, #tpu.memory_space<vmem>>, vector<16xf32>,
        %gt3A_635 = arith.constant 0.000000e+00 : f32
        %gt3A_636 = vector.broadcast %gt3A_635 : f32 to vector<16xf32>
        %gt3A_637 = arith.cmpf ogt, %get3A_634, %gt3A_636 : vector<16xf32>
        %bitcast3A_638 = vector.bitcast %get3A_634 : vector<16xf32> to vector<16xi32>
        %shift_right_logical3A_639 = arith.constant 16 : i32
        %shift_right_logical3A_640 = vector.broadcast %shift_right_logical3A_639 : i32 to vector<16xi32>
        %shift_right_logical3A_641 = arith.shrui %bitcast3A_638, %shift_right_logical3A_640 : vector<16xi32>
        %unique3A_642, %unique3A_643 = tpu.scan_count mask(%gt3A_637 : vector<16xi1>) value(%shift_right_logical3A_641 : vector<16xi32>) : vector<16xi1>, vector<16xi32>
        %shift_right_logical3A_644 = arith.constant 12 : i32
        %shift_right_logical3A_645 = vector.broadcast %shift_right_logical3A_644 : i32 to vector<16xi32>
        %shift_right_logical3A_646 = arith.shrui %shift_right_logical3A_641, %shift_right_logical3A_645 : vector<16xi32>
        %and3A_647 = arith.constant 4095 : i32
        %and3A_648 = vector.broadcast %and3A_647 : i32 to vector<16xi32>
        %and3A_649 = arith.andi %shift_right_logical3A_641, %and3A_648 : vector<16xi32>
        tpu.vector_store_idx %arg6[%shift_right_logical3A_646, %and3A_649], %unique3A_643 masked %unique3A_642 {add = true} : memref<16x4096xi32, #tpu.memory_space<vmem>>[vector<16xi32>, vector<16xi32>], vector<16xi32>, vector<16xi1>
        %mul3A_650 = arith.constant 4 : i32
        %mul3A_651 = arith.muli %while3A_581, %mul3A_650 : i32
        %add3A_652 = arith.constant 3 : i32
        %add3A_653 = arith.addi %mul3A_651, %add3A_652 : i32
        %mul3A_654 = arith.constant 16 : i32
        %mul3A_655 = arith.muli %add3A_653, %mul3A_654 : i32
        %get3A_656 = arith.index_cast %mul3A_655 : i32 to index
        %get3A_657 = tpu.vector_load %arg5[%get3A_656] {strides = array<i32>} : memref<16384xf32, #tpu.memory_space<vmem>>, vector<16xf32>,
        %gt3A_658 = arith.constant 0.000000e+00 : f32
        %gt3A_659 = vector.broadcast %gt3A_658 : f32 to vector<16xf32>
        %gt3A_660 = arith.cmpf ogt, %get3A_657, %gt3A_659 : vector<16xf32>
        %bitcast3A_661 = vector.bitcast %get3A_657 : vector<16xf32> to vector<16xi32>
        %shift_right_logical3A_662 = arith.constant 16 : i32
        %shift_right_logical3A_663 = vector.broadcast %shift_right_logical3A_662 : i32 to vector<16xi32>
        %shift_right_logical3A_664 = arith.shrui %bitcast3A_661, %shift_right_logical3A_663 : vector<16xi32>
        %unique3A_665, %unique3A_666 = tpu.scan_count mask(%gt3A_660 : vector<16xi1>) value(%shift_right_logical3A_664 : vector<16xi32>) : vector<16xi1>, vector<16xi32>
        %shift_right_logical3A_667 = arith.constant 12 : i32
        %shift_right_logical3A_668 = vector.broadcast %shift_right_logical3A_667 : i32 to vector<16xi32>
        %shift_right_logical3A_669 = arith.shrui %shift_right_logical3A_664, %shift_right_logical3A_668 : vector<16xi32>
        %and3A_670 = arith.constant 4095 : i32
        %and3A_671 = vector.broadcast %and3A_670 : i32 to vector<16xi32>
        %and3A_672 = arith.andi %shift_right_logical3A_664, %and3A_671 : vector<16xi32>
        tpu.vector_store_idx %arg6[%shift_right_logical3A_669, %and3A_672], %unique3A_666 masked %unique3A_665 {add = true} : memref<16x4096xi32, #tpu.memory_space<vmem>>[vector<16xi32>, vector<16xi32>], vector<16xi32>, vector<16xi1>
        %while3A_673 = arith.constant 0 : i32
        scf.yield %while3A_673 : i32
      }
      %while3A_578 = arith.constant 1 : i32
      %while3A_579 = scf.for %while3A_581 = %while3A_575 to %while3A_571 step %while3A_578 iter_args(%while3A_582 = %while3A_577) -> (i32)  : i32 {
        %mul3A_583 = arith.constant 4 : i32
        %mul3A_584 = arith.muli %while3A_581, %mul3A_583 : i32
        %add3A_585 = arith.constant 0 : i32
        %add3A_586 = arith.addi %mul3A_584, %add3A_585 : i32
        %mul3A_587 = arith.constant 16 : i32
        %mul3A_588 = arith.muli %add3A_586, %mul3A_587 : i32
        %get3A_589 = arith.index_cast %mul3A_588 : i32 to index
        %get3A_590 = tpu.vector_load %arg5[%get3A_589] {strides = array<i32>} : memref<16384xf32, #tpu.memory_space<vmem>>, vector<16xf32>,
        %gt3A_591 = arith.constant 0.000000e+00 : f32
        %gt3A_592 = vector.broadcast %gt3A_591 : f32 to vector<16xf32>
        %gt3A_593 = arith.cmpf ogt, %get3A_590, %gt3A_592 : vector<16xf32>
        %bitcast3A_594 = vector.bitcast %get3A_590 : vector<16xf32> to vector<16xi32>
        %shift_right_logical3A = arith.constant 16 : i32
        %shift_right_logical3A_595 = vector.broadcast %shift_right_logical3A : i32 to vector<16xi32>
        %shift_right_logical3A_596 = arith.shrui %bitcast3A_594, %shift_right_logical3A_595 : vector<16xi32>
        %unique3A, %unique3A_597 = tpu.scan_count mask(%gt3A_593 : vector<16xi1>) value(%shift_right_logical3A_596 : vector<16xi32>) : vector<16xi1>, vector<16xi32>
        %shift_right_logical3A_598 = arith.constant 12 : i32
        %shift_right_logical3A_599 = vector.broadcast %shift_right_logical3A_598 : i32 to vector<16xi32>
        %shift_right_logical3A_600 = arith.shrui %shift_right_logical3A_596, %shift_right_logical3A_599 : vector<16xi32>
        %and3A_601 = arith.constant 4095 : i32
        %and3A_602 = vector.broadcast %and3A_601 : i32 to vector<16xi32>
        %and3A_603 = arith.andi %shift_right_logical3A_596, %and3A_602 : vector<16xi32>
        tpu.vector_store_idx %arg6[%shift_right_logical3A_600, %and3A_603], %unique3A_597 masked %unique3A {add = true} : memref<16x4096xi32, #tpu.memory_space<vmem>>[vector<16xi32>, vector<16xi32>], vector<16xi32>, vector<16xi1>
        %mul3A_604 = arith.constant 4 : i32
        %mul3A_605 = arith.muli %while3A_581, %mul3A_604 : i32
        %add3A_606 = arith.constant 1 : i32
        %add3A_607 = arith.addi %mul3A_605, %add3A_606 : i32
        %mul3A_608 = arith.constant 16 : i32
        %mul3A_609 = arith.muli %add3A_607, %mul3A_608 : i32
        %get3A_610 = arith.index_cast %mul3A_609 : i32 to index
        %get3A_611 = tpu.vector_load %arg5[%get3A_610] {strides = array<i32>} : memref<16384xf32, #tpu.memory_space<vmem>>, vector<16xf32>,
        %gt3A_612 = arith.constant 0.000000e+00 : f32
        %gt3A_613 = vector.broadcast %gt3A_612 : f32 to vector<16xf32>
        %gt3A_614 = arith.cmpf ogt, %get3A_611, %gt3A_613 : vector<16xf32>
        %bitcast3A_615 = vector.bitcast %get3A_611 : vector<16xf32> to vector<16xi32>
        %shift_right_logical3A_616 = arith.constant 16 : i32
        %shift_right_logical3A_617 = vector.broadcast %shift_right_logical3A_616 : i32 to vector<16xi32>
        %shift_right_logical3A_618 = arith.shrui %bitcast3A_615, %shift_right_logical3A_617 : vector<16xi32>
        %unique3A_619, %unique3A_620 = tpu.scan_count mask(%gt3A_614 : vector<16xi1>) value(%shift_right_logical3A_618 : vector<16xi32>) : vector<16xi1>, vector<16xi32>
        %shift_right_logical3A_621 = arith.constant 12 : i32
        %shift_right_logical3A_622 = vector.broadcast %shift_right_logical3A_621 : i32 to vector<16xi32>
        %shift_right_logical3A_623 = arith.shrui %shift_right_logical3A_618, %shift_right_logical3A_622 : vector<16xi32>
        %and3A_624 = arith.constant 4095 : i32
        %and3A_625 = vector.broadcast %and3A_624 : i32 to vector<16xi32>
        %and3A_626 = arith.andi %shift_right_logical3A_618, %and3A_625 : vector<16xi32>
        tpu.vector_store_idx %arg6[%shift_right_logical3A_623, %and3A_626], %unique3A_620 masked %unique3A_619 {add = true} : memref<16x4096xi32, #tpu.memory_space<vmem>>[vector<16xi32>, vector<16xi32>], vector<16xi32>, vector<16xi1>
        %mul3A_627 = arith.constant 4 : i32
        %mul3A_628 = arith.muli %while3A_581, %mul3A_627 : i32
        %add3A_629 = arith.constant 2 : i32
        %add3A_630 = arith.addi %mul3A_628, %add3A_629 : i32
        %mul3A_631 = arith.constant 16 : i32
        %mul3A_632 = arith.muli %add3A_630, %mul3A_631 : i32
        %get3A_633 = arith.index_cast %mul3A_632 : i32 to index
        %get3A_634 = tpu.vector_load %arg5[%get3A_633] {strides = array<i32>} : memref<16384xf32, #tpu.memory_space<vmem>>, vector<16xf32>,
        %gt3A_635 = arith.constant 0.000000e+00 : f32
        %gt3A_636 = vector.broadcast %gt3A_635 : f32 to vector<16xf32>
        %gt3A_637 = arith.cmpf ogt, %get3A_634, %gt3A_636 : vector<16xf32>
        %bitcast3A_638 = vector.bitcast %get3A_634 : vector<16xf32> to vector<16xi32>
        %shift_right_logical3A_639 = arith.constant 16 : i32
        %shift_right_logical3A_640 = vector.broadcast %shift_right_logical3A_639 : i32 to vector<16xi32>
        %shift_right_logical3A_641 = arith.shrui %bitcast3A_638, %shift_right_logical3A_640 : vector<16xi32>
        %unique3A_642, %unique3A_643 = tpu.scan_count mask(%gt3A_637 : vector<16xi1>) value(%shift_right_logical3A_641 : vector<16xi32>) : vector<16xi1>, vector<16xi32>
        %shift_right_logical3A_644 = arith.constant 12 : i32
        %shift_right_logical3A_645 = vector.broadcast %shift_right_logical3A_644 : i32 to vector<16xi32>
        %shift_right_logical3A_646 = arith.shrui %shift_right_logical3A_641, %shift_right_logical3A_645 : vector<16xi32>
        %and3A_647 = arith.constant 4095 : i32
        %and3A_648 = vector.broadcast %and3A_647 : i32 to vector<16xi32>
        %and3A_649 = arith.andi %shift_right_logical3A_641, %and3A_648 : vector<16xi32>
        tpu.vector_store_idx %arg6[%shift_right_logical3A_646, %and3A_649], %unique3A_643 masked %unique3A_642 {add = true} : memref<16x4096xi32, #tpu.memory_space<vmem>>[vector<16xi32>, vector<16xi32>], vector<16xi32>, vector<16xi1>
        %mul3A_650 = arith.constant 4 : i32
        %mul3A_651 = arith.muli %while3A_581, %mul3A_650 : i32
        %add3A_652 = arith.constant 3 : i32
        %add3A_653 = arith.addi %mul3A_651, %add3A_652 : i32
        %mul3A_654 = arith.constant 16 : i32
        %mul3A_655 = arith.muli %add3A_653, %mul3A_654 : i32
        %get3A_656 = arith.index_cast %mul3A_655 : i32 to index
        %get3A_657 = tpu.vector_load %arg5[%get3A_656] {strides = array<i32>} : memref<16384xf32, #tpu.memory_space<vmem>>, vector<16xf32>,
        %gt3A_658 = arith.constant 0.000000e+00 : f32
        %gt3A_659 = vector.broadcast %gt3A_658 : f32 to vector<16xf32>
        %gt3A_660 = arith.cmpf ogt, %get3A_657, %gt3A_659 : vector<16xf32>
        %bitcast3A_661 = vector.bitcast %get3A_657 : vector<16xf32> to vector<16xi32>
        %shift_right_logical3A_662 = arith.constant 16 : i32
        %shift_right_logical3A_663 = vector.broadcast %shift_right_logical3A_662 : i32 to vector<16xi32>
        %shift_right_logical3A_664 = arith.shrui %bitcast3A_661, %shift_right_logical3A_663 : vector<16xi32>
        %unique3A_665, %unique3A_666 = tpu.scan_count mask(%gt3A_660 : vector<16xi1>) value(%shift_right_logical3A_664 : vector<16xi32>) : vector<16xi1>, vector<16xi32>
        %shift_right_logical3A_667 = arith.constant 12 : i32
        %shift_right_logical3A_668 = vector.broadcast %shift_right_logical3A_667 : i32 to vector<16xi32>
        %shift_right_logical3A_669 = arith.shrui %shift_right_logical3A_664, %shift_right_logical3A_668 : vector<16xi32>
        %and3A_670 = arith.constant 4095 : i32
        %and3A_671 = vector.broadcast %and3A_670 : i32 to vector<16xi32>
        %and3A_672 = arith.andi %shift_right_logical3A_664, %and3A_671 : vector<16xi32>
        tpu.vector_store_idx %arg6[%shift_right_logical3A_669, %and3A_672], %unique3A_666 masked %unique3A_665 {add = true} : memref<16x4096xi32, #tpu.memory_space<vmem>>[vector<16xi32>, vector<16xi32>], vector<16xi32>, vector<16xi1>
        %while3A_673 = arith.constant 0 : i32
        scf.yield %while3A_673 : i32
      }
      %scan3A_580 = arith.constant 0 : i32
      scf.yield %scan3A_580 : i32
    }
    %scan3A_129 = arith.constant 64 : i32
    "tpu.region"() ({
      %run_scoped3A_546 = tpu.sem_alloc : memref<!tpu.dma_semaphore, #tpu.memory_space<semaphore_mem>>
      %dma_start3A = arith.constant 0 : i32
      %dma_start3A_547 = arith.constant 0 : i32
      %dma_start3A_548 = tpu.memref_slice %arg4[%arg0, %arg1, %dma_start3A, %dma_start3A_547] : memref<2x16x17x4096xi32, #tpu.memory_space<hbm>> -> memref<1x1x16x4096xi32, #tpu.memory_space<hbm>>
      %dma_start3A_549 = tpu.memref_squeeze %dma_start3A_548 : memref<1x1x16x4096xi32, #tpu.memory_space<hbm>> -> memref<16x4096xi32, #tpu.memory_space<hbm>>
      %dma_start3A_550 = arith.constant 0 : i32
      %dma_start3A_551 = arith.constant 0 : i32
      %dma_start3A_552 = tpu.memref_slice %arg4[%arg0, %arg1, %dma_start3A_550, %dma_start3A_551] : memref<2x16x17x4096xi32, #tpu.memory_space<hbm>> -> memref<1x1x16x4096xi32, #tpu.memory_space<hbm>>
      %dma_start3A_553 = tpu.memref_squeeze %dma_start3A_552 : memref<1x1x16x4096xi32, #tpu.memory_space<hbm>> -> memref<16x4096xi32, #tpu.memory_space<hbm>>
      tpu.enqueue_dma source(%arg6 : memref<16x4096xi32, #tpu.memory_space<vmem>>) target(%dma_start3A_553 : memref<16x4096xi32, #tpu.memory_space<hbm>>) target_semaphore(%run_scoped3A_546 : memref<!tpu.dma_semaphore, #tpu.memory_space<semaphore_mem>>)
      %dma_wait3A = arith.constant 0 : i32
      %dma_wait3A_554 = arith.constant 0 : i32
      %dma_wait3A_555 = tpu.memref_slice %arg4[%arg0, %arg1, %dma_wait3A, %dma_wait3A_554] : memref<2x16x17x4096xi32, #tpu.memory_space<hbm>> -> memref<1x1x16x4096xi32, #tpu.memory_space<hbm>>
      %dma_wait3A_556 = tpu.memref_squeeze %dma_wait3A_555 : memref<1x1x16x4096xi32, #tpu.memory_space<hbm>> -> memref<16x4096xi32, #tpu.memory_space<hbm>>
      %dma_wait3A_557 = arith.constant 0 : i32
      %dma_wait3A_558 = arith.constant 0 : i32
      %dma_wait3A_559 = tpu.memref_slice %arg4[%arg0, %arg1, %dma_wait3A_557, %dma_wait3A_558] : memref<2x16x17x4096xi32, #tpu.memory_space<hbm>> -> memref<1x1x16x4096xi32, #tpu.memory_space<hbm>>
      %dma_wait3A_560 = tpu.memref_squeeze %dma_wait3A_559 : memref<1x1x16x4096xi32, #tpu.memory_space<hbm>> -> memref<16x4096xi32, #tpu.memory_space<hbm>>
      tpu.wait_dma2 semaphore(%run_scoped3A_546 : memref<!tpu.dma_semaphore, #tpu.memory_space<semaphore_mem>>) src(%arg6 : memref<16x4096xi32, #tpu.memory_space<vmem>>) dst(%dma_wait3A_560 : memref<16x4096xi32, #tpu.memory_space<hbm>>)
      tpu.yield
    }) : () -> ()
    %barrier3A = arith.constant 0 : index
    tpu.barrier barrier_id(%barrier3A)
    %scan3A_130 = arith.constant 0 : i32
    %scan3A_131 = arith.constant 0 : i32
    %scan3A_132 = arith.constant 256 : i32
    %scan3A_133 = arith.addi %scan3A_131, %scan3A_132 : i32
    %scan3A_134 = arith.constant 1 : i32
    %scan3A_135 = scf.for %scan3A_546 = %scan3A_131 to %scan3A_133 step %scan3A_134 iter_args(%scan3A_547 = %scan3A_130) -> (i32)  : i32 {
      %mul3A = arith.constant 16 : i32
      %mul3A_548 = arith.muli %scan3A_546, %mul3A : i32
      %swap3A_549 = arith.index_cast %mul3A_548 : i32 to index
      %swap3A_550 = tpu.vector_load %arg7[%swap3A_549] {strides = array<i32>} : memref<4096xi32, #tpu.memory_space<vmem>>, vector<16xi32>,
      tpu.vector_store %arg7[%swap3A_549], %broadcast_in_dim3A_7 {strides = array<i32>} : memref<4096xi32, #tpu.memory_space<vmem>>, vector<16xi32>,
      %scan3A_551 = arith.constant 0 : i32
      scf.yield %scan3A_551 : i32
    }
    %scan3A_136 = arith.constant 256 : i32
    %scan3A_137 = arith.constant 0 : i32
    %scan3A_138 = arith.constant 0 : i32
    %scan3A_139 = arith.constant 16 : i32
    %scan3A_140 = arith.addi %scan3A_138, %scan3A_139 : i32
    %scan3A_141 = arith.constant 1 : i32
    %scan3A_142 = scf.for %scan3A_546 = %scan3A_138 to %scan3A_140 step %scan3A_141 iter_args(%scan3A_547 = %scan3A_137) -> (i32)  : i32 {
      "tpu.region"() ({
        %run_scoped3A_556 = tpu.sem_alloc : memref<!tpu.dma_semaphore, #tpu.memory_space<semaphore_mem>>
        %dma_start3A = arith.constant 0 : i32
        %dma_start3A_557 = tpu.memref_slice %arg4[%arg0, %scan3A_546, %arg1, %dma_start3A] : memref<2x16x17x4096xi32, #tpu.memory_space<hbm>> -> memref<1x1x1x4096xi32, #tpu.memory_space<hbm>>
        %dma_start3A_558 = tpu.memref_squeeze %dma_start3A_557 : memref<1x1x1x4096xi32, #tpu.memory_space<hbm>> -> memref<4096xi32, #tpu.memory_space<hbm>>
        %dma_start3A_559 = arith.constant 0 : i32
        %dma_start3A_560 = tpu.memref_slice %arg4[%arg0, %scan3A_546, %arg1, %dma_start3A_559] : memref<2x16x17x4096xi32, #tpu.memory_space<hbm>> -> memref<1x1x1x4096xi32, #tpu.memory_space<hbm>>
        %dma_start3A_561 = tpu.memref_squeeze %dma_start3A_560 : memref<1x1x1x4096xi32, #tpu.memory_space<hbm>> -> memref<4096xi32, #tpu.memory_space<hbm>>
        tpu.enqueue_dma source(%dma_start3A_561 : memref<4096xi32, #tpu.memory_space<hbm>>) target(%arg8 : memref<4096xi32, #tpu.memory_space<vmem>>) target_semaphore(%run_scoped3A_556 : memref<!tpu.dma_semaphore, #tpu.memory_space<semaphore_mem>>)
        %dma_wait3A = arith.constant 0 : i32
        %dma_wait3A_562 = tpu.memref_slice %arg4[%arg0, %scan3A_546, %arg1, %dma_wait3A] : memref<2x16x17x4096xi32, #tpu.memory_space<hbm>> -> memref<1x1x1x4096xi32, #tpu.memory_space<hbm>>
        %dma_wait3A_563 = tpu.memref_squeeze %dma_wait3A_562 : memref<1x1x1x4096xi32, #tpu.memory_space<hbm>> -> memref<4096xi32, #tpu.memory_space<hbm>>
        %dma_wait3A_564 = arith.constant 0 : i32
        %dma_wait3A_565 = tpu.memref_slice %arg4[%arg0, %scan3A_546, %arg1, %dma_wait3A_564] : memref<2x16x17x4096xi32, #tpu.memory_space<hbm>> -> memref<1x1x1x4096xi32, #tpu.memory_space<hbm>>
        %dma_wait3A_566 = tpu.memref_squeeze %dma_wait3A_565 : memref<1x1x1x4096xi32, #tpu.memory_space<hbm>> -> memref<4096xi32, #tpu.memory_space<hbm>>
        tpu.wait_dma2 semaphore(%run_scoped3A_556 : memref<!tpu.dma_semaphore, #tpu.memory_space<semaphore_mem>>) src(%dma_wait3A_566 : memref<4096xi32, #tpu.memory_space<hbm>>) dst(%arg8 : memref<4096xi32, #tpu.memory_space<vmem>>)
        tpu.yield
      }) : () -> ()
      %scan3A_548 = arith.constant 0 : i32
      %scan3A_549 = arith.constant 0 : i32
      %scan3A_550 = arith.constant 256 : i32
      %scan3A_551 = arith.addi %scan3A_549, %scan3A_550 : i32
      %scan3A_552 = arith.constant 1 : i32
      %scan3A_553 = scf.for %scan3A_556 = %scan3A_549 to %scan3A_551 step %scan3A_552 iter_args(%scan3A_557 = %scan3A_548) -> (i32)  : i32 {
        %mul3A = arith.constant 16 : i32
        %mul3A_558 = arith.muli %scan3A_556, %mul3A : i32
        %get3A_559 = arith.index_cast %mul3A_558 : i32 to index
        %get3A_560 = tpu.vector_load %arg7[%get3A_559] {strides = array<i32>} : memref<4096xi32, #tpu.memory_space<vmem>>, vector<16xi32>,
        %get3A_561 = arith.index_cast %mul3A_558 : i32 to index
        %get3A_562 = tpu.vector_load %arg8[%get3A_561] {strides = array<i32>} : memref<4096xi32, #tpu.memory_space<vmem>>, vector<16xi32>,
        %add3A = arith.addi %get3A_560, %get3A_562 : vector<16xi32>
        %swap3A_563 = arith.index_cast %mul3A_558 : i32 to index
        %swap3A_564 = tpu.vector_load %arg7[%swap3A_563] {strides = array<i32>} : memref<4096xi32, #tpu.memory_space<vmem>>, vector<16xi32>,
        tpu.vector_store %arg7[%swap3A_563], %add3A {strides = array<i32>} : memref<4096xi32, #tpu.memory_space<vmem>>, vector<16xi32>,
        %scan3A_565 = arith.constant 0 : i32
        scf.yield %scan3A_565 : i32
      }
      %scan3A_554 = arith.constant 256 : i32
      %scan3A_555 = arith.constant 0 : i32
      scf.yield %scan3A_555 : i32
    }
    %scan3A_143 = arith.constant 16 : i32
    %scan3A_144 = arith.constant 0 : i32
    %scan3A_145 = arith.constant 256 : i32
    %scan3A_146 = arith.addi %scan3A_144, %scan3A_145 : i32
    %scan3A_147 = arith.constant 1 : i32
    %scan3A_148 = scf.for %scan3A_546 = %scan3A_144 to %scan3A_146 step %scan3A_147 iter_args(%scan3A_547 = %broadcast_in_dim3A_7) -> (vector<16xi32>)  : i32 {
      %mul3A = arith.constant 16 : i32
      %mul3A_548 = arith.muli %scan3A_546, %mul3A : i32
      %get3A_549 = arith.index_cast %mul3A_548 : i32 to index
      %get3A_550 = tpu.vector_load %arg7[%get3A_549] {strides = array<i32>} : memref<4096xi32, #tpu.memory_space<vmem>>, vector<16xi32>,
      %add3A = arith.addi %scan3A_547, %get3A_550 : vector<16xi32>
      scf.yield %add3A : vector<16xi32>
    }
    %scan3A_149 = arith.constant 256 : i32
    %reduce_sum3A = arith.constant true
    %reduce_sum3A_150 = vector.broadcast %reduce_sum3A : i1 to vector<16xi1>
    %reduce_sum3A_151 = tpu.scan <sum>, %scan3A_148 masked %reduce_sum3A_150 : vector<16xi32>, vector<16xi1> -> vector<16xi32>
    %reduce_sum3A_152 = vector.extract %reduce_sum3A_151[15] : i32 from vector<16xi32>
    %broadcast_in_dim3A_153 = vector.broadcast %reduce_sum3A_152 : i32 to vector<16xi32>
    %swap3A = arith.constant 0 : index
    %swap3A_154 = tpu.vector_load %arg9[%swap3A] {strides = array<i32>} : memref<16xi32, #tpu.memory_space<vmem>>, vector<16xi32>,
    tpu.vector_store %arg9[%swap3A], %broadcast_in_dim3A_153 {strides = array<i32>} : memref<16xi32, #tpu.memory_space<vmem>>, vector<16xi32>,
    %run_scoped3A = arith.constant 16 : i32
    "tpu.region"() ({
      %run_scoped3A_546 = tpu.sem_alloc : memref<!tpu.dma_semaphore, #tpu.memory_space<semaphore_mem>>
      %dma_start3A = arith.constant 0 : i32
      %dma_start3A_547 = tpu.memref_slice %arg4[%arg0, %arg1, %run_scoped3A, %dma_start3A] : memref<2x16x17x4096xi32, #tpu.memory_space<hbm>> -> memref<1x1x1x16xi32, #tpu.memory_space<hbm>>
      %dma_start3A_548 = tpu.memref_squeeze %dma_start3A_547 : memref<1x1x1x16xi32, #tpu.memory_space<hbm>> -> memref<16xi32, #tpu.memory_space<hbm>>
      %dma_start3A_549 = arith.constant 0 : i32
      %dma_start3A_550 = tpu.memref_slice %arg4[%arg0, %arg1, %run_scoped3A, %dma_start3A_549] : memref<2x16x17x4096xi32, #tpu.memory_space<hbm>> -> memref<1x1x1x16xi32, #tpu.memory_space<hbm>>
      %dma_start3A_551 = tpu.memref_squeeze %dma_start3A_550 : memref<1x1x1x16xi32, #tpu.memory_space<hbm>> -> memref<16xi32, #tpu.memory_space<hbm>>
      tpu.enqueue_dma source(%arg9 : memref<16xi32, #tpu.memory_space<vmem>>) target(%dma_start3A_551 : memref<16xi32, #tpu.memory_space<hbm>>) target_semaphore(%run_scoped3A_546 : memref<!tpu.dma_semaphore, #tpu.memory_space<semaphore_mem>>)
      %dma_wait3A = arith.constant 0 : i32
      %dma_wait3A_552 = tpu.memref_slice %arg4[%arg0, %arg1, %run_scoped3A, %dma_wait3A] : memref<2x16x17x4096xi32, #tpu.memory_space<hbm>> -> memref<1x1x1x16xi32, #tpu.memory_space<hbm>>
      %dma_wait3A_553 = tpu.memref_squeeze %dma_wait3A_552 : memref<1x1x1x16xi32, #tpu.memory_space<hbm>> -> memref<16xi32, #tpu.memory_space<hbm>>
      %dma_wait3A_554 = arith.constant 0 : i32
      %dma_wait3A_555 = tpu.memref_slice %arg4[%arg0, %arg1, %run_scoped3A, %dma_wait3A_554] : memref<2x16x17x4096xi32, #tpu.memory_space<hbm>> -> memref<1x1x1x16xi32, #tpu.memory_space<hbm>>
      %dma_wait3A_556 = tpu.memref_squeeze %dma_wait3A_555 : memref<1x1x1x16xi32, #tpu.memory_space<hbm>> -> memref<16xi32, #tpu.memory_space<hbm>>
      tpu.wait_dma2 semaphore(%run_scoped3A_546 : memref<!tpu.dma_semaphore, #tpu.memory_space<semaphore_mem>>) src(%arg9 : memref<16xi32, #tpu.memory_space<vmem>>) dst(%dma_wait3A_556 : memref<16xi32, #tpu.memory_space<hbm>>)
      tpu.yield
    }) : () -> ()
    %barrier3A_155 = arith.constant 0 : index
    tpu.barrier barrier_id(%barrier3A_155)
    %run_scoped3A_156 = arith.constant 0 : i32
    %run_scoped3A_157 = arith.constant 16 : i32
    %run_scoped3A_158 = arith.constant 0 : i32
    "tpu.region"() ({
      %run_scoped3A_546 = tpu.sem_alloc : memref<!tpu.dma_semaphore, #tpu.memory_space<semaphore_mem>>
      %dma_start3A = arith.constant 0 : i32
      %dma_start3A_547 = tpu.memref_slice %arg10[%run_scoped3A_158, %dma_start3A] : memref<16x16xi32, #tpu.memory_space<vmem>> -> memref<1x16xi32, #tpu.memory_space<vmem>>
      %dma_start3A_548 = tpu.memref_squeeze %dma_start3A_547 : memref<1x16xi32, #tpu.memory_space<vmem>> -> memref<16xi32, #tpu.memory_space<vmem>>
      %dma_start3A_549 = arith.constant 0 : i32
      %dma_start3A_550 = tpu.memref_slice %arg4[%arg0, %run_scoped3A_156, %run_scoped3A_157, %dma_start3A_549] : memref<2x16x17x4096xi32, #tpu.memory_space<hbm>> -> memref<1x1x1x16xi32, #tpu.memory_space<hbm>>
      %dma_start3A_551 = tpu.memref_squeeze %dma_start3A_550 : memref<1x1x1x16xi32, #tpu.memory_space<hbm>> -> memref<16xi32, #tpu.memory_space<hbm>>
      %dma_start3A_552 = arith.constant 0 : i32
      %dma_start3A_553 = tpu.memref_slice %arg10[%run_scoped3A_158, %dma_start3A_552] : memref<16x16xi32, #tpu.memory_space<vmem>> -> memref<1x16xi32, #tpu.memory_space<vmem>>
      %dma_start3A_554 = tpu.memref_squeeze %dma_start3A_553 : memref<1x16xi32, #tpu.memory_space<vmem>> -> memref<16xi32, #tpu.memory_space<vmem>>
      %dma_start3A_555 = arith.constant 0 : i32
      %dma_start3A_556 = tpu.memref_slice %arg4[%arg0, %run_scoped3A_156, %run_scoped3A_157, %dma_start3A_555] : memref<2x16x17x4096xi32, #tpu.memory_space<hbm>> -> memref<1x1x1x16xi32, #tpu.memory_space<hbm>>
      %dma_start3A_557 = tpu.memref_squeeze %dma_start3A_556 : memref<1x1x1x16xi32, #tpu.memory_space<hbm>> -> memref<16xi32, #tpu.memory_space<hbm>>
      tpu.enqueue_dma source(%dma_start3A_557 : memref<16xi32, #tpu.memory_space<hbm>>) target(%dma_start3A_554 : memref<16xi32, #tpu.memory_space<vmem>>) target_semaphore(%run_scoped3A_546 : memref<!tpu.dma_semaphore, #tpu.memory_space<semaphore_mem>>)
      %dma_wait3A = arith.constant 0 : i32
      %dma_wait3A_558 = tpu.memref_slice %arg10[%run_scoped3A_158, %dma_wait3A] : memref<16x16xi32, #tpu.memory_space<vmem>> -> memref<1x16xi32, #tpu.memory_space<vmem>>
      %dma_wait3A_559 = tpu.memref_squeeze %dma_wait3A_558 : memref<1x16xi32, #tpu.memory_space<vmem>> -> memref<16xi32, #tpu.memory_space<vmem>>
      %dma_wait3A_560 = arith.constant 0 : i32
      %dma_wait3A_561 = tpu.memref_slice %arg4[%arg0, %run_scoped3A_156, %run_scoped3A_157, %dma_wait3A_560] : memref<2x16x17x4096xi32, #tpu.memory_space<hbm>> -> memref<1x1x1x16xi32, #tpu.memory_space<hbm>>
      %dma_wait3A_562 = tpu.memref_squeeze %dma_wait3A_561 : memref<1x1x1x16xi32, #tpu.memory_space<hbm>> -> memref<16xi32, #tpu.memory_space<hbm>>
      %dma_wait3A_563 = arith.constant 0 : i32
      %dma_wait3A_564 = tpu.memref_slice %arg10[%run_scoped3A_158, %dma_wait3A_563] : memref<16x16xi32, #tpu.memory_space<vmem>> -> memref<1x16xi32, #tpu.memory_space<vmem>>
      %dma_wait3A_565 = tpu.memref_squeeze %dma_wait3A_564 : memref<1x16xi32, #tpu.memory_space<vmem>> -> memref<16xi32, #tpu.memory_space<vmem>>
      %dma_wait3A_566 = arith.constant 0 : i32
      %dma_wait3A_567 = tpu.memref_slice %arg4[%arg0, %run_scoped3A_156, %run_scoped3A_157, %dma_wait3A_566] : memref<2x16x17x4096xi32, #tpu.memory_space<hbm>> -> memref<1x1x1x16xi32, #tpu.memory_space<hbm>>
      %dma_wait3A_568 = tpu.memref_squeeze %dma_wait3A_567 : memref<1x1x1x16xi32, #tpu.memory_space<hbm>> -> memref<16xi32, #tpu.memory_space<hbm>>
      tpu.wait_dma2 semaphore(%run_scoped3A_546 : memref<!tpu.dma_semaphore, #tpu.memory_space<semaphore_mem>>) src(%dma_wait3A_568 : memref<16xi32, #tpu.memory_space<hbm>>) dst(%dma_wait3A_565 : memref<16xi32, #tpu.memory_space<vmem>>)
      tpu.yield
    }) : () -> ()
    %run_scoped3A_159 = arith.constant 1 : i32
    %run_scoped3A_160 = arith.constant 16 : i32
    %run_scoped3A_161 = arith.constant 1 : i32
    "tpu.region"() ({
      %run_scoped3A_546 = tpu.sem_alloc : memref<!tpu.dma_semaphore, #tpu.memory_space<semaphore_mem>>
      %dma_start3A = arith.constant 0 : i32
      %dma_start3A_547 = tpu.memref_slice %arg10[%run_scoped3A_161, %dma_start3A] : memref<16x16xi32, #tpu.memory_space<vmem>> -> memref<1x16xi32, #tpu.memory_space<vmem>>
      %dma_start3A_548 = tpu.memref_squeeze %dma_start3A_547 : memref<1x16xi32, #tpu.memory_space<vmem>> -> memref<16xi32, #tpu.memory_space<vmem>>
      %dma_start3A_549 = arith.constant 0 : i32
      %dma_start3A_550 = tpu.memref_slice %arg4[%arg0, %run_scoped3A_159, %run_scoped3A_160, %dma_start3A_549] : memref<2x16x17x4096xi32, #tpu.memory_space<hbm>> -> memref<1x1x1x16xi32, #tpu.memory_space<hbm>>
      %dma_start3A_551 = tpu.memref_squeeze %dma_start3A_550 : memref<1x1x1x16xi32, #tpu.memory_space<hbm>> -> memref<16xi32, #tpu.memory_space<hbm>>
      %dma_start3A_552 = arith.constant 0 : i32
      %dma_start3A_553 = tpu.memref_slice %arg10[%run_scoped3A_161, %dma_start3A_552] : memref<16x16xi32, #tpu.memory_space<vmem>> -> memref<1x16xi32, #tpu.memory_space<vmem>>
      %dma_start3A_554 = tpu.memref_squeeze %dma_start3A_553 : memref<1x16xi32, #tpu.memory_space<vmem>> -> memref<16xi32, #tpu.memory_space<vmem>>
      %dma_start3A_555 = arith.constant 0 : i32
      %dma_start3A_556 = tpu.memref_slice %arg4[%arg0, %run_scoped3A_159, %run_scoped3A_160, %dma_start3A_555] : memref<2x16x17x4096xi32, #tpu.memory_space<hbm>> -> memref<1x1x1x16xi32, #tpu.memory_space<hbm>>
      %dma_start3A_557 = tpu.memref_squeeze %dma_start3A_556 : memref<1x1x1x16xi32, #tpu.memory_space<hbm>> -> memref<16xi32, #tpu.memory_space<hbm>>
      tpu.enqueue_dma source(%dma_start3A_557 : memref<16xi32, #tpu.memory_space<hbm>>) target(%dma_start3A_554 : memref<16xi32, #tpu.memory_space<vmem>>) target_semaphore(%run_scoped3A_546 : memref<!tpu.dma_semaphore, #tpu.memory_space<semaphore_mem>>)
      %dma_wait3A = arith.constant 0 : i32
      %dma_wait3A_558 = tpu.memref_slice %arg10[%run_scoped3A_161, %dma_wait3A] : memref<16x16xi32, #tpu.memory_space<vmem>> -> memref<1x16xi32, #tpu.memory_space<vmem>>
      %dma_wait3A_559 = tpu.memref_squeeze %dma_wait3A_558 : memref<1x16xi32, #tpu.memory_space<vmem>> -> memref<16xi32, #tpu.memory_space<vmem>>
      %dma_wait3A_560 = arith.constant 0 : i32
      %dma_wait3A_561 = tpu.memref_slice %arg4[%arg0, %run_scoped3A_159, %run_scoped3A_160, %dma_wait3A_560] : memref<2x16x17x4096xi32, #tpu.memory_space<hbm>> -> memref<1x1x1x16xi32, #tpu.memory_space<hbm>>
      %dma_wait3A_562 = tpu.memref_squeeze %dma_wait3A_561 : memref<1x1x1x16xi32, #tpu.memory_space<hbm>> -> memref<16xi32, #tpu.memory_space<hbm>>
      %dma_wait3A_563 = arith.constant 0 : i32
      %dma_wait3A_564 = tpu.memref_slice %arg10[%run_scoped3A_161, %dma_wait3A_563] : memref<16x16xi32, #tpu.memory_space<vmem>> -> memref<1x16xi32, #tpu.memory_space<vmem>>
      %dma_wait3A_565 = tpu.memref_squeeze %dma_wait3A_564 : memref<1x16xi32, #tpu.memory_space<vmem>> -> memref<16xi32, #tpu.memory_space<vmem>>
      %dma_wait3A_566 = arith.constant 0 : i32
      %dma_wait3A_567 = tpu.memref_slice %arg4[%arg0, %run_scoped3A_159, %run_scoped3A_160, %dma_wait3A_566] : memref<2x16x17x4096xi32, #tpu.memory_space<hbm>> -> memref<1x1x1x16xi32, #tpu.memory_space<hbm>>
      %dma_wait3A_568 = tpu.memref_squeeze %dma_wait3A_567 : memref<1x1x1x16xi32, #tpu.memory_space<hbm>> -> memref<16xi32, #tpu.memory_space<hbm>>
      tpu.wait_dma2 semaphore(%run_scoped3A_546 : memref<!tpu.dma_semaphore, #tpu.memory_space<semaphore_mem>>) src(%dma_wait3A_568 : memref<16xi32, #tpu.memory_space<hbm>>) dst(%dma_wait3A_565 : memref<16xi32, #tpu.memory_space<vmem>>)
      tpu.yield
    }) : () -> ()
    %run_scoped3A_162 = arith.constant 2 : i32
    %run_scoped3A_163 = arith.constant 16 : i32
    %run_scoped3A_164 = arith.constant 2 : i32
    "tpu.region"() ({
      %run_scoped3A_546 = tpu.sem_alloc : memref<!tpu.dma_semaphore, #tpu.memory_space<semaphore_mem>>
      %dma_start3A = arith.constant 0 : i32
      %dma_start3A_547 = tpu.memref_slice %arg10[%run_scoped3A_164, %dma_start3A] : memref<16x16xi32, #tpu.memory_space<vmem>> -> memref<1x16xi32, #tpu.memory_space<vmem>>
      %dma_start3A_548 = tpu.memref_squeeze %dma_start3A_547 : memref<1x16xi32, #tpu.memory_space<vmem>> -> memref<16xi32, #tpu.memory_space<vmem>>
      %dma_start3A_549 = arith.constant 0 : i32
      %dma_start3A_550 = tpu.memref_slice %arg4[%arg0, %run_scoped3A_162, %run_scoped3A_163, %dma_start3A_549] : memref<2x16x17x4096xi32, #tpu.memory_space<hbm>> -> memref<1x1x1x16xi32, #tpu.memory_space<hbm>>
      %dma_start3A_551 = tpu.memref_squeeze %dma_start3A_550 : memref<1x1x1x16xi32, #tpu.memory_space<hbm>> -> memref<16xi32, #tpu.memory_space<hbm>>
      %dma_start3A_552 = arith.constant 0 : i32
      %dma_start3A_553 = tpu.memref_slice %arg10[%run_scoped3A_164, %dma_start3A_552] : memref<16x16xi32, #tpu.memory_space<vmem>> -> memref<1x16xi32, #tpu.memory_space<vmem>>
      %dma_start3A_554 = tpu.memref_squeeze %dma_start3A_553 : memref<1x16xi32, #tpu.memory_space<vmem>> -> memref<16xi32, #tpu.memory_space<vmem>>
      %dma_start3A_555 = arith.constant 0 : i32
      %dma_start3A_556 = tpu.memref_slice %arg4[%arg0, %run_scoped3A_162, %run_scoped3A_163, %dma_start3A_555] : memref<2x16x17x4096xi32, #tpu.memory_space<hbm>> -> memref<1x1x1x16xi32, #tpu.memory_space<hbm>>
      %dma_start3A_557 = tpu.memref_squeeze %dma_start3A_556 : memref<1x1x1x16xi32, #tpu.memory_space<hbm>> -> memref<16xi32, #tpu.memory_space<hbm>>
      tpu.enqueue_dma source(%dma_start3A_557 : memref<16xi32, #tpu.memory_space<hbm>>) target(%dma_start3A_554 : memref<16xi32, #tpu.memory_space<vmem>>) target_semaphore(%run_scoped3A_546 : memref<!tpu.dma_semaphore, #tpu.memory_space<semaphore_mem>>)
      %dma_wait3A = arith.constant 0 : i32
      %dma_wait3A_558 = tpu.memref_slice %arg10[%run_scoped3A_164, %dma_wait3A] : memref<16x16xi32, #tpu.memory_space<vmem>> -> memref<1x16xi32, #tpu.memory_space<vmem>>
      %dma_wait3A_559 = tpu.memref_squeeze %dma_wait3A_558 : memref<1x16xi32, #tpu.memory_space<vmem>> -> memref<16xi32, #tpu.memory_space<vmem>>
      %dma_wait3A_560 = arith.constant 0 : i32
      %dma_wait3A_561 = tpu.memref_slice %arg4[%arg0, %run_scoped3A_162, %run_scoped3A_163, %dma_wait3A_560] : memref<2x16x17x4096xi32, #tpu.memory_space<hbm>> -> memref<1x1x1x16xi32, #tpu.memory_space<hbm>>
      %dma_wait3A_562 = tpu.memref_squeeze %dma_wait3A_561 : memref<1x1x1x16xi32, #tpu.memory_space<hbm>> -> memref<16xi32, #tpu.memory_space<hbm>>
      %dma_wait3A_563 = arith.constant 0 : i32
      %dma_wait3A_564 = tpu.memref_slice %arg10[%run_scoped3A_164, %dma_wait3A_563] : memref<16x16xi32, #tpu.memory_space<vmem>> -> memref<1x16xi32, #tpu.memory_space<vmem>>
      %dma_wait3A_565 = tpu.memref_squeeze %dma_wait3A_564 : memref<1x16xi32, #tpu.memory_space<vmem>> -> memref<16xi32, #tpu.memory_space<vmem>>
      %dma_wait3A_566 = arith.constant 0 : i32
      %dma_wait3A_567 = tpu.memref_slice %arg4[%arg0, %run_scoped3A_162, %run_scoped3A_163, %dma_wait3A_566] : memref<2x16x17x4096xi32, #tpu.memory_space<hbm>> -> memref<1x1x1x16xi32, #tpu.memory_space<hbm>>
      %dma_wait3A_568 = tpu.memref_squeeze %dma_wait3A_567 : memref<1x1x1x16xi32, #tpu.memory_space<hbm>> -> memref<16xi32, #tpu.memory_space<hbm>>
      tpu.wait_dma2 semaphore(%run_scoped3A_546 : memref<!tpu.dma_semaphore, #tpu.memory_space<semaphore_mem>>) src(%dma_wait3A_568 : memref<16xi32, #tpu.memory_space<hbm>>) dst(%dma_wait3A_565 : memref<16xi32, #tpu.memory_space<vmem>>)
      tpu.yield
    }) : () -> ()
    %run_scoped3A_165 = arith.constant 3 : i32
    %run_scoped3A_166 = arith.constant 16 : i32
    %run_scoped3A_167 = arith.constant 3 : i32
    "tpu.region"() ({
      %run_scoped3A_546 = tpu.sem_alloc : memref<!tpu.dma_semaphore, #tpu.memory_space<semaphore_mem>>
      %dma_start3A = arith.constant 0 : i32
      %dma_start3A_547 = tpu.memref_slice %arg10[%run_scoped3A_167, %dma_start3A] : memref<16x16xi32, #tpu.memory_space<vmem>> -> memref<1x16xi32, #tpu.memory_space<vmem>>
      %dma_start3A_548 = tpu.memref_squeeze %dma_start3A_547 : memref<1x16xi32, #tpu.memory_space<vmem>> -> memref<16xi32, #tpu.memory_space<vmem>>
      %dma_start3A_549 = arith.constant 0 : i32
      %dma_start3A_550 = tpu.memref_slice %arg4[%arg0, %run_scoped3A_165, %run_scoped3A_166, %dma_start3A_549] : memref<2x16x17x4096xi32, #tpu.memory_space<hbm>> -> memref<1x1x1x16xi32, #tpu.memory_space<hbm>>
      %dma_start3A_551 = tpu.memref_squeeze %dma_start3A_550 : memref<1x1x1x16xi32, #tpu.memory_space<hbm>> -> memref<16xi32, #tpu.memory_space<hbm>>
      %dma_start3A_552 = arith.constant 0 : i32
      %dma_start3A_553 = tpu.memref_slice %arg10[%run_scoped3A_167, %dma_start3A_552] : memref<16x16xi32, #tpu.memory_space<vmem>> -> memref<1x16xi32, #tpu.memory_space<vmem>>
      %dma_start3A_554 = tpu.memref_squeeze %dma_start3A_553 : memref<1x16xi32, #tpu.memory_space<vmem>> -> memref<16xi32, #tpu.memory_space<vmem>>
      %dma_start3A_555 = arith.constant 0 : i32
      %dma_start3A_556 = tpu.memref_slice %arg4[%arg0, %run_scoped3A_165, %run_scoped3A_166, %dma_start3A_555] : memref<2x16x17x4096xi32, #tpu.memory_space<hbm>> -> memref<1x1x1x16xi32, #tpu.memory_space<hbm>>
      %dma_start3A_557 = tpu.memref_squeeze %dma_start3A_556 : memref<1x1x1x16xi32, #tpu.memory_space<hbm>> -> memref<16xi32, #tpu.memory_space<hbm>>
      tpu.enqueue_dma source(%dma_start3A_557 : memref<16xi32, #tpu.memory_space<hbm>>) target(%dma_start3A_554 : memref<16xi32, #tpu.memory_space<vmem>>) target_semaphore(%run_scoped3A_546 : memref<!tpu.dma_semaphore, #tpu.memory_space<semaphore_mem>>)
      %dma_wait3A = arith.constant 0 : i32
      %dma_wait3A_558 = tpu.memref_slice %arg10[%run_scoped3A_167, %dma_wait3A] : memref<16x16xi32, #tpu.memory_space<vmem>> -> memref<1x16xi32, #tpu.memory_space<vmem>>
      %dma_wait3A_559 = tpu.memref_squeeze %dma_wait3A_558 : memref<1x16xi32, #tpu.memory_space<vmem>> -> memref<16xi32, #tpu.memory_space<vmem>>
      %dma_wait3A_560 = arith.constant 0 : i32
      %dma_wait3A_561 = tpu.memref_slice %arg4[%arg0, %run_scoped3A_165, %run_scoped3A_166, %dma_wait3A_560] : memref<2x16x17x4096xi32, #tpu.memory_space<hbm>> -> memref<1x1x1x16xi32, #tpu.memory_space<hbm>>
      %dma_wait3A_562 = tpu.memref_squeeze %dma_wait3A_561 : memref<1x1x1x16xi32, #tpu.memory_space<hbm>> -> memref<16xi32, #tpu.memory_space<hbm>>
      %dma_wait3A_563 = arith.constant 0 : i32
      %dma_wait3A_564 = tpu.memref_slice %arg10[%run_scoped3A_167, %dma_wait3A_563] : memref<16x16xi32, #tpu.memory_space<vmem>> -> memref<1x16xi32, #tpu.memory_space<vmem>>
      %dma_wait3A_565 = tpu.memref_squeeze %dma_wait3A_564 : memref<1x16xi32, #tpu.memory_space<vmem>> -> memref<16xi32, #tpu.memory_space<vmem>>
      %dma_wait3A_566 = arith.constant 0 : i32
      %dma_wait3A_567 = tpu.memref_slice %arg4[%arg0, %run_scoped3A_165, %run_scoped3A_166, %dma_wait3A_566] : memref<2x16x17x4096xi32, #tpu.memory_space<hbm>> -> memref<1x1x1x16xi32, #tpu.memory_space<hbm>>
      %dma_wait3A_568 = tpu.memref_squeeze %dma_wait3A_567 : memref<1x1x1x16xi32, #tpu.memory_space<hbm>> -> memref<16xi32, #tpu.memory_space<hbm>>
      tpu.wait_dma2 semaphore(%run_scoped3A_546 : memref<!tpu.dma_semaphore, #tpu.memory_space<semaphore_mem>>) src(%dma_wait3A_568 : memref<16xi32, #tpu.memory_space<hbm>>) dst(%dma_wait3A_565 : memref<16xi32, #tpu.memory_space<vmem>>)
      tpu.yield
    }) : () -> ()
    %run_scoped3A_168 = arith.constant 4 : i32
    %run_scoped3A_169 = arith.constant 16 : i32
    %run_scoped3A_170 = arith.constant 4 : i32
    "tpu.region"() ({
      %run_scoped3A_546 = tpu.sem_alloc : memref<!tpu.dma_semaphore, #tpu.memory_space<semaphore_mem>>
      %dma_start3A = arith.constant 0 : i32
      %dma_start3A_547 = tpu.memref_slice %arg10[%run_scoped3A_170, %dma_start3A] : memref<16x16xi32, #tpu.memory_space<vmem>> -> memref<1x16xi32, #tpu.memory_space<vmem>>
      %dma_start3A_548 = tpu.memref_squeeze %dma_start3A_547 : memref<1x16xi32, #tpu.memory_space<vmem>> -> memref<16xi32, #tpu.memory_space<vmem>>
      %dma_start3A_549 = arith.constant 0 : i32
      %dma_start3A_550 = tpu.memref_slice %arg4[%arg0, %run_scoped3A_168, %run_scoped3A_169, %dma_start3A_549] : memref<2x16x17x4096xi32, #tpu.memory_space<hbm>> -> memref<1x1x1x16xi32, #tpu.memory_space<hbm>>
      %dma_start3A_551 = tpu.memref_squeeze %dma_start3A_550 : memref<1x1x1x16xi32, #tpu.memory_space<hbm>> -> memref<16xi32, #tpu.memory_space<hbm>>
      %dma_start3A_552 = arith.constant 0 : i32
      %dma_start3A_553 = tpu.memref_slice %arg10[%run_scoped3A_170, %dma_start3A_552] : memref<16x16xi32, #tpu.memory_space<vmem>> -> memref<1x16xi32, #tpu.memory_space<vmem>>
      %dma_start3A_554 = tpu.memref_squeeze %dma_start3A_553 : memref<1x16xi32, #tpu.memory_space<vmem>> -> memref<16xi32, #tpu.memory_space<vmem>>
      %dma_start3A_555 = arith.constant 0 : i32
      %dma_start3A_556 = tpu.memref_slice %arg4[%arg0, %run_scoped3A_168, %run_scoped3A_169, %dma_start3A_555] : memref<2x16x17x4096xi32, #tpu.memory_space<hbm>> -> memref<1x1x1x16xi32, #tpu.memory_space<hbm>>
      %dma_start3A_557 = tpu.memref_squeeze %dma_start3A_556 : memref<1x1x1x16xi32, #tpu.memory_space<hbm>> -> memref<16xi32, #tpu.memory_space<hbm>>
      tpu.enqueue_dma source(%dma_start3A_557 : memref<16xi32, #tpu.memory_space<hbm>>) target(%dma_start3A_554 : memref<16xi32, #tpu.memory_space<vmem>>) target_semaphore(%run_scoped3A_546 : memref<!tpu.dma_semaphore, #tpu.memory_space<semaphore_mem>>)
      %dma_wait3A = arith.constant 0 : i32
      %dma_wait3A_558 = tpu.memref_slice %arg10[%run_scoped3A_170, %dma_wait3A] : memref<16x16xi32, #tpu.memory_space<vmem>> -> memref<1x16xi32, #tpu.memory_space<vmem>>
      %dma_wait3A_559 = tpu.memref_squeeze %dma_wait3A_558 : memref<1x16xi32, #tpu.memory_space<vmem>> -> memref<16xi32, #tpu.memory_space<vmem>>
      %dma_wait3A_560 = arith.constant 0 : i32
      %dma_wait3A_561 = tpu.memref_slice %arg4[%arg0, %run_scoped3A_168, %run_scoped3A_169, %dma_wait3A_560] : memref<2x16x17x4096xi32, #tpu.memory_space<hbm>> -> memref<1x1x1x16xi32, #tpu.memory_space<hbm>>
      %dma_wait3A_562 = tpu.memref_squeeze %dma_wait3A_561 : memref<1x1x1x16xi32, #tpu.memory_space<hbm>> -> memref<16xi32, #tpu.memory_space<hbm>>
      %dma_wait3A_563 = arith.constant 0 : i32
      %dma_wait3A_564 = tpu.memref_slice %arg10[%run_scoped3A_170, %dma_wait3A_563] : memref<16x16xi32, #tpu.memory_space<vmem>> -> memref<1x16xi32, #tpu.memory_space<vmem>>
      %dma_wait3A_565 = tpu.memref_squeeze %dma_wait3A_564 : memref<1x16xi32, #tpu.memory_space<vmem>> -> memref<16xi32, #tpu.memory_space<vmem>>
      %dma_wait3A_566 = arith.constant 0 : i32
      %dma_wait3A_567 = tpu.memref_slice %arg4[%arg0, %run_scoped3A_168, %run_scoped3A_169, %dma_wait3A_566] : memref<2x16x17x4096xi32, #tpu.memory_space<hbm>> -> memref<1x1x1x16xi32, #tpu.memory_space<hbm>>
      %dma_wait3A_568 = tpu.memref_squeeze %dma_wait3A_567 : memref<1x1x1x16xi32, #tpu.memory_space<hbm>> -> memref<16xi32, #tpu.memory_space<hbm>>
      tpu.wait_dma2 semaphore(%run_scoped3A_546 : memref<!tpu.dma_semaphore, #tpu.memory_space<semaphore_mem>>) src(%dma_wait3A_568 : memref<16xi32, #tpu.memory_space<hbm>>) dst(%dma_wait3A_565 : memref<16xi32, #tpu.memory_space<vmem>>)
      tpu.yield
    }) : () -> ()
    %run_scoped3A_171 = arith.constant 5 : i32
    %run_scoped3A_172 = arith.constant 16 : i32
    %run_scoped3A_173 = arith.constant 5 : i32
    "tpu.region"() ({
      %run_scoped3A_546 = tpu.sem_alloc : memref<!tpu.dma_semaphore, #tpu.memory_space<semaphore_mem>>
      %dma_start3A = arith.constant 0 : i32
      %dma_start3A_547 = tpu.memref_slice %arg10[%run_scoped3A_173, %dma_start3A] : memref<16x16xi32, #tpu.memory_space<vmem>> -> memref<1x16xi32, #tpu.memory_space<vmem>>
      %dma_start3A_548 = tpu.memref_squeeze %dma_start3A_547 : memref<1x16xi32, #tpu.memory_space<vmem>> -> memref<16xi32, #tpu.memory_space<vmem>>
      %dma_start3A_549 = arith.constant 0 : i32
      %dma_start3A_550 = tpu.memref_slice %arg4[%arg0, %run_scoped3A_171, %run_scoped3A_172, %dma_start3A_549] : memref<2x16x17x4096xi32, #tpu.memory_space<hbm>> -> memref<1x1x1x16xi32, #tpu.memory_space<hbm>>
      %dma_start3A_551 = tpu.memref_squeeze %dma_start3A_550 : memref<1x1x1x16xi32, #tpu.memory_space<hbm>> -> memref<16xi32, #tpu.memory_space<hbm>>
      %dma_start3A_552 = arith.constant 0 : i32
      %dma_start3A_553 = tpu.memref_slice %arg10[%run_scoped3A_173, %dma_start3A_552] : memref<16x16xi32, #tpu.memory_space<vmem>> -> memref<1x16xi32, #tpu.memory_space<vmem>>
      %dma_start3A_554 = tpu.memref_squeeze %dma_start3A_553 : memref<1x16xi32, #tpu.memory_space<vmem>> -> memref<16xi32, #tpu.memory_space<vmem>>
      %dma_start3A_555 = arith.constant 0 : i32
      %dma_start3A_556 = tpu.memref_slice %arg4[%arg0, %run_scoped3A_171, %run_scoped3A_172, %dma_start3A_555] : memref<2x16x17x4096xi32, #tpu.memory_space<hbm>> -> memref<1x1x1x16xi32, #tpu.memory_space<hbm>>
      %dma_start3A_557 = tpu.memref_squeeze %dma_start3A_556 : memref<1x1x1x16xi32, #tpu.memory_space<hbm>> -> memref<16xi32, #tpu.memory_space<hbm>>
      tpu.enqueue_dma source(%dma_start3A_557 : memref<16xi32, #tpu.memory_space<hbm>>) target(%dma_start3A_554 : memref<16xi32, #tpu.memory_space<vmem>>) target_semaphore(%run_scoped3A_546 : memref<!tpu.dma_semaphore, #tpu.memory_space<semaphore_mem>>)
      %dma_wait3A = arith.constant 0 : i32
      %dma_wait3A_558 = tpu.memref_slice %arg10[%run_scoped3A_173, %dma_wait3A] : memref<16x16xi32, #tpu.memory_space<vmem>> -> memref<1x16xi32, #tpu.memory_space<vmem>>
      %dma_wait3A_559 = tpu.memref_squeeze %dma_wait3A_558 : memref<1x16xi32, #tpu.memory_space<vmem>> -> memref<16xi32, #tpu.memory_space<vmem>>
      %dma_wait3A_560 = arith.constant 0 : i32
      %dma_wait3A_561 = tpu.memref_slice %arg4[%arg0, %run_scoped3A_171, %run_scoped3A_172, %dma_wait3A_560] : memref<2x16x17x4096xi32, #tpu.memory_space<hbm>> -> memref<1x1x1x16xi32, #tpu.memory_space<hbm>>
      %dma_wait3A_562 = tpu.memref_squeeze %dma_wait3A_561 : memref<1x1x1x16xi32, #tpu.memory_space<hbm>> -> memref<16xi32, #tpu.memory_space<hbm>>
      %dma_wait3A_563 = arith.constant 0 : i32
      %dma_wait3A_564 = tpu.memref_slice %arg10[%run_scoped3A_173, %dma_wait3A_563] : memref<16x16xi32, #tpu.memory_space<vmem>> -> memref<1x16xi32, #tpu.memory_space<vmem>>
      %dma_wait3A_565 = tpu.memref_squeeze %dma_wait3A_564 : memref<1x16xi32, #tpu.memory_space<vmem>> -> memref<16xi32, #tpu.memory_space<vmem>>
      %dma_wait3A_566 = arith.constant 0 : i32
      %dma_wait3A_567 = tpu.memref_slice %arg4[%arg0, %run_scoped3A_171, %run_scoped3A_172, %dma_wait3A_566] : memref<2x16x17x4096xi32, #tpu.memory_space<hbm>> -> memref<1x1x1x16xi32, #tpu.memory_space<hbm>>
      %dma_wait3A_568 = tpu.memref_squeeze %dma_wait3A_567 : memref<1x1x1x16xi32, #tpu.memory_space<hbm>> -> memref<16xi32, #tpu.memory_space<hbm>>
      tpu.wait_dma2 semaphore(%run_scoped3A_546 : memref<!tpu.dma_semaphore, #tpu.memory_space<semaphore_mem>>) src(%dma_wait3A_568 : memref<16xi32, #tpu.memory_space<hbm>>) dst(%dma_wait3A_565 : memref<16xi32, #tpu.memory_space<vmem>>)
      tpu.yield
    }) : () -> ()
    %run_scoped3A_174 = arith.constant 6 : i32
    %run_scoped3A_175 = arith.constant 16 : i32
    %run_scoped3A_176 = arith.constant 6 : i32
    "tpu.region"() ({
      %run_scoped3A_546 = tpu.sem_alloc : memref<!tpu.dma_semaphore, #tpu.memory_space<semaphore_mem>>
      %dma_start3A = arith.constant 0 : i32
      %dma_start3A_547 = tpu.memref_slice %arg10[%run_scoped3A_176, %dma_start3A] : memref<16x16xi32, #tpu.memory_space<vmem>> -> memref<1x16xi32, #tpu.memory_space<vmem>>
      %dma_start3A_548 = tpu.memref_squeeze %dma_start3A_547 : memref<1x16xi32, #tpu.memory_space<vmem>> -> memref<16xi32, #tpu.memory_space<vmem>>
      %dma_start3A_549 = arith.constant 0 : i32
      %dma_start3A_550 = tpu.memref_slice %arg4[%arg0, %run_scoped3A_174, %run_scoped3A_175, %dma_start3A_549] : memref<2x16x17x4096xi32, #tpu.memory_space<hbm>> -> memref<1x1x1x16xi32, #tpu.memory_space<hbm>>
      %dma_start3A_551 = tpu.memref_squeeze %dma_start3A_550 : memref<1x1x1x16xi32, #tpu.memory_space<hbm>> -> memref<16xi32, #tpu.memory_space<hbm>>
      %dma_start3A_552 = arith.constant 0 : i32
      %dma_start3A_553 = tpu.memref_slice %arg10[%run_scoped3A_176, %dma_start3A_552] : memref<16x16xi32, #tpu.memory_space<vmem>> -> memref<1x16xi32, #tpu.memory_space<vmem>>
      %dma_start3A_554 = tpu.memref_squeeze %dma_start3A_553 : memref<1x16xi32, #tpu.memory_space<vmem>> -> memref<16xi32, #tpu.memory_space<vmem>>
      %dma_start3A_555 = arith.constant 0 : i32
      %dma_start3A_556 = tpu.memref_slice %arg4[%arg0, %run_scoped3A_174, %run_scoped3A_175, %dma_start3A_555] : memref<2x16x17x4096xi32, #tpu.memory_space<hbm>> -> memref<1x1x1x16xi32, #tpu.memory_space<hbm>>
      %dma_start3A_557 = tpu.memref_squeeze %dma_start3A_556 : memref<1x1x1x16xi32, #tpu.memory_space<hbm>> -> memref<16xi32, #tpu.memory_space<hbm>>
      tpu.enqueue_dma source(%dma_start3A_557 : memref<16xi32, #tpu.memory_space<hbm>>) target(%dma_start3A_554 : memref<16xi32, #tpu.memory_space<vmem>>) target_semaphore(%run_scoped3A_546 : memref<!tpu.dma_semaphore, #tpu.memory_space<semaphore_mem>>)
      %dma_wait3A = arith.constant 0 : i32
      %dma_wait3A_558 = tpu.memref_slice %arg10[%run_scoped3A_176, %dma_wait3A] : memref<16x16xi32, #tpu.memory_space<vmem>> -> memref<1x16xi32, #tpu.memory_space<vmem>>
      %dma_wait3A_559 = tpu.memref_squeeze %dma_wait3A_558 : memref<1x16xi32, #tpu.memory_space<vmem>> -> memref<16xi32, #tpu.memory_space<vmem>>
      %dma_wait3A_560 = arith.constant 0 : i32
      %dma_wait3A_561 = tpu.memref_slice %arg4[%arg0, %run_scoped3A_174, %run_scoped3A_175, %dma_wait3A_560] : memref<2x16x17x4096xi32, #tpu.memory_space<hbm>> -> memref<1x1x1x16xi32, #tpu.memory_space<hbm>>
      %dma_wait3A_562 = tpu.memref_squeeze %dma_wait3A_561 : memref<1x1x1x16xi32, #tpu.memory_space<hbm>> -> memref<16xi32, #tpu.memory_space<hbm>>
      %dma_wait3A_563 = arith.constant 0 : i32
      %dma_wait3A_564 = tpu.memref_slice %arg10[%run_scoped3A_176, %dma_wait3A_563] : memref<16x16xi32, #tpu.memory_space<vmem>> -> memref<1x16xi32, #tpu.memory_space<vmem>>
      %dma_wait3A_565 = tpu.memref_squeeze %dma_wait3A_564 : memref<1x16xi32, #tpu.memory_space<vmem>> -> memref<16xi32, #tpu.memory_space<vmem>>
      %dma_wait3A_566 = arith.constant 0 : i32
      %dma_wait3A_567 = tpu.memref_slice %arg4[%arg0, %run_scoped3A_174, %run_scoped3A_175, %dma_wait3A_566] : memref<2x16x17x4096xi32, #tpu.memory_space<hbm>> -> memref<1x1x1x16xi32, #tpu.memory_space<hbm>>
      %dma_wait3A_568 = tpu.memref_squeeze %dma_wait3A_567 : memref<1x1x1x16xi32, #tpu.memory_space<hbm>> -> memref<16xi32, #tpu.memory_space<hbm>>
      tpu.wait_dma2 semaphore(%run_scoped3A_546 : memref<!tpu.dma_semaphore, #tpu.memory_space<semaphore_mem>>) src(%dma_wait3A_568 : memref<16xi32, #tpu.memory_space<hbm>>) dst(%dma_wait3A_565 : memref<16xi32, #tpu.memory_space<vmem>>)
      tpu.yield
    }) : () -> ()
    %run_scoped3A_177 = arith.constant 7 : i32
    %run_scoped3A_178 = arith.constant 16 : i32
    %run_scoped3A_179 = arith.constant 7 : i32
    "tpu.region"() ({
      %run_scoped3A_546 = tpu.sem_alloc : memref<!tpu.dma_semaphore, #tpu.memory_space<semaphore_mem>>
      %dma_start3A = arith.constant 0 : i32
      %dma_start3A_547 = tpu.memref_slice %arg10[%run_scoped3A_179, %dma_start3A] : memref<16x16xi32, #tpu.memory_space<vmem>> -> memref<1x16xi32, #tpu.memory_space<vmem>>
      %dma_start3A_548 = tpu.memref_squeeze %dma_start3A_547 : memref<1x16xi32, #tpu.memory_space<vmem>> -> memref<16xi32, #tpu.memory_space<vmem>>
      %dma_start3A_549 = arith.constant 0 : i32
      %dma_start3A_550 = tpu.memref_slice %arg4[%arg0, %run_scoped3A_177, %run_scoped3A_178, %dma_start3A_549] : memref<2x16x17x4096xi32, #tpu.memory_space<hbm>> -> memref<1x1x1x16xi32, #tpu.memory_space<hbm>>
      %dma_start3A_551 = tpu.memref_squeeze %dma_start3A_550 : memref<1x1x1x16xi32, #tpu.memory_space<hbm>> -> memref<16xi32, #tpu.memory_space<hbm>>
      %dma_start3A_552 = arith.constant 0 : i32
      %dma_start3A_553 = tpu.memref_slice %arg10[%run_scoped3A_179, %dma_start3A_552] : memref<16x16xi32, #tpu.memory_space<vmem>> -> memref<1x16xi32, #tpu.memory_space<vmem>>
      %dma_start3A_554 = tpu.memref_squeeze %dma_start3A_553 : memref<1x16xi32, #tpu.memory_space<vmem>> -> memref<16xi32, #tpu.memory_space<vmem>>
      %dma_start3A_555 = arith.constant 0 : i32
      %dma_start3A_556 = tpu.memref_slice %arg4[%arg0, %run_scoped3A_177, %run_scoped3A_178, %dma_start3A_555] : memref<2x16x17x4096xi32, #tpu.memory_space<hbm>> -> memref<1x1x1x16xi32, #tpu.memory_space<hbm>>
      %dma_start3A_557 = tpu.memref_squeeze %dma_start3A_556 : memref<1x1x1x16xi32, #tpu.memory_space<hbm>> -> memref<16xi32, #tpu.memory_space<hbm>>
      tpu.enqueue_dma source(%dma_start3A_557 : memref<16xi32, #tpu.memory_space<hbm>>) target(%dma_start3A_554 : memref<16xi32, #tpu.memory_space<vmem>>) target_semaphore(%run_scoped3A_546 : memref<!tpu.dma_semaphore, #tpu.memory_space<semaphore_mem>>)
      %dma_wait3A = arith.constant 0 : i32
      %dma_wait3A_558 = tpu.memref_slice %arg10[%run_scoped3A_179, %dma_wait3A] : memref<16x16xi32, #tpu.memory_space<vmem>> -> memref<1x16xi32, #tpu.memory_space<vmem>>
      %dma_wait3A_559 = tpu.memref_squeeze %dma_wait3A_558 : memref<1x16xi32, #tpu.memory_space<vmem>> -> memref<16xi32, #tpu.memory_space<vmem>>
      %dma_wait3A_560 = arith.constant 0 : i32
      %dma_wait3A_561 = tpu.memref_slice %arg4[%arg0, %run_scoped3A_177, %run_scoped3A_178, %dma_wait3A_560] : memref<2x16x17x4096xi32, #tpu.memory_space<hbm>> -> memref<1x1x1x16xi32, #tpu.memory_space<hbm>>
      %dma_wait3A_562 = tpu.memref_squeeze %dma_wait3A_561 : memref<1x1x1x16xi32, #tpu.memory_space<hbm>> -> memref<16xi32, #tpu.memory_space<hbm>>
      %dma_wait3A_563 = arith.constant 0 : i32
      %dma_wait3A_564 = tpu.memref_slice %arg10[%run_scoped3A_179, %dma_wait3A_563] : memref<16x16xi32, #tpu.memory_space<vmem>> -> memref<1x16xi32, #tpu.memory_space<vmem>>
      %dma_wait3A_565 = tpu.memref_squeeze %dma_wait3A_564 : memref<1x16xi32, #tpu.memory_space<vmem>> -> memref<16xi32, #tpu.memory_space<vmem>>
      %dma_wait3A_566 = arith.constant 0 : i32
      %dma_wait3A_567 = tpu.memref_slice %arg4[%arg0, %run_scoped3A_177, %run_scoped3A_178, %dma_wait3A_566] : memref<2x16x17x4096xi32, #tpu.memory_space<hbm>> -> memref<1x1x1x16xi32, #tpu.memory_space<hbm>>
      %dma_wait3A_568 = tpu.memref_squeeze %dma_wait3A_567 : memref<1x1x1x16xi32, #tpu.memory_space<hbm>> -> memref<16xi32, #tpu.memory_space<hbm>>
      tpu.wait_dma2 semaphore(%run_scoped3A_546 : memref<!tpu.dma_semaphore, #tpu.memory_space<semaphore_mem>>) src(%dma_wait3A_568 : memref<16xi32, #tpu.memory_space<hbm>>) dst(%dma_wait3A_565 : memref<16xi32, #tpu.memory_space<vmem>>)
      tpu.yield
    }) : () -> ()
    %run_scoped3A_180 = arith.constant 8 : i32
    %run_scoped3A_181 = arith.constant 16 : i32
    %run_scoped3A_182 = arith.constant 8 : i32
    "tpu.region"() ({
      %run_scoped3A_546 = tpu.sem_alloc : memref<!tpu.dma_semaphore, #tpu.memory_space<semaphore_mem>>
      %dma_start3A = arith.constant 0 : i32
      %dma_start3A_547 = tpu.memref_slice %arg10[%run_scoped3A_182, %dma_start3A] : memref<16x16xi32, #tpu.memory_space<vmem>> -> memref<1x16xi32, #tpu.memory_space<vmem>>
      %dma_start3A_548 = tpu.memref_squeeze %dma_start3A_547 : memref<1x16xi32, #tpu.memory_space<vmem>> -> memref<16xi32, #tpu.memory_space<vmem>>
      %dma_start3A_549 = arith.constant 0 : i32
      %dma_start3A_550 = tpu.memref_slice %arg4[%arg0, %run_scoped3A_180, %run_scoped3A_181, %dma_start3A_549] : memref<2x16x17x4096xi32, #tpu.memory_space<hbm>> -> memref<1x1x1x16xi32, #tpu.memory_space<hbm>>
      %dma_start3A_551 = tpu.memref_squeeze %dma_start3A_550 : memref<1x1x1x16xi32, #tpu.memory_space<hbm>> -> memref<16xi32, #tpu.memory_space<hbm>>
      %dma_start3A_552 = arith.constant 0 : i32
      %dma_start3A_553 = tpu.memref_slice %arg10[%run_scoped3A_182, %dma_start3A_552] : memref<16x16xi32, #tpu.memory_space<vmem>> -> memref<1x16xi32, #tpu.memory_space<vmem>>
      %dma_start3A_554 = tpu.memref_squeeze %dma_start3A_553 : memref<1x16xi32, #tpu.memory_space<vmem>> -> memref<16xi32, #tpu.memory_space<vmem>>
      %dma_start3A_555 = arith.constant 0 : i32
      %dma_start3A_556 = tpu.memref_slice %arg4[%arg0, %run_scoped3A_180, %run_scoped3A_181, %dma_start3A_555] : memref<2x16x17x4096xi32, #tpu.memory_space<hbm>> -> memref<1x1x1x16xi32, #tpu.memory_space<hbm>>
      %dma_start3A_557 = tpu.memref_squeeze %dma_start3A_556 : memref<1x1x1x16xi32, #tpu.memory_space<hbm>> -> memref<16xi32, #tpu.memory_space<hbm>>
      tpu.enqueue_dma source(%dma_start3A_557 : memref<16xi32, #tpu.memory_space<hbm>>) target(%dma_start3A_554 : memref<16xi32, #tpu.memory_space<vmem>>) target_semaphore(%run_scoped3A_546 : memref<!tpu.dma_semaphore, #tpu.memory_space<semaphore_mem>>)
      %dma_wait3A = arith.constant 0 : i32
      %dma_wait3A_558 = tpu.memref_slice %arg10[%run_scoped3A_182, %dma_wait3A] : memref<16x16xi32, #tpu.memory_space<vmem>> -> memref<1x16xi32, #tpu.memory_space<vmem>>
      %dma_wait3A_559 = tpu.memref_squeeze %dma_wait3A_558 : memref<1x16xi32, #tpu.memory_space<vmem>> -> memref<16xi32, #tpu.memory_space<vmem>>
      %dma_wait3A_560 = arith.constant 0 : i32
      %dma_wait3A_561 = tpu.memref_slice %arg4[%arg0, %run_scoped3A_180, %run_scoped3A_181, %dma_wait3A_560] : memref<2x16x17x4096xi32, #tpu.memory_space<hbm>> -> memref<1x1x1x16xi32, #tpu.memory_space<hbm>>
      %dma_wait3A_562 = tpu.memref_squeeze %dma_wait3A_561 : memref<1x1x1x16xi32, #tpu.memory_space<hbm>> -> memref<16xi32, #tpu.memory_space<hbm>>
      %dma_wait3A_563 = arith.constant 0 : i32
      %dma_wait3A_564 = tpu.memref_slice %arg10[%run_scoped3A_182, %dma_wait3A_563] : memref<16x16xi32, #tpu.memory_space<vmem>> -> memref<1x16xi32, #tpu.memory_space<vmem>>
      %dma_wait3A_565 = tpu.memref_squeeze %dma_wait3A_564 : memref<1x16xi32, #tpu.memory_space<vmem>> -> memref<16xi32, #tpu.memory_space<vmem>>
      %dma_wait3A_566 = arith.constant 0 : i32
      %dma_wait3A_567 = tpu.memref_slice %arg4[%arg0, %run_scoped3A_180, %run_scoped3A_181, %dma_wait3A_566] : memref<2x16x17x4096xi32, #tpu.memory_space<hbm>> -> memref<1x1x1x16xi32, #tpu.memory_space<hbm>>
      %dma_wait3A_568 = tpu.memref_squeeze %dma_wait3A_567 : memref<1x1x1x16xi32, #tpu.memory_space<hbm>> -> memref<16xi32, #tpu.memory_space<hbm>>
      tpu.wait_dma2 semaphore(%run_scoped3A_546 : memref<!tpu.dma_semaphore, #tpu.memory_space<semaphore_mem>>) src(%dma_wait3A_568 : memref<16xi32, #tpu.memory_space<hbm>>) dst(%dma_wait3A_565 : memref<16xi32, #tpu.memory_space<vmem>>)
      tpu.yield
    }) : () -> ()
    %run_scoped3A_183 = arith.constant 9 : i32
    %run_scoped3A_184 = arith.constant 16 : i32
    %run_scoped3A_185 = arith.constant 9 : i32
    "tpu.region"() ({
      %run_scoped3A_546 = tpu.sem_alloc : memref<!tpu.dma_semaphore, #tpu.memory_space<semaphore_mem>>
      %dma_start3A = arith.constant 0 : i32
      %dma_start3A_547 = tpu.memref_slice %arg10[%run_scoped3A_185, %dma_start3A] : memref<16x16xi32, #tpu.memory_space<vmem>> -> memref<1x16xi32, #tpu.memory_space<vmem>>
      %dma_start3A_548 = tpu.memref_squeeze %dma_start3A_547 : memref<1x16xi32, #tpu.memory_space<vmem>> -> memref<16xi32, #tpu.memory_space<vmem>>
      %dma_start3A_549 = arith.constant 0 : i32
      %dma_start3A_550 = tpu.memref_slice %arg4[%arg0, %run_scoped3A_183, %run_scoped3A_184, %dma_start3A_549] : memref<2x16x17x4096xi32, #tpu.memory_space<hbm>> -> memref<1x1x1x16xi32, #tpu.memory_space<hbm>>
      %dma_start3A_551 = tpu.memref_squeeze %dma_start3A_550 : memref<1x1x1x16xi32, #tpu.memory_space<hbm>> -> memref<16xi32, #tpu.memory_space<hbm>>
      %dma_start3A_552 = arith.constant 0 : i32
      %dma_start3A_553 = tpu.memref_slice %arg10[%run_scoped3A_185, %dma_start3A_552] : memref<16x16xi32, #tpu.memory_space<vmem>> -> memref<1x16xi32, #tpu.memory_space<vmem>>
      %dma_start3A_554 = tpu.memref_squeeze %dma_start3A_553 : memref<1x16xi32, #tpu.memory_space<vmem>> -> memref<16xi32, #tpu.memory_space<vmem>>
      %dma_start3A_555 = arith.constant 0 : i32
      %dma_start3A_556 = tpu.memref_slice %arg4[%arg0, %run_scoped3A_183, %run_scoped3A_184, %dma_start3A_555] : memref<2x16x17x4096xi32, #tpu.memory_space<hbm>> -> memref<1x1x1x16xi32, #tpu.memory_space<hbm>>
      %dma_start3A_557 = tpu.memref_squeeze %dma_start3A_556 : memref<1x1x1x16xi32, #tpu.memory_space<hbm>> -> memref<16xi32, #tpu.memory_space<hbm>>
      tpu.enqueue_dma source(%dma_start3A_557 : memref<16xi32, #tpu.memory_space<hbm>>) target(%dma_start3A_554 : memref<16xi32, #tpu.memory_space<vmem>>) target_semaphore(%run_scoped3A_546 : memref<!tpu.dma_semaphore, #tpu.memory_space<semaphore_mem>>)
      %dma_wait3A = arith.constant 0 : i32
      %dma_wait3A_558 = tpu.memref_slice %arg10[%run_scoped3A_185, %dma_wait3A] : memref<16x16xi32, #tpu.memory_space<vmem>> -> memref<1x16xi32, #tpu.memory_space<vmem>>
      %dma_wait3A_559 = tpu.memref_squeeze %dma_wait3A_558 : memref<1x16xi32, #tpu.memory_space<vmem>> -> memref<16xi32, #tpu.memory_space<vmem>>
      %dma_wait3A_560 = arith.constant 0 : i32
      %dma_wait3A_561 = tpu.memref_slice %arg4[%arg0, %run_scoped3A_183, %run_scoped3A_184, %dma_wait3A_560] : memref<2x16x17x4096xi32, #tpu.memory_space<hbm>> -> memref<1x1x1x16xi32, #tpu.memory_space<hbm>>
      %dma_wait3A_562 = tpu.memref_squeeze %dma_wait3A_561 : memref<1x1x1x16xi32, #tpu.memory_space<hbm>> -> memref<16xi32, #tpu.memory_space<hbm>>
      %dma_wait3A_563 = arith.constant 0 : i32
      %dma_wait3A_564 = tpu.memref_slice %arg10[%run_scoped3A_185, %dma_wait3A_563] : memref<16x16xi32, #tpu.memory_space<vmem>> -> memref<1x16xi32, #tpu.memory_space<vmem>>
      %dma_wait3A_565 = tpu.memref_squeeze %dma_wait3A_564 : memref<1x16xi32, #tpu.memory_space<vmem>> -> memref<16xi32, #tpu.memory_space<vmem>>
      %dma_wait3A_566 = arith.constant 0 : i32
      %dma_wait3A_567 = tpu.memref_slice %arg4[%arg0, %run_scoped3A_183, %run_scoped3A_184, %dma_wait3A_566] : memref<2x16x17x4096xi32, #tpu.memory_space<hbm>> -> memref<1x1x1x16xi32, #tpu.memory_space<hbm>>
      %dma_wait3A_568 = tpu.memref_squeeze %dma_wait3A_567 : memref<1x1x1x16xi32, #tpu.memory_space<hbm>> -> memref<16xi32, #tpu.memory_space<hbm>>
      tpu.wait_dma2 semaphore(%run_scoped3A_546 : memref<!tpu.dma_semaphore, #tpu.memory_space<semaphore_mem>>) src(%dma_wait3A_568 : memref<16xi32, #tpu.memory_space<hbm>>) dst(%dma_wait3A_565 : memref<16xi32, #tpu.memory_space<vmem>>)
      tpu.yield
    }) : () -> ()
    %run_scoped3A_186 = arith.constant 10 : i32
    %run_scoped3A_187 = arith.constant 16 : i32
    %run_scoped3A_188 = arith.constant 10 : i32
    "tpu.region"() ({
      %run_scoped3A_546 = tpu.sem_alloc : memref<!tpu.dma_semaphore, #tpu.memory_space<semaphore_mem>>
      %dma_start3A = arith.constant 0 : i32
      %dma_start3A_547 = tpu.memref_slice %arg10[%run_scoped3A_188, %dma_start3A] : memref<16x16xi32, #tpu.memory_space<vmem>> -> memref<1x16xi32, #tpu.memory_space<vmem>>
      %dma_start3A_548 = tpu.memref_squeeze %dma_start3A_547 : memref<1x16xi32, #tpu.memory_space<vmem>> -> memref<16xi32, #tpu.memory_space<vmem>>
      %dma_start3A_549 = arith.constant 0 : i32
      %dma_start3A_550 = tpu.memref_slice %arg4[%arg0, %run_scoped3A_186, %run_scoped3A_187, %dma_start3A_549] : memref<2x16x17x4096xi32, #tpu.memory_space<hbm>> -> memref<1x1x1x16xi32, #tpu.memory_space<hbm>>
      %dma_start3A_551 = tpu.memref_squeeze %dma_start3A_550 : memref<1x1x1x16xi32, #tpu.memory_space<hbm>> -> memref<16xi32, #tpu.memory_space<hbm>>
      %dma_start3A_552 = arith.constant 0 : i32
      %dma_start3A_553 = tpu.memref_slice %arg10[%run_scoped3A_188, %dma_start3A_552] : memref<16x16xi32, #tpu.memory_space<vmem>> -> memref<1x16xi32, #tpu.memory_space<vmem>>
      %dma_start3A_554 = tpu.memref_squeeze %dma_start3A_553 : memref<1x16xi32, #tpu.memory_space<vmem>> -> memref<16xi32, #tpu.memory_space<vmem>>
      %dma_start3A_555 = arith.constant 0 : i32
      %dma_start3A_556 = tpu.memref_slice %arg4[%arg0, %run_scoped3A_186, %run_scoped3A_187, %dma_start3A_555] : memref<2x16x17x4096xi32, #tpu.memory_space<hbm>> -> memref<1x1x1x16xi32, #tpu.memory_space<hbm>>
      %dma_start3A_557 = tpu.memref_squeeze %dma_start3A_556 : memref<1x1x1x16xi32, #tpu.memory_space<hbm>> -> memref<16xi32, #tpu.memory_space<hbm>>
      tpu.enqueue_dma source(%dma_start3A_557 : memref<16xi32, #tpu.memory_space<hbm>>) target(%dma_start3A_554 : memref<16xi32, #tpu.memory_space<vmem>>) target_semaphore(%run_scoped3A_546 : memref<!tpu.dma_semaphore, #tpu.memory_space<semaphore_mem>>)
      %dma_wait3A = arith.constant 0 : i32
      %dma_wait3A_558 = tpu.memref_slice %arg10[%run_scoped3A_188, %dma_wait3A] : memref<16x16xi32, #tpu.memory_space<vmem>> -> memref<1x16xi32, #tpu.memory_space<vmem>>
      %dma_wait3A_559 = tpu.memref_squeeze %dma_wait3A_558 : memref<1x16xi32, #tpu.memory_space<vmem>> -> memref<16xi32, #tpu.memory_space<vmem>>
      %dma_wait3A_560 = arith.constant 0 : i32
      %dma_wait3A_561 = tpu.memref_slice %arg4[%arg0, %run_scoped3A_186, %run_scoped3A_187, %dma_wait3A_560] : memref<2x16x17x4096xi32, #tpu.memory_space<hbm>> -> memref<1x1x1x16xi32, #tpu.memory_space<hbm>>
      %dma_wait3A_562 = tpu.memref_squeeze %dma_wait3A_561 : memref<1x1x1x16xi32, #tpu.memory_space<hbm>> -> memref<16xi32, #tpu.memory_space<hbm>>
      %dma_wait3A_563 = arith.constant 0 : i32
      %dma_wait3A_564 = tpu.memref_slice %arg10[%run_scoped3A_188, %dma_wait3A_563] : memref<16x16xi32, #tpu.memory_space<vmem>> -> memref<1x16xi32, #tpu.memory_space<vmem>>
      %dma_wait3A_565 = tpu.memref_squeeze %dma_wait3A_564 : memref<1x16xi32, #tpu.memory_space<vmem>> -> memref<16xi32, #tpu.memory_space<vmem>>
      %dma_wait3A_566 = arith.constant 0 : i32
      %dma_wait3A_567 = tpu.memref_slice %arg4[%arg0, %run_scoped3A_186, %run_scoped3A_187, %dma_wait3A_566] : memref<2x16x17x4096xi32, #tpu.memory_space<hbm>> -> memref<1x1x1x16xi32, #tpu.memory_space<hbm>>
      %dma_wait3A_568 = tpu.memref_squeeze %dma_wait3A_567 : memref<1x1x1x16xi32, #tpu.memory_space<hbm>> -> memref<16xi32, #tpu.memory_space<hbm>>
      tpu.wait_dma2 semaphore(%run_scoped3A_546 : memref<!tpu.dma_semaphore, #tpu.memory_space<semaphore_mem>>) src(%dma_wait3A_568 : memref<16xi32, #tpu.memory_space<hbm>>) dst(%dma_wait3A_565 : memref<16xi32, #tpu.memory_space<vmem>>)
      tpu.yield
    }) : () -> ()
    %run_scoped3A_189 = arith.constant 11 : i32
    %run_scoped3A_190 = arith.constant 16 : i32
    %run_scoped3A_191 = arith.constant 11 : i32
    "tpu.region"() ({
      %run_scoped3A_546 = tpu.sem_alloc : memref<!tpu.dma_semaphore, #tpu.memory_space<semaphore_mem>>
      %dma_start3A = arith.constant 0 : i32
      %dma_start3A_547 = tpu.memref_slice %arg10[%run_scoped3A_191, %dma_start3A] : memref<16x16xi32, #tpu.memory_space<vmem>> -> memref<1x16xi32, #tpu.memory_space<vmem>>
      %dma_start3A_548 = tpu.memref_squeeze %dma_start3A_547 : memref<1x16xi32, #tpu.memory_space<vmem>> -> memref<16xi32, #tpu.memory_space<vmem>>
      %dma_start3A_549 = arith.constant 0 : i32
      %dma_start3A_550 = tpu.memref_slice %arg4[%arg0, %run_scoped3A_189, %run_scoped3A_190, %dma_start3A_549] : memref<2x16x17x4096xi32, #tpu.memory_space<hbm>> -> memref<1x1x1x16xi32, #tpu.memory_space<hbm>>
      %dma_start3A_551 = tpu.memref_squeeze %dma_start3A_550 : memref<1x1x1x16xi32, #tpu.memory_space<hbm>> -> memref<16xi32, #tpu.memory_space<hbm>>
      %dma_start3A_552 = arith.constant 0 : i32
      %dma_start3A_553 = tpu.memref_slice %arg10[%run_scoped3A_191, %dma_start3A_552] : memref<16x16xi32, #tpu.memory_space<vmem>> -> memref<1x16xi32, #tpu.memory_space<vmem>>
      %dma_start3A_554 = tpu.memref_squeeze %dma_start3A_553 : memref<1x16xi32, #tpu.memory_space<vmem>> -> memref<16xi32, #tpu.memory_space<vmem>>
      %dma_start3A_555 = arith.constant 0 : i32
      %dma_start3A_556 = tpu.memref_slice %arg4[%arg0, %run_scoped3A_189, %run_scoped3A_190, %dma_start3A_555] : memref<2x16x17x4096xi32, #tpu.memory_space<hbm>> -> memref<1x1x1x16xi32, #tpu.memory_space<hbm>>
      %dma_start3A_557 = tpu.memref_squeeze %dma_start3A_556 : memref<1x1x1x16xi32, #tpu.memory_space<hbm>> -> memref<16xi32, #tpu.memory_space<hbm>>
      tpu.enqueue_dma source(%dma_start3A_557 : memref<16xi32, #tpu.memory_space<hbm>>) target(%dma_start3A_554 : memref<16xi32, #tpu.memory_space<vmem>>) target_semaphore(%run_scoped3A_546 : memref<!tpu.dma_semaphore, #tpu.memory_space<semaphore_mem>>)
      %dma_wait3A = arith.constant 0 : i32
      %dma_wait3A_558 = tpu.memref_slice %arg10[%run_scoped3A_191, %dma_wait3A] : memref<16x16xi32, #tpu.memory_space<vmem>> -> memref<1x16xi32, #tpu.memory_space<vmem>>
      %dma_wait3A_559 = tpu.memref_squeeze %dma_wait3A_558 : memref<1x16xi32, #tpu.memory_space<vmem>> -> memref<16xi32, #tpu.memory_space<vmem>>
      %dma_wait3A_560 = arith.constant 0 : i32
      %dma_wait3A_561 = tpu.memref_slice %arg4[%arg0, %run_scoped3A_189, %run_scoped3A_190, %dma_wait3A_560] : memref<2x16x17x4096xi32, #tpu.memory_space<hbm>> -> memref<1x1x1x16xi32, #tpu.memory_space<hbm>>
      %dma_wait3A_562 = tpu.memref_squeeze %dma_wait3A_561 : memref<1x1x1x16xi32, #tpu.memory_space<hbm>> -> memref<16xi32, #tpu.memory_space<hbm>>
      %dma_wait3A_563 = arith.constant 0 : i32
      %dma_wait3A_564 = tpu.memref_slice %arg10[%run_scoped3A_191, %dma_wait3A_563] : memref<16x16xi32, #tpu.memory_space<vmem>> -> memref<1x16xi32, #tpu.memory_space<vmem>>
      %dma_wait3A_565 = tpu.memref_squeeze %dma_wait3A_564 : memref<1x16xi32, #tpu.memory_space<vmem>> -> memref<16xi32, #tpu.memory_space<vmem>>
      %dma_wait3A_566 = arith.constant 0 : i32
      %dma_wait3A_567 = tpu.memref_slice %arg4[%arg0, %run_scoped3A_189, %run_scoped3A_190, %dma_wait3A_566] : memref<2x16x17x4096xi32, #tpu.memory_space<hbm>> -> memref<1x1x1x16xi32, #tpu.memory_space<hbm>>
      %dma_wait3A_568 = tpu.memref_squeeze %dma_wait3A_567 : memref<1x1x1x16xi32, #tpu.memory_space<hbm>> -> memref<16xi32, #tpu.memory_space<hbm>>
      tpu.wait_dma2 semaphore(%run_scoped3A_546 : memref<!tpu.dma_semaphore, #tpu.memory_space<semaphore_mem>>) src(%dma_wait3A_568 : memref<16xi32, #tpu.memory_space<hbm>>) dst(%dma_wait3A_565 : memref<16xi32, #tpu.memory_space<vmem>>)
      tpu.yield
    }) : () -> ()
    %run_scoped3A_192 = arith.constant 12 : i32
    %run_scoped3A_193 = arith.constant 16 : i32
    %run_scoped3A_194 = arith.constant 12 : i32
    "tpu.region"() ({
      %run_scoped3A_546 = tpu.sem_alloc : memref<!tpu.dma_semaphore, #tpu.memory_space<semaphore_mem>>
      %dma_start3A = arith.constant 0 : i32
      %dma_start3A_547 = tpu.memref_slice %arg10[%run_scoped3A_194, %dma_start3A] : memref<16x16xi32, #tpu.memory_space<vmem>> -> memref<1x16xi32, #tpu.memory_space<vmem>>
      %dma_start3A_548 = tpu.memref_squeeze %dma_start3A_547 : memref<1x16xi32, #tpu.memory_space<vmem>> -> memref<16xi32, #tpu.memory_space<vmem>>
      %dma_start3A_549 = arith.constant 0 : i32
      %dma_start3A_550 = tpu.memref_slice %arg4[%arg0, %run_scoped3A_192, %run_scoped3A_193, %dma_start3A_549] : memref<2x16x17x4096xi32, #tpu.memory_space<hbm>> -> memref<1x1x1x16xi32, #tpu.memory_space<hbm>>
      %dma_start3A_551 = tpu.memref_squeeze %dma_start3A_550 : memref<1x1x1x16xi32, #tpu.memory_space<hbm>> -> memref<16xi32, #tpu.memory_space<hbm>>
      %dma_start3A_552 = arith.constant 0 : i32
      %dma_start3A_553 = tpu.memref_slice %arg10[%run_scoped3A_194, %dma_start3A_552] : memref<16x16xi32, #tpu.memory_space<vmem>> -> memref<1x16xi32, #tpu.memory_space<vmem>>
      %dma_start3A_554 = tpu.memref_squeeze %dma_start3A_553 : memref<1x16xi32, #tpu.memory_space<vmem>> -> memref<16xi32, #tpu.memory_space<vmem>>
      %dma_start3A_555 = arith.constant 0 : i32
      %dma_start3A_556 = tpu.memref_slice %arg4[%arg0, %run_scoped3A_192, %run_scoped3A_193, %dma_start3A_555] : memref<2x16x17x4096xi32, #tpu.memory_space<hbm>> -> memref<1x1x1x16xi32, #tpu.memory_space<hbm>>
      %dma_start3A_557 = tpu.memref_squeeze %dma_start3A_556 : memref<1x1x1x16xi32, #tpu.memory_space<hbm>> -> memref<16xi32, #tpu.memory_space<hbm>>
      tpu.enqueue_dma source(%dma_start3A_557 : memref<16xi32, #tpu.memory_space<hbm>>) target(%dma_start3A_554 : memref<16xi32, #tpu.memory_space<vmem>>) target_semaphore(%run_scoped3A_546 : memref<!tpu.dma_semaphore, #tpu.memory_space<semaphore_mem>>)
      %dma_wait3A = arith.constant 0 : i32
      %dma_wait3A_558 = tpu.memref_slice %arg10[%run_scoped3A_194, %dma_wait3A] : memref<16x16xi32, #tpu.memory_space<vmem>> -> memref<1x16xi32, #tpu.memory_space<vmem>>
      %dma_wait3A_559 = tpu.memref_squeeze %dma_wait3A_558 : memref<1x16xi32, #tpu.memory_space<vmem>> -> memref<16xi32, #tpu.memory_space<vmem>>
      %dma_wait3A_560 = arith.constant 0 : i32
      %dma_wait3A_561 = tpu.memref_slice %arg4[%arg0, %run_scoped3A_192, %run_scoped3A_193, %dma_wait3A_560] : memref<2x16x17x4096xi32, #tpu.memory_space<hbm>> -> memref<1x1x1x16xi32, #tpu.memory_space<hbm>>
      %dma_wait3A_562 = tpu.memref_squeeze %dma_wait3A_561 : memref<1x1x1x16xi32, #tpu.memory_space<hbm>> -> memref<16xi32, #tpu.memory_space<hbm>>
      %dma_wait3A_563 = arith.constant 0 : i32
      %dma_wait3A_564 = tpu.memref_slice %arg10[%run_scoped3A_194, %dma_wait3A_563] : memref<16x16xi32, #tpu.memory_space<vmem>> -> memref<1x16xi32, #tpu.memory_space<vmem>>
      %dma_wait3A_565 = tpu.memref_squeeze %dma_wait3A_564 : memref<1x16xi32, #tpu.memory_space<vmem>> -> memref<16xi32, #tpu.memory_space<vmem>>
      %dma_wait3A_566 = arith.constant 0 : i32
      %dma_wait3A_567 = tpu.memref_slice %arg4[%arg0, %run_scoped3A_192, %run_scoped3A_193, %dma_wait3A_566] : memref<2x16x17x4096xi32, #tpu.memory_space<hbm>> -> memref<1x1x1x16xi32, #tpu.memory_space<hbm>>
      %dma_wait3A_568 = tpu.memref_squeeze %dma_wait3A_567 : memref<1x1x1x16xi32, #tpu.memory_space<hbm>> -> memref<16xi32, #tpu.memory_space<hbm>>
      tpu.wait_dma2 semaphore(%run_scoped3A_546 : memref<!tpu.dma_semaphore, #tpu.memory_space<semaphore_mem>>) src(%dma_wait3A_568 : memref<16xi32, #tpu.memory_space<hbm>>) dst(%dma_wait3A_565 : memref<16xi32, #tpu.memory_space<vmem>>)
      tpu.yield
    }) : () -> ()
    %run_scoped3A_195 = arith.constant 13 : i32
    %run_scoped3A_196 = arith.constant 16 : i32
    %run_scoped3A_197 = arith.constant 13 : i32
    "tpu.region"() ({
      %run_scoped3A_546 = tpu.sem_alloc : memref<!tpu.dma_semaphore, #tpu.memory_space<semaphore_mem>>
      %dma_start3A = arith.constant 0 : i32
      %dma_start3A_547 = tpu.memref_slice %arg10[%run_scoped3A_197, %dma_start3A] : memref<16x16xi32, #tpu.memory_space<vmem>> -> memref<1x16xi32, #tpu.memory_space<vmem>>
      %dma_start3A_548 = tpu.memref_squeeze %dma_start3A_547 : memref<1x16xi32, #tpu.memory_space<vmem>> -> memref<16xi32, #tpu.memory_space<vmem>>
      %dma_start3A_549 = arith.constant 0 : i32
      %dma_start3A_550 = tpu.memref_slice %arg4[%arg0, %run_scoped3A_195, %run_scoped3A_196, %dma_start3A_549] : memref<2x16x17x4096xi32, #tpu.memory_space<hbm>> -> memref<1x1x1x16xi32, #tpu.memory_space<hbm>>
      %dma_start3A_551 = tpu.memref_squeeze %dma_start3A_550 : memref<1x1x1x16xi32, #tpu.memory_space<hbm>> -> memref<16xi32, #tpu.memory_space<hbm>>
      %dma_start3A_552 = arith.constant 0 : i32
      %dma_start3A_553 = tpu.memref_slice %arg10[%run_scoped3A_197, %dma_start3A_552] : memref<16x16xi32, #tpu.memory_space<vmem>> -> memref<1x16xi32, #tpu.memory_space<vmem>>
      %dma_start3A_554 = tpu.memref_squeeze %dma_start3A_553 : memref<1x16xi32, #tpu.memory_space<vmem>> -> memref<16xi32, #tpu.memory_space<vmem>>
      %dma_start3A_555 = arith.constant 0 : i32
      %dma_start3A_556 = tpu.memref_slice %arg4[%arg0, %run_scoped3A_195, %run_scoped3A_196, %dma_start3A_555] : memref<2x16x17x4096xi32, #tpu.memory_space<hbm>> -> memref<1x1x1x16xi32, #tpu.memory_space<hbm>>
      %dma_start3A_557 = tpu.memref_squeeze %dma_start3A_556 : memref<1x1x1x16xi32, #tpu.memory_space<hbm>> -> memref<16xi32, #tpu.memory_space<hbm>>
      tpu.enqueue_dma source(%dma_start3A_557 : memref<16xi32, #tpu.memory_space<hbm>>) target(%dma_start3A_554 : memref<16xi32, #tpu.memory_space<vmem>>) target_semaphore(%run_scoped3A_546 : memref<!tpu.dma_semaphore, #tpu.memory_space<semaphore_mem>>)
      %dma_wait3A = arith.constant 0 : i32
      %dma_wait3A_558 = tpu.memref_slice %arg10[%run_scoped3A_197, %dma_wait3A] : memref<16x16xi32, #tpu.memory_space<vmem>> -> memref<1x16xi32, #tpu.memory_space<vmem>>
      %dma_wait3A_559 = tpu.memref_squeeze %dma_wait3A_558 : memref<1x16xi32, #tpu.memory_space<vmem>> -> memref<16xi32, #tpu.memory_space<vmem>>
      %dma_wait3A_560 = arith.constant 0 : i32
      %dma_wait3A_561 = tpu.memref_slice %arg4[%arg0, %run_scoped3A_195, %run_scoped3A_196, %dma_wait3A_560] : memref<2x16x17x4096xi32, #tpu.memory_space<hbm>> -> memref<1x1x1x16xi32, #tpu.memory_space<hbm>>
      %dma_wait3A_562 = tpu.memref_squeeze %dma_wait3A_561 : memref<1x1x1x16xi32, #tpu.memory_space<hbm>> -> memref<16xi32, #tpu.memory_space<hbm>>
      %dma_wait3A_563 = arith.constant 0 : i32
      %dma_wait3A_564 = tpu.memref_slice %arg10[%run_scoped3A_197, %dma_wait3A_563] : memref<16x16xi32, #tpu.memory_space<vmem>> -> memref<1x16xi32, #tpu.memory_space<vmem>>
      %dma_wait3A_565 = tpu.memref_squeeze %dma_wait3A_564 : memref<1x16xi32, #tpu.memory_space<vmem>> -> memref<16xi32, #tpu.memory_space<vmem>>
      %dma_wait3A_566 = arith.constant 0 : i32
      %dma_wait3A_567 = tpu.memref_slice %arg4[%arg0, %run_scoped3A_195, %run_scoped3A_196, %dma_wait3A_566] : memref<2x16x17x4096xi32, #tpu.memory_space<hbm>> -> memref<1x1x1x16xi32, #tpu.memory_space<hbm>>
      %dma_wait3A_568 = tpu.memref_squeeze %dma_wait3A_567 : memref<1x1x1x16xi32, #tpu.memory_space<hbm>> -> memref<16xi32, #tpu.memory_space<hbm>>
      tpu.wait_dma2 semaphore(%run_scoped3A_546 : memref<!tpu.dma_semaphore, #tpu.memory_space<semaphore_mem>>) src(%dma_wait3A_568 : memref<16xi32, #tpu.memory_space<hbm>>) dst(%dma_wait3A_565 : memref<16xi32, #tpu.memory_space<vmem>>)
      tpu.yield
    }) : () -> ()
    %run_scoped3A_198 = arith.constant 14 : i32
    %run_scoped3A_199 = arith.constant 16 : i32
    %run_scoped3A_200 = arith.constant 14 : i32
    "tpu.region"() ({
      %run_scoped3A_546 = tpu.sem_alloc : memref<!tpu.dma_semaphore, #tpu.memory_space<semaphore_mem>>
      %dma_start3A = arith.constant 0 : i32
      %dma_start3A_547 = tpu.memref_slice %arg10[%run_scoped3A_200, %dma_start3A] : memref<16x16xi32, #tpu.memory_space<vmem>> -> memref<1x16xi32, #tpu.memory_space<vmem>>
      %dma_start3A_548 = tpu.memref_squeeze %dma_start3A_547 : memref<1x16xi32, #tpu.memory_space<vmem>> -> memref<16xi32, #tpu.memory_space<vmem>>
      %dma_start3A_549 = arith.constant 0 : i32
      %dma_start3A_550 = tpu.memref_slice %arg4[%arg0, %run_scoped3A_198, %run_scoped3A_199, %dma_start3A_549] : memref<2x16x17x4096xi32, #tpu.memory_space<hbm>> -> memref<1x1x1x16xi32, #tpu.memory_space<hbm>>
      %dma_start3A_551 = tpu.memref_squeeze %dma_start3A_550 : memref<1x1x1x16xi32, #tpu.memory_space<hbm>> -> memref<16xi32, #tpu.memory_space<hbm>>
      %dma_start3A_552 = arith.constant 0 : i32
      %dma_start3A_553 = tpu.memref_slice %arg10[%run_scoped3A_200, %dma_start3A_552] : memref<16x16xi32, #tpu.memory_space<vmem>> -> memref<1x16xi32, #tpu.memory_space<vmem>>
      %dma_start3A_554 = tpu.memref_squeeze %dma_start3A_553 : memref<1x16xi32, #tpu.memory_space<vmem>> -> memref<16xi32, #tpu.memory_space<vmem>>
      %dma_start3A_555 = arith.constant 0 : i32
      %dma_start3A_556 = tpu.memref_slice %arg4[%arg0, %run_scoped3A_198, %run_scoped3A_199, %dma_start3A_555] : memref<2x16x17x4096xi32, #tpu.memory_space<hbm>> -> memref<1x1x1x16xi32, #tpu.memory_space<hbm>>
      %dma_start3A_557 = tpu.memref_squeeze %dma_start3A_556 : memref<1x1x1x16xi32, #tpu.memory_space<hbm>> -> memref<16xi32, #tpu.memory_space<hbm>>
      tpu.enqueue_dma source(%dma_start3A_557 : memref<16xi32, #tpu.memory_space<hbm>>) target(%dma_start3A_554 : memref<16xi32, #tpu.memory_space<vmem>>) target_semaphore(%run_scoped3A_546 : memref<!tpu.dma_semaphore, #tpu.memory_space<semaphore_mem>>)
      %dma_wait3A = arith.constant 0 : i32
      %dma_wait3A_558 = tpu.memref_slice %arg10[%run_scoped3A_200, %dma_wait3A] : memref<16x16xi32, #tpu.memory_space<vmem>> -> memref<1x16xi32, #tpu.memory_space<vmem>>
      %dma_wait3A_559 = tpu.memref_squeeze %dma_wait3A_558 : memref<1x16xi32, #tpu.memory_space<vmem>> -> memref<16xi32, #tpu.memory_space<vmem>>
      %dma_wait3A_560 = arith.constant 0 : i32
      %dma_wait3A_561 = tpu.memref_slice %arg4[%arg0, %run_scoped3A_198, %run_scoped3A_199, %dma_wait3A_560] : memref<2x16x17x4096xi32, #tpu.memory_space<hbm>> -> memref<1x1x1x16xi32, #tpu.memory_space<hbm>>
      %dma_wait3A_562 = tpu.memref_squeeze %dma_wait3A_561 : memref<1x1x1x16xi32, #tpu.memory_space<hbm>> -> memref<16xi32, #tpu.memory_space<hbm>>
      %dma_wait3A_563 = arith.constant 0 : i32
      %dma_wait3A_564 = tpu.memref_slice %arg10[%run_scoped3A_200, %dma_wait3A_563] : memref<16x16xi32, #tpu.memory_space<vmem>> -> memref<1x16xi32, #tpu.memory_space<vmem>>
      %dma_wait3A_565 = tpu.memref_squeeze %dma_wait3A_564 : memref<1x16xi32, #tpu.memory_space<vmem>> -> memref<16xi32, #tpu.memory_space<vmem>>
      %dma_wait3A_566 = arith.constant 0 : i32
      %dma_wait3A_567 = tpu.memref_slice %arg4[%arg0, %run_scoped3A_198, %run_scoped3A_199, %dma_wait3A_566] : memref<2x16x17x4096xi32, #tpu.memory_space<hbm>> -> memref<1x1x1x16xi32, #tpu.memory_space<hbm>>
      %dma_wait3A_568 = tpu.memref_squeeze %dma_wait3A_567 : memref<1x1x1x16xi32, #tpu.memory_space<hbm>> -> memref<16xi32, #tpu.memory_space<hbm>>
      tpu.wait_dma2 semaphore(%run_scoped3A_546 : memref<!tpu.dma_semaphore, #tpu.memory_space<semaphore_mem>>) src(%dma_wait3A_568 : memref<16xi32, #tpu.memory_space<hbm>>) dst(%dma_wait3A_565 : memref<16xi32, #tpu.memory_space<vmem>>)
      tpu.yield
    }) : () -> ()
    %run_scoped3A_201 = arith.constant 15 : i32
    %run_scoped3A_202 = arith.constant 16 : i32
    %run_scoped3A_203 = arith.constant 15 : i32
    "tpu.region"() ({
      %run_scoped3A_546 = tpu.sem_alloc : memref<!tpu.dma_semaphore, #tpu.memory_space<semaphore_mem>>
      %dma_start3A = arith.constant 0 : i32
      %dma_start3A_547 = tpu.memref_slice %arg10[%run_scoped3A_203, %dma_start3A] : memref<16x16xi32, #tpu.memory_space<vmem>> -> memref<1x16xi32, #tpu.memory_space<vmem>>
      %dma_start3A_548 = tpu.memref_squeeze %dma_start3A_547 : memref<1x16xi32, #tpu.memory_space<vmem>> -> memref<16xi32, #tpu.memory_space<vmem>>
      %dma_start3A_549 = arith.constant 0 : i32
      %dma_start3A_550 = tpu.memref_slice %arg4[%arg0, %run_scoped3A_201, %run_scoped3A_202, %dma_start3A_549] : memref<2x16x17x4096xi32, #tpu.memory_space<hbm>> -> memref<1x1x1x16xi32, #tpu.memory_space<hbm>>
      %dma_start3A_551 = tpu.memref_squeeze %dma_start3A_550 : memref<1x1x1x16xi32, #tpu.memory_space<hbm>> -> memref<16xi32, #tpu.memory_space<hbm>>
      %dma_start3A_552 = arith.constant 0 : i32
      %dma_start3A_553 = tpu.memref_slice %arg10[%run_scoped3A_203, %dma_start3A_552] : memref<16x16xi32, #tpu.memory_space<vmem>> -> memref<1x16xi32, #tpu.memory_space<vmem>>
      %dma_start3A_554 = tpu.memref_squeeze %dma_start3A_553 : memref<1x16xi32, #tpu.memory_space<vmem>> -> memref<16xi32, #tpu.memory_space<vmem>>
      %dma_start3A_555 = arith.constant 0 : i32
      %dma_start3A_556 = tpu.memref_slice %arg4[%arg0, %run_scoped3A_201, %run_scoped3A_202, %dma_start3A_555] : memref<2x16x17x4096xi32, #tpu.memory_space<hbm>> -> memref<1x1x1x16xi32, #tpu.memory_space<hbm>>
      %dma_start3A_557 = tpu.memref_squeeze %dma_start3A_556 : memref<1x1x1x16xi32, #tpu.memory_space<hbm>> -> memref<16xi32, #tpu.memory_space<hbm>>
      tpu.enqueue_dma source(%dma_start3A_557 : memref<16xi32, #tpu.memory_space<hbm>>) target(%dma_start3A_554 : memref<16xi32, #tpu.memory_space<vmem>>) target_semaphore(%run_scoped3A_546 : memref<!tpu.dma_semaphore, #tpu.memory_space<semaphore_mem>>)
      %dma_wait3A = arith.constant 0 : i32
      %dma_wait3A_558 = tpu.memref_slice %arg10[%run_scoped3A_203, %dma_wait3A] : memref<16x16xi32, #tpu.memory_space<vmem>> -> memref<1x16xi32, #tpu.memory_space<vmem>>
      %dma_wait3A_559 = tpu.memref_squeeze %dma_wait3A_558 : memref<1x16xi32, #tpu.memory_space<vmem>> -> memref<16xi32, #tpu.memory_space<vmem>>
      %dma_wait3A_560 = arith.constant 0 : i32
      %dma_wait3A_561 = tpu.memref_slice %arg4[%arg0, %run_scoped3A_201, %run_scoped3A_202, %dma_wait3A_560] : memref<2x16x17x4096xi32, #tpu.memory_space<hbm>> -> memref<1x1x1x16xi32, #tpu.memory_space<hbm>>
      %dma_wait3A_562 = tpu.memref_squeeze %dma_wait3A_561 : memref<1x1x1x16xi32, #tpu.memory_space<hbm>> -> memref<16xi32, #tpu.memory_space<hbm>>
      %dma_wait3A_563 = arith.constant 0 : i32
      %dma_wait3A_564 = tpu.memref_slice %arg10[%run_scoped3A_203, %dma_wait3A_563] : memref<16x16xi32, #tpu.memory_space<vmem>> -> memref<1x16xi32, #tpu.memory_space<vmem>>
      %dma_wait3A_565 = tpu.memref_squeeze %dma_wait3A_564 : memref<1x16xi32, #tpu.memory_space<vmem>> -> memref<16xi32, #tpu.memory_space<vmem>>
      %dma_wait3A_566 = arith.constant 0 : i32
      %dma_wait3A_567 = tpu.memref_slice %arg4[%arg0, %run_scoped3A_201, %run_scoped3A_202, %dma_wait3A_566] : memref<2x16x17x4096xi32, #tpu.memory_space<hbm>> -> memref<1x1x1x16xi32, #tpu.memory_space<hbm>>
      %dma_wait3A_568 = tpu.memref_squeeze %dma_wait3A_567 : memref<1x1x1x16xi32, #tpu.memory_space<hbm>> -> memref<16xi32, #tpu.memory_space<hbm>>
      tpu.wait_dma2 semaphore(%run_scoped3A_546 : memref<!tpu.dma_semaphore, #tpu.memory_space<semaphore_mem>>) src(%dma_wait3A_568 : memref<16xi32, #tpu.memory_space<hbm>>) dst(%dma_wait3A_565 : memref<16xi32, #tpu.memory_space<vmem>>)
      tpu.yield
    }) : () -> ()
    %scan3A_204 = arith.constant 0 : i32
    %scan3A_205 = arith.constant -1 : i32
    %scan3A_206 = arith.constant 0 : i32
    %scan3A_207 = arith.constant 0 : i32
    %scan3A_208 = arith.constant 16 : i32
    %scan3A_209 = arith.addi %scan3A_207, %scan3A_208 : i32
    %scan3A_210 = arith.constant 1 : i32
    %scan3A_211:3 = scf.for %scan3A_546 = %scan3A_207 to %scan3A_209 step %scan3A_210 iter_args(%scan3A_547 = %scan3A_204, %scan3A_548 = %scan3A_205, %scan3A_549 = %scan3A_206) -> (i32, i32, i32)  : i32 {
      %sub3A_550 = arith.constant 15 : i32
      %sub3A_551 = arith.subi %sub3A_550, %scan3A_546 : i32
      %get3A_552 = arith.index_cast %sub3A_551 : i32 to index
      %get3A_553 = arith.constant 0 : index
      %get3A_554 = tpu.vector_load %arg10[%get3A_552, %get3A_553] {strides = array<i32>} : memref<16x16xi32, #tpu.memory_space<vmem>>, vector<16xi32>,
      %eq3A_555 = arith.constant 0 : i32
      %eq3A_556 = vector.broadcast %eq3A_555 : i32 to vector<16xi32>
      %eq3A_557 = arith.cmpi eq, %iota3A, %eq3A_556 : vector<16xi32>
      %broadcast_in_dim3A_558 = arith.constant 0 : i32
      %broadcast_in_dim3A_559 = vector.broadcast %broadcast_in_dim3A_558 : i32 to vector<16xi32>
      %select_n3A_560 = arith.select %eq3A_557, %get3A_554, %broadcast_in_dim3A_559 : vector<16xi1>, vector<16xi32>
      %reduce_sum3A_561 = arith.constant true
      %reduce_sum3A_562 = vector.broadcast %reduce_sum3A_561 : i1 to vector<16xi1>
      %reduce_sum3A_563 = tpu.scan <sum>, %select_n3A_560 masked %reduce_sum3A_562 : vector<16xi32>, vector<16xi1> -> vector<16xi32>
      %reduce_sum3A_564 = vector.extract %reduce_sum3A_563[15] : i32 from vector<16xi32>
      %add3A = arith.addi %scan3A_547, %reduce_sum3A_564 : i32
      %lt3A = arith.constant 0 : i32
      %lt3A_565 = arith.cmpi slt, %scan3A_548, %lt3A : i32
      %ge3A_566 = arith.cmpi sge, %add3A, %select_n3A_6 : i32
      %and3A_567 = arith.andi %lt3A_565, %ge3A_566 : i1
      %select_n3A_568 = arith.select %and3A_567, %sub3A_551, %scan3A_548 : i32
      %select_n3A_569 = arith.select %and3A_567, %scan3A_547, %scan3A_549 : i32
      scf.yield %add3A, %select_n3A_568, %select_n3A_569 : i32, i32, i32
    }
    %scan3A_212 = arith.constant 16 : i32
    %scan3A_213 = arith.constant -1 : i32
    %scan3A_214 = arith.constant 0 : i32
    %scan3A_215 = arith.constant 0 : i32
    %scan3A_216 = arith.constant 256 : i32
    %scan3A_217 = arith.addi %scan3A_215, %scan3A_216 : i32
    %scan3A_218 = arith.constant 1 : i32
    %scan3A_219:3 = scf.for %scan3A_546 = %scan3A_215 to %scan3A_217 step %scan3A_218 iter_args(%scan3A_547 = %scan3A_211#2, %scan3A_548 = %scan3A_213, %scan3A_549 = %scan3A_214) -> (i32, i32, i32)  : i32 {
      %sub3A_550 = arith.constant 255 : i32
      %sub3A_551 = arith.subi %sub3A_550, %scan3A_546 : i32
      %mul3A = arith.constant 16 : i32
      %mul3A_552 = arith.muli %sub3A_551, %mul3A : i32
      %get3A_553 = arith.index_cast %mul3A_552 : i32 to index
      %get3A_554 = tpu.vector_load %arg7[%get3A_553] {strides = array<i32>} : memref<4096xi32, #tpu.memory_space<vmem>>, vector<16xi32>,
      %rev3A = arith.constant 15 : i32
      %rev3A_555 = vector.broadcast %rev3A : i32 to vector<16xi32>
      %rev3A_556 = tpu.iota {dimensions = array<i32: 0>} : vector<16xi32>
      %rev3A_557 = arith.subi %rev3A_555, %rev3A_556 : vector<16xi32>
      %rev3A_558 = tpu.dynamic_gather %get3A_554[%rev3A_557] in [0] : vector<16xi32>, vector<16xi32> -> vector<16xi32>
      %broadcast_in_dim3A_559 = arith.constant true
      %broadcast_in_dim3A_560 = vector.broadcast %broadcast_in_dim3A_559 : i1 to vector<16xi1>
      %masked_cumsum3A = tpu.scan <sum>, %rev3A_558 masked %broadcast_in_dim3A_560 : vector<16xi32>, vector<16xi1> -> vector<16xi32>
      %broadcast_in_dim3A_561 = vector.broadcast %scan3A_547 : i32 to vector<16xi32>
      %add3A = arith.addi %broadcast_in_dim3A_561, %masked_cumsum3A : vector<16xi32>
      %broadcast_in_dim3A_562 = vector.broadcast %select_n3A_6 : i32 to vector<16xi32>
      %ge3A_563 = arith.cmpi sge, %add3A, %broadcast_in_dim3A_562 : vector<16xi32>
      %convert_element_type3A_564 = arith.extui %ge3A_563 : vector<16xi1> to vector<16xi32>
      %reduce_max3A = arith.constant true
      %reduce_max3A_565 = vector.broadcast %reduce_max3A : i1 to vector<16xi1>
      %reduce_max3A_566 = arith.constant -2147483648 : i32
      %reduce_max3A_567 = vector.broadcast %reduce_max3A_566 : i32 to vector<16xi32>
      %reduce_max3A_568 = arith.xori %convert_element_type3A_564, %reduce_max3A_567 : vector<16xi32>
      %reduce_max3A_569 = tpu.scan <max>, %reduce_max3A_568 masked %reduce_max3A_565 : vector<16xi32>, vector<16xi1> -> vector<16xi32>
      %reduce_max3A_570 = arith.xori %reduce_max3A_569, %reduce_max3A_567 : vector<16xi32>
      %reduce_max3A_571 = vector.extract %reduce_max3A_570[15] : i32 from vector<16xi32>
      %gt3A_572 = arith.constant 0 : i32
      %gt3A_573 = arith.cmpi sgt, %reduce_max3A_571, %gt3A_572 : i32
      %all_reduce_ffs3A = tpu.all_reduce %ge3A_563 {dim = 0 : i64, kind = #tpu.reduction_kind<find_first_set>} : vector<16xi1> -> vector<16xi32>
      %eq3A_574 = arith.constant 0 : i32
      %eq3A_575 = vector.broadcast %eq3A_574 : i32 to vector<16xi32>
      %eq3A_576 = arith.cmpi eq, %iota3A, %eq3A_575 : vector<16xi32>
      %broadcast_in_dim3A_577 = arith.constant 0 : i32
      %broadcast_in_dim3A_578 = vector.broadcast %broadcast_in_dim3A_577 : i32 to vector<16xi32>
      %select_n3A_579 = arith.select %eq3A_576, %all_reduce_ffs3A, %broadcast_in_dim3A_578 : vector<16xi1>, vector<16xi32>
      %reduce_sum3A_580 = arith.constant true
      %reduce_sum3A_581 = vector.broadcast %reduce_sum3A_580 : i1 to vector<16xi1>
      %reduce_sum3A_582 = tpu.scan <sum>, %select_n3A_579 masked %reduce_sum3A_581 : vector<16xi32>, vector<16xi1> -> vector<16xi32>
      %reduce_sum3A_583 = vector.extract %reduce_sum3A_582[15] : i32 from vector<16xi32>
      %lt3A = arith.constant 0 : i32
      %lt3A_584 = arith.cmpi slt, %scan3A_548, %lt3A : i32
      %and3A_585 = arith.andi %lt3A_584, %gt3A_573 : i1
      %mul3A_586 = arith.constant 16 : i32
      %mul3A_587 = arith.muli %sub3A_551, %mul3A_586 : i32
      %sub3A_588 = arith.constant 15 : i32
      %sub3A_589 = arith.subi %sub3A_588, %reduce_sum3A_583 : i32
      %add3A_590 = arith.addi %mul3A_587, %sub3A_589 : i32
      %eq3A_591 = vector.broadcast %reduce_sum3A_583 : i32 to vector<16xi32>
      %eq3A_592 = arith.cmpi eq, %iota3A, %eq3A_591 : vector<16xi32>
      %broadcast_in_dim3A_593 = arith.constant 0 : i32
      %broadcast_in_dim3A_594 = vector.broadcast %broadcast_in_dim3A_593 : i32 to vector<16xi32>
      %select_n3A_595 = arith.select %eq3A_592, %rev3A_558, %broadcast_in_dim3A_594 : vector<16xi1>, vector<16xi32>
      %reduce_sum3A_596 = arith.constant true
      %reduce_sum3A_597 = vector.broadcast %reduce_sum3A_596 : i1 to vector<16xi1>
      %reduce_sum3A_598 = tpu.scan <sum>, %select_n3A_595 masked %reduce_sum3A_597 : vector<16xi32>, vector<16xi1> -> vector<16xi32>
      %reduce_sum3A_599 = vector.extract %reduce_sum3A_598[15] : i32 from vector<16xi32>
      %eq3A_600 = vector.broadcast %reduce_sum3A_583 : i32 to vector<16xi32>
      %eq3A_601 = arith.cmpi eq, %iota3A, %eq3A_600 : vector<16xi32>
      %broadcast_in_dim3A_602 = arith.constant 0 : i32
      %broadcast_in_dim3A_603 = vector.broadcast %broadcast_in_dim3A_602 : i32 to vector<16xi32>
      %select_n3A_604 = arith.select %eq3A_601, %add3A, %broadcast_in_dim3A_603 : vector<16xi1>, vector<16xi32>
      %reduce_sum3A_605 = arith.constant true
      %reduce_sum3A_606 = vector.broadcast %reduce_sum3A_605 : i1 to vector<16xi1>
      %reduce_sum3A_607 = tpu.scan <sum>, %select_n3A_604 masked %reduce_sum3A_606 : vector<16xi32>, vector<16xi1> -> vector<16xi32>
      %reduce_sum3A_608 = vector.extract %reduce_sum3A_607[15] : i32 from vector<16xi32>
      %select_n3A_609 = arith.select %and3A_585, %add3A_590, %scan3A_548 : i32
      %sub3A_610 = arith.subi %reduce_sum3A_608, %reduce_sum3A_599 : i32
      %select_n3A_611 = arith.select %and3A_585, %sub3A_610, %scan3A_549 : i32
      %reduce_sum3A_612 = arith.constant true
      %reduce_sum3A_613 = vector.broadcast %reduce_sum3A_612 : i1 to vector<16xi1>
      %reduce_sum3A_614 = tpu.scan <sum>, %rev3A_558 masked %reduce_sum3A_613 : vector<16xi32>, vector<16xi1> -> vector<16xi32>
      %reduce_sum3A_615 = vector.extract %reduce_sum3A_614[15] : i32 from vector<16xi32>
      %add3A_616 = arith.addi %scan3A_547, %reduce_sum3A_615 : i32
      scf.yield %add3A_616, %select_n3A_609, %select_n3A_611 : i32, i32, i32
    }
    %scan3A_220 = arith.constant 256 : i32
    %eq3A_221 = arith.constant 0 : i32
    %eq3A_222 = arith.cmpi eq, %arg1, %eq3A_221 : i32
    %convert_element_type3A = arith.extui %eq3A_222 : i1 to i32
    %cond3A = arith.constant 0 : i32
    %cond3A_223 = arith.cmpi ne, %convert_element_type3A, %cond3A : i32
    scf.if %cond3A_223 {
      %swap3A_546 = arith.constant 0 : index
      %swap3A_547 = tpu.vector_load %arg11[%swap3A_546] {strides = array<i32>} : memref<16xi32, #tpu.memory_space<vmem>>, vector<16xi32>,
      tpu.vector_store %arg11[%swap3A_546], %broadcast_in_dim3A_7 {strides = array<i32>} : memref<16xi32, #tpu.memory_space<vmem>>, vector<16xi32>,
      %run_scoped3A_548 = arith.constant 0 : i32
      %run_scoped3A_549 = arith.constant 16 : i32
      "tpu.region"() ({
        %run_scoped3A_550 = tpu.sem_alloc : memref<!tpu.dma_semaphore, #tpu.memory_space<semaphore_mem>>
        %dma_start3A = arith.constant 16 : i32
        %dma_start3A_551 = tpu.memref_slice %arg4[%arg0, %run_scoped3A_548, %run_scoped3A_549, %dma_start3A] : memref<2x16x17x4096xi32, #tpu.memory_space<hbm>> -> memref<1x1x1x16xi32, #tpu.memory_space<hbm>>
        %dma_start3A_552 = tpu.memref_squeeze %dma_start3A_551 : memref<1x1x1x16xi32, #tpu.memory_space<hbm>> -> memref<16xi32, #tpu.memory_space<hbm>>
        %dma_start3A_553 = arith.constant 16 : i32
        %dma_start3A_554 = tpu.memref_slice %arg4[%arg0, %run_scoped3A_548, %run_scoped3A_549, %dma_start3A_553] : memref<2x16x17x4096xi32, #tpu.memory_space<hbm>> -> memref<1x1x1x16xi32, #tpu.memory_space<hbm>>
        %dma_start3A_555 = tpu.memref_squeeze %dma_start3A_554 : memref<1x1x1x16xi32, #tpu.memory_space<hbm>> -> memref<16xi32, #tpu.memory_space<hbm>>
        tpu.enqueue_dma source(%arg11 : memref<16xi32, #tpu.memory_space<vmem>>) target(%dma_start3A_555 : memref<16xi32, #tpu.memory_space<hbm>>) target_semaphore(%run_scoped3A_550 : memref<!tpu.dma_semaphore, #tpu.memory_space<semaphore_mem>>)
        %dma_wait3A = arith.constant 16 : i32
        %dma_wait3A_556 = tpu.memref_slice %arg4[%arg0, %run_scoped3A_548, %run_scoped3A_549, %dma_wait3A] : memref<2x16x17x4096xi32, #tpu.memory_space<hbm>> -> memref<1x1x1x16xi32, #tpu.memory_space<hbm>>
        %dma_wait3A_557 = tpu.memref_squeeze %dma_wait3A_556 : memref<1x1x1x16xi32, #tpu.memory_space<hbm>> -> memref<16xi32, #tpu.memory_space<hbm>>
        %dma_wait3A_558 = arith.constant 16 : i32
        %dma_wait3A_559 = tpu.memref_slice %arg4[%arg0, %run_scoped3A_548, %run_scoped3A_549, %dma_wait3A_558] : memref<2x16x17x4096xi32, #tpu.memory_space<hbm>> -> memref<1x1x1x16xi32, #tpu.memory_space<hbm>>
        %dma_wait3A_560 = tpu.memref_squeeze %dma_wait3A_559 : memref<1x1x1x16xi32, #tpu.memory_space<hbm>> -> memref<16xi32, #tpu.memory_space<hbm>>
        tpu.wait_dma2 semaphore(%run_scoped3A_550 : memref<!tpu.dma_semaphore, #tpu.memory_space<semaphore_mem>>) src(%arg11 : memref<16xi32, #tpu.memory_space<vmem>>) dst(%dma_wait3A_560 : memref<16xi32, #tpu.memory_space<hbm>>)
        tpu.yield
      }) : () -> ()
    } else {
    }
    %barrier3A_224 = arith.constant 0 : index
    tpu.barrier barrier_id(%barrier3A_224)
    %ge3A = arith.constant 0 : i32
    %ge3A_225 = arith.cmpi sge, %scan3A_211#1, %ge3A : i32
    %eq3A_226 = arith.cmpi eq, %arg1, %scan3A_211#1 : i32
    %and3A = arith.andi %ge3A_225, %eq3A_226 : i1
    %convert_element_type3A_227 = arith.extui %and3A : i1 to i32
    %cond3A_228 = arith.constant 0 : i32
    %cond3A_229 = arith.cmpi ne, %convert_element_type3A_227, %cond3A_228 : i32
    scf.if %cond3A_229 {
      %mul3A = arith.constant 4096 : i32
      %mul3A_546 = arith.muli %scan3A_211#1, %mul3A : i32
      %add3A = arith.addi %mul3A_546, %scan3A_219#1 : i32
      %eq3A_547 = arith.constant 0 : i32
      %eq3A_548 = vector.broadcast %eq3A_547 : i32 to vector<16xi32>
      %eq3A_549 = arith.cmpi eq, %iota3A, %eq3A_548 : vector<16xi32>
      %broadcast_in_dim3A_550 = vector.broadcast %add3A : i32 to vector<16xi32>
      %eq3A_551 = arith.constant 1 : i32
      %eq3A_552 = vector.broadcast %eq3A_551 : i32 to vector<16xi32>
      %eq3A_553 = arith.cmpi eq, %iota3A, %eq3A_552 : vector<16xi32>
      %broadcast_in_dim3A_554 = vector.broadcast %scan3A_219#2 : i32 to vector<16xi32>
      %eq3A_555 = arith.constant 2 : i32
      %eq3A_556 = vector.broadcast %eq3A_555 : i32 to vector<16xi32>
      %eq3A_557 = arith.cmpi eq, %iota3A, %eq3A_556 : vector<16xi32>
      %broadcast_in_dim3A_558 = arith.constant 1 : i32
      %broadcast_in_dim3A_559 = vector.broadcast %broadcast_in_dim3A_558 : i32 to vector<16xi32>
      %select_n3A_560 = arith.select %eq3A_557, %broadcast_in_dim3A_559, %broadcast_in_dim3A_7 : vector<16xi1>, vector<16xi32>
      %select_n3A_561 = arith.select %eq3A_553, %broadcast_in_dim3A_554, %select_n3A_560 : vector<16xi1>, vector<16xi32>
      %select_n3A_562 = arith.select %eq3A_549, %broadcast_in_dim3A_550, %select_n3A_561 : vector<16xi1>, vector<16xi32>
      %swap3A_563 = arith.constant 0 : index
      %swap3A_564 = tpu.vector_load %arg11[%swap3A_563] {strides = array<i32>} : memref<16xi32, #tpu.memory_space<vmem>>, vector<16xi32>,
      tpu.vector_store %arg11[%swap3A_563], %select_n3A_562 {strides = array<i32>} : memref<16xi32, #tpu.memory_space<vmem>>, vector<16xi32>,
      %run_scoped3A_565 = arith.constant 0 : i32
      %run_scoped3A_566 = arith.constant 16 : i32
      "tpu.region"() ({
        %run_scoped3A_567 = tpu.sem_alloc : memref<!tpu.dma_semaphore, #tpu.memory_space<semaphore_mem>>
        %dma_start3A = arith.constant 16 : i32
        %dma_start3A_568 = tpu.memref_slice %arg4[%arg0, %run_scoped3A_565, %run_scoped3A_566, %dma_start3A] : memref<2x16x17x4096xi32, #tpu.memory_space<hbm>> -> memref<1x1x1x16xi32, #tpu.memory_space<hbm>>
        %dma_start3A_569 = tpu.memref_squeeze %dma_start3A_568 : memref<1x1x1x16xi32, #tpu.memory_space<hbm>> -> memref<16xi32, #tpu.memory_space<hbm>>
        %dma_start3A_570 = arith.constant 16 : i32
        %dma_start3A_571 = tpu.memref_slice %arg4[%arg0, %run_scoped3A_565, %run_scoped3A_566, %dma_start3A_570] : memref<2x16x17x4096xi32, #tpu.memory_space<hbm>> -> memref<1x1x1x16xi32, #tpu.memory_space<hbm>>
        %dma_start3A_572 = tpu.memref_squeeze %dma_start3A_571 : memref<1x1x1x16xi32, #tpu.memory_space<hbm>> -> memref<16xi32, #tpu.memory_space<hbm>>
        tpu.enqueue_dma source(%arg11 : memref<16xi32, #tpu.memory_space<vmem>>) target(%dma_start3A_572 : memref<16xi32, #tpu.memory_space<hbm>>) target_semaphore(%run_scoped3A_567 : memref<!tpu.dma_semaphore, #tpu.memory_space<semaphore_mem>>)
        %dma_wait3A = arith.constant 16 : i32
        %dma_wait3A_573 = tpu.memref_slice %arg4[%arg0, %run_scoped3A_565, %run_scoped3A_566, %dma_wait3A] : memref<2x16x17x4096xi32, #tpu.memory_space<hbm>> -> memref<1x1x1x16xi32, #tpu.memory_space<hbm>>
        %dma_wait3A_574 = tpu.memref_squeeze %dma_wait3A_573 : memref<1x1x1x16xi32, #tpu.memory_space<hbm>> -> memref<16xi32, #tpu.memory_space<hbm>>
        %dma_wait3A_575 = arith.constant 16 : i32
        %dma_wait3A_576 = tpu.memref_slice %arg4[%arg0, %run_scoped3A_565, %run_scoped3A_566, %dma_wait3A_575] : memref<2x16x17x4096xi32, #tpu.memory_space<hbm>> -> memref<1x1x1x16xi32, #tpu.memory_space<hbm>>
        %dma_wait3A_577 = tpu.memref_squeeze %dma_wait3A_576 : memref<1x1x1x16xi32, #tpu.memory_space<hbm>> -> memref<16xi32, #tpu.memory_space<hbm>>
        tpu.wait_dma2 semaphore(%run_scoped3A_567 : memref<!tpu.dma_semaphore, #tpu.memory_space<semaphore_mem>>) src(%arg11 : memref<16xi32, #tpu.memory_space<vmem>>) dst(%dma_wait3A_577 : memref<16xi32, #tpu.memory_space<hbm>>)
        tpu.yield
      }) : () -> ()
    } else {
    }
    %barrier3A_230 = arith.constant 0 : index
    tpu.barrier barrier_id(%barrier3A_230)
    %run_scoped3A_231 = arith.constant 0 : i32
    %run_scoped3A_232 = arith.constant 16 : i32
    "tpu.region"() ({
      %run_scoped3A_546 = tpu.sem_alloc : memref<!tpu.dma_semaphore, #tpu.memory_space<semaphore_mem>>
      %dma_start3A = arith.constant 16 : i32
      %dma_start3A_547 = tpu.memref_slice %arg4[%arg0, %run_scoped3A_231, %run_scoped3A_232, %dma_start3A] : memref<2x16x17x4096xi32, #tpu.memory_space<hbm>> -> memref<1x1x1x16xi32, #tpu.memory_space<hbm>>
      %dma_start3A_548 = tpu.memref_squeeze %dma_start3A_547 : memref<1x1x1x16xi32, #tpu.memory_space<hbm>> -> memref<16xi32, #tpu.memory_space<hbm>>
      %dma_start3A_549 = arith.constant 16 : i32
      %dma_start3A_550 = tpu.memref_slice %arg4[%arg0, %run_scoped3A_231, %run_scoped3A_232, %dma_start3A_549] : memref<2x16x17x4096xi32, #tpu.memory_space<hbm>> -> memref<1x1x1x16xi32, #tpu.memory_space<hbm>>
      %dma_start3A_551 = tpu.memref_squeeze %dma_start3A_550 : memref<1x1x1x16xi32, #tpu.memory_space<hbm>> -> memref<16xi32, #tpu.memory_space<hbm>>
      tpu.enqueue_dma source(%dma_start3A_551 : memref<16xi32, #tpu.memory_space<hbm>>) target(%arg11 : memref<16xi32, #tpu.memory_space<vmem>>) target_semaphore(%run_scoped3A_546 : memref<!tpu.dma_semaphore, #tpu.memory_space<semaphore_mem>>)
      %dma_wait3A = arith.constant 16 : i32
      %dma_wait3A_552 = tpu.memref_slice %arg4[%arg0, %run_scoped3A_231, %run_scoped3A_232, %dma_wait3A] : memref<2x16x17x4096xi32, #tpu.memory_space<hbm>> -> memref<1x1x1x16xi32, #tpu.memory_space<hbm>>
      %dma_wait3A_553 = tpu.memref_squeeze %dma_wait3A_552 : memref<1x1x1x16xi32, #tpu.memory_space<hbm>> -> memref<16xi32, #tpu.memory_space<hbm>>
      %dma_wait3A_554 = arith.constant 16 : i32
      %dma_wait3A_555 = tpu.memref_slice %arg4[%arg0, %run_scoped3A_231, %run_scoped3A_232, %dma_wait3A_554] : memref<2x16x17x4096xi32, #tpu.memory_space<hbm>> -> memref<1x1x1x16xi32, #tpu.memory_space<hbm>>
      %dma_wait3A_556 = tpu.memref_squeeze %dma_wait3A_555 : memref<1x1x1x16xi32, #tpu.memory_space<hbm>> -> memref<16xi32, #tpu.memory_space<hbm>>
      tpu.wait_dma2 semaphore(%run_scoped3A_546 : memref<!tpu.dma_semaphore, #tpu.memory_space<semaphore_mem>>) src(%dma_wait3A_556 : memref<16xi32, #tpu.memory_space<hbm>>) dst(%arg11 : memref<16xi32, #tpu.memory_space<vmem>>)
      tpu.yield
    }) : () -> ()
    %get3A = arith.constant 0 : index
    %get3A_233 = tpu.vector_load %arg11[%get3A] {strides = array<i32>} : memref<16xi32, #tpu.memory_space<vmem>>, vector<16xi32>,
    %eq3A_234 = arith.constant 0 : i32
    %eq3A_235 = vector.broadcast %eq3A_234 : i32 to vector<16xi32>
    %eq3A_236 = arith.cmpi eq, %iota3A, %eq3A_235 : vector<16xi32>
    %broadcast_in_dim3A_237 = arith.constant 0 : i32
    %broadcast_in_dim3A_238 = vector.broadcast %broadcast_in_dim3A_237 : i32 to vector<16xi32>
    %select_n3A_239 = arith.select %eq3A_236, %get3A_233, %broadcast_in_dim3A_238 : vector<16xi1>, vector<16xi32>
    %reduce_sum3A_240 = arith.constant true
    %reduce_sum3A_241 = vector.broadcast %reduce_sum3A_240 : i1 to vector<16xi1>
    %reduce_sum3A_242 = tpu.scan <sum>, %select_n3A_239 masked %reduce_sum3A_241 : vector<16xi32>, vector<16xi1> -> vector<16xi32>
    %reduce_sum3A_243 = vector.extract %reduce_sum3A_242[15] : i32 from vector<16xi32>
    %eq3A_244 = arith.constant 1 : i32
    %eq3A_245 = vector.broadcast %eq3A_244 : i32 to vector<16xi32>
    %eq3A_246 = arith.cmpi eq, %iota3A, %eq3A_245 : vector<16xi32>
    %broadcast_in_dim3A_247 = arith.constant 0 : i32
    %broadcast_in_dim3A_248 = vector.broadcast %broadcast_in_dim3A_247 : i32 to vector<16xi32>
    %select_n3A_249 = arith.select %eq3A_246, %get3A_233, %broadcast_in_dim3A_248 : vector<16xi1>, vector<16xi32>
    %reduce_sum3A_250 = arith.constant true
    %reduce_sum3A_251 = vector.broadcast %reduce_sum3A_250 : i1 to vector<16xi1>
    %reduce_sum3A_252 = tpu.scan <sum>, %select_n3A_249 masked %reduce_sum3A_251 : vector<16xi32>, vector<16xi1> -> vector<16xi32>
    %reduce_sum3A_253 = vector.extract %reduce_sum3A_252[15] : i32 from vector<16xi32>
    %eq3A_254 = arith.constant 2 : i32
    %eq3A_255 = vector.broadcast %eq3A_254 : i32 to vector<16xi32>
    %eq3A_256 = arith.cmpi eq, %iota3A, %eq3A_255 : vector<16xi32>
    %broadcast_in_dim3A_257 = arith.constant 0 : i32
    %broadcast_in_dim3A_258 = vector.broadcast %broadcast_in_dim3A_257 : i32 to vector<16xi32>
    %select_n3A_259 = arith.select %eq3A_256, %get3A_233, %broadcast_in_dim3A_258 : vector<16xi1>, vector<16xi32>
    %reduce_sum3A_260 = arith.constant true
    %reduce_sum3A_261 = vector.broadcast %reduce_sum3A_260 : i1 to vector<16xi1>
    %reduce_sum3A_262 = tpu.scan <sum>, %select_n3A_259 masked %reduce_sum3A_261 : vector<16xi32>, vector<16xi1> -> vector<16xi32>
    %reduce_sum3A_263 = vector.extract %reduce_sum3A_262[15] : i32 from vector<16xi32>
    %sub3A = arith.subi %select_n3A_6, %reduce_sum3A_253 : i32
    %scan3A_264 = arith.constant 0 : i32
    %scan3A_265 = arith.constant 0 : i32
    %scan3A_266 = arith.constant 256 : i32
    %scan3A_267 = arith.addi %scan3A_265, %scan3A_266 : i32
    %scan3A_268 = arith.constant 1 : i32
    %scan3A_269 = scf.for %scan3A_546 = %scan3A_265 to %scan3A_267 step %scan3A_268 iter_args(%scan3A_547 = %scan3A_264) -> (i32)  : i32 {
      %mul3A = arith.constant 16 : i32
      %mul3A_548 = arith.muli %scan3A_546, %mul3A : i32
      %swap3A_549 = arith.constant 0 : i32
      %swap3A_550 = arith.index_cast %swap3A_549 : i32 to index
      %swap3A_551 = arith.index_cast %mul3A_548 : i32 to index
      %swap3A_552 = tpu.vector_load %arg6[%swap3A_550, %swap3A_551] {strides = array<i32>} : memref<16x4096xi32, #tpu.memory_space<vmem>>, vector<16xi32>,
      tpu.vector_store %arg6[%swap3A_550, %swap3A_551], %broadcast_in_dim3A_7 {strides = array<i32>} : memref<16x4096xi32, #tpu.memory_space<vmem>>, vector<16xi32>,
      %scan3A_553 = arith.constant 0 : i32
      scf.yield %scan3A_553 : i32
    }
    %scan3A_270 = arith.constant 256 : i32
    %scan3A_271 = arith.constant 0 : i32
    %scan3A_272 = arith.constant 0 : i32
    %scan3A_273 = arith.constant 256 : i32
    %scan3A_274 = arith.addi %scan3A_272, %scan3A_273 : i32
    %scan3A_275 = arith.constant 1 : i32
    %scan3A_276 = scf.for %scan3A_546 = %scan3A_272 to %scan3A_274 step %scan3A_275 iter_args(%scan3A_547 = %scan3A_271) -> (i32)  : i32 {
      %mul3A = arith.constant 16 : i32
      %mul3A_548 = arith.muli %scan3A_546, %mul3A : i32
      %swap3A_549 = arith.constant 1 : i32
      %swap3A_550 = arith.index_cast %swap3A_549 : i32 to index
      %swap3A_551 = arith.index_cast %mul3A_548 : i32 to index
      %swap3A_552 = tpu.vector_load %arg6[%swap3A_550, %swap3A_551] {strides = array<i32>} : memref<16x4096xi32, #tpu.memory_space<vmem>>, vector<16xi32>,
      tpu.vector_store %arg6[%swap3A_550, %swap3A_551], %broadcast_in_dim3A_7 {strides = array<i32>} : memref<16x4096xi32, #tpu.memory_space<vmem>>, vector<16xi32>,
      %scan3A_553 = arith.constant 0 : i32
      scf.yield %scan3A_553 : i32
    }
    %scan3A_277 = arith.constant 256 : i32
    %scan3A_278 = arith.constant 0 : i32
    %scan3A_279 = arith.constant 0 : i32
    %scan3A_280 = arith.constant 256 : i32
    %scan3A_281 = arith.addi %scan3A_279, %scan3A_280 : i32
    %scan3A_282 = arith.constant 1 : i32
    %scan3A_283 = scf.for %scan3A_546 = %scan3A_279 to %scan3A_281 step %scan3A_282 iter_args(%scan3A_547 = %scan3A_278) -> (i32)  : i32 {
      %mul3A = arith.constant 16 : i32
      %mul3A_548 = arith.muli %scan3A_546, %mul3A : i32
      %swap3A_549 = arith.constant 2 : i32
      %swap3A_550 = arith.index_cast %swap3A_549 : i32 to index
      %swap3A_551 = arith.index_cast %mul3A_548 : i32 to index
      %swap3A_552 = tpu.vector_load %arg6[%swap3A_550, %swap3A_551] {strides = array<i32>} : memref<16x4096xi32, #tpu.memory_space<vmem>>, vector<16xi32>,
      tpu.vector_store %arg6[%swap3A_550, %swap3A_551], %broadcast_in_dim3A_7 {strides = array<i32>} : memref<16x4096xi32, #tpu.memory_space<vmem>>, vector<16xi32>,
      %scan3A_553 = arith.constant 0 : i32
      scf.yield %scan3A_553 : i32
    }
    %scan3A_284 = arith.constant 256 : i32
    %scan3A_285 = arith.constant 0 : i32
    %scan3A_286 = arith.constant 0 : i32
    %scan3A_287 = arith.constant 256 : i32
    %scan3A_288 = arith.addi %scan3A_286, %scan3A_287 : i32
    %scan3A_289 = arith.constant 1 : i32
    %scan3A_290 = scf.for %scan3A_546 = %scan3A_286 to %scan3A_288 step %scan3A_289 iter_args(%scan3A_547 = %scan3A_285) -> (i32)  : i32 {
      %mul3A = arith.constant 16 : i32
      %mul3A_548 = arith.muli %scan3A_546, %mul3A : i32
      %swap3A_549 = arith.constant 3 : i32
      %swap3A_550 = arith.index_cast %swap3A_549 : i32 to index
      %swap3A_551 = arith.index_cast %mul3A_548 : i32 to index
      %swap3A_552 = tpu.vector_load %arg6[%swap3A_550, %swap3A_551] {strides = array<i32>} : memref<16x4096xi32, #tpu.memory_space<vmem>>, vector<16xi32>,
      tpu.vector_store %arg6[%swap3A_550, %swap3A_551], %broadcast_in_dim3A_7 {strides = array<i32>} : memref<16x4096xi32, #tpu.memory_space<vmem>>, vector<16xi32>,
      %scan3A_553 = arith.constant 0 : i32
      scf.yield %scan3A_553 : i32
    }
    %scan3A_291 = arith.constant 256 : i32
    %scan3A_292 = arith.constant 0 : i32
    %scan3A_293 = arith.constant 0 : i32
    %scan3A_294 = arith.constant 256 : i32
    %scan3A_295 = arith.addi %scan3A_293, %scan3A_294 : i32
    %scan3A_296 = arith.constant 1 : i32
    %scan3A_297 = scf.for %scan3A_546 = %scan3A_293 to %scan3A_295 step %scan3A_296 iter_args(%scan3A_547 = %scan3A_292) -> (i32)  : i32 {
      %mul3A = arith.constant 16 : i32
      %mul3A_548 = arith.muli %scan3A_546, %mul3A : i32
      %swap3A_549 = arith.constant 4 : i32
      %swap3A_550 = arith.index_cast %swap3A_549 : i32 to index
      %swap3A_551 = arith.index_cast %mul3A_548 : i32 to index
      %swap3A_552 = tpu.vector_load %arg6[%swap3A_550, %swap3A_551] {strides = array<i32>} : memref<16x4096xi32, #tpu.memory_space<vmem>>, vector<16xi32>,
      tpu.vector_store %arg6[%swap3A_550, %swap3A_551], %broadcast_in_dim3A_7 {strides = array<i32>} : memref<16x4096xi32, #tpu.memory_space<vmem>>, vector<16xi32>,
      %scan3A_553 = arith.constant 0 : i32
      scf.yield %scan3A_553 : i32
    }
    %scan3A_298 = arith.constant 256 : i32
    %scan3A_299 = arith.constant 0 : i32
    %scan3A_300 = arith.constant 0 : i32
    %scan3A_301 = arith.constant 256 : i32
    %scan3A_302 = arith.addi %scan3A_300, %scan3A_301 : i32
    %scan3A_303 = arith.constant 1 : i32
    %scan3A_304 = scf.for %scan3A_546 = %scan3A_300 to %scan3A_302 step %scan3A_303 iter_args(%scan3A_547 = %scan3A_299) -> (i32)  : i32 {
      %mul3A = arith.constant 16 : i32
      %mul3A_548 = arith.muli %scan3A_546, %mul3A : i32
      %swap3A_549 = arith.constant 5 : i32
      %swap3A_550 = arith.index_cast %swap3A_549 : i32 to index
      %swap3A_551 = arith.index_cast %mul3A_548 : i32 to index
      %swap3A_552 = tpu.vector_load %arg6[%swap3A_550, %swap3A_551] {strides = array<i32>} : memref<16x4096xi32, #tpu.memory_space<vmem>>, vector<16xi32>,
      tpu.vector_store %arg6[%swap3A_550, %swap3A_551], %broadcast_in_dim3A_7 {strides = array<i32>} : memref<16x4096xi32, #tpu.memory_space<vmem>>, vector<16xi32>,
      %scan3A_553 = arith.constant 0 : i32
      scf.yield %scan3A_553 : i32
    }
    %scan3A_305 = arith.constant 256 : i32
    %scan3A_306 = arith.constant 0 : i32
    %scan3A_307 = arith.constant 0 : i32
    %scan3A_308 = arith.constant 256 : i32
    %scan3A_309 = arith.addi %scan3A_307, %scan3A_308 : i32
    %scan3A_310 = arith.constant 1 : i32
    %scan3A_311 = scf.for %scan3A_546 = %scan3A_307 to %scan3A_309 step %scan3A_310 iter_args(%scan3A_547 = %scan3A_306) -> (i32)  : i32 {
      %mul3A = arith.constant 16 : i32
      %mul3A_548 = arith.muli %scan3A_546, %mul3A : i32
      %swap3A_549 = arith.constant 6 : i32
      %swap3A_550 = arith.index_cast %swap3A_549 : i32 to index
      %swap3A_551 = arith.index_cast %mul3A_548 : i32 to index
      %swap3A_552 = tpu.vector_load %arg6[%swap3A_550, %swap3A_551] {strides = array<i32>} : memref<16x4096xi32, #tpu.memory_space<vmem>>, vector<16xi32>,
      tpu.vector_store %arg6[%swap3A_550, %swap3A_551], %broadcast_in_dim3A_7 {strides = array<i32>} : memref<16x4096xi32, #tpu.memory_space<vmem>>, vector<16xi32>,
      %scan3A_553 = arith.constant 0 : i32
      scf.yield %scan3A_553 : i32
    }
    %scan3A_312 = arith.constant 256 : i32
    %scan3A_313 = arith.constant 0 : i32
    %scan3A_314 = arith.constant 0 : i32
    %scan3A_315 = arith.constant 256 : i32
    %scan3A_316 = arith.addi %scan3A_314, %scan3A_315 : i32
    %scan3A_317 = arith.constant 1 : i32
    %scan3A_318 = scf.for %scan3A_546 = %scan3A_314 to %scan3A_316 step %scan3A_317 iter_args(%scan3A_547 = %scan3A_313) -> (i32)  : i32 {
      %mul3A = arith.constant 16 : i32
      %mul3A_548 = arith.muli %scan3A_546, %mul3A : i32
      %swap3A_549 = arith.constant 7 : i32
      %swap3A_550 = arith.index_cast %swap3A_549 : i32 to index
      %swap3A_551 = arith.index_cast %mul3A_548 : i32 to index
      %swap3A_552 = tpu.vector_load %arg6[%swap3A_550, %swap3A_551] {strides = array<i32>} : memref<16x4096xi32, #tpu.memory_space<vmem>>, vector<16xi32>,
      tpu.vector_store %arg6[%swap3A_550, %swap3A_551], %broadcast_in_dim3A_7 {strides = array<i32>} : memref<16x4096xi32, #tpu.memory_space<vmem>>, vector<16xi32>,
      %scan3A_553 = arith.constant 0 : i32
      scf.yield %scan3A_553 : i32
    }
    %scan3A_319 = arith.constant 256 : i32
    %scan3A_320 = arith.constant 0 : i32
    %scan3A_321 = arith.constant 0 : i32
    %scan3A_322 = arith.constant 256 : i32
    %scan3A_323 = arith.addi %scan3A_321, %scan3A_322 : i32
    %scan3A_324 = arith.constant 1 : i32
    %scan3A_325 = scf.for %scan3A_546 = %scan3A_321 to %scan3A_323 step %scan3A_324 iter_args(%scan3A_547 = %scan3A_320) -> (i32)  : i32 {
      %mul3A = arith.constant 16 : i32
      %mul3A_548 = arith.muli %scan3A_546, %mul3A : i32
      %swap3A_549 = arith.constant 8 : i32
      %swap3A_550 = arith.index_cast %swap3A_549 : i32 to index
      %swap3A_551 = arith.index_cast %mul3A_548 : i32 to index
      %swap3A_552 = tpu.vector_load %arg6[%swap3A_550, %swap3A_551] {strides = array<i32>} : memref<16x4096xi32, #tpu.memory_space<vmem>>, vector<16xi32>,
      tpu.vector_store %arg6[%swap3A_550, %swap3A_551], %broadcast_in_dim3A_7 {strides = array<i32>} : memref<16x4096xi32, #tpu.memory_space<vmem>>, vector<16xi32>,
      %scan3A_553 = arith.constant 0 : i32
      scf.yield %scan3A_553 : i32
    }
    %scan3A_326 = arith.constant 256 : i32
    %scan3A_327 = arith.constant 0 : i32
    %scan3A_328 = arith.constant 0 : i32
    %scan3A_329 = arith.constant 256 : i32
    %scan3A_330 = arith.addi %scan3A_328, %scan3A_329 : i32
    %scan3A_331 = arith.constant 1 : i32
    %scan3A_332 = scf.for %scan3A_546 = %scan3A_328 to %scan3A_330 step %scan3A_331 iter_args(%scan3A_547 = %scan3A_327) -> (i32)  : i32 {
      %mul3A = arith.constant 16 : i32
      %mul3A_548 = arith.muli %scan3A_546, %mul3A : i32
      %swap3A_549 = arith.constant 9 : i32
      %swap3A_550 = arith.index_cast %swap3A_549 : i32 to index
      %swap3A_551 = arith.index_cast %mul3A_548 : i32 to index
      %swap3A_552 = tpu.vector_load %arg6[%swap3A_550, %swap3A_551] {strides = array<i32>} : memref<16x4096xi32, #tpu.memory_space<vmem>>, vector<16xi32>,
      tpu.vector_store %arg6[%swap3A_550, %swap3A_551], %broadcast_in_dim3A_7 {strides = array<i32>} : memref<16x4096xi32, #tpu.memory_space<vmem>>, vector<16xi32>,
      %scan3A_553 = arith.constant 0 : i32
      scf.yield %scan3A_553 : i32
    }
    %scan3A_333 = arith.constant 256 : i32
    %scan3A_334 = arith.constant 0 : i32
    %scan3A_335 = arith.constant 0 : i32
    %scan3A_336 = arith.constant 256 : i32
    %scan3A_337 = arith.addi %scan3A_335, %scan3A_336 : i32
    %scan3A_338 = arith.constant 1 : i32
    %scan3A_339 = scf.for %scan3A_546 = %scan3A_335 to %scan3A_337 step %scan3A_338 iter_args(%scan3A_547 = %scan3A_334) -> (i32)  : i32 {
      %mul3A = arith.constant 16 : i32
      %mul3A_548 = arith.muli %scan3A_546, %mul3A : i32
      %swap3A_549 = arith.constant 10 : i32
      %swap3A_550 = arith.index_cast %swap3A_549 : i32 to index
      %swap3A_551 = arith.index_cast %mul3A_548 : i32 to index
      %swap3A_552 = tpu.vector_load %arg6[%swap3A_550, %swap3A_551] {strides = array<i32>} : memref<16x4096xi32, #tpu.memory_space<vmem>>, vector<16xi32>,
      tpu.vector_store %arg6[%swap3A_550, %swap3A_551], %broadcast_in_dim3A_7 {strides = array<i32>} : memref<16x4096xi32, #tpu.memory_space<vmem>>, vector<16xi32>,
      %scan3A_553 = arith.constant 0 : i32
      scf.yield %scan3A_553 : i32
    }
    %scan3A_340 = arith.constant 256 : i32
    %scan3A_341 = arith.constant 0 : i32
    %scan3A_342 = arith.constant 0 : i32
    %scan3A_343 = arith.constant 256 : i32
    %scan3A_344 = arith.addi %scan3A_342, %scan3A_343 : i32
    %scan3A_345 = arith.constant 1 : i32
    %scan3A_346 = scf.for %scan3A_546 = %scan3A_342 to %scan3A_344 step %scan3A_345 iter_args(%scan3A_547 = %scan3A_341) -> (i32)  : i32 {
      %mul3A = arith.constant 16 : i32
      %mul3A_548 = arith.muli %scan3A_546, %mul3A : i32
      %swap3A_549 = arith.constant 11 : i32
      %swap3A_550 = arith.index_cast %swap3A_549 : i32 to index
      %swap3A_551 = arith.index_cast %mul3A_548 : i32 to index
      %swap3A_552 = tpu.vector_load %arg6[%swap3A_550, %swap3A_551] {strides = array<i32>} : memref<16x4096xi32, #tpu.memory_space<vmem>>, vector<16xi32>,
      tpu.vector_store %arg6[%swap3A_550, %swap3A_551], %broadcast_in_dim3A_7 {strides = array<i32>} : memref<16x4096xi32, #tpu.memory_space<vmem>>, vector<16xi32>,
      %scan3A_553 = arith.constant 0 : i32
      scf.yield %scan3A_553 : i32
    }
    %scan3A_347 = arith.constant 256 : i32
    %scan3A_348 = arith.constant 0 : i32
    %scan3A_349 = arith.constant 0 : i32
    %scan3A_350 = arith.constant 256 : i32
    %scan3A_351 = arith.addi %scan3A_349, %scan3A_350 : i32
    %scan3A_352 = arith.constant 1 : i32
    %scan3A_353 = scf.for %scan3A_546 = %scan3A_349 to %scan3A_351 step %scan3A_352 iter_args(%scan3A_547 = %scan3A_348) -> (i32)  : i32 {
      %mul3A = arith.constant 16 : i32
      %mul3A_548 = arith.muli %scan3A_546, %mul3A : i32
      %swap3A_549 = arith.constant 12 : i32
      %swap3A_550 = arith.index_cast %swap3A_549 : i32 to index
      %swap3A_551 = arith.index_cast %mul3A_548 : i32 to index
      %swap3A_552 = tpu.vector_load %arg6[%swap3A_550, %swap3A_551] {strides = array<i32>} : memref<16x4096xi32, #tpu.memory_space<vmem>>, vector<16xi32>,
      tpu.vector_store %arg6[%swap3A_550, %swap3A_551], %broadcast_in_dim3A_7 {strides = array<i32>} : memref<16x4096xi32, #tpu.memory_space<vmem>>, vector<16xi32>,
      %scan3A_553 = arith.constant 0 : i32
      scf.yield %scan3A_553 : i32
    }
    %scan3A_354 = arith.constant 256 : i32
    %scan3A_355 = arith.constant 0 : i32
    %scan3A_356 = arith.constant 0 : i32
    %scan3A_357 = arith.constant 256 : i32
    %scan3A_358 = arith.addi %scan3A_356, %scan3A_357 : i32
    %scan3A_359 = arith.constant 1 : i32
    %scan3A_360 = scf.for %scan3A_546 = %scan3A_356 to %scan3A_358 step %scan3A_359 iter_args(%scan3A_547 = %scan3A_355) -> (i32)  : i32 {
      %mul3A = arith.constant 16 : i32
      %mul3A_548 = arith.muli %scan3A_546, %mul3A : i32
      %swap3A_549 = arith.constant 13 : i32
      %swap3A_550 = arith.index_cast %swap3A_549 : i32 to index
      %swap3A_551 = arith.index_cast %mul3A_548 : i32 to index
      %swap3A_552 = tpu.vector_load %arg6[%swap3A_550, %swap3A_551] {strides = array<i32>} : memref<16x4096xi32, #tpu.memory_space<vmem>>, vector<16xi32>,
      tpu.vector_store %arg6[%swap3A_550, %swap3A_551], %broadcast_in_dim3A_7 {strides = array<i32>} : memref<16x4096xi32, #tpu.memory_space<vmem>>, vector<16xi32>,
      %scan3A_553 = arith.constant 0 : i32
      scf.yield %scan3A_553 : i32
    }
    %scan3A_361 = arith.constant 256 : i32
    %scan3A_362 = arith.constant 0 : i32
    %scan3A_363 = arith.constant 0 : i32
    %scan3A_364 = arith.constant 256 : i32
    %scan3A_365 = arith.addi %scan3A_363, %scan3A_364 : i32
    %scan3A_366 = arith.constant 1 : i32
    %scan3A_367 = scf.for %scan3A_546 = %scan3A_363 to %scan3A_365 step %scan3A_366 iter_args(%scan3A_547 = %scan3A_362) -> (i32)  : i32 {
      %mul3A = arith.constant 16 : i32
      %mul3A_548 = arith.muli %scan3A_546, %mul3A : i32
      %swap3A_549 = arith.constant 14 : i32
      %swap3A_550 = arith.index_cast %swap3A_549 : i32 to index
      %swap3A_551 = arith.index_cast %mul3A_548 : i32 to index
      %swap3A_552 = tpu.vector_load %arg6[%swap3A_550, %swap3A_551] {strides = array<i32>} : memref<16x4096xi32, #tpu.memory_space<vmem>>, vector<16xi32>,
      tpu.vector_store %arg6[%swap3A_550, %swap3A_551], %broadcast_in_dim3A_7 {strides = array<i32>} : memref<16x4096xi32, #tpu.memory_space<vmem>>, vector<16xi32>,
      %scan3A_553 = arith.constant 0 : i32
      scf.yield %scan3A_553 : i32
    }
    %scan3A_368 = arith.constant 256 : i32
    %scan3A_369 = arith.constant 0 : i32
    %scan3A_370 = arith.constant 0 : i32
    %scan3A_371 = arith.constant 256 : i32
    %scan3A_372 = arith.addi %scan3A_370, %scan3A_371 : i32
    %scan3A_373 = arith.constant 1 : i32
    %scan3A_374 = scf.for %scan3A_546 = %scan3A_370 to %scan3A_372 step %scan3A_373 iter_args(%scan3A_547 = %scan3A_369) -> (i32)  : i32 {
      %mul3A = arith.constant 16 : i32
      %mul3A_548 = arith.muli %scan3A_546, %mul3A : i32
      %swap3A_549 = arith.constant 15 : i32
      %swap3A_550 = arith.index_cast %swap3A_549 : i32 to index
      %swap3A_551 = arith.index_cast %mul3A_548 : i32 to index
      %swap3A_552 = tpu.vector_load %arg6[%swap3A_550, %swap3A_551] {strides = array<i32>} : memref<16x4096xi32, #tpu.memory_space<vmem>>, vector<16xi32>,
      tpu.vector_store %arg6[%swap3A_550, %swap3A_551], %broadcast_in_dim3A_7 {strides = array<i32>} : memref<16x4096xi32, #tpu.memory_space<vmem>>, vector<16xi32>,
      %scan3A_553 = arith.constant 0 : i32
      scf.yield %scan3A_553 : i32
    }
    %scan3A_375 = arith.constant 256 : i32
    %broadcast_in_dim3A_376 = vector.broadcast %reduce_sum3A_243 : i32 to vector<16xi32>
    %broadcast_in_dim3A_377 = arith.constant 1 : i32
    %broadcast_in_dim3A_378 = vector.broadcast %broadcast_in_dim3A_377 : i32 to vector<16xi32>
    %scan3A_379 = arith.constant 0 : i32
    %scan3A_380 = arith.constant 0 : i32
    %scan3A_381 = arith.constant 64 : i32
    %scan3A_382 = arith.addi %scan3A_380, %scan3A_381 : i32
    %scan3A_383 = arith.constant 1 : i32
    %scan3A_384 = scf.for %scan3A_546 = %scan3A_380 to %scan3A_382 step %scan3A_383 iter_args(%scan3A_547 = %scan3A_379) -> (i32)  : i32 {
      %mul3A = arith.constant 64 : i32
      %mul3A_548 = arith.muli %arg1, %mul3A : i32
      %add3A = arith.addi %mul3A_548, %scan3A_546 : i32
      "tpu.region"() ({
        %run_scoped3A_581 = tpu.sem_alloc : memref<!tpu.dma_semaphore, #tpu.memory_space<semaphore_mem>>
        %dma_start3A = arith.constant 0 : i32
        %dma_start3A_582 = tpu.memref_slice %arg2[%add3A, %dma_start3A] : memref<1024x16384xf32, #tpu.memory_space<hbm>> -> memref<1x16384xf32, #tpu.memory_space<hbm>>
        %dma_start3A_583 = tpu.memref_squeeze %dma_start3A_582 : memref<1x16384xf32, #tpu.memory_space<hbm>> -> memref<16384xf32, #tpu.memory_space<hbm>>
        %dma_start3A_584 = arith.constant 0 : i32
        %dma_start3A_585 = tpu.memref_slice %arg2[%add3A, %dma_start3A_584] : memref<1024x16384xf32, #tpu.memory_space<hbm>> -> memref<1x16384xf32, #tpu.memory_space<hbm>>
        %dma_start3A_586 = tpu.memref_squeeze %dma_start3A_585 : memref<1x16384xf32, #tpu.memory_space<hbm>> -> memref<16384xf32, #tpu.memory_space<hbm>>
        tpu.enqueue_dma source(%dma_start3A_586 : memref<16384xf32, #tpu.memory_space<hbm>>) target(%arg5 : memref<16384xf32, #tpu.memory_space<vmem>>) target_semaphore(%run_scoped3A_581 : memref<!tpu.dma_semaphore, #tpu.memory_space<semaphore_mem>>)
        %dma_wait3A = arith.constant 0 : i32
        %dma_wait3A_587 = tpu.memref_slice %arg2[%add3A, %dma_wait3A] : memref<1024x16384xf32, #tpu.memory_space<hbm>> -> memref<1x16384xf32, #tpu.memory_space<hbm>>
        %dma_wait3A_588 = tpu.memref_squeeze %dma_wait3A_587 : memref<1x16384xf32, #tpu.memory_space<hbm>> -> memref<16384xf32, #tpu.memory_space<hbm>>
        %dma_wait3A_589 = arith.constant 0 : i32
        %dma_wait3A_590 = tpu.memref_slice %arg2[%add3A, %dma_wait3A_589] : memref<1024x16384xf32, #tpu.memory_space<hbm>> -> memref<1x16384xf32, #tpu.memory_space<hbm>>
        %dma_wait3A_591 = tpu.memref_squeeze %dma_wait3A_590 : memref<1x16384xf32, #tpu.memory_space<hbm>> -> memref<16384xf32, #tpu.memory_space<hbm>>
        tpu.wait_dma2 semaphore(%run_scoped3A_581 : memref<!tpu.dma_semaphore, #tpu.memory_space<semaphore_mem>>) src(%dma_wait3A_591 : memref<16384xf32, #tpu.memory_space<hbm>>) dst(%arg5 : memref<16384xf32, #tpu.memory_space<vmem>>)
        tpu.yield
      }) : () -> ()
      %jit3A_549 = arith.constant 4 : i32
      %div3A = arith.divsi %select_n3A, %jit3A_549 : i32
      %sign3A = arith.constant 0 : i32
      %sign3A_550 = arith.cmpi sgt, %select_n3A, %sign3A : i32
      %sign3A_551 = arith.extui %sign3A_550 : i1 to i32
      %sign3A_552 = arith.constant 0 : i32
      %sign3A_553 = arith.cmpi slt, %select_n3A, %sign3A_552 : i32
      %sign3A_554 = arith.extui %sign3A_553 : i1 to i32
      %sign3A_555 = arith.subi %sign3A_551, %sign3A_554 : i32
      %sign3A_556 = arith.constant 0 : i32
      %sign3A_557 = arith.cmpi sgt, %jit3A_549, %sign3A_556 : i32
      %sign3A_558 = arith.extui %sign3A_557 : i1 to i32
      %sign3A_559 = arith.constant 0 : i32
      %sign3A_560 = arith.cmpi slt, %jit3A_549, %sign3A_559 : i32
      %sign3A_561 = arith.extui %sign3A_560 : i1 to i32
      %sign3A_562 = arith.subi %sign3A_558, %sign3A_561 : i32
      %ne3A = arith.cmpi ne, %sign3A_555, %sign3A_562 : i32
      %rem3A = arith.remsi %select_n3A, %jit3A_549 : i32
      %ne3A_563 = arith.constant 0 : i32
      %ne3A_564 = arith.cmpi ne, %rem3A, %ne3A_563 : i32
      %and3A_565 = arith.andi %ne3A, %ne3A_564 : i1
      %sub3A_566 = arith.constant 1 : i32
      %sub3A_567 = arith.subi %div3A, %sub3A_566 : i32
      %select_n3A_568 = arith.select %and3A_565, %sub3A_567, %div3A : i32
      %while3A = arith.constant 0 : i32
      %while3A_569 = arith.constant 0 : i32
      %while3A_570 = arith.subi %select_n3A_568, %while3A : i32
      %while3A_571 = arith.addi %while3A, %while3A_570 : i32
      %while3A_572 = arith.constant 1 : i32
      %while3A_573 = arith.divsi %while3A_570, %while3A_572 : i32
      %while3A_574 = arith.muli %while3A_573, %while3A_572 : i32
      %while3A_575 = arith.addi %while3A, %while3A_574 : i32
      %while3A_576 = arith.constant 1 : i32
      %while3A_577 = scf.for %while3A_581 = %while3A to %while3A_575 step %while3A_576 iter_args(%while3A_582 = %while3A_569) -> (i32)  : i32 {
        %mul3A_583 = arith.constant 4 : i32
        %mul3A_584 = arith.muli %while3A_581, %mul3A_583 : i32
        %add3A_585 = arith.constant 0 : i32
        %add3A_586 = arith.addi %mul3A_584, %add3A_585 : i32
        %mul3A_587 = arith.constant 16 : i32
        %mul3A_588 = arith.muli %add3A_586, %mul3A_587 : i32
        %get3A_589 = arith.index_cast %mul3A_588 : i32 to index
        %get3A_590 = tpu.vector_load %arg5[%get3A_589] {strides = array<i32>} : memref<16384xf32, #tpu.memory_space<vmem>>, vector<16xf32>,
        %gt3A_591 = arith.constant 0.000000e+00 : f32
        %gt3A_592 = vector.broadcast %gt3A_591 : f32 to vector<16xf32>
        %gt3A_593 = arith.cmpf ogt, %get3A_590, %gt3A_592 : vector<16xf32>
        %bitcast3A_594 = vector.bitcast %get3A_590 : vector<16xf32> to vector<16xi32>
        %shift_right_logical3A = arith.constant 16 : i32
        %shift_right_logical3A_595 = vector.broadcast %shift_right_logical3A : i32 to vector<16xi32>
        %shift_right_logical3A_596 = arith.shrui %bitcast3A_594, %shift_right_logical3A_595 : vector<16xi32>
        %and3A_597 = arith.constant 65535 : i32
        %and3A_598 = vector.broadcast %and3A_597 : i32 to vector<16xi32>
        %and3A_599 = arith.andi %bitcast3A_594, %and3A_598 : vector<16xi32>
        %eq3A_600 = arith.cmpi eq, %shift_right_logical3A_596, %broadcast_in_dim3A_376 : vector<16xi32>
        %and3A_601 = arith.andi %gt3A_593, %eq3A_600 : vector<16xi1>
        %unique3A, %unique3A_602 = tpu.scan_count mask(%and3A_601 : vector<16xi1>) value(%and3A_599 : vector<16xi32>) : vector<16xi1>, vector<16xi32>
        %shift_right_logical3A_603 = arith.constant 12 : i32
        %shift_right_logical3A_604 = vector.broadcast %shift_right_logical3A_603 : i32 to vector<16xi32>
        %shift_right_logical3A_605 = arith.shrui %and3A_599, %shift_right_logical3A_604 : vector<16xi32>
        %and3A_606 = arith.constant 4095 : i32
        %and3A_607 = vector.broadcast %and3A_606 : i32 to vector<16xi32>
        %and3A_608 = arith.andi %and3A_599, %and3A_607 : vector<16xi32>
        tpu.vector_store_idx %arg6[%shift_right_logical3A_605, %and3A_608], %unique3A_602 masked %unique3A {add = true} : memref<16x4096xi32, #tpu.memory_space<vmem>>[vector<16xi32>, vector<16xi32>], vector<16xi32>, vector<16xi1>
        %mul3A_609 = arith.constant 4 : i32
        %mul3A_610 = arith.muli %while3A_581, %mul3A_609 : i32
        %add3A_611 = arith.constant 1 : i32
        %add3A_612 = arith.addi %mul3A_610, %add3A_611 : i32
        %mul3A_613 = arith.constant 16 : i32
        %mul3A_614 = arith.muli %add3A_612, %mul3A_613 : i32
        %get3A_615 = arith.index_cast %mul3A_614 : i32 to index
        %get3A_616 = tpu.vector_load %arg5[%get3A_615] {strides = array<i32>} : memref<16384xf32, #tpu.memory_space<vmem>>, vector<16xf32>,
        %gt3A_617 = arith.constant 0.000000e+00 : f32
        %gt3A_618 = vector.broadcast %gt3A_617 : f32 to vector<16xf32>
        %gt3A_619 = arith.cmpf ogt, %get3A_616, %gt3A_618 : vector<16xf32>
        %bitcast3A_620 = vector.bitcast %get3A_616 : vector<16xf32> to vector<16xi32>
        %shift_right_logical3A_621 = arith.constant 16 : i32
        %shift_right_logical3A_622 = vector.broadcast %shift_right_logical3A_621 : i32 to vector<16xi32>
        %shift_right_logical3A_623 = arith.shrui %bitcast3A_620, %shift_right_logical3A_622 : vector<16xi32>
        %and3A_624 = arith.constant 65535 : i32
        %and3A_625 = vector.broadcast %and3A_624 : i32 to vector<16xi32>
        %and3A_626 = arith.andi %bitcast3A_620, %and3A_625 : vector<16xi32>
        %eq3A_627 = arith.cmpi eq, %shift_right_logical3A_623, %broadcast_in_dim3A_376 : vector<16xi32>
        %and3A_628 = arith.andi %gt3A_619, %eq3A_627 : vector<16xi1>
        %unique3A_629, %unique3A_630 = tpu.scan_count mask(%and3A_628 : vector<16xi1>) value(%and3A_626 : vector<16xi32>) : vector<16xi1>, vector<16xi32>
        %shift_right_logical3A_631 = arith.constant 12 : i32
        %shift_right_logical3A_632 = vector.broadcast %shift_right_logical3A_631 : i32 to vector<16xi32>
        %shift_right_logical3A_633 = arith.shrui %and3A_626, %shift_right_logical3A_632 : vector<16xi32>
        %and3A_634 = arith.constant 4095 : i32
        %and3A_635 = vector.broadcast %and3A_634 : i32 to vector<16xi32>
        %and3A_636 = arith.andi %and3A_626, %and3A_635 : vector<16xi32>
        tpu.vector_store_idx %arg6[%shift_right_logical3A_633, %and3A_636], %unique3A_630 masked %unique3A_629 {add = true} : memref<16x4096xi32, #tpu.memory_space<vmem>>[vector<16xi32>, vector<16xi32>], vector<16xi32>, vector<16xi1>
        %mul3A_637 = arith.constant 4 : i32
        %mul3A_638 = arith.muli %while3A_581, %mul3A_637 : i32
        %add3A_639 = arith.constant 2 : i32
        %add3A_640 = arith.addi %mul3A_638, %add3A_639 : i32
        %mul3A_641 = arith.constant 16 : i32
        %mul3A_642 = arith.muli %add3A_640, %mul3A_641 : i32
        %get3A_643 = arith.index_cast %mul3A_642 : i32 to index
        %get3A_644 = tpu.vector_load %arg5[%get3A_643] {strides = array<i32>} : memref<16384xf32, #tpu.memory_space<vmem>>, vector<16xf32>,
        %gt3A_645 = arith.constant 0.000000e+00 : f32
        %gt3A_646 = vector.broadcast %gt3A_645 : f32 to vector<16xf32>
        %gt3A_647 = arith.cmpf ogt, %get3A_644, %gt3A_646 : vector<16xf32>
        %bitcast3A_648 = vector.bitcast %get3A_644 : vector<16xf32> to vector<16xi32>
        %shift_right_logical3A_649 = arith.constant 16 : i32
        %shift_right_logical3A_650 = vector.broadcast %shift_right_logical3A_649 : i32 to vector<16xi32>
        %shift_right_logical3A_651 = arith.shrui %bitcast3A_648, %shift_right_logical3A_650 : vector<16xi32>
        %and3A_652 = arith.constant 65535 : i32
        %and3A_653 = vector.broadcast %and3A_652 : i32 to vector<16xi32>
        %and3A_654 = arith.andi %bitcast3A_648, %and3A_653 : vector<16xi32>
        %eq3A_655 = arith.cmpi eq, %shift_right_logical3A_651, %broadcast_in_dim3A_376 : vector<16xi32>
        %and3A_656 = arith.andi %gt3A_647, %eq3A_655 : vector<16xi1>
        %unique3A_657, %unique3A_658 = tpu.scan_count mask(%and3A_656 : vector<16xi1>) value(%and3A_654 : vector<16xi32>) : vector<16xi1>, vector<16xi32>
        %shift_right_logical3A_659 = arith.constant 12 : i32
        %shift_right_logical3A_660 = vector.broadcast %shift_right_logical3A_659 : i32 to vector<16xi32>
        %shift_right_logical3A_661 = arith.shrui %and3A_654, %shift_right_logical3A_660 : vector<16xi32>
        %and3A_662 = arith.constant 4095 : i32
        %and3A_663 = vector.broadcast %and3A_662 : i32 to vector<16xi32>
        %and3A_664 = arith.andi %and3A_654, %and3A_663 : vector<16xi32>
        tpu.vector_store_idx %arg6[%shift_right_logical3A_661, %and3A_664], %unique3A_658 masked %unique3A_657 {add = true} : memref<16x4096xi32, #tpu.memory_space<vmem>>[vector<16xi32>, vector<16xi32>], vector<16xi32>, vector<16xi1>
        %mul3A_665 = arith.constant 4 : i32
        %mul3A_666 = arith.muli %while3A_581, %mul3A_665 : i32
        %add3A_667 = arith.constant 3 : i32
        %add3A_668 = arith.addi %mul3A_666, %add3A_667 : i32
        %mul3A_669 = arith.constant 16 : i32
        %mul3A_670 = arith.muli %add3A_668, %mul3A_669 : i32
        %get3A_671 = arith.index_cast %mul3A_670 : i32 to index
        %get3A_672 = tpu.vector_load %arg5[%get3A_671] {strides = array<i32>} : memref<16384xf32, #tpu.memory_space<vmem>>, vector<16xf32>,
        %gt3A_673 = arith.constant 0.000000e+00 : f32
        %gt3A_674 = vector.broadcast %gt3A_673 : f32 to vector<16xf32>
        %gt3A_675 = arith.cmpf ogt, %get3A_672, %gt3A_674 : vector<16xf32>
        %bitcast3A_676 = vector.bitcast %get3A_672 : vector<16xf32> to vector<16xi32>
        %shift_right_logical3A_677 = arith.constant 16 : i32
        %shift_right_logical3A_678 = vector.broadcast %shift_right_logical3A_677 : i32 to vector<16xi32>
        %shift_right_logical3A_679 = arith.shrui %bitcast3A_676, %shift_right_logical3A_678 : vector<16xi32>
        %and3A_680 = arith.constant 65535 : i32
        %and3A_681 = vector.broadcast %and3A_680 : i32 to vector<16xi32>
        %and3A_682 = arith.andi %bitcast3A_676, %and3A_681 : vector<16xi32>
        %eq3A_683 = arith.cmpi eq, %shift_right_logical3A_679, %broadcast_in_dim3A_376 : vector<16xi32>
        %and3A_684 = arith.andi %gt3A_675, %eq3A_683 : vector<16xi1>
        %unique3A_685, %unique3A_686 = tpu.scan_count mask(%and3A_684 : vector<16xi1>) value(%and3A_682 : vector<16xi32>) : vector<16xi1>, vector<16xi32>
        %shift_right_logical3A_687 = arith.constant 12 : i32
        %shift_right_logical3A_688 = vector.broadcast %shift_right_logical3A_687 : i32 to vector<16xi32>
        %shift_right_logical3A_689 = arith.shrui %and3A_682, %shift_right_logical3A_688 : vector<16xi32>
        %and3A_690 = arith.constant 4095 : i32
        %and3A_691 = vector.broadcast %and3A_690 : i32 to vector<16xi32>
        %and3A_692 = arith.andi %and3A_682, %and3A_691 : vector<16xi32>
        tpu.vector_store_idx %arg6[%shift_right_logical3A_689, %and3A_692], %unique3A_686 masked %unique3A_685 {add = true} : memref<16x4096xi32, #tpu.memory_space<vmem>>[vector<16xi32>, vector<16xi32>], vector<16xi32>, vector<16xi1>
        %while3A_693 = arith.constant 0 : i32
        scf.yield %while3A_693 : i32
      }
      %while3A_578 = arith.constant 1 : i32
      %while3A_579 = scf.for %while3A_581 = %while3A_575 to %while3A_571 step %while3A_578 iter_args(%while3A_582 = %while3A_577) -> (i32)  : i32 {
        %mul3A_583 = arith.constant 4 : i32
        %mul3A_584 = arith.muli %while3A_581, %mul3A_583 : i32
        %add3A_585 = arith.constant 0 : i32
        %add3A_586 = arith.addi %mul3A_584, %add3A_585 : i32
        %mul3A_587 = arith.constant 16 : i32
        %mul3A_588 = arith.muli %add3A_586, %mul3A_587 : i32
        %get3A_589 = arith.index_cast %mul3A_588 : i32 to index
        %get3A_590 = tpu.vector_load %arg5[%get3A_589] {strides = array<i32>} : memref<16384xf32, #tpu.memory_space<vmem>>, vector<16xf32>,
        %gt3A_591 = arith.constant 0.000000e+00 : f32
        %gt3A_592 = vector.broadcast %gt3A_591 : f32 to vector<16xf32>
        %gt3A_593 = arith.cmpf ogt, %get3A_590, %gt3A_592 : vector<16xf32>
        %bitcast3A_594 = vector.bitcast %get3A_590 : vector<16xf32> to vector<16xi32>
        %shift_right_logical3A = arith.constant 16 : i32
        %shift_right_logical3A_595 = vector.broadcast %shift_right_logical3A : i32 to vector<16xi32>
        %shift_right_logical3A_596 = arith.shrui %bitcast3A_594, %shift_right_logical3A_595 : vector<16xi32>
        %and3A_597 = arith.constant 65535 : i32
        %and3A_598 = vector.broadcast %and3A_597 : i32 to vector<16xi32>
        %and3A_599 = arith.andi %bitcast3A_594, %and3A_598 : vector<16xi32>
        %eq3A_600 = arith.cmpi eq, %shift_right_logical3A_596, %broadcast_in_dim3A_376 : vector<16xi32>
        %and3A_601 = arith.andi %gt3A_593, %eq3A_600 : vector<16xi1>
        %unique3A, %unique3A_602 = tpu.scan_count mask(%and3A_601 : vector<16xi1>) value(%and3A_599 : vector<16xi32>) : vector<16xi1>, vector<16xi32>
        %shift_right_logical3A_603 = arith.constant 12 : i32
        %shift_right_logical3A_604 = vector.broadcast %shift_right_logical3A_603 : i32 to vector<16xi32>
        %shift_right_logical3A_605 = arith.shrui %and3A_599, %shift_right_logical3A_604 : vector<16xi32>
        %and3A_606 = arith.constant 4095 : i32
        %and3A_607 = vector.broadcast %and3A_606 : i32 to vector<16xi32>
        %and3A_608 = arith.andi %and3A_599, %and3A_607 : vector<16xi32>
        tpu.vector_store_idx %arg6[%shift_right_logical3A_605, %and3A_608], %unique3A_602 masked %unique3A {add = true} : memref<16x4096xi32, #tpu.memory_space<vmem>>[vector<16xi32>, vector<16xi32>], vector<16xi32>, vector<16xi1>
        %mul3A_609 = arith.constant 4 : i32
        %mul3A_610 = arith.muli %while3A_581, %mul3A_609 : i32
        %add3A_611 = arith.constant 1 : i32
        %add3A_612 = arith.addi %mul3A_610, %add3A_611 : i32
        %mul3A_613 = arith.constant 16 : i32
        %mul3A_614 = arith.muli %add3A_612, %mul3A_613 : i32
        %get3A_615 = arith.index_cast %mul3A_614 : i32 to index
        %get3A_616 = tpu.vector_load %arg5[%get3A_615] {strides = array<i32>} : memref<16384xf32, #tpu.memory_space<vmem>>, vector<16xf32>,
        %gt3A_617 = arith.constant 0.000000e+00 : f32
        %gt3A_618 = vector.broadcast %gt3A_617 : f32 to vector<16xf32>
        %gt3A_619 = arith.cmpf ogt, %get3A_616, %gt3A_618 : vector<16xf32>
        %bitcast3A_620 = vector.bitcast %get3A_616 : vector<16xf32> to vector<16xi32>
        %shift_right_logical3A_621 = arith.constant 16 : i32
        %shift_right_logical3A_622 = vector.broadcast %shift_right_logical3A_621 : i32 to vector<16xi32>
        %shift_right_logical3A_623 = arith.shrui %bitcast3A_620, %shift_right_logical3A_622 : vector<16xi32>
        %and3A_624 = arith.constant 65535 : i32
        %and3A_625 = vector.broadcast %and3A_624 : i32 to vector<16xi32>
        %and3A_626 = arith.andi %bitcast3A_620, %and3A_625 : vector<16xi32>
        %eq3A_627 = arith.cmpi eq, %shift_right_logical3A_623, %broadcast_in_dim3A_376 : vector<16xi32>
        %and3A_628 = arith.andi %gt3A_619, %eq3A_627 : vector<16xi1>
        %unique3A_629, %unique3A_630 = tpu.scan_count mask(%and3A_628 : vector<16xi1>) value(%and3A_626 : vector<16xi32>) : vector<16xi1>, vector<16xi32>
        %shift_right_logical3A_631 = arith.constant 12 : i32
        %shift_right_logical3A_632 = vector.broadcast %shift_right_logical3A_631 : i32 to vector<16xi32>
        %shift_right_logical3A_633 = arith.shrui %and3A_626, %shift_right_logical3A_632 : vector<16xi32>
        %and3A_634 = arith.constant 4095 : i32
        %and3A_635 = vector.broadcast %and3A_634 : i32 to vector<16xi32>
        %and3A_636 = arith.andi %and3A_626, %and3A_635 : vector<16xi32>
        tpu.vector_store_idx %arg6[%shift_right_logical3A_633, %and3A_636], %unique3A_630 masked %unique3A_629 {add = true} : memref<16x4096xi32, #tpu.memory_space<vmem>>[vector<16xi32>, vector<16xi32>], vector<16xi32>, vector<16xi1>
        %mul3A_637 = arith.constant 4 : i32
        %mul3A_638 = arith.muli %while3A_581, %mul3A_637 : i32
        %add3A_639 = arith.constant 2 : i32
        %add3A_640 = arith.addi %mul3A_638, %add3A_639 : i32
        %mul3A_641 = arith.constant 16 : i32
        %mul3A_642 = arith.muli %add3A_640, %mul3A_641 : i32
        %get3A_643 = arith.index_cast %mul3A_642 : i32 to index
        %get3A_644 = tpu.vector_load %arg5[%get3A_643] {strides = array<i32>} : memref<16384xf32, #tpu.memory_space<vmem>>, vector<16xf32>,
        %gt3A_645 = arith.constant 0.000000e+00 : f32
        %gt3A_646 = vector.broadcast %gt3A_645 : f32 to vector<16xf32>
        %gt3A_647 = arith.cmpf ogt, %get3A_644, %gt3A_646 : vector<16xf32>
        %bitcast3A_648 = vector.bitcast %get3A_644 : vector<16xf32> to vector<16xi32>
        %shift_right_logical3A_649 = arith.constant 16 : i32
        %shift_right_logical3A_650 = vector.broadcast %shift_right_logical3A_649 : i32 to vector<16xi32>
        %shift_right_logical3A_651 = arith.shrui %bitcast3A_648, %shift_right_logical3A_650 : vector<16xi32>
        %and3A_652 = arith.constant 65535 : i32
        %and3A_653 = vector.broadcast %and3A_652 : i32 to vector<16xi32>
        %and3A_654 = arith.andi %bitcast3A_648, %and3A_653 : vector<16xi32>
        %eq3A_655 = arith.cmpi eq, %shift_right_logical3A_651, %broadcast_in_dim3A_376 : vector<16xi32>
        %and3A_656 = arith.andi %gt3A_647, %eq3A_655 : vector<16xi1>
        %unique3A_657, %unique3A_658 = tpu.scan_count mask(%and3A_656 : vector<16xi1>) value(%and3A_654 : vector<16xi32>) : vector<16xi1>, vector<16xi32>
        %shift_right_logical3A_659 = arith.constant 12 : i32
        %shift_right_logical3A_660 = vector.broadcast %shift_right_logical3A_659 : i32 to vector<16xi32>
        %shift_right_logical3A_661 = arith.shrui %and3A_654, %shift_right_logical3A_660 : vector<16xi32>
        %and3A_662 = arith.constant 4095 : i32
        %and3A_663 = vector.broadcast %and3A_662 : i32 to vector<16xi32>
        %and3A_664 = arith.andi %and3A_654, %and3A_663 : vector<16xi32>
        tpu.vector_store_idx %arg6[%shift_right_logical3A_661, %and3A_664], %unique3A_658 masked %unique3A_657 {add = true} : memref<16x4096xi32, #tpu.memory_space<vmem>>[vector<16xi32>, vector<16xi32>], vector<16xi32>, vector<16xi1>
        %mul3A_665 = arith.constant 4 : i32
        %mul3A_666 = arith.muli %while3A_581, %mul3A_665 : i32
        %add3A_667 = arith.constant 3 : i32
        %add3A_668 = arith.addi %mul3A_666, %add3A_667 : i32
        %mul3A_669 = arith.constant 16 : i32
        %mul3A_670 = arith.muli %add3A_668, %mul3A_669 : i32
        %get3A_671 = arith.index_cast %mul3A_670 : i32 to index
        %get3A_672 = tpu.vector_load %arg5[%get3A_671] {strides = array<i32>} : memref<16384xf32, #tpu.memory_space<vmem>>, vector<16xf32>,
        %gt3A_673 = arith.constant 0.000000e+00 : f32
        %gt3A_674 = vector.broadcast %gt3A_673 : f32 to vector<16xf32>
        %gt3A_675 = arith.cmpf ogt, %get3A_672, %gt3A_674 : vector<16xf32>
        %bitcast3A_676 = vector.bitcast %get3A_672 : vector<16xf32> to vector<16xi32>
        %shift_right_logical3A_677 = arith.constant 16 : i32
        %shift_right_logical3A_678 = vector.broadcast %shift_right_logical3A_677 : i32 to vector<16xi32>
        %shift_right_logical3A_679 = arith.shrui %bitcast3A_676, %shift_right_logical3A_678 : vector<16xi32>
        %and3A_680 = arith.constant 65535 : i32
        %and3A_681 = vector.broadcast %and3A_680 : i32 to vector<16xi32>
        %and3A_682 = arith.andi %bitcast3A_676, %and3A_681 : vector<16xi32>
        %eq3A_683 = arith.cmpi eq, %shift_right_logical3A_679, %broadcast_in_dim3A_376 : vector<16xi32>
        %and3A_684 = arith.andi %gt3A_675, %eq3A_683 : vector<16xi1>
        %unique3A_685, %unique3A_686 = tpu.scan_count mask(%and3A_684 : vector<16xi1>) value(%and3A_682 : vector<16xi32>) : vector<16xi1>, vector<16xi32>
        %shift_right_logical3A_687 = arith.constant 12 : i32
        %shift_right_logical3A_688 = vector.broadcast %shift_right_logical3A_687 : i32 to vector<16xi32>
        %shift_right_logical3A_689 = arith.shrui %and3A_682, %shift_right_logical3A_688 : vector<16xi32>
        %and3A_690 = arith.constant 4095 : i32
        %and3A_691 = vector.broadcast %and3A_690 : i32 to vector<16xi32>
        %and3A_692 = arith.andi %and3A_682, %and3A_691 : vector<16xi32>
        tpu.vector_store_idx %arg6[%shift_right_logical3A_689, %and3A_692], %unique3A_686 masked %unique3A_685 {add = true} : memref<16x4096xi32, #tpu.memory_space<vmem>>[vector<16xi32>, vector<16xi32>], vector<16xi32>, vector<16xi1>
        %while3A_693 = arith.constant 0 : i32
        scf.yield %while3A_693 : i32
      }
      %scan3A_580 = arith.constant 0 : i32
      scf.yield %scan3A_580 : i32
    }
    %scan3A_385 = arith.constant 64 : i32
    "tpu.region"() ({
      %run_scoped3A_546 = tpu.sem_alloc : memref<!tpu.dma_semaphore, #tpu.memory_space<semaphore_mem>>
      %dma_start3A = arith.constant 0 : i32
      %dma_start3A_547 = arith.constant 0 : i32
      %dma_start3A_548 = tpu.memref_slice %arg4[%arg0, %arg1, %dma_start3A, %dma_start3A_547] : memref<2x16x17x4096xi32, #tpu.memory_space<hbm>> -> memref<1x1x16x4096xi32, #tpu.memory_space<hbm>>
      %dma_start3A_549 = tpu.memref_squeeze %dma_start3A_548 : memref<1x1x16x4096xi32, #tpu.memory_space<hbm>> -> memref<16x4096xi32, #tpu.memory_space<hbm>>
      %dma_start3A_550 = arith.constant 0 : i32
      %dma_start3A_551 = arith.constant 0 : i32
      %dma_start3A_552 = tpu.memref_slice %arg4[%arg0, %arg1, %dma_start3A_550, %dma_start3A_551] : memref<2x16x17x4096xi32, #tpu.memory_space<hbm>> -> memref<1x1x16x4096xi32, #tpu.memory_space<hbm>>
      %dma_start3A_553 = tpu.memref_squeeze %dma_start3A_552 : memref<1x1x16x4096xi32, #tpu.memory_space<hbm>> -> memref<16x4096xi32, #tpu.memory_space<hbm>>
      tpu.enqueue_dma source(%arg6 : memref<16x4096xi32, #tpu.memory_space<vmem>>) target(%dma_start3A_553 : memref<16x4096xi32, #tpu.memory_space<hbm>>) target_semaphore(%run_scoped3A_546 : memref<!tpu.dma_semaphore, #tpu.memory_space<semaphore_mem>>)
      %dma_wait3A = arith.constant 0 : i32
      %dma_wait3A_554 = arith.constant 0 : i32
      %dma_wait3A_555 = tpu.memref_slice %arg4[%arg0, %arg1, %dma_wait3A, %dma_wait3A_554] : memref<2x16x17x4096xi32, #tpu.memory_space<hbm>> -> memref<1x1x16x4096xi32, #tpu.memory_space<hbm>>
      %dma_wait3A_556 = tpu.memref_squeeze %dma_wait3A_555 : memref<1x1x16x4096xi32, #tpu.memory_space<hbm>> -> memref<16x4096xi32, #tpu.memory_space<hbm>>
      %dma_wait3A_557 = arith.constant 0 : i32
      %dma_wait3A_558 = arith.constant 0 : i32
      %dma_wait3A_559 = tpu.memref_slice %arg4[%arg0, %arg1, %dma_wait3A_557, %dma_wait3A_558] : memref<2x16x17x4096xi32, #tpu.memory_space<hbm>> -> memref<1x1x16x4096xi32, #tpu.memory_space<hbm>>
      %dma_wait3A_560 = tpu.memref_squeeze %dma_wait3A_559 : memref<1x1x16x4096xi32, #tpu.memory_space<hbm>> -> memref<16x4096xi32, #tpu.memory_space<hbm>>
      tpu.wait_dma2 semaphore(%run_scoped3A_546 : memref<!tpu.dma_semaphore, #tpu.memory_space<semaphore_mem>>) src(%arg6 : memref<16x4096xi32, #tpu.memory_space<vmem>>) dst(%dma_wait3A_560 : memref<16x4096xi32, #tpu.memory_space<hbm>>)
      tpu.yield
    }) : () -> ()
    %barrier3A_386 = arith.constant 0 : index
    tpu.barrier barrier_id(%barrier3A_386)
    %scan3A_387 = arith.constant 0 : i32
    %scan3A_388 = arith.constant 0 : i32
    %scan3A_389 = arith.constant 256 : i32
    %scan3A_390 = arith.addi %scan3A_388, %scan3A_389 : i32
    %scan3A_391 = arith.constant 1 : i32
    %scan3A_392 = scf.for %scan3A_546 = %scan3A_388 to %scan3A_390 step %scan3A_391 iter_args(%scan3A_547 = %scan3A_387) -> (i32)  : i32 {
      %mul3A = arith.constant 16 : i32
      %mul3A_548 = arith.muli %scan3A_546, %mul3A : i32
      %swap3A_549 = arith.index_cast %mul3A_548 : i32 to index
      %swap3A_550 = tpu.vector_load %arg7[%swap3A_549] {strides = array<i32>} : memref<4096xi32, #tpu.memory_space<vmem>>, vector<16xi32>,
      tpu.vector_store %arg7[%swap3A_549], %broadcast_in_dim3A_7 {strides = array<i32>} : memref<4096xi32, #tpu.memory_space<vmem>>, vector<16xi32>,
      %scan3A_551 = arith.constant 0 : i32
      scf.yield %scan3A_551 : i32
    }
    %scan3A_393 = arith.constant 256 : i32
    %scan3A_394 = arith.constant 0 : i32
    %scan3A_395 = arith.constant 0 : i32
    %scan3A_396 = arith.constant 16 : i32
    %scan3A_397 = arith.addi %scan3A_395, %scan3A_396 : i32
    %scan3A_398 = arith.constant 1 : i32
    %scan3A_399 = scf.for %scan3A_546 = %scan3A_395 to %scan3A_397 step %scan3A_398 iter_args(%scan3A_547 = %scan3A_394) -> (i32)  : i32 {
      "tpu.region"() ({
        %run_scoped3A_556 = tpu.sem_alloc : memref<!tpu.dma_semaphore, #tpu.memory_space<semaphore_mem>>
        %dma_start3A = arith.constant 0 : i32
        %dma_start3A_557 = tpu.memref_slice %arg4[%arg0, %scan3A_546, %arg1, %dma_start3A] : memref<2x16x17x4096xi32, #tpu.memory_space<hbm>> -> memref<1x1x1x4096xi32, #tpu.memory_space<hbm>>
        %dma_start3A_558 = tpu.memref_squeeze %dma_start3A_557 : memref<1x1x1x4096xi32, #tpu.memory_space<hbm>> -> memref<4096xi32, #tpu.memory_space<hbm>>
        %dma_start3A_559 = arith.constant 0 : i32
        %dma_start3A_560 = tpu.memref_slice %arg4[%arg0, %scan3A_546, %arg1, %dma_start3A_559] : memref<2x16x17x4096xi32, #tpu.memory_space<hbm>> -> memref<1x1x1x4096xi32, #tpu.memory_space<hbm>>
        %dma_start3A_561 = tpu.memref_squeeze %dma_start3A_560 : memref<1x1x1x4096xi32, #tpu.memory_space<hbm>> -> memref<4096xi32, #tpu.memory_space<hbm>>
        tpu.enqueue_dma source(%dma_start3A_561 : memref<4096xi32, #tpu.memory_space<hbm>>) target(%arg8 : memref<4096xi32, #tpu.memory_space<vmem>>) target_semaphore(%run_scoped3A_556 : memref<!tpu.dma_semaphore, #tpu.memory_space<semaphore_mem>>)
        %dma_wait3A = arith.constant 0 : i32
        %dma_wait3A_562 = tpu.memref_slice %arg4[%arg0, %scan3A_546, %arg1, %dma_wait3A] : memref<2x16x17x4096xi32, #tpu.memory_space<hbm>> -> memref<1x1x1x4096xi32, #tpu.memory_space<hbm>>
        %dma_wait3A_563 = tpu.memref_squeeze %dma_wait3A_562 : memref<1x1x1x4096xi32, #tpu.memory_space<hbm>> -> memref<4096xi32, #tpu.memory_space<hbm>>
        %dma_wait3A_564 = arith.constant 0 : i32
        %dma_wait3A_565 = tpu.memref_slice %arg4[%arg0, %scan3A_546, %arg1, %dma_wait3A_564] : memref<2x16x17x4096xi32, #tpu.memory_space<hbm>> -> memref<1x1x1x4096xi32, #tpu.memory_space<hbm>>
        %dma_wait3A_566 = tpu.memref_squeeze %dma_wait3A_565 : memref<1x1x1x4096xi32, #tpu.memory_space<hbm>> -> memref<4096xi32, #tpu.memory_space<hbm>>
        tpu.wait_dma2 semaphore(%run_scoped3A_556 : memref<!tpu.dma_semaphore, #tpu.memory_space<semaphore_mem>>) src(%dma_wait3A_566 : memref<4096xi32, #tpu.memory_space<hbm>>) dst(%arg8 : memref<4096xi32, #tpu.memory_space<vmem>>)
        tpu.yield
      }) : () -> ()
      %scan3A_548 = arith.constant 0 : i32
      %scan3A_549 = arith.constant 0 : i32
      %scan3A_550 = arith.constant 256 : i32
      %scan3A_551 = arith.addi %scan3A_549, %scan3A_550 : i32
      %scan3A_552 = arith.constant 1 : i32
      %scan3A_553 = scf.for %scan3A_556 = %scan3A_549 to %scan3A_551 step %scan3A_552 iter_args(%scan3A_557 = %scan3A_548) -> (i32)  : i32 {
        %mul3A = arith.constant 16 : i32
        %mul3A_558 = arith.muli %scan3A_556, %mul3A : i32
        %get3A_559 = arith.index_cast %mul3A_558 : i32 to index
        %get3A_560 = tpu.vector_load %arg7[%get3A_559] {strides = array<i32>} : memref<4096xi32, #tpu.memory_space<vmem>>, vector<16xi32>,
        %get3A_561 = arith.index_cast %mul3A_558 : i32 to index
        %get3A_562 = tpu.vector_load %arg8[%get3A_561] {strides = array<i32>} : memref<4096xi32, #tpu.memory_space<vmem>>, vector<16xi32>,
        %add3A = arith.addi %get3A_560, %get3A_562 : vector<16xi32>
        %swap3A_563 = arith.index_cast %mul3A_558 : i32 to index
        %swap3A_564 = tpu.vector_load %arg7[%swap3A_563] {strides = array<i32>} : memref<4096xi32, #tpu.memory_space<vmem>>, vector<16xi32>,
        tpu.vector_store %arg7[%swap3A_563], %add3A {strides = array<i32>} : memref<4096xi32, #tpu.memory_space<vmem>>, vector<16xi32>,
        %scan3A_565 = arith.constant 0 : i32
        scf.yield %scan3A_565 : i32
      }
      %scan3A_554 = arith.constant 256 : i32
      %scan3A_555 = arith.constant 0 : i32
      scf.yield %scan3A_555 : i32
    }
    %scan3A_400 = arith.constant 16 : i32
    %scan3A_401 = arith.constant 0 : i32
    %scan3A_402 = arith.constant 256 : i32
    %scan3A_403 = arith.addi %scan3A_401, %scan3A_402 : i32
    %scan3A_404 = arith.constant 1 : i32
    %scan3A_405 = scf.for %scan3A_546 = %scan3A_401 to %scan3A_403 step %scan3A_404 iter_args(%scan3A_547 = %broadcast_in_dim3A_7) -> (vector<16xi32>)  : i32 {
      %mul3A = arith.constant 16 : i32
      %mul3A_548 = arith.muli %scan3A_546, %mul3A : i32
      %get3A_549 = arith.index_cast %mul3A_548 : i32 to index
      %get3A_550 = tpu.vector_load %arg7[%get3A_549] {strides = array<i32>} : memref<4096xi32, #tpu.memory_space<vmem>>, vector<16xi32>,
      %add3A = arith.addi %scan3A_547, %get3A_550 : vector<16xi32>
      scf.yield %add3A : vector<16xi32>
    }
    %scan3A_406 = arith.constant 256 : i32
    %reduce_sum3A_407 = arith.constant true
    %reduce_sum3A_408 = vector.broadcast %reduce_sum3A_407 : i1 to vector<16xi1>
    %reduce_sum3A_409 = tpu.scan <sum>, %scan3A_405 masked %reduce_sum3A_408 : vector<16xi32>, vector<16xi1> -> vector<16xi32>
    %reduce_sum3A_410 = vector.extract %reduce_sum3A_409[15] : i32 from vector<16xi32>
    %broadcast_in_dim3A_411 = vector.broadcast %reduce_sum3A_410 : i32 to vector<16xi32>
    %swap3A_412 = arith.constant 0 : index
    %swap3A_413 = tpu.vector_load %arg9[%swap3A_412] {strides = array<i32>} : memref<16xi32, #tpu.memory_space<vmem>>, vector<16xi32>,
    tpu.vector_store %arg9[%swap3A_412], %broadcast_in_dim3A_411 {strides = array<i32>} : memref<16xi32, #tpu.memory_space<vmem>>, vector<16xi32>,
    %run_scoped3A_414 = arith.constant 16 : i32
    "tpu.region"() ({
      %run_scoped3A_546 = tpu.sem_alloc : memref<!tpu.dma_semaphore, #tpu.memory_space<semaphore_mem>>
      %dma_start3A = arith.constant 0 : i32
      %dma_start3A_547 = tpu.memref_slice %arg4[%arg0, %arg1, %run_scoped3A_414, %dma_start3A] : memref<2x16x17x4096xi32, #tpu.memory_space<hbm>> -> memref<1x1x1x16xi32, #tpu.memory_space<hbm>>
      %dma_start3A_548 = tpu.memref_squeeze %dma_start3A_547 : memref<1x1x1x16xi32, #tpu.memory_space<hbm>> -> memref<16xi32, #tpu.memory_space<hbm>>
      %dma_start3A_549 = arith.constant 0 : i32
      %dma_start3A_550 = tpu.memref_slice %arg4[%arg0, %arg1, %run_scoped3A_414, %dma_start3A_549] : memref<2x16x17x4096xi32, #tpu.memory_space<hbm>> -> memref<1x1x1x16xi32, #tpu.memory_space<hbm>>
      %dma_start3A_551 = tpu.memref_squeeze %dma_start3A_550 : memref<1x1x1x16xi32, #tpu.memory_space<hbm>> -> memref<16xi32, #tpu.memory_space<hbm>>
      tpu.enqueue_dma source(%arg9 : memref<16xi32, #tpu.memory_space<vmem>>) target(%dma_start3A_551 : memref<16xi32, #tpu.memory_space<hbm>>) target_semaphore(%run_scoped3A_546 : memref<!tpu.dma_semaphore, #tpu.memory_space<semaphore_mem>>)
      %dma_wait3A = arith.constant 0 : i32
      %dma_wait3A_552 = tpu.memref_slice %arg4[%arg0, %arg1, %run_scoped3A_414, %dma_wait3A] : memref<2x16x17x4096xi32, #tpu.memory_space<hbm>> -> memref<1x1x1x16xi32, #tpu.memory_space<hbm>>
      %dma_wait3A_553 = tpu.memref_squeeze %dma_wait3A_552 : memref<1x1x1x16xi32, #tpu.memory_space<hbm>> -> memref<16xi32, #tpu.memory_space<hbm>>
      %dma_wait3A_554 = arith.constant 0 : i32
      %dma_wait3A_555 = tpu.memref_slice %arg4[%arg0, %arg1, %run_scoped3A_414, %dma_wait3A_554] : memref<2x16x17x4096xi32, #tpu.memory_space<hbm>> -> memref<1x1x1x16xi32, #tpu.memory_space<hbm>>
      %dma_wait3A_556 = tpu.memref_squeeze %dma_wait3A_555 : memref<1x1x1x16xi32, #tpu.memory_space<hbm>> -> memref<16xi32, #tpu.memory_space<hbm>>
      tpu.wait_dma2 semaphore(%run_scoped3A_546 : memref<!tpu.dma_semaphore, #tpu.memory_space<semaphore_mem>>) src(%arg9 : memref<16xi32, #tpu.memory_space<vmem>>) dst(%dma_wait3A_556 : memref<16xi32, #tpu.memory_space<hbm>>)
      tpu.yield
    }) : () -> ()
    %barrier3A_415 = arith.constant 0 : index
    tpu.barrier barrier_id(%barrier3A_415)
    %run_scoped3A_416 = arith.constant 0 : i32
    %run_scoped3A_417 = arith.constant 16 : i32
    %run_scoped3A_418 = arith.constant 0 : i32
    "tpu.region"() ({
      %run_scoped3A_546 = tpu.sem_alloc : memref<!tpu.dma_semaphore, #tpu.memory_space<semaphore_mem>>
      %dma_start3A = arith.constant 0 : i32
      %dma_start3A_547 = tpu.memref_slice %arg10[%run_scoped3A_418, %dma_start3A] : memref<16x16xi32, #tpu.memory_space<vmem>> -> memref<1x16xi32, #tpu.memory_space<vmem>>
      %dma_start3A_548 = tpu.memref_squeeze %dma_start3A_547 : memref<1x16xi32, #tpu.memory_space<vmem>> -> memref<16xi32, #tpu.memory_space<vmem>>
      %dma_start3A_549 = arith.constant 0 : i32
      %dma_start3A_550 = tpu.memref_slice %arg4[%arg0, %run_scoped3A_416, %run_scoped3A_417, %dma_start3A_549] : memref<2x16x17x4096xi32, #tpu.memory_space<hbm>> -> memref<1x1x1x16xi32, #tpu.memory_space<hbm>>
      %dma_start3A_551 = tpu.memref_squeeze %dma_start3A_550 : memref<1x1x1x16xi32, #tpu.memory_space<hbm>> -> memref<16xi32, #tpu.memory_space<hbm>>
      %dma_start3A_552 = arith.constant 0 : i32
      %dma_start3A_553 = tpu.memref_slice %arg10[%run_scoped3A_418, %dma_start3A_552] : memref<16x16xi32, #tpu.memory_space<vmem>> -> memref<1x16xi32, #tpu.memory_space<vmem>>
      %dma_start3A_554 = tpu.memref_squeeze %dma_start3A_553 : memref<1x16xi32, #tpu.memory_space<vmem>> -> memref<16xi32, #tpu.memory_space<vmem>>
      %dma_start3A_555 = arith.constant 0 : i32
      %dma_start3A_556 = tpu.memref_slice %arg4[%arg0, %run_scoped3A_416, %run_scoped3A_417, %dma_start3A_555] : memref<2x16x17x4096xi32, #tpu.memory_space<hbm>> -> memref<1x1x1x16xi32, #tpu.memory_space<hbm>>
      %dma_start3A_557 = tpu.memref_squeeze %dma_start3A_556 : memref<1x1x1x16xi32, #tpu.memory_space<hbm>> -> memref<16xi32, #tpu.memory_space<hbm>>
      tpu.enqueue_dma source(%dma_start3A_557 : memref<16xi32, #tpu.memory_space<hbm>>) target(%dma_start3A_554 : memref<16xi32, #tpu.memory_space<vmem>>) target_semaphore(%run_scoped3A_546 : memref<!tpu.dma_semaphore, #tpu.memory_space<semaphore_mem>>)
      %dma_wait3A = arith.constant 0 : i32
      %dma_wait3A_558 = tpu.memref_slice %arg10[%run_scoped3A_418, %dma_wait3A] : memref<16x16xi32, #tpu.memory_space<vmem>> -> memref<1x16xi32, #tpu.memory_space<vmem>>
      %dma_wait3A_559 = tpu.memref_squeeze %dma_wait3A_558 : memref<1x16xi32, #tpu.memory_space<vmem>> -> memref<16xi32, #tpu.memory_space<vmem>>
      %dma_wait3A_560 = arith.constant 0 : i32
      %dma_wait3A_561 = tpu.memref_slice %arg4[%arg0, %run_scoped3A_416, %run_scoped3A_417, %dma_wait3A_560] : memref<2x16x17x4096xi32, #tpu.memory_space<hbm>> -> memref<1x1x1x16xi32, #tpu.memory_space<hbm>>
      %dma_wait3A_562 = tpu.memref_squeeze %dma_wait3A_561 : memref<1x1x1x16xi32, #tpu.memory_space<hbm>> -> memref<16xi32, #tpu.memory_space<hbm>>
      %dma_wait3A_563 = arith.constant 0 : i32
      %dma_wait3A_564 = tpu.memref_slice %arg10[%run_scoped3A_418, %dma_wait3A_563] : memref<16x16xi32, #tpu.memory_space<vmem>> -> memref<1x16xi32, #tpu.memory_space<vmem>>
      %dma_wait3A_565 = tpu.memref_squeeze %dma_wait3A_564 : memref<1x16xi32, #tpu.memory_space<vmem>> -> memref<16xi32, #tpu.memory_space<vmem>>
      %dma_wait3A_566 = arith.constant 0 : i32
      %dma_wait3A_567 = tpu.memref_slice %arg4[%arg0, %run_scoped3A_416, %run_scoped3A_417, %dma_wait3A_566] : memref<2x16x17x4096xi32, #tpu.memory_space<hbm>> -> memref<1x1x1x16xi32, #tpu.memory_space<hbm>>
      %dma_wait3A_568 = tpu.memref_squeeze %dma_wait3A_567 : memref<1x1x1x16xi32, #tpu.memory_space<hbm>> -> memref<16xi32, #tpu.memory_space<hbm>>
      tpu.wait_dma2 semaphore(%run_scoped3A_546 : memref<!tpu.dma_semaphore, #tpu.memory_space<semaphore_mem>>) src(%dma_wait3A_568 : memref<16xi32, #tpu.memory_space<hbm>>) dst(%dma_wait3A_565 : memref<16xi32, #tpu.memory_space<vmem>>)
      tpu.yield
    }) : () -> ()
    %run_scoped3A_419 = arith.constant 1 : i32
    %run_scoped3A_420 = arith.constant 16 : i32
    %run_scoped3A_421 = arith.constant 1 : i32
    "tpu.region"() ({
      %run_scoped3A_546 = tpu.sem_alloc : memref<!tpu.dma_semaphore, #tpu.memory_space<semaphore_mem>>
      %dma_start3A = arith.constant 0 : i32
      %dma_start3A_547 = tpu.memref_slice %arg10[%run_scoped3A_421, %dma_start3A] : memref<16x16xi32, #tpu.memory_space<vmem>> -> memref<1x16xi32, #tpu.memory_space<vmem>>
      %dma_start3A_548 = tpu.memref_squeeze %dma_start3A_547 : memref<1x16xi32, #tpu.memory_space<vmem>> -> memref<16xi32, #tpu.memory_space<vmem>>
      %dma_start3A_549 = arith.constant 0 : i32
      %dma_start3A_550 = tpu.memref_slice %arg4[%arg0, %run_scoped3A_419, %run_scoped3A_420, %dma_start3A_549] : memref<2x16x17x4096xi32, #tpu.memory_space<hbm>> -> memref<1x1x1x16xi32, #tpu.memory_space<hbm>>
      %dma_start3A_551 = tpu.memref_squeeze %dma_start3A_550 : memref<1x1x1x16xi32, #tpu.memory_space<hbm>> -> memref<16xi32, #tpu.memory_space<hbm>>
      %dma_start3A_552 = arith.constant 0 : i32
      %dma_start3A_553 = tpu.memref_slice %arg10[%run_scoped3A_421, %dma_start3A_552] : memref<16x16xi32, #tpu.memory_space<vmem>> -> memref<1x16xi32, #tpu.memory_space<vmem>>
      %dma_start3A_554 = tpu.memref_squeeze %dma_start3A_553 : memref<1x16xi32, #tpu.memory_space<vmem>> -> memref<16xi32, #tpu.memory_space<vmem>>
      %dma_start3A_555 = arith.constant 0 : i32
      %dma_start3A_556 = tpu.memref_slice %arg4[%arg0, %run_scoped3A_419, %run_scoped3A_420, %dma_start3A_555] : memref<2x16x17x4096xi32, #tpu.memory_space<hbm>> -> memref<1x1x1x16xi32, #tpu.memory_space<hbm>>
      %dma_start3A_557 = tpu.memref_squeeze %dma_start3A_556 : memref<1x1x1x16xi32, #tpu.memory_space<hbm>> -> memref<16xi32, #tpu.memory_space<hbm>>
      tpu.enqueue_dma source(%dma_start3A_557 : memref<16xi32, #tpu.memory_space<hbm>>) target(%dma_start3A_554 : memref<16xi32, #tpu.memory_space<vmem>>) target_semaphore(%run_scoped3A_546 : memref<!tpu.dma_semaphore, #tpu.memory_space<semaphore_mem>>)
      %dma_wait3A = arith.constant 0 : i32
      %dma_wait3A_558 = tpu.memref_slice %arg10[%run_scoped3A_421, %dma_wait3A] : memref<16x16xi32, #tpu.memory_space<vmem>> -> memref<1x16xi32, #tpu.memory_space<vmem>>
      %dma_wait3A_559 = tpu.memref_squeeze %dma_wait3A_558 : memref<1x16xi32, #tpu.memory_space<vmem>> -> memref<16xi32, #tpu.memory_space<vmem>>
      %dma_wait3A_560 = arith.constant 0 : i32
      %dma_wait3A_561 = tpu.memref_slice %arg4[%arg0, %run_scoped3A_419, %run_scoped3A_420, %dma_wait3A_560] : memref<2x16x17x4096xi32, #tpu.memory_space<hbm>> -> memref<1x1x1x16xi32, #tpu.memory_space<hbm>>
      %dma_wait3A_562 = tpu.memref_squeeze %dma_wait3A_561 : memref<1x1x1x16xi32, #tpu.memory_space<hbm>> -> memref<16xi32, #tpu.memory_space<hbm>>
      %dma_wait3A_563 = arith.constant 0 : i32
      %dma_wait3A_564 = tpu.memref_slice %arg10[%run_scoped3A_421, %dma_wait3A_563] : memref<16x16xi32, #tpu.memory_space<vmem>> -> memref<1x16xi32, #tpu.memory_space<vmem>>
      %dma_wait3A_565 = tpu.memref_squeeze %dma_wait3A_564 : memref<1x16xi32, #tpu.memory_space<vmem>> -> memref<16xi32, #tpu.memory_space<vmem>>
      %dma_wait3A_566 = arith.constant 0 : i32
      %dma_wait3A_567 = tpu.memref_slice %arg4[%arg0, %run_scoped3A_419, %run_scoped3A_420, %dma_wait3A_566] : memref<2x16x17x4096xi32, #tpu.memory_space<hbm>> -> memref<1x1x1x16xi32, #tpu.memory_space<hbm>>
      %dma_wait3A_568 = tpu.memref_squeeze %dma_wait3A_567 : memref<1x1x1x16xi32, #tpu.memory_space<hbm>> -> memref<16xi32, #tpu.memory_space<hbm>>
      tpu.wait_dma2 semaphore(%run_scoped3A_546 : memref<!tpu.dma_semaphore, #tpu.memory_space<semaphore_mem>>) src(%dma_wait3A_568 : memref<16xi32, #tpu.memory_space<hbm>>) dst(%dma_wait3A_565 : memref<16xi32, #tpu.memory_space<vmem>>)
      tpu.yield
    }) : () -> ()
    %run_scoped3A_422 = arith.constant 2 : i32
    %run_scoped3A_423 = arith.constant 16 : i32
    %run_scoped3A_424 = arith.constant 2 : i32
    "tpu.region"() ({
      %run_scoped3A_546 = tpu.sem_alloc : memref<!tpu.dma_semaphore, #tpu.memory_space<semaphore_mem>>
      %dma_start3A = arith.constant 0 : i32
      %dma_start3A_547 = tpu.memref_slice %arg10[%run_scoped3A_424, %dma_start3A] : memref<16x16xi32, #tpu.memory_space<vmem>> -> memref<1x16xi32, #tpu.memory_space<vmem>>
      %dma_start3A_548 = tpu.memref_squeeze %dma_start3A_547 : memref<1x16xi32, #tpu.memory_space<vmem>> -> memref<16xi32, #tpu.memory_space<vmem>>
      %dma_start3A_549 = arith.constant 0 : i32
      %dma_start3A_550 = tpu.memref_slice %arg4[%arg0, %run_scoped3A_422, %run_scoped3A_423, %dma_start3A_549] : memref<2x16x17x4096xi32, #tpu.memory_space<hbm>> -> memref<1x1x1x16xi32, #tpu.memory_space<hbm>>
      %dma_start3A_551 = tpu.memref_squeeze %dma_start3A_550 : memref<1x1x1x16xi32, #tpu.memory_space<hbm>> -> memref<16xi32, #tpu.memory_space<hbm>>
      %dma_start3A_552 = arith.constant 0 : i32
      %dma_start3A_553 = tpu.memref_slice %arg10[%run_scoped3A_424, %dma_start3A_552] : memref<16x16xi32, #tpu.memory_space<vmem>> -> memref<1x16xi32, #tpu.memory_space<vmem>>
      %dma_start3A_554 = tpu.memref_squeeze %dma_start3A_553 : memref<1x16xi32, #tpu.memory_space<vmem>> -> memref<16xi32, #tpu.memory_space<vmem>>
      %dma_start3A_555 = arith.constant 0 : i32
      %dma_start3A_556 = tpu.memref_slice %arg4[%arg0, %run_scoped3A_422, %run_scoped3A_423, %dma_start3A_555] : memref<2x16x17x4096xi32, #tpu.memory_space<hbm>> -> memref<1x1x1x16xi32, #tpu.memory_space<hbm>>
      %dma_start3A_557 = tpu.memref_squeeze %dma_start3A_556 : memref<1x1x1x16xi32, #tpu.memory_space<hbm>> -> memref<16xi32, #tpu.memory_space<hbm>>
      tpu.enqueue_dma source(%dma_start3A_557 : memref<16xi32, #tpu.memory_space<hbm>>) target(%dma_start3A_554 : memref<16xi32, #tpu.memory_space<vmem>>) target_semaphore(%run_scoped3A_546 : memref<!tpu.dma_semaphore, #tpu.memory_space<semaphore_mem>>)
      %dma_wait3A = arith.constant 0 : i32
      %dma_wait3A_558 = tpu.memref_slice %arg10[%run_scoped3A_424, %dma_wait3A] : memref<16x16xi32, #tpu.memory_space<vmem>> -> memref<1x16xi32, #tpu.memory_space<vmem>>
      %dma_wait3A_559 = tpu.memref_squeeze %dma_wait3A_558 : memref<1x16xi32, #tpu.memory_space<vmem>> -> memref<16xi32, #tpu.memory_space<vmem>>
      %dma_wait3A_560 = arith.constant 0 : i32
      %dma_wait3A_561 = tpu.memref_slice %arg4[%arg0, %run_scoped3A_422, %run_scoped3A_423, %dma_wait3A_560] : memref<2x16x17x4096xi32, #tpu.memory_space<hbm>> -> memref<1x1x1x16xi32, #tpu.memory_space<hbm>>
      %dma_wait3A_562 = tpu.memref_squeeze %dma_wait3A_561 : memref<1x1x1x16xi32, #tpu.memory_space<hbm>> -> memref<16xi32, #tpu.memory_space<hbm>>
      %dma_wait3A_563 = arith.constant 0 : i32
      %dma_wait3A_564 = tpu.memref_slice %arg10[%run_scoped3A_424, %dma_wait3A_563] : memref<16x16xi32, #tpu.memory_space<vmem>> -> memref<1x16xi32, #tpu.memory_space<vmem>>
      %dma_wait3A_565 = tpu.memref_squeeze %dma_wait3A_564 : memref<1x16xi32, #tpu.memory_space<vmem>> -> memref<16xi32, #tpu.memory_space<vmem>>
      %dma_wait3A_566 = arith.constant 0 : i32
      %dma_wait3A_567 = tpu.memref_slice %arg4[%arg0, %run_scoped3A_422, %run_scoped3A_423, %dma_wait3A_566] : memref<2x16x17x4096xi32, #tpu.memory_space<hbm>> -> memref<1x1x1x16xi32, #tpu.memory_space<hbm>>
      %dma_wait3A_568 = tpu.memref_squeeze %dma_wait3A_567 : memref<1x1x1x16xi32, #tpu.memory_space<hbm>> -> memref<16xi32, #tpu.memory_space<hbm>>
      tpu.wait_dma2 semaphore(%run_scoped3A_546 : memref<!tpu.dma_semaphore, #tpu.memory_space<semaphore_mem>>) src(%dma_wait3A_568 : memref<16xi32, #tpu.memory_space<hbm>>) dst(%dma_wait3A_565 : memref<16xi32, #tpu.memory_space<vmem>>)
      tpu.yield
    }) : () -> ()
    %run_scoped3A_425 = arith.constant 3 : i32
    %run_scoped3A_426 = arith.constant 16 : i32
    %run_scoped3A_427 = arith.constant 3 : i32
    "tpu.region"() ({
      %run_scoped3A_546 = tpu.sem_alloc : memref<!tpu.dma_semaphore, #tpu.memory_space<semaphore_mem>>
      %dma_start3A = arith.constant 0 : i32
      %dma_start3A_547 = tpu.memref_slice %arg10[%run_scoped3A_427, %dma_start3A] : memref<16x16xi32, #tpu.memory_space<vmem>> -> memref<1x16xi32, #tpu.memory_space<vmem>>
      %dma_start3A_548 = tpu.memref_squeeze %dma_start3A_547 : memref<1x16xi32, #tpu.memory_space<vmem>> -> memref<16xi32, #tpu.memory_space<vmem>>
      %dma_start3A_549 = arith.constant 0 : i32
      %dma_start3A_550 = tpu.memref_slice %arg4[%arg0, %run_scoped3A_425, %run_scoped3A_426, %dma_start3A_549] : memref<2x16x17x4096xi32, #tpu.memory_space<hbm>> -> memref<1x1x1x16xi32, #tpu.memory_space<hbm>>
      %dma_start3A_551 = tpu.memref_squeeze %dma_start3A_550 : memref<1x1x1x16xi32, #tpu.memory_space<hbm>> -> memref<16xi32, #tpu.memory_space<hbm>>
      %dma_start3A_552 = arith.constant 0 : i32
      %dma_start3A_553 = tpu.memref_slice %arg10[%run_scoped3A_427, %dma_start3A_552] : memref<16x16xi32, #tpu.memory_space<vmem>> -> memref<1x16xi32, #tpu.memory_space<vmem>>
      %dma_start3A_554 = tpu.memref_squeeze %dma_start3A_553 : memref<1x16xi32, #tpu.memory_space<vmem>> -> memref<16xi32, #tpu.memory_space<vmem>>
      %dma_start3A_555 = arith.constant 0 : i32
      %dma_start3A_556 = tpu.memref_slice %arg4[%arg0, %run_scoped3A_425, %run_scoped3A_426, %dma_start3A_555] : memref<2x16x17x4096xi32, #tpu.memory_space<hbm>> -> memref<1x1x1x16xi32, #tpu.memory_space<hbm>>
      %dma_start3A_557 = tpu.memref_squeeze %dma_start3A_556 : memref<1x1x1x16xi32, #tpu.memory_space<hbm>> -> memref<16xi32, #tpu.memory_space<hbm>>
      tpu.enqueue_dma source(%dma_start3A_557 : memref<16xi32, #tpu.memory_space<hbm>>) target(%dma_start3A_554 : memref<16xi32, #tpu.memory_space<vmem>>) target_semaphore(%run_scoped3A_546 : memref<!tpu.dma_semaphore, #tpu.memory_space<semaphore_mem>>)
      %dma_wait3A = arith.constant 0 : i32
      %dma_wait3A_558 = tpu.memref_slice %arg10[%run_scoped3A_427, %dma_wait3A] : memref<16x16xi32, #tpu.memory_space<vmem>> -> memref<1x16xi32, #tpu.memory_space<vmem>>
      %dma_wait3A_559 = tpu.memref_squeeze %dma_wait3A_558 : memref<1x16xi32, #tpu.memory_space<vmem>> -> memref<16xi32, #tpu.memory_space<vmem>>
      %dma_wait3A_560 = arith.constant 0 : i32
      %dma_wait3A_561 = tpu.memref_slice %arg4[%arg0, %run_scoped3A_425, %run_scoped3A_426, %dma_wait3A_560] : memref<2x16x17x4096xi32, #tpu.memory_space<hbm>> -> memref<1x1x1x16xi32, #tpu.memory_space<hbm>>
      %dma_wait3A_562 = tpu.memref_squeeze %dma_wait3A_561 : memref<1x1x1x16xi32, #tpu.memory_space<hbm>> -> memref<16xi32, #tpu.memory_space<hbm>>
      %dma_wait3A_563 = arith.constant 0 : i32
      %dma_wait3A_564 = tpu.memref_slice %arg10[%run_scoped3A_427, %dma_wait3A_563] : memref<16x16xi32, #tpu.memory_space<vmem>> -> memref<1x16xi32, #tpu.memory_space<vmem>>
      %dma_wait3A_565 = tpu.memref_squeeze %dma_wait3A_564 : memref<1x16xi32, #tpu.memory_space<vmem>> -> memref<16xi32, #tpu.memory_space<vmem>>
      %dma_wait3A_566 = arith.constant 0 : i32
      %dma_wait3A_567 = tpu.memref_slice %arg4[%arg0, %run_scoped3A_425, %run_scoped3A_426, %dma_wait3A_566] : memref<2x16x17x4096xi32, #tpu.memory_space<hbm>> -> memref<1x1x1x16xi32, #tpu.memory_space<hbm>>
      %dma_wait3A_568 = tpu.memref_squeeze %dma_wait3A_567 : memref<1x1x1x16xi32, #tpu.memory_space<hbm>> -> memref<16xi32, #tpu.memory_space<hbm>>
      tpu.wait_dma2 semaphore(%run_scoped3A_546 : memref<!tpu.dma_semaphore, #tpu.memory_space<semaphore_mem>>) src(%dma_wait3A_568 : memref<16xi32, #tpu.memory_space<hbm>>) dst(%dma_wait3A_565 : memref<16xi32, #tpu.memory_space<vmem>>)
      tpu.yield
    }) : () -> ()
    %run_scoped3A_428 = arith.constant 4 : i32
    %run_scoped3A_429 = arith.constant 16 : i32
    %run_scoped3A_430 = arith.constant 4 : i32
    "tpu.region"() ({
      %run_scoped3A_546 = tpu.sem_alloc : memref<!tpu.dma_semaphore, #tpu.memory_space<semaphore_mem>>
      %dma_start3A = arith.constant 0 : i32
      %dma_start3A_547 = tpu.memref_slice %arg10[%run_scoped3A_430, %dma_start3A] : memref<16x16xi32, #tpu.memory_space<vmem>> -> memref<1x16xi32, #tpu.memory_space<vmem>>
      %dma_start3A_548 = tpu.memref_squeeze %dma_start3A_547 : memref<1x16xi32, #tpu.memory_space<vmem>> -> memref<16xi32, #tpu.memory_space<vmem>>
      %dma_start3A_549 = arith.constant 0 : i32
      %dma_start3A_550 = tpu.memref_slice %arg4[%arg0, %run_scoped3A_428, %run_scoped3A_429, %dma_start3A_549] : memref<2x16x17x4096xi32, #tpu.memory_space<hbm>> -> memref<1x1x1x16xi32, #tpu.memory_space<hbm>>
      %dma_start3A_551 = tpu.memref_squeeze %dma_start3A_550 : memref<1x1x1x16xi32, #tpu.memory_space<hbm>> -> memref<16xi32, #tpu.memory_space<hbm>>
      %dma_start3A_552 = arith.constant 0 : i32
      %dma_start3A_553 = tpu.memref_slice %arg10[%run_scoped3A_430, %dma_start3A_552] : memref<16x16xi32, #tpu.memory_space<vmem>> -> memref<1x16xi32, #tpu.memory_space<vmem>>
      %dma_start3A_554 = tpu.memref_squeeze %dma_start3A_553 : memref<1x16xi32, #tpu.memory_space<vmem>> -> memref<16xi32, #tpu.memory_space<vmem>>
      %dma_start3A_555 = arith.constant 0 : i32
      %dma_start3A_556 = tpu.memref_slice %arg4[%arg0, %run_scoped3A_428, %run_scoped3A_429, %dma_start3A_555] : memref<2x16x17x4096xi32, #tpu.memory_space<hbm>> -> memref<1x1x1x16xi32, #tpu.memory_space<hbm>>
      %dma_start3A_557 = tpu.memref_squeeze %dma_start3A_556 : memref<1x1x1x16xi32, #tpu.memory_space<hbm>> -> memref<16xi32, #tpu.memory_space<hbm>>
      tpu.enqueue_dma source(%dma_start3A_557 : memref<16xi32, #tpu.memory_space<hbm>>) target(%dma_start3A_554 : memref<16xi32, #tpu.memory_space<vmem>>) target_semaphore(%run_scoped3A_546 : memref<!tpu.dma_semaphore, #tpu.memory_space<semaphore_mem>>)
      %dma_wait3A = arith.constant 0 : i32
      %dma_wait3A_558 = tpu.memref_slice %arg10[%run_scoped3A_430, %dma_wait3A] : memref<16x16xi32, #tpu.memory_space<vmem>> -> memref<1x16xi32, #tpu.memory_space<vmem>>
      %dma_wait3A_559 = tpu.memref_squeeze %dma_wait3A_558 : memref<1x16xi32, #tpu.memory_space<vmem>> -> memref<16xi32, #tpu.memory_space<vmem>>
      %dma_wait3A_560 = arith.constant 0 : i32
      %dma_wait3A_561 = tpu.memref_slice %arg4[%arg0, %run_scoped3A_428, %run_scoped3A_429, %dma_wait3A_560] : memref<2x16x17x4096xi32, #tpu.memory_space<hbm>> -> memref<1x1x1x16xi32, #tpu.memory_space<hbm>>
      %dma_wait3A_562 = tpu.memref_squeeze %dma_wait3A_561 : memref<1x1x1x16xi32, #tpu.memory_space<hbm>> -> memref<16xi32, #tpu.memory_space<hbm>>
      %dma_wait3A_563 = arith.constant 0 : i32
      %dma_wait3A_564 = tpu.memref_slice %arg10[%run_scoped3A_430, %dma_wait3A_563] : memref<16x16xi32, #tpu.memory_space<vmem>> -> memref<1x16xi32, #tpu.memory_space<vmem>>
      %dma_wait3A_565 = tpu.memref_squeeze %dma_wait3A_564 : memref<1x16xi32, #tpu.memory_space<vmem>> -> memref<16xi32, #tpu.memory_space<vmem>>
      %dma_wait3A_566 = arith.constant 0 : i32
      %dma_wait3A_567 = tpu.memref_slice %arg4[%arg0, %run_scoped3A_428, %run_scoped3A_429, %dma_wait3A_566] : memref<2x16x17x4096xi32, #tpu.memory_space<hbm>> -> memref<1x1x1x16xi32, #tpu.memory_space<hbm>>
      %dma_wait3A_568 = tpu.memref_squeeze %dma_wait3A_567 : memref<1x1x1x16xi32, #tpu.memory_space<hbm>> -> memref<16xi32, #tpu.memory_space<hbm>>
      tpu.wait_dma2 semaphore(%run_scoped3A_546 : memref<!tpu.dma_semaphore, #tpu.memory_space<semaphore_mem>>) src(%dma_wait3A_568 : memref<16xi32, #tpu.memory_space<hbm>>) dst(%dma_wait3A_565 : memref<16xi32, #tpu.memory_space<vmem>>)
      tpu.yield
    }) : () -> ()
    %run_scoped3A_431 = arith.constant 5 : i32
    %run_scoped3A_432 = arith.constant 16 : i32
    %run_scoped3A_433 = arith.constant 5 : i32
    "tpu.region"() ({
      %run_scoped3A_546 = tpu.sem_alloc : memref<!tpu.dma_semaphore, #tpu.memory_space<semaphore_mem>>
      %dma_start3A = arith.constant 0 : i32
      %dma_start3A_547 = tpu.memref_slice %arg10[%run_scoped3A_433, %dma_start3A] : memref<16x16xi32, #tpu.memory_space<vmem>> -> memref<1x16xi32, #tpu.memory_space<vmem>>
      %dma_start3A_548 = tpu.memref_squeeze %dma_start3A_547 : memref<1x16xi32, #tpu.memory_space<vmem>> -> memref<16xi32, #tpu.memory_space<vmem>>
      %dma_start3A_549 = arith.constant 0 : i32
      %dma_start3A_550 = tpu.memref_slice %arg4[%arg0, %run_scoped3A_431, %run_scoped3A_432, %dma_start3A_549] : memref<2x16x17x4096xi32, #tpu.memory_space<hbm>> -> memref<1x1x1x16xi32, #tpu.memory_space<hbm>>
      %dma_start3A_551 = tpu.memref_squeeze %dma_start3A_550 : memref<1x1x1x16xi32, #tpu.memory_space<hbm>> -> memref<16xi32, #tpu.memory_space<hbm>>
      %dma_start3A_552 = arith.constant 0 : i32
      %dma_start3A_553 = tpu.memref_slice %arg10[%run_scoped3A_433, %dma_start3A_552] : memref<16x16xi32, #tpu.memory_space<vmem>> -> memref<1x16xi32, #tpu.memory_space<vmem>>
      %dma_start3A_554 = tpu.memref_squeeze %dma_start3A_553 : memref<1x16xi32, #tpu.memory_space<vmem>> -> memref<16xi32, #tpu.memory_space<vmem>>
      %dma_start3A_555 = arith.constant 0 : i32
      %dma_start3A_556 = tpu.memref_slice %arg4[%arg0, %run_scoped3A_431, %run_scoped3A_432, %dma_start3A_555] : memref<2x16x17x4096xi32, #tpu.memory_space<hbm>> -> memref<1x1x1x16xi32, #tpu.memory_space<hbm>>
      %dma_start3A_557 = tpu.memref_squeeze %dma_start3A_556 : memref<1x1x1x16xi32, #tpu.memory_space<hbm>> -> memref<16xi32, #tpu.memory_space<hbm>>
      tpu.enqueue_dma source(%dma_start3A_557 : memref<16xi32, #tpu.memory_space<hbm>>) target(%dma_start3A_554 : memref<16xi32, #tpu.memory_space<vmem>>) target_semaphore(%run_scoped3A_546 : memref<!tpu.dma_semaphore, #tpu.memory_space<semaphore_mem>>)
      %dma_wait3A = arith.constant 0 : i32
      %dma_wait3A_558 = tpu.memref_slice %arg10[%run_scoped3A_433, %dma_wait3A] : memref<16x16xi32, #tpu.memory_space<vmem>> -> memref<1x16xi32, #tpu.memory_space<vmem>>
      %dma_wait3A_559 = tpu.memref_squeeze %dma_wait3A_558 : memref<1x16xi32, #tpu.memory_space<vmem>> -> memref<16xi32, #tpu.memory_space<vmem>>
      %dma_wait3A_560 = arith.constant 0 : i32
      %dma_wait3A_561 = tpu.memref_slice %arg4[%arg0, %run_scoped3A_431, %run_scoped3A_432, %dma_wait3A_560] : memref<2x16x17x4096xi32, #tpu.memory_space<hbm>> -> memref<1x1x1x16xi32, #tpu.memory_space<hbm>>
      %dma_wait3A_562 = tpu.memref_squeeze %dma_wait3A_561 : memref<1x1x1x16xi32, #tpu.memory_space<hbm>> -> memref<16xi32, #tpu.memory_space<hbm>>
      %dma_wait3A_563 = arith.constant 0 : i32
      %dma_wait3A_564 = tpu.memref_slice %arg10[%run_scoped3A_433, %dma_wait3A_563] : memref<16x16xi32, #tpu.memory_space<vmem>> -> memref<1x16xi32, #tpu.memory_space<vmem>>
      %dma_wait3A_565 = tpu.memref_squeeze %dma_wait3A_564 : memref<1x16xi32, #tpu.memory_space<vmem>> -> memref<16xi32, #tpu.memory_space<vmem>>
      %dma_wait3A_566 = arith.constant 0 : i32
      %dma_wait3A_567 = tpu.memref_slice %arg4[%arg0, %run_scoped3A_431, %run_scoped3A_432, %dma_wait3A_566] : memref<2x16x17x4096xi32, #tpu.memory_space<hbm>> -> memref<1x1x1x16xi32, #tpu.memory_space<hbm>>
      %dma_wait3A_568 = tpu.memref_squeeze %dma_wait3A_567 : memref<1x1x1x16xi32, #tpu.memory_space<hbm>> -> memref<16xi32, #tpu.memory_space<hbm>>
      tpu.wait_dma2 semaphore(%run_scoped3A_546 : memref<!tpu.dma_semaphore, #tpu.memory_space<semaphore_mem>>) src(%dma_wait3A_568 : memref<16xi32, #tpu.memory_space<hbm>>) dst(%dma_wait3A_565 : memref<16xi32, #tpu.memory_space<vmem>>)
      tpu.yield
    }) : () -> ()
    %run_scoped3A_434 = arith.constant 6 : i32
    %run_scoped3A_435 = arith.constant 16 : i32
    %run_scoped3A_436 = arith.constant 6 : i32
    "tpu.region"() ({
      %run_scoped3A_546 = tpu.sem_alloc : memref<!tpu.dma_semaphore, #tpu.memory_space<semaphore_mem>>
      %dma_start3A = arith.constant 0 : i32
      %dma_start3A_547 = tpu.memref_slice %arg10[%run_scoped3A_436, %dma_start3A] : memref<16x16xi32, #tpu.memory_space<vmem>> -> memref<1x16xi32, #tpu.memory_space<vmem>>
      %dma_start3A_548 = tpu.memref_squeeze %dma_start3A_547 : memref<1x16xi32, #tpu.memory_space<vmem>> -> memref<16xi32, #tpu.memory_space<vmem>>
      %dma_start3A_549 = arith.constant 0 : i32
      %dma_start3A_550 = tpu.memref_slice %arg4[%arg0, %run_scoped3A_434, %run_scoped3A_435, %dma_start3A_549] : memref<2x16x17x4096xi32, #tpu.memory_space<hbm>> -> memref<1x1x1x16xi32, #tpu.memory_space<hbm>>
      %dma_start3A_551 = tpu.memref_squeeze %dma_start3A_550 : memref<1x1x1x16xi32, #tpu.memory_space<hbm>> -> memref<16xi32, #tpu.memory_space<hbm>>
      %dma_start3A_552 = arith.constant 0 : i32
      %dma_start3A_553 = tpu.memref_slice %arg10[%run_scoped3A_436, %dma_start3A_552] : memref<16x16xi32, #tpu.memory_space<vmem>> -> memref<1x16xi32, #tpu.memory_space<vmem>>
      %dma_start3A_554 = tpu.memref_squeeze %dma_start3A_553 : memref<1x16xi32, #tpu.memory_space<vmem>> -> memref<16xi32, #tpu.memory_space<vmem>>
      %dma_start3A_555 = arith.constant 0 : i32
      %dma_start3A_556 = tpu.memref_slice %arg4[%arg0, %run_scoped3A_434, %run_scoped3A_435, %dma_start3A_555] : memref<2x16x17x4096xi32, #tpu.memory_space<hbm>> -> memref<1x1x1x16xi32, #tpu.memory_space<hbm>>
      %dma_start3A_557 = tpu.memref_squeeze %dma_start3A_556 : memref<1x1x1x16xi32, #tpu.memory_space<hbm>> -> memref<16xi32, #tpu.memory_space<hbm>>
      tpu.enqueue_dma source(%dma_start3A_557 : memref<16xi32, #tpu.memory_space<hbm>>) target(%dma_start3A_554 : memref<16xi32, #tpu.memory_space<vmem>>) target_semaphore(%run_scoped3A_546 : memref<!tpu.dma_semaphore, #tpu.memory_space<semaphore_mem>>)
      %dma_wait3A = arith.constant 0 : i32
      %dma_wait3A_558 = tpu.memref_slice %arg10[%run_scoped3A_436, %dma_wait3A] : memref<16x16xi32, #tpu.memory_space<vmem>> -> memref<1x16xi32, #tpu.memory_space<vmem>>
      %dma_wait3A_559 = tpu.memref_squeeze %dma_wait3A_558 : memref<1x16xi32, #tpu.memory_space<vmem>> -> memref<16xi32, #tpu.memory_space<vmem>>
      %dma_wait3A_560 = arith.constant 0 : i32
      %dma_wait3A_561 = tpu.memref_slice %arg4[%arg0, %run_scoped3A_434, %run_scoped3A_435, %dma_wait3A_560] : memref<2x16x17x4096xi32, #tpu.memory_space<hbm>> -> memref<1x1x1x16xi32, #tpu.memory_space<hbm>>
      %dma_wait3A_562 = tpu.memref_squeeze %dma_wait3A_561 : memref<1x1x1x16xi32, #tpu.memory_space<hbm>> -> memref<16xi32, #tpu.memory_space<hbm>>
      %dma_wait3A_563 = arith.constant 0 : i32
      %dma_wait3A_564 = tpu.memref_slice %arg10[%run_scoped3A_436, %dma_wait3A_563] : memref<16x16xi32, #tpu.memory_space<vmem>> -> memref<1x16xi32, #tpu.memory_space<vmem>>
      %dma_wait3A_565 = tpu.memref_squeeze %dma_wait3A_564 : memref<1x16xi32, #tpu.memory_space<vmem>> -> memref<16xi32, #tpu.memory_space<vmem>>
      %dma_wait3A_566 = arith.constant 0 : i32
      %dma_wait3A_567 = tpu.memref_slice %arg4[%arg0, %run_scoped3A_434, %run_scoped3A_435, %dma_wait3A_566] : memref<2x16x17x4096xi32, #tpu.memory_space<hbm>> -> memref<1x1x1x16xi32, #tpu.memory_space<hbm>>
      %dma_wait3A_568 = tpu.memref_squeeze %dma_wait3A_567 : memref<1x1x1x16xi32, #tpu.memory_space<hbm>> -> memref<16xi32, #tpu.memory_space<hbm>>
      tpu.wait_dma2 semaphore(%run_scoped3A_546 : memref<!tpu.dma_semaphore, #tpu.memory_space<semaphore_mem>>) src(%dma_wait3A_568 : memref<16xi32, #tpu.memory_space<hbm>>) dst(%dma_wait3A_565 : memref<16xi32, #tpu.memory_space<vmem>>)
      tpu.yield
    }) : () -> ()
    %run_scoped3A_437 = arith.constant 7 : i32
    %run_scoped3A_438 = arith.constant 16 : i32
    %run_scoped3A_439 = arith.constant 7 : i32
    "tpu.region"() ({
      %run_scoped3A_546 = tpu.sem_alloc : memref<!tpu.dma_semaphore, #tpu.memory_space<semaphore_mem>>
      %dma_start3A = arith.constant 0 : i32
      %dma_start3A_547 = tpu.memref_slice %arg10[%run_scoped3A_439, %dma_start3A] : memref<16x16xi32, #tpu.memory_space<vmem>> -> memref<1x16xi32, #tpu.memory_space<vmem>>
      %dma_start3A_548 = tpu.memref_squeeze %dma_start3A_547 : memref<1x16xi32, #tpu.memory_space<vmem>> -> memref<16xi32, #tpu.memory_space<vmem>>
      %dma_start3A_549 = arith.constant 0 : i32
      %dma_start3A_550 = tpu.memref_slice %arg4[%arg0, %run_scoped3A_437, %run_scoped3A_438, %dma_start3A_549] : memref<2x16x17x4096xi32, #tpu.memory_space<hbm>> -> memref<1x1x1x16xi32, #tpu.memory_space<hbm>>
      %dma_start3A_551 = tpu.memref_squeeze %dma_start3A_550 : memref<1x1x1x16xi32, #tpu.memory_space<hbm>> -> memref<16xi32, #tpu.memory_space<hbm>>
      %dma_start3A_552 = arith.constant 0 : i32
      %dma_start3A_553 = tpu.memref_slice %arg10[%run_scoped3A_439, %dma_start3A_552] : memref<16x16xi32, #tpu.memory_space<vmem>> -> memref<1x16xi32, #tpu.memory_space<vmem>>
      %dma_start3A_554 = tpu.memref_squeeze %dma_start3A_553 : memref<1x16xi32, #tpu.memory_space<vmem>> -> memref<16xi32, #tpu.memory_space<vmem>>
      %dma_start3A_555 = arith.constant 0 : i32
      %dma_start3A_556 = tpu.memref_slice %arg4[%arg0, %run_scoped3A_437, %run_scoped3A_438, %dma_start3A_555] : memref<2x16x17x4096xi32, #tpu.memory_space<hbm>> -> memref<1x1x1x16xi32, #tpu.memory_space<hbm>>
      %dma_start3A_557 = tpu.memref_squeeze %dma_start3A_556 : memref<1x1x1x16xi32, #tpu.memory_space<hbm>> -> memref<16xi32, #tpu.memory_space<hbm>>
      tpu.enqueue_dma source(%dma_start3A_557 : memref<16xi32, #tpu.memory_space<hbm>>) target(%dma_start3A_554 : memref<16xi32, #tpu.memory_space<vmem>>) target_semaphore(%run_scoped3A_546 : memref<!tpu.dma_semaphore, #tpu.memory_space<semaphore_mem>>)
      %dma_wait3A = arith.constant 0 : i32
      %dma_wait3A_558 = tpu.memref_slice %arg10[%run_scoped3A_439, %dma_wait3A] : memref<16x16xi32, #tpu.memory_space<vmem>> -> memref<1x16xi32, #tpu.memory_space<vmem>>
      %dma_wait3A_559 = tpu.memref_squeeze %dma_wait3A_558 : memref<1x16xi32, #tpu.memory_space<vmem>> -> memref<16xi32, #tpu.memory_space<vmem>>
      %dma_wait3A_560 = arith.constant 0 : i32
      %dma_wait3A_561 = tpu.memref_slice %arg4[%arg0, %run_scoped3A_437, %run_scoped3A_438, %dma_wait3A_560] : memref<2x16x17x4096xi32, #tpu.memory_space<hbm>> -> memref<1x1x1x16xi32, #tpu.memory_space<hbm>>
      %dma_wait3A_562 = tpu.memref_squeeze %dma_wait3A_561 : memref<1x1x1x16xi32, #tpu.memory_space<hbm>> -> memref<16xi32, #tpu.memory_space<hbm>>
      %dma_wait3A_563 = arith.constant 0 : i32
      %dma_wait3A_564 = tpu.memref_slice %arg10[%run_scoped3A_439, %dma_wait3A_563] : memref<16x16xi32, #tpu.memory_space<vmem>> -> memref<1x16xi32, #tpu.memory_space<vmem>>
      %dma_wait3A_565 = tpu.memref_squeeze %dma_wait3A_564 : memref<1x16xi32, #tpu.memory_space<vmem>> -> memref<16xi32, #tpu.memory_space<vmem>>
      %dma_wait3A_566 = arith.constant 0 : i32
      %dma_wait3A_567 = tpu.memref_slice %arg4[%arg0, %run_scoped3A_437, %run_scoped3A_438, %dma_wait3A_566] : memref<2x16x17x4096xi32, #tpu.memory_space<hbm>> -> memref<1x1x1x16xi32, #tpu.memory_space<hbm>>
      %dma_wait3A_568 = tpu.memref_squeeze %dma_wait3A_567 : memref<1x1x1x16xi32, #tpu.memory_space<hbm>> -> memref<16xi32, #tpu.memory_space<hbm>>
      tpu.wait_dma2 semaphore(%run_scoped3A_546 : memref<!tpu.dma_semaphore, #tpu.memory_space<semaphore_mem>>) src(%dma_wait3A_568 : memref<16xi32, #tpu.memory_space<hbm>>) dst(%dma_wait3A_565 : memref<16xi32, #tpu.memory_space<vmem>>)
      tpu.yield
    }) : () -> ()
    %run_scoped3A_440 = arith.constant 8 : i32
    %run_scoped3A_441 = arith.constant 16 : i32
    %run_scoped3A_442 = arith.constant 8 : i32
    "tpu.region"() ({
      %run_scoped3A_546 = tpu.sem_alloc : memref<!tpu.dma_semaphore, #tpu.memory_space<semaphore_mem>>
      %dma_start3A = arith.constant 0 : i32
      %dma_start3A_547 = tpu.memref_slice %arg10[%run_scoped3A_442, %dma_start3A] : memref<16x16xi32, #tpu.memory_space<vmem>> -> memref<1x16xi32, #tpu.memory_space<vmem>>
      %dma_start3A_548 = tpu.memref_squeeze %dma_start3A_547 : memref<1x16xi32, #tpu.memory_space<vmem>> -> memref<16xi32, #tpu.memory_space<vmem>>
      %dma_start3A_549 = arith.constant 0 : i32
      %dma_start3A_550 = tpu.memref_slice %arg4[%arg0, %run_scoped3A_440, %run_scoped3A_441, %dma_start3A_549] : memref<2x16x17x4096xi32, #tpu.memory_space<hbm>> -> memref<1x1x1x16xi32, #tpu.memory_space<hbm>>
      %dma_start3A_551 = tpu.memref_squeeze %dma_start3A_550 : memref<1x1x1x16xi32, #tpu.memory_space<hbm>> -> memref<16xi32, #tpu.memory_space<hbm>>
      %dma_start3A_552 = arith.constant 0 : i32
      %dma_start3A_553 = tpu.memref_slice %arg10[%run_scoped3A_442, %dma_start3A_552] : memref<16x16xi32, #tpu.memory_space<vmem>> -> memref<1x16xi32, #tpu.memory_space<vmem>>
      %dma_start3A_554 = tpu.memref_squeeze %dma_start3A_553 : memref<1x16xi32, #tpu.memory_space<vmem>> -> memref<16xi32, #tpu.memory_space<vmem>>
      %dma_start3A_555 = arith.constant 0 : i32
      %dma_start3A_556 = tpu.memref_slice %arg4[%arg0, %run_scoped3A_440, %run_scoped3A_441, %dma_start3A_555] : memref<2x16x17x4096xi32, #tpu.memory_space<hbm>> -> memref<1x1x1x16xi32, #tpu.memory_space<hbm>>
      %dma_start3A_557 = tpu.memref_squeeze %dma_start3A_556 : memref<1x1x1x16xi32, #tpu.memory_space<hbm>> -> memref<16xi32, #tpu.memory_space<hbm>>
      tpu.enqueue_dma source(%dma_start3A_557 : memref<16xi32, #tpu.memory_space<hbm>>) target(%dma_start3A_554 : memref<16xi32, #tpu.memory_space<vmem>>) target_semaphore(%run_scoped3A_546 : memref<!tpu.dma_semaphore, #tpu.memory_space<semaphore_mem>>)
      %dma_wait3A = arith.constant 0 : i32
      %dma_wait3A_558 = tpu.memref_slice %arg10[%run_scoped3A_442, %dma_wait3A] : memref<16x16xi32, #tpu.memory_space<vmem>> -> memref<1x16xi32, #tpu.memory_space<vmem>>
      %dma_wait3A_559 = tpu.memref_squeeze %dma_wait3A_558 : memref<1x16xi32, #tpu.memory_space<vmem>> -> memref<16xi32, #tpu.memory_space<vmem>>
      %dma_wait3A_560 = arith.constant 0 : i32
      %dma_wait3A_561 = tpu.memref_slice %arg4[%arg0, %run_scoped3A_440, %run_scoped3A_441, %dma_wait3A_560] : memref<2x16x17x4096xi32, #tpu.memory_space<hbm>> -> memref<1x1x1x16xi32, #tpu.memory_space<hbm>>
      %dma_wait3A_562 = tpu.memref_squeeze %dma_wait3A_561 : memref<1x1x1x16xi32, #tpu.memory_space<hbm>> -> memref<16xi32, #tpu.memory_space<hbm>>
      %dma_wait3A_563 = arith.constant 0 : i32
      %dma_wait3A_564 = tpu.memref_slice %arg10[%run_scoped3A_442, %dma_wait3A_563] : memref<16x16xi32, #tpu.memory_space<vmem>> -> memref<1x16xi32, #tpu.memory_space<vmem>>
      %dma_wait3A_565 = tpu.memref_squeeze %dma_wait3A_564 : memref<1x16xi32, #tpu.memory_space<vmem>> -> memref<16xi32, #tpu.memory_space<vmem>>
      %dma_wait3A_566 = arith.constant 0 : i32
      %dma_wait3A_567 = tpu.memref_slice %arg4[%arg0, %run_scoped3A_440, %run_scoped3A_441, %dma_wait3A_566] : memref<2x16x17x4096xi32, #tpu.memory_space<hbm>> -> memref<1x1x1x16xi32, #tpu.memory_space<hbm>>
      %dma_wait3A_568 = tpu.memref_squeeze %dma_wait3A_567 : memref<1x1x1x16xi32, #tpu.memory_space<hbm>> -> memref<16xi32, #tpu.memory_space<hbm>>
      tpu.wait_dma2 semaphore(%run_scoped3A_546 : memref<!tpu.dma_semaphore, #tpu.memory_space<semaphore_mem>>) src(%dma_wait3A_568 : memref<16xi32, #tpu.memory_space<hbm>>) dst(%dma_wait3A_565 : memref<16xi32, #tpu.memory_space<vmem>>)
      tpu.yield
    }) : () -> ()
    %run_scoped3A_443 = arith.constant 9 : i32
    %run_scoped3A_444 = arith.constant 16 : i32
    %run_scoped3A_445 = arith.constant 9 : i32
    "tpu.region"() ({
      %run_scoped3A_546 = tpu.sem_alloc : memref<!tpu.dma_semaphore, #tpu.memory_space<semaphore_mem>>
      %dma_start3A = arith.constant 0 : i32
      %dma_start3A_547 = tpu.memref_slice %arg10[%run_scoped3A_445, %dma_start3A] : memref<16x16xi32, #tpu.memory_space<vmem>> -> memref<1x16xi32, #tpu.memory_space<vmem>>
      %dma_start3A_548 = tpu.memref_squeeze %dma_start3A_547 : memref<1x16xi32, #tpu.memory_space<vmem>> -> memref<16xi32, #tpu.memory_space<vmem>>
      %dma_start3A_549 = arith.constant 0 : i32
      %dma_start3A_550 = tpu.memref_slice %arg4[%arg0, %run_scoped3A_443, %run_scoped3A_444, %dma_start3A_549] : memref<2x16x17x4096xi32, #tpu.memory_space<hbm>> -> memref<1x1x1x16xi32, #tpu.memory_space<hbm>>
      %dma_start3A_551 = tpu.memref_squeeze %dma_start3A_550 : memref<1x1x1x16xi32, #tpu.memory_space<hbm>> -> memref<16xi32, #tpu.memory_space<hbm>>
      %dma_start3A_552 = arith.constant 0 : i32
      %dma_start3A_553 = tpu.memref_slice %arg10[%run_scoped3A_445, %dma_start3A_552] : memref<16x16xi32, #tpu.memory_space<vmem>> -> memref<1x16xi32, #tpu.memory_space<vmem>>
      %dma_start3A_554 = tpu.memref_squeeze %dma_start3A_553 : memref<1x16xi32, #tpu.memory_space<vmem>> -> memref<16xi32, #tpu.memory_space<vmem>>
      %dma_start3A_555 = arith.constant 0 : i32
      %dma_start3A_556 = tpu.memref_slice %arg4[%arg0, %run_scoped3A_443, %run_scoped3A_444, %dma_start3A_555] : memref<2x16x17x4096xi32, #tpu.memory_space<hbm>> -> memref<1x1x1x16xi32, #tpu.memory_space<hbm>>
      %dma_start3A_557 = tpu.memref_squeeze %dma_start3A_556 : memref<1x1x1x16xi32, #tpu.memory_space<hbm>> -> memref<16xi32, #tpu.memory_space<hbm>>
      tpu.enqueue_dma source(%dma_start3A_557 : memref<16xi32, #tpu.memory_space<hbm>>) target(%dma_start3A_554 : memref<16xi32, #tpu.memory_space<vmem>>) target_semaphore(%run_scoped3A_546 : memref<!tpu.dma_semaphore, #tpu.memory_space<semaphore_mem>>)
      %dma_wait3A = arith.constant 0 : i32
      %dma_wait3A_558 = tpu.memref_slice %arg10[%run_scoped3A_445, %dma_wait3A] : memref<16x16xi32, #tpu.memory_space<vmem>> -> memref<1x16xi32, #tpu.memory_space<vmem>>
      %dma_wait3A_559 = tpu.memref_squeeze %dma_wait3A_558 : memref<1x16xi32, #tpu.memory_space<vmem>> -> memref<16xi32, #tpu.memory_space<vmem>>
      %dma_wait3A_560 = arith.constant 0 : i32
      %dma_wait3A_561 = tpu.memref_slice %arg4[%arg0, %run_scoped3A_443, %run_scoped3A_444, %dma_wait3A_560] : memref<2x16x17x4096xi32, #tpu.memory_space<hbm>> -> memref<1x1x1x16xi32, #tpu.memory_space<hbm>>
      %dma_wait3A_562 = tpu.memref_squeeze %dma_wait3A_561 : memref<1x1x1x16xi32, #tpu.memory_space<hbm>> -> memref<16xi32, #tpu.memory_space<hbm>>
      %dma_wait3A_563 = arith.constant 0 : i32
      %dma_wait3A_564 = tpu.memref_slice %arg10[%run_scoped3A_445, %dma_wait3A_563] : memref<16x16xi32, #tpu.memory_space<vmem>> -> memref<1x16xi32, #tpu.memory_space<vmem>>
      %dma_wait3A_565 = tpu.memref_squeeze %dma_wait3A_564 : memref<1x16xi32, #tpu.memory_space<vmem>> -> memref<16xi32, #tpu.memory_space<vmem>>
      %dma_wait3A_566 = arith.constant 0 : i32
      %dma_wait3A_567 = tpu.memref_slice %arg4[%arg0, %run_scoped3A_443, %run_scoped3A_444, %dma_wait3A_566] : memref<2x16x17x4096xi32, #tpu.memory_space<hbm>> -> memref<1x1x1x16xi32, #tpu.memory_space<hbm>>
      %dma_wait3A_568 = tpu.memref_squeeze %dma_wait3A_567 : memref<1x1x1x16xi32, #tpu.memory_space<hbm>> -> memref<16xi32, #tpu.memory_space<hbm>>
      tpu.wait_dma2 semaphore(%run_scoped3A_546 : memref<!tpu.dma_semaphore, #tpu.memory_space<semaphore_mem>>) src(%dma_wait3A_568 : memref<16xi32, #tpu.memory_space<hbm>>) dst(%dma_wait3A_565 : memref<16xi32, #tpu.memory_space<vmem>>)
      tpu.yield
    }) : () -> ()
    %run_scoped3A_446 = arith.constant 10 : i32
    %run_scoped3A_447 = arith.constant 16 : i32
    %run_scoped3A_448 = arith.constant 10 : i32
    "tpu.region"() ({
      %run_scoped3A_546 = tpu.sem_alloc : memref<!tpu.dma_semaphore, #tpu.memory_space<semaphore_mem>>
      %dma_start3A = arith.constant 0 : i32
      %dma_start3A_547 = tpu.memref_slice %arg10[%run_scoped3A_448, %dma_start3A] : memref<16x16xi32, #tpu.memory_space<vmem>> -> memref<1x16xi32, #tpu.memory_space<vmem>>
      %dma_start3A_548 = tpu.memref_squeeze %dma_start3A_547 : memref<1x16xi32, #tpu.memory_space<vmem>> -> memref<16xi32, #tpu.memory_space<vmem>>
      %dma_start3A_549 = arith.constant 0 : i32
      %dma_start3A_550 = tpu.memref_slice %arg4[%arg0, %run_scoped3A_446, %run_scoped3A_447, %dma_start3A_549] : memref<2x16x17x4096xi32, #tpu.memory_space<hbm>> -> memref<1x1x1x16xi32, #tpu.memory_space<hbm>>
      %dma_start3A_551 = tpu.memref_squeeze %dma_start3A_550 : memref<1x1x1x16xi32, #tpu.memory_space<hbm>> -> memref<16xi32, #tpu.memory_space<hbm>>
      %dma_start3A_552 = arith.constant 0 : i32
      %dma_start3A_553 = tpu.memref_slice %arg10[%run_scoped3A_448, %dma_start3A_552] : memref<16x16xi32, #tpu.memory_space<vmem>> -> memref<1x16xi32, #tpu.memory_space<vmem>>
      %dma_start3A_554 = tpu.memref_squeeze %dma_start3A_553 : memref<1x16xi32, #tpu.memory_space<vmem>> -> memref<16xi32, #tpu.memory_space<vmem>>
      %dma_start3A_555 = arith.constant 0 : i32
      %dma_start3A_556 = tpu.memref_slice %arg4[%arg0, %run_scoped3A_446, %run_scoped3A_447, %dma_start3A_555] : memref<2x16x17x4096xi32, #tpu.memory_space<hbm>> -> memref<1x1x1x16xi32, #tpu.memory_space<hbm>>
      %dma_start3A_557 = tpu.memref_squeeze %dma_start3A_556 : memref<1x1x1x16xi32, #tpu.memory_space<hbm>> -> memref<16xi32, #tpu.memory_space<hbm>>
      tpu.enqueue_dma source(%dma_start3A_557 : memref<16xi32, #tpu.memory_space<hbm>>) target(%dma_start3A_554 : memref<16xi32, #tpu.memory_space<vmem>>) target_semaphore(%run_scoped3A_546 : memref<!tpu.dma_semaphore, #tpu.memory_space<semaphore_mem>>)
      %dma_wait3A = arith.constant 0 : i32
      %dma_wait3A_558 = tpu.memref_slice %arg10[%run_scoped3A_448, %dma_wait3A] : memref<16x16xi32, #tpu.memory_space<vmem>> -> memref<1x16xi32, #tpu.memory_space<vmem>>
      %dma_wait3A_559 = tpu.memref_squeeze %dma_wait3A_558 : memref<1x16xi32, #tpu.memory_space<vmem>> -> memref<16xi32, #tpu.memory_space<vmem>>
      %dma_wait3A_560 = arith.constant 0 : i32
      %dma_wait3A_561 = tpu.memref_slice %arg4[%arg0, %run_scoped3A_446, %run_scoped3A_447, %dma_wait3A_560] : memref<2x16x17x4096xi32, #tpu.memory_space<hbm>> -> memref<1x1x1x16xi32, #tpu.memory_space<hbm>>
      %dma_wait3A_562 = tpu.memref_squeeze %dma_wait3A_561 : memref<1x1x1x16xi32, #tpu.memory_space<hbm>> -> memref<16xi32, #tpu.memory_space<hbm>>
      %dma_wait3A_563 = arith.constant 0 : i32
      %dma_wait3A_564 = tpu.memref_slice %arg10[%run_scoped3A_448, %dma_wait3A_563] : memref<16x16xi32, #tpu.memory_space<vmem>> -> memref<1x16xi32, #tpu.memory_space<vmem>>
      %dma_wait3A_565 = tpu.memref_squeeze %dma_wait3A_564 : memref<1x16xi32, #tpu.memory_space<vmem>> -> memref<16xi32, #tpu.memory_space<vmem>>
      %dma_wait3A_566 = arith.constant 0 : i32
      %dma_wait3A_567 = tpu.memref_slice %arg4[%arg0, %run_scoped3A_446, %run_scoped3A_447, %dma_wait3A_566] : memref<2x16x17x4096xi32, #tpu.memory_space<hbm>> -> memref<1x1x1x16xi32, #tpu.memory_space<hbm>>
      %dma_wait3A_568 = tpu.memref_squeeze %dma_wait3A_567 : memref<1x1x1x16xi32, #tpu.memory_space<hbm>> -> memref<16xi32, #tpu.memory_space<hbm>>
      tpu.wait_dma2 semaphore(%run_scoped3A_546 : memref<!tpu.dma_semaphore, #tpu.memory_space<semaphore_mem>>) src(%dma_wait3A_568 : memref<16xi32, #tpu.memory_space<hbm>>) dst(%dma_wait3A_565 : memref<16xi32, #tpu.memory_space<vmem>>)
      tpu.yield
    }) : () -> ()
    %run_scoped3A_449 = arith.constant 11 : i32
    %run_scoped3A_450 = arith.constant 16 : i32
    %run_scoped3A_451 = arith.constant 11 : i32
    "tpu.region"() ({
      %run_scoped3A_546 = tpu.sem_alloc : memref<!tpu.dma_semaphore, #tpu.memory_space<semaphore_mem>>
      %dma_start3A = arith.constant 0 : i32
      %dma_start3A_547 = tpu.memref_slice %arg10[%run_scoped3A_451, %dma_start3A] : memref<16x16xi32, #tpu.memory_space<vmem>> -> memref<1x16xi32, #tpu.memory_space<vmem>>
      %dma_start3A_548 = tpu.memref_squeeze %dma_start3A_547 : memref<1x16xi32, #tpu.memory_space<vmem>> -> memref<16xi32, #tpu.memory_space<vmem>>
      %dma_start3A_549 = arith.constant 0 : i32
      %dma_start3A_550 = tpu.memref_slice %arg4[%arg0, %run_scoped3A_449, %run_scoped3A_450, %dma_start3A_549] : memref<2x16x17x4096xi32, #tpu.memory_space<hbm>> -> memref<1x1x1x16xi32, #tpu.memory_space<hbm>>
      %dma_start3A_551 = tpu.memref_squeeze %dma_start3A_550 : memref<1x1x1x16xi32, #tpu.memory_space<hbm>> -> memref<16xi32, #tpu.memory_space<hbm>>
      %dma_start3A_552 = arith.constant 0 : i32
      %dma_start3A_553 = tpu.memref_slice %arg10[%run_scoped3A_451, %dma_start3A_552] : memref<16x16xi32, #tpu.memory_space<vmem>> -> memref<1x16xi32, #tpu.memory_space<vmem>>
      %dma_start3A_554 = tpu.memref_squeeze %dma_start3A_553 : memref<1x16xi32, #tpu.memory_space<vmem>> -> memref<16xi32, #tpu.memory_space<vmem>>
      %dma_start3A_555 = arith.constant 0 : i32
      %dma_start3A_556 = tpu.memref_slice %arg4[%arg0, %run_scoped3A_449, %run_scoped3A_450, %dma_start3A_555] : memref<2x16x17x4096xi32, #tpu.memory_space<hbm>> -> memref<1x1x1x16xi32, #tpu.memory_space<hbm>>
      %dma_start3A_557 = tpu.memref_squeeze %dma_start3A_556 : memref<1x1x1x16xi32, #tpu.memory_space<hbm>> -> memref<16xi32, #tpu.memory_space<hbm>>
      tpu.enqueue_dma source(%dma_start3A_557 : memref<16xi32, #tpu.memory_space<hbm>>) target(%dma_start3A_554 : memref<16xi32, #tpu.memory_space<vmem>>) target_semaphore(%run_scoped3A_546 : memref<!tpu.dma_semaphore, #tpu.memory_space<semaphore_mem>>)
      %dma_wait3A = arith.constant 0 : i32
      %dma_wait3A_558 = tpu.memref_slice %arg10[%run_scoped3A_451, %dma_wait3A] : memref<16x16xi32, #tpu.memory_space<vmem>> -> memref<1x16xi32, #tpu.memory_space<vmem>>
      %dma_wait3A_559 = tpu.memref_squeeze %dma_wait3A_558 : memref<1x16xi32, #tpu.memory_space<vmem>> -> memref<16xi32, #tpu.memory_space<vmem>>
      %dma_wait3A_560 = arith.constant 0 : i32
      %dma_wait3A_561 = tpu.memref_slice %arg4[%arg0, %run_scoped3A_449, %run_scoped3A_450, %dma_wait3A_560] : memref<2x16x17x4096xi32, #tpu.memory_space<hbm>> -> memref<1x1x1x16xi32, #tpu.memory_space<hbm>>
      %dma_wait3A_562 = tpu.memref_squeeze %dma_wait3A_561 : memref<1x1x1x16xi32, #tpu.memory_space<hbm>> -> memref<16xi32, #tpu.memory_space<hbm>>
      %dma_wait3A_563 = arith.constant 0 : i32
      %dma_wait3A_564 = tpu.memref_slice %arg10[%run_scoped3A_451, %dma_wait3A_563] : memref<16x16xi32, #tpu.memory_space<vmem>> -> memref<1x16xi32, #tpu.memory_space<vmem>>
      %dma_wait3A_565 = tpu.memref_squeeze %dma_wait3A_564 : memref<1x16xi32, #tpu.memory_space<vmem>> -> memref<16xi32, #tpu.memory_space<vmem>>
      %dma_wait3A_566 = arith.constant 0 : i32
      %dma_wait3A_567 = tpu.memref_slice %arg4[%arg0, %run_scoped3A_449, %run_scoped3A_450, %dma_wait3A_566] : memref<2x16x17x4096xi32, #tpu.memory_space<hbm>> -> memref<1x1x1x16xi32, #tpu.memory_space<hbm>>
      %dma_wait3A_568 = tpu.memref_squeeze %dma_wait3A_567 : memref<1x1x1x16xi32, #tpu.memory_space<hbm>> -> memref<16xi32, #tpu.memory_space<hbm>>
      tpu.wait_dma2 semaphore(%run_scoped3A_546 : memref<!tpu.dma_semaphore, #tpu.memory_space<semaphore_mem>>) src(%dma_wait3A_568 : memref<16xi32, #tpu.memory_space<hbm>>) dst(%dma_wait3A_565 : memref<16xi32, #tpu.memory_space<vmem>>)
      tpu.yield
    }) : () -> ()
    %run_scoped3A_452 = arith.constant 12 : i32
    %run_scoped3A_453 = arith.constant 16 : i32
    %run_scoped3A_454 = arith.constant 12 : i32
    "tpu.region"() ({
      %run_scoped3A_546 = tpu.sem_alloc : memref<!tpu.dma_semaphore, #tpu.memory_space<semaphore_mem>>
      %dma_start3A = arith.constant 0 : i32
      %dma_start3A_547 = tpu.memref_slice %arg10[%run_scoped3A_454, %dma_start3A] : memref<16x16xi32, #tpu.memory_space<vmem>> -> memref<1x16xi32, #tpu.memory_space<vmem>>
      %dma_start3A_548 = tpu.memref_squeeze %dma_start3A_547 : memref<1x16xi32, #tpu.memory_space<vmem>> -> memref<16xi32, #tpu.memory_space<vmem>>
      %dma_start3A_549 = arith.constant 0 : i32
      %dma_start3A_550 = tpu.memref_slice %arg4[%arg0, %run_scoped3A_452, %run_scoped3A_453, %dma_start3A_549] : memref<2x16x17x4096xi32, #tpu.memory_space<hbm>> -> memref<1x1x1x16xi32, #tpu.memory_space<hbm>>
      %dma_start3A_551 = tpu.memref_squeeze %dma_start3A_550 : memref<1x1x1x16xi32, #tpu.memory_space<hbm>> -> memref<16xi32, #tpu.memory_space<hbm>>
      %dma_start3A_552 = arith.constant 0 : i32
      %dma_start3A_553 = tpu.memref_slice %arg10[%run_scoped3A_454, %dma_start3A_552] : memref<16x16xi32, #tpu.memory_space<vmem>> -> memref<1x16xi32, #tpu.memory_space<vmem>>
      %dma_start3A_554 = tpu.memref_squeeze %dma_start3A_553 : memref<1x16xi32, #tpu.memory_space<vmem>> -> memref<16xi32, #tpu.memory_space<vmem>>
      %dma_start3A_555 = arith.constant 0 : i32
      %dma_start3A_556 = tpu.memref_slice %arg4[%arg0, %run_scoped3A_452, %run_scoped3A_453, %dma_start3A_555] : memref<2x16x17x4096xi32, #tpu.memory_space<hbm>> -> memref<1x1x1x16xi32, #tpu.memory_space<hbm>>
      %dma_start3A_557 = tpu.memref_squeeze %dma_start3A_556 : memref<1x1x1x16xi32, #tpu.memory_space<hbm>> -> memref<16xi32, #tpu.memory_space<hbm>>
      tpu.enqueue_dma source(%dma_start3A_557 : memref<16xi32, #tpu.memory_space<hbm>>) target(%dma_start3A_554 : memref<16xi32, #tpu.memory_space<vmem>>) target_semaphore(%run_scoped3A_546 : memref<!tpu.dma_semaphore, #tpu.memory_space<semaphore_mem>>)
      %dma_wait3A = arith.constant 0 : i32
      %dma_wait3A_558 = tpu.memref_slice %arg10[%run_scoped3A_454, %dma_wait3A] : memref<16x16xi32, #tpu.memory_space<vmem>> -> memref<1x16xi32, #tpu.memory_space<vmem>>
      %dma_wait3A_559 = tpu.memref_squeeze %dma_wait3A_558 : memref<1x16xi32, #tpu.memory_space<vmem>> -> memref<16xi32, #tpu.memory_space<vmem>>
      %dma_wait3A_560 = arith.constant 0 : i32
      %dma_wait3A_561 = tpu.memref_slice %arg4[%arg0, %run_scoped3A_452, %run_scoped3A_453, %dma_wait3A_560] : memref<2x16x17x4096xi32, #tpu.memory_space<hbm>> -> memref<1x1x1x16xi32, #tpu.memory_space<hbm>>
      %dma_wait3A_562 = tpu.memref_squeeze %dma_wait3A_561 : memref<1x1x1x16xi32, #tpu.memory_space<hbm>> -> memref<16xi32, #tpu.memory_space<hbm>>
      %dma_wait3A_563 = arith.constant 0 : i32
      %dma_wait3A_564 = tpu.memref_slice %arg10[%run_scoped3A_454, %dma_wait3A_563] : memref<16x16xi32, #tpu.memory_space<vmem>> -> memref<1x16xi32, #tpu.memory_space<vmem>>
      %dma_wait3A_565 = tpu.memref_squeeze %dma_wait3A_564 : memref<1x16xi32, #tpu.memory_space<vmem>> -> memref<16xi32, #tpu.memory_space<vmem>>
      %dma_wait3A_566 = arith.constant 0 : i32
      %dma_wait3A_567 = tpu.memref_slice %arg4[%arg0, %run_scoped3A_452, %run_scoped3A_453, %dma_wait3A_566] : memref<2x16x17x4096xi32, #tpu.memory_space<hbm>> -> memref<1x1x1x16xi32, #tpu.memory_space<hbm>>
      %dma_wait3A_568 = tpu.memref_squeeze %dma_wait3A_567 : memref<1x1x1x16xi32, #tpu.memory_space<hbm>> -> memref<16xi32, #tpu.memory_space<hbm>>
      tpu.wait_dma2 semaphore(%run_scoped3A_546 : memref<!tpu.dma_semaphore, #tpu.memory_space<semaphore_mem>>) src(%dma_wait3A_568 : memref<16xi32, #tpu.memory_space<hbm>>) dst(%dma_wait3A_565 : memref<16xi32, #tpu.memory_space<vmem>>)
      tpu.yield
    }) : () -> ()
    %run_scoped3A_455 = arith.constant 13 : i32
    %run_scoped3A_456 = arith.constant 16 : i32
    %run_scoped3A_457 = arith.constant 13 : i32
    "tpu.region"() ({
      %run_scoped3A_546 = tpu.sem_alloc : memref<!tpu.dma_semaphore, #tpu.memory_space<semaphore_mem>>
      %dma_start3A = arith.constant 0 : i32
      %dma_start3A_547 = tpu.memref_slice %arg10[%run_scoped3A_457, %dma_start3A] : memref<16x16xi32, #tpu.memory_space<vmem>> -> memref<1x16xi32, #tpu.memory_space<vmem>>
      %dma_start3A_548 = tpu.memref_squeeze %dma_start3A_547 : memref<1x16xi32, #tpu.memory_space<vmem>> -> memref<16xi32, #tpu.memory_space<vmem>>
      %dma_start3A_549 = arith.constant 0 : i32
      %dma_start3A_550 = tpu.memref_slice %arg4[%arg0, %run_scoped3A_455, %run_scoped3A_456, %dma_start3A_549] : memref<2x16x17x4096xi32, #tpu.memory_space<hbm>> -> memref<1x1x1x16xi32, #tpu.memory_space<hbm>>
      %dma_start3A_551 = tpu.memref_squeeze %dma_start3A_550 : memref<1x1x1x16xi32, #tpu.memory_space<hbm>> -> memref<16xi32, #tpu.memory_space<hbm>>
      %dma_start3A_552 = arith.constant 0 : i32
      %dma_start3A_553 = tpu.memref_slice %arg10[%run_scoped3A_457, %dma_start3A_552] : memref<16x16xi32, #tpu.memory_space<vmem>> -> memref<1x16xi32, #tpu.memory_space<vmem>>
      %dma_start3A_554 = tpu.memref_squeeze %dma_start3A_553 : memref<1x16xi32, #tpu.memory_space<vmem>> -> memref<16xi32, #tpu.memory_space<vmem>>
      %dma_start3A_555 = arith.constant 0 : i32
      %dma_start3A_556 = tpu.memref_slice %arg4[%arg0, %run_scoped3A_455, %run_scoped3A_456, %dma_start3A_555] : memref<2x16x17x4096xi32, #tpu.memory_space<hbm>> -> memref<1x1x1x16xi32, #tpu.memory_space<hbm>>
      %dma_start3A_557 = tpu.memref_squeeze %dma_start3A_556 : memref<1x1x1x16xi32, #tpu.memory_space<hbm>> -> memref<16xi32, #tpu.memory_space<hbm>>
      tpu.enqueue_dma source(%dma_start3A_557 : memref<16xi32, #tpu.memory_space<hbm>>) target(%dma_start3A_554 : memref<16xi32, #tpu.memory_space<vmem>>) target_semaphore(%run_scoped3A_546 : memref<!tpu.dma_semaphore, #tpu.memory_space<semaphore_mem>>)
      %dma_wait3A = arith.constant 0 : i32
      %dma_wait3A_558 = tpu.memref_slice %arg10[%run_scoped3A_457, %dma_wait3A] : memref<16x16xi32, #tpu.memory_space<vmem>> -> memref<1x16xi32, #tpu.memory_space<vmem>>
      %dma_wait3A_559 = tpu.memref_squeeze %dma_wait3A_558 : memref<1x16xi32, #tpu.memory_space<vmem>> -> memref<16xi32, #tpu.memory_space<vmem>>
      %dma_wait3A_560 = arith.constant 0 : i32
      %dma_wait3A_561 = tpu.memref_slice %arg4[%arg0, %run_scoped3A_455, %run_scoped3A_456, %dma_wait3A_560] : memref<2x16x17x4096xi32, #tpu.memory_space<hbm>> -> memref<1x1x1x16xi32, #tpu.memory_space<hbm>>
      %dma_wait3A_562 = tpu.memref_squeeze %dma_wait3A_561 : memref<1x1x1x16xi32, #tpu.memory_space<hbm>> -> memref<16xi32, #tpu.memory_space<hbm>>
      %dma_wait3A_563 = arith.constant 0 : i32
      %dma_wait3A_564 = tpu.memref_slice %arg10[%run_scoped3A_457, %dma_wait3A_563] : memref<16x16xi32, #tpu.memory_space<vmem>> -> memref<1x16xi32, #tpu.memory_space<vmem>>
      %dma_wait3A_565 = tpu.memref_squeeze %dma_wait3A_564 : memref<1x16xi32, #tpu.memory_space<vmem>> -> memref<16xi32, #tpu.memory_space<vmem>>
      %dma_wait3A_566 = arith.constant 0 : i32
      %dma_wait3A_567 = tpu.memref_slice %arg4[%arg0, %run_scoped3A_455, %run_scoped3A_456, %dma_wait3A_566] : memref<2x16x17x4096xi32, #tpu.memory_space<hbm>> -> memref<1x1x1x16xi32, #tpu.memory_space<hbm>>
      %dma_wait3A_568 = tpu.memref_squeeze %dma_wait3A_567 : memref<1x1x1x16xi32, #tpu.memory_space<hbm>> -> memref<16xi32, #tpu.memory_space<hbm>>
      tpu.wait_dma2 semaphore(%run_scoped3A_546 : memref<!tpu.dma_semaphore, #tpu.memory_space<semaphore_mem>>) src(%dma_wait3A_568 : memref<16xi32, #tpu.memory_space<hbm>>) dst(%dma_wait3A_565 : memref<16xi32, #tpu.memory_space<vmem>>)
      tpu.yield
    }) : () -> ()
    %run_scoped3A_458 = arith.constant 14 : i32
    %run_scoped3A_459 = arith.constant 16 : i32
    %run_scoped3A_460 = arith.constant 14 : i32
    "tpu.region"() ({
      %run_scoped3A_546 = tpu.sem_alloc : memref<!tpu.dma_semaphore, #tpu.memory_space<semaphore_mem>>
      %dma_start3A = arith.constant 0 : i32
      %dma_start3A_547 = tpu.memref_slice %arg10[%run_scoped3A_460, %dma_start3A] : memref<16x16xi32, #tpu.memory_space<vmem>> -> memref<1x16xi32, #tpu.memory_space<vmem>>
      %dma_start3A_548 = tpu.memref_squeeze %dma_start3A_547 : memref<1x16xi32, #tpu.memory_space<vmem>> -> memref<16xi32, #tpu.memory_space<vmem>>
      %dma_start3A_549 = arith.constant 0 : i32
      %dma_start3A_550 = tpu.memref_slice %arg4[%arg0, %run_scoped3A_458, %run_scoped3A_459, %dma_start3A_549] : memref<2x16x17x4096xi32, #tpu.memory_space<hbm>> -> memref<1x1x1x16xi32, #tpu.memory_space<hbm>>
      %dma_start3A_551 = tpu.memref_squeeze %dma_start3A_550 : memref<1x1x1x16xi32, #tpu.memory_space<hbm>> -> memref<16xi32, #tpu.memory_space<hbm>>
      %dma_start3A_552 = arith.constant 0 : i32
      %dma_start3A_553 = tpu.memref_slice %arg10[%run_scoped3A_460, %dma_start3A_552] : memref<16x16xi32, #tpu.memory_space<vmem>> -> memref<1x16xi32, #tpu.memory_space<vmem>>
      %dma_start3A_554 = tpu.memref_squeeze %dma_start3A_553 : memref<1x16xi32, #tpu.memory_space<vmem>> -> memref<16xi32, #tpu.memory_space<vmem>>
      %dma_start3A_555 = arith.constant 0 : i32
      %dma_start3A_556 = tpu.memref_slice %arg4[%arg0, %run_scoped3A_458, %run_scoped3A_459, %dma_start3A_555] : memref<2x16x17x4096xi32, #tpu.memory_space<hbm>> -> memref<1x1x1x16xi32, #tpu.memory_space<hbm>>
      %dma_start3A_557 = tpu.memref_squeeze %dma_start3A_556 : memref<1x1x1x16xi32, #tpu.memory_space<hbm>> -> memref<16xi32, #tpu.memory_space<hbm>>
      tpu.enqueue_dma source(%dma_start3A_557 : memref<16xi32, #tpu.memory_space<hbm>>) target(%dma_start3A_554 : memref<16xi32, #tpu.memory_space<vmem>>) target_semaphore(%run_scoped3A_546 : memref<!tpu.dma_semaphore, #tpu.memory_space<semaphore_mem>>)
      %dma_wait3A = arith.constant 0 : i32
      %dma_wait3A_558 = tpu.memref_slice %arg10[%run_scoped3A_460, %dma_wait3A] : memref<16x16xi32, #tpu.memory_space<vmem>> -> memref<1x16xi32, #tpu.memory_space<vmem>>
      %dma_wait3A_559 = tpu.memref_squeeze %dma_wait3A_558 : memref<1x16xi32, #tpu.memory_space<vmem>> -> memref<16xi32, #tpu.memory_space<vmem>>
      %dma_wait3A_560 = arith.constant 0 : i32
      %dma_wait3A_561 = tpu.memref_slice %arg4[%arg0, %run_scoped3A_458, %run_scoped3A_459, %dma_wait3A_560] : memref<2x16x17x4096xi32, #tpu.memory_space<hbm>> -> memref<1x1x1x16xi32, #tpu.memory_space<hbm>>
      %dma_wait3A_562 = tpu.memref_squeeze %dma_wait3A_561 : memref<1x1x1x16xi32, #tpu.memory_space<hbm>> -> memref<16xi32, #tpu.memory_space<hbm>>
      %dma_wait3A_563 = arith.constant 0 : i32
      %dma_wait3A_564 = tpu.memref_slice %arg10[%run_scoped3A_460, %dma_wait3A_563] : memref<16x16xi32, #tpu.memory_space<vmem>> -> memref<1x16xi32, #tpu.memory_space<vmem>>
      %dma_wait3A_565 = tpu.memref_squeeze %dma_wait3A_564 : memref<1x16xi32, #tpu.memory_space<vmem>> -> memref<16xi32, #tpu.memory_space<vmem>>
      %dma_wait3A_566 = arith.constant 0 : i32
      %dma_wait3A_567 = tpu.memref_slice %arg4[%arg0, %run_scoped3A_458, %run_scoped3A_459, %dma_wait3A_566] : memref<2x16x17x4096xi32, #tpu.memory_space<hbm>> -> memref<1x1x1x16xi32, #tpu.memory_space<hbm>>
      %dma_wait3A_568 = tpu.memref_squeeze %dma_wait3A_567 : memref<1x1x1x16xi32, #tpu.memory_space<hbm>> -> memref<16xi32, #tpu.memory_space<hbm>>
      tpu.wait_dma2 semaphore(%run_scoped3A_546 : memref<!tpu.dma_semaphore, #tpu.memory_space<semaphore_mem>>) src(%dma_wait3A_568 : memref<16xi32, #tpu.memory_space<hbm>>) dst(%dma_wait3A_565 : memref<16xi32, #tpu.memory_space<vmem>>)
      tpu.yield
    }) : () -> ()
    %run_scoped3A_461 = arith.constant 15 : i32
    %run_scoped3A_462 = arith.constant 16 : i32
    %run_scoped3A_463 = arith.constant 15 : i32
    "tpu.region"() ({
      %run_scoped3A_546 = tpu.sem_alloc : memref<!tpu.dma_semaphore, #tpu.memory_space<semaphore_mem>>
      %dma_start3A = arith.constant 0 : i32
      %dma_start3A_547 = tpu.memref_slice %arg10[%run_scoped3A_463, %dma_start3A] : memref<16x16xi32, #tpu.memory_space<vmem>> -> memref<1x16xi32, #tpu.memory_space<vmem>>
      %dma_start3A_548 = tpu.memref_squeeze %dma_start3A_547 : memref<1x16xi32, #tpu.memory_space<vmem>> -> memref<16xi32, #tpu.memory_space<vmem>>
      %dma_start3A_549 = arith.constant 0 : i32
      %dma_start3A_550 = tpu.memref_slice %arg4[%arg0, %run_scoped3A_461, %run_scoped3A_462, %dma_start3A_549] : memref<2x16x17x4096xi32, #tpu.memory_space<hbm>> -> memref<1x1x1x16xi32, #tpu.memory_space<hbm>>
      %dma_start3A_551 = tpu.memref_squeeze %dma_start3A_550 : memref<1x1x1x16xi32, #tpu.memory_space<hbm>> -> memref<16xi32, #tpu.memory_space<hbm>>
      %dma_start3A_552 = arith.constant 0 : i32
      %dma_start3A_553 = tpu.memref_slice %arg10[%run_scoped3A_463, %dma_start3A_552] : memref<16x16xi32, #tpu.memory_space<vmem>> -> memref<1x16xi32, #tpu.memory_space<vmem>>
      %dma_start3A_554 = tpu.memref_squeeze %dma_start3A_553 : memref<1x16xi32, #tpu.memory_space<vmem>> -> memref<16xi32, #tpu.memory_space<vmem>>
      %dma_start3A_555 = arith.constant 0 : i32
      %dma_start3A_556 = tpu.memref_slice %arg4[%arg0, %run_scoped3A_461, %run_scoped3A_462, %dma_start3A_555] : memref<2x16x17x4096xi32, #tpu.memory_space<hbm>> -> memref<1x1x1x16xi32, #tpu.memory_space<hbm>>
      %dma_start3A_557 = tpu.memref_squeeze %dma_start3A_556 : memref<1x1x1x16xi32, #tpu.memory_space<hbm>> -> memref<16xi32, #tpu.memory_space<hbm>>
      tpu.enqueue_dma source(%dma_start3A_557 : memref<16xi32, #tpu.memory_space<hbm>>) target(%dma_start3A_554 : memref<16xi32, #tpu.memory_space<vmem>>) target_semaphore(%run_scoped3A_546 : memref<!tpu.dma_semaphore, #tpu.memory_space<semaphore_mem>>)
      %dma_wait3A = arith.constant 0 : i32
      %dma_wait3A_558 = tpu.memref_slice %arg10[%run_scoped3A_463, %dma_wait3A] : memref<16x16xi32, #tpu.memory_space<vmem>> -> memref<1x16xi32, #tpu.memory_space<vmem>>
      %dma_wait3A_559 = tpu.memref_squeeze %dma_wait3A_558 : memref<1x16xi32, #tpu.memory_space<vmem>> -> memref<16xi32, #tpu.memory_space<vmem>>
      %dma_wait3A_560 = arith.constant 0 : i32
      %dma_wait3A_561 = tpu.memref_slice %arg4[%arg0, %run_scoped3A_461, %run_scoped3A_462, %dma_wait3A_560] : memref<2x16x17x4096xi32, #tpu.memory_space<hbm>> -> memref<1x1x1x16xi32, #tpu.memory_space<hbm>>
      %dma_wait3A_562 = tpu.memref_squeeze %dma_wait3A_561 : memref<1x1x1x16xi32, #tpu.memory_space<hbm>> -> memref<16xi32, #tpu.memory_space<hbm>>
      %dma_wait3A_563 = arith.constant 0 : i32
      %dma_wait3A_564 = tpu.memref_slice %arg10[%run_scoped3A_463, %dma_wait3A_563] : memref<16x16xi32, #tpu.memory_space<vmem>> -> memref<1x16xi32, #tpu.memory_space<vmem>>
      %dma_wait3A_565 = tpu.memref_squeeze %dma_wait3A_564 : memref<1x16xi32, #tpu.memory_space<vmem>> -> memref<16xi32, #tpu.memory_space<vmem>>
      %dma_wait3A_566 = arith.constant 0 : i32
      %dma_wait3A_567 = tpu.memref_slice %arg4[%arg0, %run_scoped3A_461, %run_scoped3A_462, %dma_wait3A_566] : memref<2x16x17x4096xi32, #tpu.memory_space<hbm>> -> memref<1x1x1x16xi32, #tpu.memory_space<hbm>>
      %dma_wait3A_568 = tpu.memref_squeeze %dma_wait3A_567 : memref<1x1x1x16xi32, #tpu.memory_space<hbm>> -> memref<16xi32, #tpu.memory_space<hbm>>
      tpu.wait_dma2 semaphore(%run_scoped3A_546 : memref<!tpu.dma_semaphore, #tpu.memory_space<semaphore_mem>>) src(%dma_wait3A_568 : memref<16xi32, #tpu.memory_space<hbm>>) dst(%dma_wait3A_565 : memref<16xi32, #tpu.memory_space<vmem>>)
      tpu.yield
    }) : () -> ()
    %scan3A_464 = arith.constant 0 : i32
    %scan3A_465 = arith.constant -1 : i32
    %scan3A_466 = arith.constant 0 : i32
    %scan3A_467 = arith.constant 0 : i32
    %scan3A_468 = arith.constant 16 : i32
    %scan3A_469 = arith.addi %scan3A_467, %scan3A_468 : i32
    %scan3A_470 = arith.constant 1 : i32
    %scan3A_471:3 = scf.for %scan3A_546 = %scan3A_467 to %scan3A_469 step %scan3A_470 iter_args(%scan3A_547 = %scan3A_464, %scan3A_548 = %scan3A_465, %scan3A_549 = %scan3A_466) -> (i32, i32, i32)  : i32 {
      %sub3A_550 = arith.constant 15 : i32
      %sub3A_551 = arith.subi %sub3A_550, %scan3A_546 : i32
      %get3A_552 = arith.index_cast %sub3A_551 : i32 to index
      %get3A_553 = arith.constant 0 : index
      %get3A_554 = tpu.vector_load %arg10[%get3A_552, %get3A_553] {strides = array<i32>} : memref<16x16xi32, #tpu.memory_space<vmem>>, vector<16xi32>,
      %eq3A_555 = arith.constant 0 : i32
      %eq3A_556 = vector.broadcast %eq3A_555 : i32 to vector<16xi32>
      %eq3A_557 = arith.cmpi eq, %iota3A, %eq3A_556 : vector<16xi32>
      %broadcast_in_dim3A_558 = arith.constant 0 : i32
      %broadcast_in_dim3A_559 = vector.broadcast %broadcast_in_dim3A_558 : i32 to vector<16xi32>
      %select_n3A_560 = arith.select %eq3A_557, %get3A_554, %broadcast_in_dim3A_559 : vector<16xi1>, vector<16xi32>
      %reduce_sum3A_561 = arith.constant true
      %reduce_sum3A_562 = vector.broadcast %reduce_sum3A_561 : i1 to vector<16xi1>
      %reduce_sum3A_563 = tpu.scan <sum>, %select_n3A_560 masked %reduce_sum3A_562 : vector<16xi32>, vector<16xi1> -> vector<16xi32>
      %reduce_sum3A_564 = vector.extract %reduce_sum3A_563[15] : i32 from vector<16xi32>
      %add3A = arith.addi %scan3A_547, %reduce_sum3A_564 : i32
      %lt3A = arith.constant 0 : i32
      %lt3A_565 = arith.cmpi slt, %scan3A_548, %lt3A : i32
      %ge3A_566 = arith.cmpi sge, %add3A, %sub3A : i32
      %and3A_567 = arith.andi %lt3A_565, %ge3A_566 : i1
      %select_n3A_568 = arith.select %and3A_567, %sub3A_551, %scan3A_548 : i32
      %select_n3A_569 = arith.select %and3A_567, %scan3A_547, %scan3A_549 : i32
      scf.yield %add3A, %select_n3A_568, %select_n3A_569 : i32, i32, i32
    }
    %scan3A_472 = arith.constant 16 : i32
    %scan3A_473 = arith.constant -1 : i32
    %scan3A_474 = arith.constant 0 : i32
    %scan3A_475 = arith.constant 0 : i32
    %scan3A_476 = arith.constant 256 : i32
    %scan3A_477 = arith.addi %scan3A_475, %scan3A_476 : i32
    %scan3A_478 = arith.constant 1 : i32
    %scan3A_479:3 = scf.for %scan3A_546 = %scan3A_475 to %scan3A_477 step %scan3A_478 iter_args(%scan3A_547 = %scan3A_471#2, %scan3A_548 = %scan3A_473, %scan3A_549 = %scan3A_474) -> (i32, i32, i32)  : i32 {
      %sub3A_550 = arith.constant 255 : i32
      %sub3A_551 = arith.subi %sub3A_550, %scan3A_546 : i32
      %mul3A = arith.constant 16 : i32
      %mul3A_552 = arith.muli %sub3A_551, %mul3A : i32
      %get3A_553 = arith.index_cast %mul3A_552 : i32 to index
      %get3A_554 = tpu.vector_load %arg7[%get3A_553] {strides = array<i32>} : memref<4096xi32, #tpu.memory_space<vmem>>, vector<16xi32>,
      %rev3A = arith.constant 15 : i32
      %rev3A_555 = vector.broadcast %rev3A : i32 to vector<16xi32>
      %rev3A_556 = tpu.iota {dimensions = array<i32: 0>} : vector<16xi32>
      %rev3A_557 = arith.subi %rev3A_555, %rev3A_556 : vector<16xi32>
      %rev3A_558 = tpu.dynamic_gather %get3A_554[%rev3A_557] in [0] : vector<16xi32>, vector<16xi32> -> vector<16xi32>
      %broadcast_in_dim3A_559 = arith.constant true
      %broadcast_in_dim3A_560 = vector.broadcast %broadcast_in_dim3A_559 : i1 to vector<16xi1>
      %masked_cumsum3A = tpu.scan <sum>, %rev3A_558 masked %broadcast_in_dim3A_560 : vector<16xi32>, vector<16xi1> -> vector<16xi32>
      %broadcast_in_dim3A_561 = vector.broadcast %scan3A_547 : i32 to vector<16xi32>
      %add3A = arith.addi %broadcast_in_dim3A_561, %masked_cumsum3A : vector<16xi32>
      %broadcast_in_dim3A_562 = vector.broadcast %sub3A : i32 to vector<16xi32>
      %ge3A_563 = arith.cmpi sge, %add3A, %broadcast_in_dim3A_562 : vector<16xi32>
      %convert_element_type3A_564 = arith.extui %ge3A_563 : vector<16xi1> to vector<16xi32>
      %reduce_max3A = arith.constant true
      %reduce_max3A_565 = vector.broadcast %reduce_max3A : i1 to vector<16xi1>
      %reduce_max3A_566 = arith.constant -2147483648 : i32
      %reduce_max3A_567 = vector.broadcast %reduce_max3A_566 : i32 to vector<16xi32>
      %reduce_max3A_568 = arith.xori %convert_element_type3A_564, %reduce_max3A_567 : vector<16xi32>
      %reduce_max3A_569 = tpu.scan <max>, %reduce_max3A_568 masked %reduce_max3A_565 : vector<16xi32>, vector<16xi1> -> vector<16xi32>
      %reduce_max3A_570 = arith.xori %reduce_max3A_569, %reduce_max3A_567 : vector<16xi32>
      %reduce_max3A_571 = vector.extract %reduce_max3A_570[15] : i32 from vector<16xi32>
      %gt3A_572 = arith.constant 0 : i32
      %gt3A_573 = arith.cmpi sgt, %reduce_max3A_571, %gt3A_572 : i32
      %all_reduce_ffs3A = tpu.all_reduce %ge3A_563 {dim = 0 : i64, kind = #tpu.reduction_kind<find_first_set>} : vector<16xi1> -> vector<16xi32>
      %eq3A_574 = arith.constant 0 : i32
      %eq3A_575 = vector.broadcast %eq3A_574 : i32 to vector<16xi32>
      %eq3A_576 = arith.cmpi eq, %iota3A, %eq3A_575 : vector<16xi32>
      %broadcast_in_dim3A_577 = arith.constant 0 : i32
      %broadcast_in_dim3A_578 = vector.broadcast %broadcast_in_dim3A_577 : i32 to vector<16xi32>
      %select_n3A_579 = arith.select %eq3A_576, %all_reduce_ffs3A, %broadcast_in_dim3A_578 : vector<16xi1>, vector<16xi32>
      %reduce_sum3A_580 = arith.constant true
      %reduce_sum3A_581 = vector.broadcast %reduce_sum3A_580 : i1 to vector<16xi1>
      %reduce_sum3A_582 = tpu.scan <sum>, %select_n3A_579 masked %reduce_sum3A_581 : vector<16xi32>, vector<16xi1> -> vector<16xi32>
      %reduce_sum3A_583 = vector.extract %reduce_sum3A_582[15] : i32 from vector<16xi32>
      %lt3A = arith.constant 0 : i32
      %lt3A_584 = arith.cmpi slt, %scan3A_548, %lt3A : i32
      %and3A_585 = arith.andi %lt3A_584, %gt3A_573 : i1
      %mul3A_586 = arith.constant 16 : i32
      %mul3A_587 = arith.muli %sub3A_551, %mul3A_586 : i32
      %sub3A_588 = arith.constant 15 : i32
      %sub3A_589 = arith.subi %sub3A_588, %reduce_sum3A_583 : i32
      %add3A_590 = arith.addi %mul3A_587, %sub3A_589 : i32
      %eq3A_591 = vector.broadcast %reduce_sum3A_583 : i32 to vector<16xi32>
      %eq3A_592 = arith.cmpi eq, %iota3A, %eq3A_591 : vector<16xi32>
      %broadcast_in_dim3A_593 = arith.constant 0 : i32
      %broadcast_in_dim3A_594 = vector.broadcast %broadcast_in_dim3A_593 : i32 to vector<16xi32>
      %select_n3A_595 = arith.select %eq3A_592, %rev3A_558, %broadcast_in_dim3A_594 : vector<16xi1>, vector<16xi32>
      %reduce_sum3A_596 = arith.constant true
      %reduce_sum3A_597 = vector.broadcast %reduce_sum3A_596 : i1 to vector<16xi1>
      %reduce_sum3A_598 = tpu.scan <sum>, %select_n3A_595 masked %reduce_sum3A_597 : vector<16xi32>, vector<16xi1> -> vector<16xi32>
      %reduce_sum3A_599 = vector.extract %reduce_sum3A_598[15] : i32 from vector<16xi32>
      %eq3A_600 = vector.broadcast %reduce_sum3A_583 : i32 to vector<16xi32>
      %eq3A_601 = arith.cmpi eq, %iota3A, %eq3A_600 : vector<16xi32>
      %broadcast_in_dim3A_602 = arith.constant 0 : i32
      %broadcast_in_dim3A_603 = vector.broadcast %broadcast_in_dim3A_602 : i32 to vector<16xi32>
      %select_n3A_604 = arith.select %eq3A_601, %add3A, %broadcast_in_dim3A_603 : vector<16xi1>, vector<16xi32>
      %reduce_sum3A_605 = arith.constant true
      %reduce_sum3A_606 = vector.broadcast %reduce_sum3A_605 : i1 to vector<16xi1>
      %reduce_sum3A_607 = tpu.scan <sum>, %select_n3A_604 masked %reduce_sum3A_606 : vector<16xi32>, vector<16xi1> -> vector<16xi32>
      %reduce_sum3A_608 = vector.extract %reduce_sum3A_607[15] : i32 from vector<16xi32>
      %select_n3A_609 = arith.select %and3A_585, %add3A_590, %scan3A_548 : i32
      %sub3A_610 = arith.subi %reduce_sum3A_608, %reduce_sum3A_599 : i32
      %select_n3A_611 = arith.select %and3A_585, %sub3A_610, %scan3A_549 : i32
      %reduce_sum3A_612 = arith.constant true
      %reduce_sum3A_613 = vector.broadcast %reduce_sum3A_612 : i1 to vector<16xi1>
      %reduce_sum3A_614 = tpu.scan <sum>, %rev3A_558 masked %reduce_sum3A_613 : vector<16xi32>, vector<16xi1> -> vector<16xi32>
      %reduce_sum3A_615 = vector.extract %reduce_sum3A_614[15] : i32 from vector<16xi32>
      %add3A_616 = arith.addi %scan3A_547, %reduce_sum3A_615 : i32
      scf.yield %add3A_616, %select_n3A_609, %select_n3A_611 : i32, i32, i32
    }
    %scan3A_480 = arith.constant 256 : i32
    %eq3A_481 = arith.constant 0 : i32
    %eq3A_482 = arith.cmpi eq, %arg1, %eq3A_481 : i32
    %convert_element_type3A_483 = arith.extui %eq3A_482 : i1 to i32
    %cond3A_484 = arith.constant 0 : i32
    %cond3A_485 = arith.cmpi ne, %convert_element_type3A_483, %cond3A_484 : i32
    scf.if %cond3A_485 {
      %swap3A_546 = arith.constant 0 : index
      %swap3A_547 = tpu.vector_load %arg11[%swap3A_546] {strides = array<i32>} : memref<16xi32, #tpu.memory_space<vmem>>, vector<16xi32>,
      tpu.vector_store %arg11[%swap3A_546], %broadcast_in_dim3A_7 {strides = array<i32>} : memref<16xi32, #tpu.memory_space<vmem>>, vector<16xi32>,
      %run_scoped3A_548 = arith.constant 0 : i32
      %run_scoped3A_549 = arith.constant 16 : i32
      "tpu.region"() ({
        %run_scoped3A_550 = tpu.sem_alloc : memref<!tpu.dma_semaphore, #tpu.memory_space<semaphore_mem>>
        %dma_start3A = arith.constant 16 : i32
        %dma_start3A_551 = tpu.memref_slice %arg4[%arg0, %run_scoped3A_548, %run_scoped3A_549, %dma_start3A] : memref<2x16x17x4096xi32, #tpu.memory_space<hbm>> -> memref<1x1x1x16xi32, #tpu.memory_space<hbm>>
        %dma_start3A_552 = tpu.memref_squeeze %dma_start3A_551 : memref<1x1x1x16xi32, #tpu.memory_space<hbm>> -> memref<16xi32, #tpu.memory_space<hbm>>
        %dma_start3A_553 = arith.constant 16 : i32
        %dma_start3A_554 = tpu.memref_slice %arg4[%arg0, %run_scoped3A_548, %run_scoped3A_549, %dma_start3A_553] : memref<2x16x17x4096xi32, #tpu.memory_space<hbm>> -> memref<1x1x1x16xi32, #tpu.memory_space<hbm>>
        %dma_start3A_555 = tpu.memref_squeeze %dma_start3A_554 : memref<1x1x1x16xi32, #tpu.memory_space<hbm>> -> memref<16xi32, #tpu.memory_space<hbm>>
        tpu.enqueue_dma source(%arg11 : memref<16xi32, #tpu.memory_space<vmem>>) target(%dma_start3A_555 : memref<16xi32, #tpu.memory_space<hbm>>) target_semaphore(%run_scoped3A_550 : memref<!tpu.dma_semaphore, #tpu.memory_space<semaphore_mem>>)
        %dma_wait3A = arith.constant 16 : i32
        %dma_wait3A_556 = tpu.memref_slice %arg4[%arg0, %run_scoped3A_548, %run_scoped3A_549, %dma_wait3A] : memref<2x16x17x4096xi32, #tpu.memory_space<hbm>> -> memref<1x1x1x16xi32, #tpu.memory_space<hbm>>
        %dma_wait3A_557 = tpu.memref_squeeze %dma_wait3A_556 : memref<1x1x1x16xi32, #tpu.memory_space<hbm>> -> memref<16xi32, #tpu.memory_space<hbm>>
        %dma_wait3A_558 = arith.constant 16 : i32
        %dma_wait3A_559 = tpu.memref_slice %arg4[%arg0, %run_scoped3A_548, %run_scoped3A_549, %dma_wait3A_558] : memref<2x16x17x4096xi32, #tpu.memory_space<hbm>> -> memref<1x1x1x16xi32, #tpu.memory_space<hbm>>
        %dma_wait3A_560 = tpu.memref_squeeze %dma_wait3A_559 : memref<1x1x1x16xi32, #tpu.memory_space<hbm>> -> memref<16xi32, #tpu.memory_space<hbm>>
        tpu.wait_dma2 semaphore(%run_scoped3A_550 : memref<!tpu.dma_semaphore, #tpu.memory_space<semaphore_mem>>) src(%arg11 : memref<16xi32, #tpu.memory_space<vmem>>) dst(%dma_wait3A_560 : memref<16xi32, #tpu.memory_space<hbm>>)
        tpu.yield
      }) : () -> ()
    } else {
    }
    %barrier3A_486 = arith.constant 0 : index
    tpu.barrier barrier_id(%barrier3A_486)
    %ge3A_487 = arith.constant 0 : i32
    %ge3A_488 = arith.cmpi sge, %scan3A_471#1, %ge3A_487 : i32
    %eq3A_489 = arith.cmpi eq, %arg1, %scan3A_471#1 : i32
    %and3A_490 = arith.andi %ge3A_488, %eq3A_489 : i1
    %convert_element_type3A_491 = arith.extui %and3A_490 : i1 to i32
    %cond3A_492 = arith.constant 0 : i32
    %cond3A_493 = arith.cmpi ne, %convert_element_type3A_491, %cond3A_492 : i32
    scf.if %cond3A_493 {
      %mul3A = arith.constant 4096 : i32
      %mul3A_546 = arith.muli %scan3A_471#1, %mul3A : i32
      %add3A = arith.addi %mul3A_546, %scan3A_479#1 : i32
      %eq3A_547 = arith.constant 0 : i32
      %eq3A_548 = vector.broadcast %eq3A_547 : i32 to vector<16xi32>
      %eq3A_549 = arith.cmpi eq, %iota3A, %eq3A_548 : vector<16xi32>
      %broadcast_in_dim3A_550 = vector.broadcast %add3A : i32 to vector<16xi32>
      %eq3A_551 = arith.constant 1 : i32
      %eq3A_552 = vector.broadcast %eq3A_551 : i32 to vector<16xi32>
      %eq3A_553 = arith.cmpi eq, %iota3A, %eq3A_552 : vector<16xi32>
      %broadcast_in_dim3A_554 = vector.broadcast %scan3A_479#2 : i32 to vector<16xi32>
      %eq3A_555 = arith.constant 2 : i32
      %eq3A_556 = vector.broadcast %eq3A_555 : i32 to vector<16xi32>
      %eq3A_557 = arith.cmpi eq, %iota3A, %eq3A_556 : vector<16xi32>
      %broadcast_in_dim3A_558 = arith.constant 1 : i32
      %broadcast_in_dim3A_559 = vector.broadcast %broadcast_in_dim3A_558 : i32 to vector<16xi32>
      %select_n3A_560 = arith.select %eq3A_557, %broadcast_in_dim3A_559, %broadcast_in_dim3A_7 : vector<16xi1>, vector<16xi32>
      %select_n3A_561 = arith.select %eq3A_553, %broadcast_in_dim3A_554, %select_n3A_560 : vector<16xi1>, vector<16xi32>
      %select_n3A_562 = arith.select %eq3A_549, %broadcast_in_dim3A_550, %select_n3A_561 : vector<16xi1>, vector<16xi32>
      %swap3A_563 = arith.constant 0 : index
      %swap3A_564 = tpu.vector_load %arg11[%swap3A_563] {strides = array<i32>} : memref<16xi32, #tpu.memory_space<vmem>>, vector<16xi32>,
      tpu.vector_store %arg11[%swap3A_563], %select_n3A_562 {strides = array<i32>} : memref<16xi32, #tpu.memory_space<vmem>>, vector<16xi32>,
      %run_scoped3A_565 = arith.constant 0 : i32
      %run_scoped3A_566 = arith.constant 16 : i32
      "tpu.region"() ({
        %run_scoped3A_567 = tpu.sem_alloc : memref<!tpu.dma_semaphore, #tpu.memory_space<semaphore_mem>>
        %dma_start3A = arith.constant 16 : i32
        %dma_start3A_568 = tpu.memref_slice %arg4[%arg0, %run_scoped3A_565, %run_scoped3A_566, %dma_start3A] : memref<2x16x17x4096xi32, #tpu.memory_space<hbm>> -> memref<1x1x1x16xi32, #tpu.memory_space<hbm>>
        %dma_start3A_569 = tpu.memref_squeeze %dma_start3A_568 : memref<1x1x1x16xi32, #tpu.memory_space<hbm>> -> memref<16xi32, #tpu.memory_space<hbm>>
        %dma_start3A_570 = arith.constant 16 : i32
        %dma_start3A_571 = tpu.memref_slice %arg4[%arg0, %run_scoped3A_565, %run_scoped3A_566, %dma_start3A_570] : memref<2x16x17x4096xi32, #tpu.memory_space<hbm>> -> memref<1x1x1x16xi32, #tpu.memory_space<hbm>>
        %dma_start3A_572 = tpu.memref_squeeze %dma_start3A_571 : memref<1x1x1x16xi32, #tpu.memory_space<hbm>> -> memref<16xi32, #tpu.memory_space<hbm>>
        tpu.enqueue_dma source(%arg11 : memref<16xi32, #tpu.memory_space<vmem>>) target(%dma_start3A_572 : memref<16xi32, #tpu.memory_space<hbm>>) target_semaphore(%run_scoped3A_567 : memref<!tpu.dma_semaphore, #tpu.memory_space<semaphore_mem>>)
        %dma_wait3A = arith.constant 16 : i32
        %dma_wait3A_573 = tpu.memref_slice %arg4[%arg0, %run_scoped3A_565, %run_scoped3A_566, %dma_wait3A] : memref<2x16x17x4096xi32, #tpu.memory_space<hbm>> -> memref<1x1x1x16xi32, #tpu.memory_space<hbm>>
        %dma_wait3A_574 = tpu.memref_squeeze %dma_wait3A_573 : memref<1x1x1x16xi32, #tpu.memory_space<hbm>> -> memref<16xi32, #tpu.memory_space<hbm>>
        %dma_wait3A_575 = arith.constant 16 : i32
        %dma_wait3A_576 = tpu.memref_slice %arg4[%arg0, %run_scoped3A_565, %run_scoped3A_566, %dma_wait3A_575] : memref<2x16x17x4096xi32, #tpu.memory_space<hbm>> -> memref<1x1x1x16xi32, #tpu.memory_space<hbm>>
        %dma_wait3A_577 = tpu.memref_squeeze %dma_wait3A_576 : memref<1x1x1x16xi32, #tpu.memory_space<hbm>> -> memref<16xi32, #tpu.memory_space<hbm>>
        tpu.wait_dma2 semaphore(%run_scoped3A_567 : memref<!tpu.dma_semaphore, #tpu.memory_space<semaphore_mem>>) src(%arg11 : memref<16xi32, #tpu.memory_space<vmem>>) dst(%dma_wait3A_577 : memref<16xi32, #tpu.memory_space<hbm>>)
        tpu.yield
      }) : () -> ()
    } else {
    }
    %barrier3A_494 = arith.constant 0 : index
    tpu.barrier barrier_id(%barrier3A_494)
    %run_scoped3A_495 = arith.constant 0 : i32
    %run_scoped3A_496 = arith.constant 16 : i32
    "tpu.region"() ({
      %run_scoped3A_546 = tpu.sem_alloc : memref<!tpu.dma_semaphore, #tpu.memory_space<semaphore_mem>>
      %dma_start3A = arith.constant 16 : i32
      %dma_start3A_547 = tpu.memref_slice %arg4[%arg0, %run_scoped3A_495, %run_scoped3A_496, %dma_start3A] : memref<2x16x17x4096xi32, #tpu.memory_space<hbm>> -> memref<1x1x1x16xi32, #tpu.memory_space<hbm>>
      %dma_start3A_548 = tpu.memref_squeeze %dma_start3A_547 : memref<1x1x1x16xi32, #tpu.memory_space<hbm>> -> memref<16xi32, #tpu.memory_space<hbm>>
      %dma_start3A_549 = arith.constant 16 : i32
      %dma_start3A_550 = tpu.memref_slice %arg4[%arg0, %run_scoped3A_495, %run_scoped3A_496, %dma_start3A_549] : memref<2x16x17x4096xi32, #tpu.memory_space<hbm>> -> memref<1x1x1x16xi32, #tpu.memory_space<hbm>>
      %dma_start3A_551 = tpu.memref_squeeze %dma_start3A_550 : memref<1x1x1x16xi32, #tpu.memory_space<hbm>> -> memref<16xi32, #tpu.memory_space<hbm>>
      tpu.enqueue_dma source(%dma_start3A_551 : memref<16xi32, #tpu.memory_space<hbm>>) target(%arg11 : memref<16xi32, #tpu.memory_space<vmem>>) target_semaphore(%run_scoped3A_546 : memref<!tpu.dma_semaphore, #tpu.memory_space<semaphore_mem>>)
      %dma_wait3A = arith.constant 16 : i32
      %dma_wait3A_552 = tpu.memref_slice %arg4[%arg0, %run_scoped3A_495, %run_scoped3A_496, %dma_wait3A] : memref<2x16x17x4096xi32, #tpu.memory_space<hbm>> -> memref<1x1x1x16xi32, #tpu.memory_space<hbm>>
      %dma_wait3A_553 = tpu.memref_squeeze %dma_wait3A_552 : memref<1x1x1x16xi32, #tpu.memory_space<hbm>> -> memref<16xi32, #tpu.memory_space<hbm>>
      %dma_wait3A_554 = arith.constant 16 : i32
      %dma_wait3A_555 = tpu.memref_slice %arg4[%arg0, %run_scoped3A_495, %run_scoped3A_496, %dma_wait3A_554] : memref<2x16x17x4096xi32, #tpu.memory_space<hbm>> -> memref<1x1x1x16xi32, #tpu.memory_space<hbm>>
      %dma_wait3A_556 = tpu.memref_squeeze %dma_wait3A_555 : memref<1x1x1x16xi32, #tpu.memory_space<hbm>> -> memref<16xi32, #tpu.memory_space<hbm>>
      tpu.wait_dma2 semaphore(%run_scoped3A_546 : memref<!tpu.dma_semaphore, #tpu.memory_space<semaphore_mem>>) src(%dma_wait3A_556 : memref<16xi32, #tpu.memory_space<hbm>>) dst(%arg11 : memref<16xi32, #tpu.memory_space<vmem>>)
      tpu.yield
    }) : () -> ()
    %get3A_497 = arith.constant 0 : index
    %get3A_498 = tpu.vector_load %arg11[%get3A_497] {strides = array<i32>} : memref<16xi32, #tpu.memory_space<vmem>>, vector<16xi32>,
    %eq3A_499 = arith.constant 0 : i32
    %eq3A_500 = vector.broadcast %eq3A_499 : i32 to vector<16xi32>
    %eq3A_501 = arith.cmpi eq, %iota3A, %eq3A_500 : vector<16xi32>
    %broadcast_in_dim3A_502 = arith.constant 0 : i32
    %broadcast_in_dim3A_503 = vector.broadcast %broadcast_in_dim3A_502 : i32 to vector<16xi32>
    %select_n3A_504 = arith.select %eq3A_501, %get3A_498, %broadcast_in_dim3A_503 : vector<16xi1>, vector<16xi32>
    %reduce_sum3A_505 = arith.constant true
    %reduce_sum3A_506 = vector.broadcast %reduce_sum3A_505 : i1 to vector<16xi1>
    %reduce_sum3A_507 = tpu.scan <sum>, %select_n3A_504 masked %reduce_sum3A_506 : vector<16xi32>, vector<16xi1> -> vector<16xi32>
    %reduce_sum3A_508 = vector.extract %reduce_sum3A_507[15] : i32 from vector<16xi32>
    %eq3A_509 = arith.constant 1 : i32
    %eq3A_510 = vector.broadcast %eq3A_509 : i32 to vector<16xi32>
    %eq3A_511 = arith.cmpi eq, %iota3A, %eq3A_510 : vector<16xi32>
    %broadcast_in_dim3A_512 = arith.constant 0 : i32
    %broadcast_in_dim3A_513 = vector.broadcast %broadcast_in_dim3A_512 : i32 to vector<16xi32>
    %select_n3A_514 = arith.select %eq3A_511, %get3A_498, %broadcast_in_dim3A_513 : vector<16xi1>, vector<16xi32>
    %reduce_sum3A_515 = arith.constant true
    %reduce_sum3A_516 = vector.broadcast %reduce_sum3A_515 : i1 to vector<16xi1>
    %reduce_sum3A_517 = tpu.scan <sum>, %select_n3A_514 masked %reduce_sum3A_516 : vector<16xi32>, vector<16xi1> -> vector<16xi32>
    %reduce_sum3A_518 = vector.extract %reduce_sum3A_517[15] : i32 from vector<16xi32>
    %eq3A_519 = arith.constant 2 : i32
    %eq3A_520 = vector.broadcast %eq3A_519 : i32 to vector<16xi32>
    %eq3A_521 = arith.cmpi eq, %iota3A, %eq3A_520 : vector<16xi32>
    %broadcast_in_dim3A_522 = arith.constant 0 : i32
    %broadcast_in_dim3A_523 = vector.broadcast %broadcast_in_dim3A_522 : i32 to vector<16xi32>
    %select_n3A_524 = arith.select %eq3A_521, %get3A_498, %broadcast_in_dim3A_523 : vector<16xi1>, vector<16xi32>
    %reduce_sum3A_525 = arith.constant true
    %reduce_sum3A_526 = vector.broadcast %reduce_sum3A_525 : i1 to vector<16xi1>
    %reduce_sum3A_527 = tpu.scan <sum>, %select_n3A_524 masked %reduce_sum3A_526 : vector<16xi32>, vector<16xi1> -> vector<16xi32>
    %reduce_sum3A_528 = vector.extract %reduce_sum3A_527[15] : i32 from vector<16xi32>
    %shift_left3A = arith.constant 16 : i32
    %shift_left3A_529 = arith.shli %reduce_sum3A_243, %shift_left3A : i32
    %or3A = arith.ori %shift_left3A_529, %reduce_sum3A_508 : i32
    %broadcast_in_dim3A_530 = vector.broadcast %or3A : i32 to vector<16xi32>
    %bitcast3A = vector.bitcast %broadcast_in_dim3A_530 : vector<16xi32> to vector<16xf32>
    %gt3A = arith.constant 0 : i32
    %gt3A_531 = arith.cmpi sgt, %reduce_sum3A_263, %gt3A : i32
    %gt3A_532 = arith.constant 0 : i32
    %gt3A_533 = arith.cmpi sgt, %reduce_sum3A_528, %gt3A_532 : i32
    %and3A_534 = arith.andi %gt3A_531, %gt3A_533 : i1
    %broadcast_in_dim3A_535 = arith.constant 0.000000e+00 : f32
    %broadcast_in_dim3A_536 = vector.broadcast %broadcast_in_dim3A_535 : f32 to vector<16xf32>
    %select_n3A_537 = arith.select %and3A_534, %bitcast3A, %broadcast_in_dim3A_536 : vector<16xf32>
    %ge3A_538 = arith.constant 0 : i32
    %ge3A_539 = arith.cmpi sge, %scan3A_471#1, %ge3A_538 : i32
    %jit3A_540 = arith.constant 0 : i32
    %select_n3A_541 = arith.select %ge3A_539, %scan3A_471#1, %jit3A_540 : i32
    %eq3A_542 = arith.cmpi eq, %arg1, %select_n3A_541 : i32
    %convert_element_type3A_543 = arith.extui %eq3A_542 : i1 to i32
    %cond3A_544 = arith.constant 0 : i32
    %cond3A_545 = arith.cmpi ne, %convert_element_type3A_543, %cond3A_544 : i32
    scf.if %cond3A_545 {
      %swap3A_546 = arith.constant 0 : index
      %swap3A_547 = tpu.vector_load %arg12[%swap3A_546] {strides = array<i32>} : memref<16xf32, #tpu.memory_space<vmem>>, vector<16xf32>,
      tpu.vector_store %arg12[%swap3A_546], %select_n3A_537 {strides = array<i32>} : memref<16xf32, #tpu.memory_space<vmem>>, vector<16xf32>,
      "tpu.region"() ({
        %run_scoped3A_548 = tpu.sem_alloc : memref<!tpu.dma_semaphore, #tpu.memory_space<semaphore_mem>>
        %dma_start3A = arith.constant 0 : i32
        %dma_start3A_549 = tpu.memref_slice %arg3[%arg0, %dma_start3A] : memref<2x16xf32, #tpu.memory_space<hbm>> -> memref<1x16xf32, #tpu.memory_space<hbm>>
        %dma_start3A_550 = tpu.memref_squeeze %dma_start3A_549 : memref<1x16xf32, #tpu.memory_space<hbm>> -> memref<16xf32, #tpu.memory_space<hbm>>
        %dma_start3A_551 = arith.constant 0 : i32
        %dma_start3A_552 = tpu.memref_slice %arg3[%arg0, %dma_start3A_551] : memref<2x16xf32, #tpu.memory_space<hbm>> -> memref<1x16xf32, #tpu.memory_space<hbm>>
        %dma_start3A_553 = tpu.memref_squeeze %dma_start3A_552 : memref<1x16xf32, #tpu.memory_space<hbm>> -> memref<16xf32, #tpu.memory_space<hbm>>
        tpu.enqueue_dma source(%arg12 : memref<16xf32, #tpu.memory_space<vmem>>) target(%dma_start3A_553 : memref<16xf32, #tpu.memory_space<hbm>>) target_semaphore(%run_scoped3A_548 : memref<!tpu.dma_semaphore, #tpu.memory_space<semaphore_mem>>)
        %dma_wait3A = arith.constant 0 : i32
        %dma_wait3A_554 = tpu.memref_slice %arg3[%arg0, %dma_wait3A] : memref<2x16xf32, #tpu.memory_space<hbm>> -> memref<1x16xf32, #tpu.memory_space<hbm>>
        %dma_wait3A_555 = tpu.memref_squeeze %dma_wait3A_554 : memref<1x16xf32, #tpu.memory_space<hbm>> -> memref<16xf32, #tpu.memory_space<hbm>>
        %dma_wait3A_556 = arith.constant 0 : i32
        %dma_wait3A_557 = tpu.memref_slice %arg3[%arg0, %dma_wait3A_556] : memref<2x16xf32, #tpu.memory_space<hbm>> -> memref<1x16xf32, #tpu.memory_space<hbm>>
        %dma_wait3A_558 = tpu.memref_squeeze %dma_wait3A_557 : memref<1x16xf32, #tpu.memory_space<hbm>> -> memref<16xf32, #tpu.memory_space<hbm>>
        tpu.wait_dma2 semaphore(%run_scoped3A_548 : memref<!tpu.dma_semaphore, #tpu.memory_space<semaphore_mem>>) src(%arg12 : memref<16xf32, #tpu.memory_space<vmem>>) dst(%dma_wait3A_558 : memref<16xf32, #tpu.memory_space<hbm>>)
        tpu.yield
      }) : () -> ()
    } else {
    }
    return
  }
}

module attributes {stable_mosaic.version = 14 : i64} {
  func.func @_dec_body(%arg0: i32, %arg1: i32, %arg2: memref<256x2x2048xf32, #tpu.memory_space<vmem>>, %arg3: memref<2x256x2048xf32, #tpu.memory_space<vmem>>, %arg4: memref<2x256xf32, #tpu.memory_space<vmem>>, %arg5: memref<1x1xf32, #tpu.memory_space<vmem>>, %arg6: memref<256x2x2048xf32, #tpu.memory_space<vmem>>, %arg7: memref<256x2x256xf32, #tpu.memory_space<vmem>>) attributes {dimension_semantics = [#tpu.dimension_semantics<arbitrary>, #tpu.dimension_semantics<arbitrary>], iteration_bounds = array<i64: 2, 2>, scalar_prefetch = 0 : i64, scratch_operands = 0 : i64, tpu.core_type = #tpu.core_type<tc>, window_params = [{transform_indices = @transform_0, window_bounds = array<i64: 256, 2, 2048>}, {transform_indices = @transform_1, window_bounds = array<i64: 2, 256, 2048>}, {pipeline_mode = #tpu.pipeline_mode<synchronous>, transform_indices = @transform_2, window_bounds = array<i64: 2, 256>}, {pipeline_mode = #tpu.pipeline_mode<synchronous>, transform_indices = @transform_3, window_bounds = array<i64: 1, 1>}, {transform_indices = @transform_4, window_bounds = array<i64: 256, 2, 2048>}, {transform_indices = @transform_5, window_bounds = array<i64: 256, 2, 256>}]} {
    %get3A = arith.constant 0 : index
    %get3A_0 = arith.constant 0 : index
    %get3A_1 = vector.load %arg5[%get3A, %get3A_0] : memref<1x1xf32, #tpu.memory_space<vmem>>, vector<1x1xf32>
    %get3A_2 = vector.extract %get3A_1[0, 0] : f32 from vector<1x1xf32>
    %get3A_3 = arith.constant 0 : index
    %get3A_4 = arith.constant 0 : index
    %get3A_5 = arith.constant 0 : index
    %get3A_6 = vector.load %arg2[%get3A_3, %get3A_4, %get3A_5] : memref<256x2x2048xf32, #tpu.memory_space<vmem>>, vector<256x1x2048xf32>
    %get3A_7 = vector.shape_cast %get3A_6 : vector<256x1x2048xf32> to vector<256x2048xf32>
    %ge3A = vector.broadcast %get3A_2 : f32 to vector<256x2048xf32>
    %ge3A_8 = arith.cmpf oge, %get3A_7, %ge3A : vector<256x2048xf32>
    %jit3A = arith.constant 0.000000e+00 : f32
    %broadcast_in_dim3A = vector.broadcast %jit3A : f32 to vector<256x2048xf32>
    %select_n3A = arith.select %ge3A_8, %get3A_7, %broadcast_in_dim3A : vector<256x2048xi1>, vector<256x2048xf32>
    %swap3A = arith.constant 0 : index
    %swap3A_9 = arith.constant 0 : index
    %swap3A_10 = arith.constant 0 : index
    %swap3A_11 = vector.load %arg6[%swap3A, %swap3A_9, %swap3A_10] : memref<256x2x2048xf32, #tpu.memory_space<vmem>>, vector<256x1x2048xf32>
    %swap3A_12 = vector.shape_cast %swap3A_11 : vector<256x1x2048xf32> to vector<256x2048xf32>
    %swap3A_13 = vector.shape_cast %select_n3A : vector<256x2048xf32> to vector<256x1x2048xf32>
    tpu.vector_store %arg6[%swap3A, %swap3A_9, %swap3A_10], %swap3A_13 {strides = array<i32>} : memref<256x2x2048xf32, #tpu.memory_space<vmem>>, vector<256x1x2048xf32>,
    %get3A_14 = arith.constant 0 : index
    %get3A_15 = arith.constant 0 : index
    %get3A_16 = arith.constant 0 : index
    %get3A_17 = vector.load %arg3[%get3A_14, %get3A_15, %get3A_16] : memref<2x256x2048xf32, #tpu.memory_space<vmem>>, vector<1x256x2048xf32>
    %get3A_18 = vector.shape_cast %get3A_17 : vector<1x256x2048xf32> to vector<256x2048xf32>
    %dot_general3A = arith.constant dense<0.000000e+00> : vector<256x256xf32>
    %dot_general3A_19 = tpu.matmul %select_n3A, %get3A_18, %dot_general3A {dimension_numbers = #tpu.dot_dimension_numbers<[1], [1], [0], [0], [0, 0, 1, 0], [], []>, transpose_lhs_hint = false} : vector<256x2048xf32>, vector<256x2048xf32>, vector<256x256xf32> -> vector<256x256xf32>
    %eq3A = arith.constant 0 : i32
    %eq3A_20 = arith.cmpi eq, %arg1, %eq3A : i32
    %convert_element_type3A = arith.extui %eq3A_20 : i1 to i32
    %cond3A = arith.constant 0 : i32
    %cond3A_21 = arith.cmpi ne, %convert_element_type3A, %cond3A : i32
    scf.if %cond3A_21 {
      %swap3A_69 = arith.constant 0 : index
      %swap3A_70 = arith.constant 0 : index
      %swap3A_71 = arith.constant 0 : index
      %swap3A_72 = vector.load %arg7[%swap3A_69, %swap3A_70, %swap3A_71] : memref<256x2x256xf32, #tpu.memory_space<vmem>>, vector<256x1x256xf32>
      %swap3A_73 = vector.shape_cast %swap3A_72 : vector<256x1x256xf32> to vector<256x256xf32>
      %swap3A_74 = vector.shape_cast %dot_general3A_19 : vector<256x256xf32> to vector<256x1x256xf32>
      tpu.vector_store %arg7[%swap3A_69, %swap3A_70, %swap3A_71], %swap3A_74 {strides = array<i32>} : memref<256x2x256xf32, #tpu.memory_space<vmem>>, vector<256x1x256xf32>,
    } else {
    }
    %gt3A = arith.constant 0 : i32
    %gt3A_22 = arith.cmpi sgt, %arg1, %gt3A : i32
    %convert_element_type3A_23 = arith.extui %gt3A_22 : i1 to i32
    %cond3A_24 = arith.constant 0 : i32
    %cond3A_25 = arith.cmpi ne, %convert_element_type3A_23, %cond3A_24 : i32
    scf.if %cond3A_25 {
      %get3A_69 = arith.constant 0 : index
      %get3A_70 = arith.constant 0 : index
      %get3A_71 = arith.constant 0 : index
      %get3A_72 = vector.load %arg7[%get3A_69, %get3A_70, %get3A_71] : memref<256x2x256xf32, #tpu.memory_space<vmem>>, vector<256x1x256xf32>
      %get3A_73 = vector.shape_cast %get3A_72 : vector<256x1x256xf32> to vector<256x256xf32>
      %add3A = arith.addf %get3A_73, %dot_general3A_19 : vector<256x256xf32>
      %swap3A_74 = arith.constant 0 : index
      %swap3A_75 = arith.constant 0 : index
      %swap3A_76 = arith.constant 0 : index
      %swap3A_77 = vector.load %arg7[%swap3A_74, %swap3A_75, %swap3A_76] : memref<256x2x256xf32, #tpu.memory_space<vmem>>, vector<256x1x256xf32>
      %swap3A_78 = vector.shape_cast %swap3A_77 : vector<256x1x256xf32> to vector<256x256xf32>
      %swap3A_79 = vector.shape_cast %add3A : vector<256x256xf32> to vector<256x1x256xf32>
      tpu.vector_store %arg7[%swap3A_74, %swap3A_75, %swap3A_76], %swap3A_79 {strides = array<i32>} : memref<256x2x256xf32, #tpu.memory_space<vmem>>, vector<256x1x256xf32>,
    } else {
    }
    %eq3A_26 = arith.constant 1 : i32
    %eq3A_27 = arith.cmpi eq, %arg1, %eq3A_26 : i32
    %convert_element_type3A_28 = arith.extui %eq3A_27 : i1 to i32
    %cond3A_29 = arith.constant 0 : i32
    %cond3A_30 = arith.cmpi ne, %convert_element_type3A_28, %cond3A_29 : i32
    scf.if %cond3A_30 {
      %get3A_69 = arith.constant 0 : index
      %get3A_70 = arith.constant 0 : index
      %get3A_71 = arith.constant 0 : index
      %get3A_72 = vector.load %arg7[%get3A_69, %get3A_70, %get3A_71] : memref<256x2x256xf32, #tpu.memory_space<vmem>>, vector<256x1x256xf32>
      %get3A_73 = vector.shape_cast %get3A_72 : vector<256x1x256xf32> to vector<256x256xf32>
      %get3A_74 = arith.constant 0 : index
      %get3A_75 = arith.constant 0 : index
      %get3A_76 = vector.load %arg4[%get3A_74, %get3A_75] : memref<2x256xf32, #tpu.memory_space<vmem>>, vector<1x256xf32>
      %get3A_77 = vector.shape_cast %get3A_76 : vector<1x256xf32> to vector<256xf32>
      %broadcast_in_dim3A_78 = vector.shape_cast %get3A_77 : vector<256xf32> to vector<1x256xf32>
      %add3A = vector.broadcast %broadcast_in_dim3A_78 : vector<1x256xf32> to vector<256x256xf32>
      %add3A_79 = arith.addf %get3A_73, %add3A : vector<256x256xf32>
      %max3A = arith.constant 0.000000e+00 : f32
      %max3A_80 = vector.broadcast %max3A : f32 to vector<256x256xf32>
      %max3A_81 = arith.maximumf %add3A_79, %max3A_80 : vector<256x256xf32>
      %swap3A_82 = arith.constant 0 : index
      %swap3A_83 = arith.constant 0 : index
      %swap3A_84 = arith.constant 0 : index
      %swap3A_85 = vector.load %arg7[%swap3A_82, %swap3A_83, %swap3A_84] : memref<256x2x256xf32, #tpu.memory_space<vmem>>, vector<256x1x256xf32>
      %swap3A_86 = vector.shape_cast %swap3A_85 : vector<256x1x256xf32> to vector<256x256xf32>
      %swap3A_87 = vector.shape_cast %max3A_81 : vector<256x256xf32> to vector<256x1x256xf32>
      tpu.vector_store %arg7[%swap3A_82, %swap3A_83, %swap3A_84], %swap3A_87 {strides = array<i32>} : memref<256x2x256xf32, #tpu.memory_space<vmem>>, vector<256x1x256xf32>,
    } else {
    }
    %get3A_31 = arith.constant 0 : index
    %get3A_32 = arith.constant 1 : index
    %get3A_33 = arith.constant 0 : index
    %get3A_34 = vector.load %arg2[%get3A_31, %get3A_32, %get3A_33] : memref<256x2x2048xf32, #tpu.memory_space<vmem>>, vector<256x1x2048xf32>
    %get3A_35 = vector.shape_cast %get3A_34 : vector<256x1x2048xf32> to vector<256x2048xf32>
    %ge3A_36 = vector.broadcast %get3A_2 : f32 to vector<256x2048xf32>
    %ge3A_37 = arith.cmpf oge, %get3A_35, %ge3A_36 : vector<256x2048xf32>
    %jit3A_38 = arith.constant 0.000000e+00 : f32
    %broadcast_in_dim3A_39 = vector.broadcast %jit3A_38 : f32 to vector<256x2048xf32>
    %select_n3A_40 = arith.select %ge3A_37, %get3A_35, %broadcast_in_dim3A_39 : vector<256x2048xi1>, vector<256x2048xf32>
    %swap3A_41 = arith.constant 0 : index
    %swap3A_42 = arith.constant 1 : index
    %swap3A_43 = arith.constant 0 : index
    %swap3A_44 = vector.load %arg6[%swap3A_41, %swap3A_42, %swap3A_43] : memref<256x2x2048xf32, #tpu.memory_space<vmem>>, vector<256x1x2048xf32>
    %swap3A_45 = vector.shape_cast %swap3A_44 : vector<256x1x2048xf32> to vector<256x2048xf32>
    %swap3A_46 = vector.shape_cast %select_n3A_40 : vector<256x2048xf32> to vector<256x1x2048xf32>
    tpu.vector_store %arg6[%swap3A_41, %swap3A_42, %swap3A_43], %swap3A_46 {strides = array<i32>} : memref<256x2x2048xf32, #tpu.memory_space<vmem>>, vector<256x1x2048xf32>,
    %get3A_47 = arith.constant 1 : index
    %get3A_48 = arith.constant 0 : index
    %get3A_49 = arith.constant 0 : index
    %get3A_50 = vector.load %arg3[%get3A_47, %get3A_48, %get3A_49] : memref<2x256x2048xf32, #tpu.memory_space<vmem>>, vector<1x256x2048xf32>
    %get3A_51 = vector.shape_cast %get3A_50 : vector<1x256x2048xf32> to vector<256x2048xf32>
    %dot_general3A_52 = arith.constant dense<0.000000e+00> : vector<256x256xf32>
    %dot_general3A_53 = tpu.matmul %select_n3A_40, %get3A_51, %dot_general3A_52 {dimension_numbers = #tpu.dot_dimension_numbers<[1], [1], [0], [0], [0, 0, 1, 0], [], []>, transpose_lhs_hint = false} : vector<256x2048xf32>, vector<256x2048xf32>, vector<256x256xf32> -> vector<256x256xf32>
    %eq3A_54 = arith.constant 0 : i32
    %eq3A_55 = arith.cmpi eq, %arg1, %eq3A_54 : i32
    %convert_element_type3A_56 = arith.extui %eq3A_55 : i1 to i32
    %cond3A_57 = arith.constant 0 : i32
    %cond3A_58 = arith.cmpi ne, %convert_element_type3A_56, %cond3A_57 : i32
    scf.if %cond3A_58 {
      %swap3A_69 = arith.constant 0 : index
      %swap3A_70 = arith.constant 1 : index
      %swap3A_71 = arith.constant 0 : index
      %swap3A_72 = vector.load %arg7[%swap3A_69, %swap3A_70, %swap3A_71] : memref<256x2x256xf32, #tpu.memory_space<vmem>>, vector<256x1x256xf32>
      %swap3A_73 = vector.shape_cast %swap3A_72 : vector<256x1x256xf32> to vector<256x256xf32>
      %swap3A_74 = vector.shape_cast %dot_general3A_53 : vector<256x256xf32> to vector<256x1x256xf32>
      tpu.vector_store %arg7[%swap3A_69, %swap3A_70, %swap3A_71], %swap3A_74 {strides = array<i32>} : memref<256x2x256xf32, #tpu.memory_space<vmem>>, vector<256x1x256xf32>,
    } else {
    }
    %gt3A_59 = arith.constant 0 : i32
    %gt3A_60 = arith.cmpi sgt, %arg1, %gt3A_59 : i32
    %convert_element_type3A_61 = arith.extui %gt3A_60 : i1 to i32
    %cond3A_62 = arith.constant 0 : i32
    %cond3A_63 = arith.cmpi ne, %convert_element_type3A_61, %cond3A_62 : i32
    scf.if %cond3A_63 {
      %get3A_69 = arith.constant 0 : index
      %get3A_70 = arith.constant 1 : index
      %get3A_71 = arith.constant 0 : index
      %get3A_72 = vector.load %arg7[%get3A_69, %get3A_70, %get3A_71] : memref<256x2x256xf32, #tpu.memory_space<vmem>>, vector<256x1x256xf32>
      %get3A_73 = vector.shape_cast %get3A_72 : vector<256x1x256xf32> to vector<256x256xf32>
      %add3A = arith.addf %get3A_73, %dot_general3A_53 : vector<256x256xf32>
      %swap3A_74 = arith.constant 0 : index
      %swap3A_75 = arith.constant 1 : index
      %swap3A_76 = arith.constant 0 : index
      %swap3A_77 = vector.load %arg7[%swap3A_74, %swap3A_75, %swap3A_76] : memref<256x2x256xf32, #tpu.memory_space<vmem>>, vector<256x1x256xf32>
      %swap3A_78 = vector.shape_cast %swap3A_77 : vector<256x1x256xf32> to vector<256x256xf32>
      %swap3A_79 = vector.shape_cast %add3A : vector<256x256xf32> to vector<256x1x256xf32>
      tpu.vector_store %arg7[%swap3A_74, %swap3A_75, %swap3A_76], %swap3A_79 {strides = array<i32>} : memref<256x2x256xf32, #tpu.memory_space<vmem>>, vector<256x1x256xf32>,
    } else {
    }
    %eq3A_64 = arith.constant 1 : i32
    %eq3A_65 = arith.cmpi eq, %arg1, %eq3A_64 : i32
    %convert_element_type3A_66 = arith.extui %eq3A_65 : i1 to i32
    %cond3A_67 = arith.constant 0 : i32
    %cond3A_68 = arith.cmpi ne, %convert_element_type3A_66, %cond3A_67 : i32
    scf.if %cond3A_68 {
      %get3A_69 = arith.constant 0 : index
      %get3A_70 = arith.constant 1 : index
      %get3A_71 = arith.constant 0 : index
      %get3A_72 = vector.load %arg7[%get3A_69, %get3A_70, %get3A_71] : memref<256x2x256xf32, #tpu.memory_space<vmem>>, vector<256x1x256xf32>
      %get3A_73 = vector.shape_cast %get3A_72 : vector<256x1x256xf32> to vector<256x256xf32>
      %get3A_74 = arith.constant 1 : index
      %get3A_75 = arith.constant 0 : index
      %get3A_76 = vector.load %arg4[%get3A_74, %get3A_75] : memref<2x256xf32, #tpu.memory_space<vmem>>, vector<1x256xf32>
      %get3A_77 = vector.shape_cast %get3A_76 : vector<1x256xf32> to vector<256xf32>
      %broadcast_in_dim3A_78 = vector.shape_cast %get3A_77 : vector<256xf32> to vector<1x256xf32>
      %add3A = vector.broadcast %broadcast_in_dim3A_78 : vector<1x256xf32> to vector<256x256xf32>
      %add3A_79 = arith.addf %get3A_73, %add3A : vector<256x256xf32>
      %max3A = arith.constant 0.000000e+00 : f32
      %max3A_80 = vector.broadcast %max3A : f32 to vector<256x256xf32>
      %max3A_81 = arith.maximumf %add3A_79, %max3A_80 : vector<256x256xf32>
      %swap3A_82 = arith.constant 0 : index
      %swap3A_83 = arith.constant 1 : index
      %swap3A_84 = arith.constant 0 : index
      %swap3A_85 = vector.load %arg7[%swap3A_82, %swap3A_83, %swap3A_84] : memref<256x2x256xf32, #tpu.memory_space<vmem>>, vector<256x1x256xf32>
      %swap3A_86 = vector.shape_cast %swap3A_85 : vector<256x1x256xf32> to vector<256x256xf32>
      %swap3A_87 = vector.shape_cast %max3A_81 : vector<256x256xf32> to vector<256x1x256xf32>
      tpu.vector_store %arg7[%swap3A_82, %swap3A_83, %swap3A_84], %swap3A_87 {strides = array<i32>} : memref<256x2x256xf32, #tpu.memory_space<vmem>>, vector<256x1x256xf32>,
    } else {
    }
    return
  }
  func.func @transform_0(%arg0: i32, %arg1: i32) -> (i32, i32, i32) {
    %c0_i32 = arith.constant 0 : i32
    %c0_i32_0 = arith.constant 0 : i32
    return %arg0, %c0_i32, %arg1 : i32, i32, i32
  }
  func.func @transform_1(%arg0: i32, %arg1: i32) -> (i32, i32, i32) {
    %c0_i32 = arith.constant 0 : i32
    %c0_i32_0 = arith.constant 0 : i32
    %c0_i32_1 = arith.constant 0 : i32
    return %c0_i32, %c0_i32_0, %arg1 : i32, i32, i32
  }
  func.func @transform_2(%arg0: i32, %arg1: i32) -> (i32, i32) {
    %c0_i32 = arith.constant 0 : i32
    %c0_i32_0 = arith.constant 0 : i32
    %c0_i32_1 = arith.constant 0 : i32
    return %c0_i32, %c0_i32_0 : i32, i32
  }
  func.func @transform_3(%arg0: i32, %arg1: i32) -> (i32, i32) {
    %c0_i32 = arith.constant 0 : i32
    %c0_i32_0 = arith.constant 0 : i32
    %c0_i32_1 = arith.constant 0 : i32
    return %c0_i32, %c0_i32_0 : i32, i32
  }
  func.func @transform_4(%arg0: i32, %arg1: i32) -> (i32, i32, i32) {
    %c0_i32 = arith.constant 0 : i32
    %c0_i32_0 = arith.constant 0 : i32
    return %arg0, %c0_i32, %arg1 : i32, i32, i32
  }
  func.func @transform_5(%arg0: i32, %arg1: i32) -> (i32, i32, i32) {
    %c0_i32 = arith.constant 0 : i32
    %c0_i32_0 = arith.constant 0 : i32
    %c0_i32_1 = arith.constant 0 : i32
    return %arg0, %c0_i32, %c0_i32_0 : i32, i32, i32
  }
}

module attributes {stable_mosaic.version = 14 : i64} {
  func.func @_enc_body(%arg0: i32, %arg1: i32, %arg2: memref<256x2x256xf32, #tpu.memory_space<vmem>>, %arg3: memref<2x2048x256xf32, #tpu.memory_space<vmem>>, %arg4: memref<2x2048xf32, #tpu.memory_space<vmem>>, %arg5: memref<256x2x2048xf32, #tpu.memory_space<vmem>>) attributes {dimension_semantics = [#tpu.dimension_semantics<arbitrary>, #tpu.dimension_semantics<arbitrary>], iteration_bounds = array<i64: 2, 8>, scalar_prefetch = 0 : i64, scratch_operands = 0 : i64, tpu.core_type = #tpu.core_type<tc>, window_params = [{transform_indices = @transform_0, window_bounds = array<i64: 256, 2, 256>}, {transform_indices = @transform_1, window_bounds = array<i64: 2, 2048, 256>}, {transform_indices = @transform_2, window_bounds = array<i64: 2, 2048>}, {transform_indices = @transform_3, window_bounds = array<i64: 256, 2, 2048>}]} {
    %get3A = arith.constant 0 : index
    %get3A_0 = arith.constant 0 : index
    %get3A_1 = arith.constant 0 : index
    %get3A_2 = vector.load %arg2[%get3A, %get3A_0, %get3A_1] : memref<256x2x256xf32, #tpu.memory_space<vmem>>, vector<256x1x256xf32>
    %get3A_3 = vector.shape_cast %get3A_2 : vector<256x1x256xf32> to vector<256x256xf32>
    %get3A_4 = arith.constant 0 : index
    %get3A_5 = arith.constant 0 : index
    %get3A_6 = arith.constant 0 : index
    %get3A_7 = vector.load %arg3[%get3A_4, %get3A_5, %get3A_6] : memref<2x2048x256xf32, #tpu.memory_space<vmem>>, vector<1x2048x256xf32>
    %get3A_8 = vector.shape_cast %get3A_7 : vector<1x2048x256xf32> to vector<2048x256xf32>
    %dot_general3A = arith.constant dense<0.000000e+00> : vector<256x2048xf32>
    %dot_general3A_9 = tpu.matmul %get3A_3, %get3A_8, %dot_general3A {dimension_numbers = #tpu.dot_dimension_numbers<[1], [1], [0], [0], [0, 0, 1, 0], [], []>, transpose_lhs_hint = false} : vector<256x256xf32>, vector<2048x256xf32>, vector<256x2048xf32> -> vector<256x2048xf32>
    %get3A_10 = arith.constant 0 : index
    %get3A_11 = arith.constant 0 : index
    %get3A_12 = vector.load %arg4[%get3A_10, %get3A_11] : memref<2x2048xf32, #tpu.memory_space<vmem>>, vector<1x2048xf32>
    %get3A_13 = vector.shape_cast %get3A_12 : vector<1x2048xf32> to vector<2048xf32>
    %broadcast_in_dim3A = vector.shape_cast %get3A_13 : vector<2048xf32> to vector<1x2048xf32>
    %add3A = vector.broadcast %broadcast_in_dim3A : vector<1x2048xf32> to vector<256x2048xf32>
    %add3A_14 = arith.addf %dot_general3A_9, %add3A : vector<256x2048xf32>
    %max3A = arith.constant 0.000000e+00 : f32
    %max3A_15 = vector.broadcast %max3A : f32 to vector<256x2048xf32>
    %max3A_16 = arith.maximumf %add3A_14, %max3A_15 : vector<256x2048xf32>
    %swap3A = arith.constant 0 : index
    %swap3A_17 = arith.constant 0 : index
    %swap3A_18 = arith.constant 0 : index
    %swap3A_19 = vector.load %arg5[%swap3A, %swap3A_17, %swap3A_18] : memref<256x2x2048xf32, #tpu.memory_space<vmem>>, vector<256x1x2048xf32>
    %swap3A_20 = vector.shape_cast %swap3A_19 : vector<256x1x2048xf32> to vector<256x2048xf32>
    %swap3A_21 = vector.shape_cast %max3A_16 : vector<256x2048xf32> to vector<256x1x2048xf32>
    tpu.vector_store %arg5[%swap3A, %swap3A_17, %swap3A_18], %swap3A_21 {strides = array<i32>} : memref<256x2x2048xf32, #tpu.memory_space<vmem>>, vector<256x1x2048xf32>,
    %get3A_22 = arith.constant 0 : index
    %get3A_23 = arith.constant 1 : index
    %get3A_24 = arith.constant 0 : index
    %get3A_25 = vector.load %arg2[%get3A_22, %get3A_23, %get3A_24] : memref<256x2x256xf32, #tpu.memory_space<vmem>>, vector<256x1x256xf32>
    %get3A_26 = vector.shape_cast %get3A_25 : vector<256x1x256xf32> to vector<256x256xf32>
    %get3A_27 = arith.constant 1 : index
    %get3A_28 = arith.constant 0 : index
    %get3A_29 = arith.constant 0 : index
    %get3A_30 = vector.load %arg3[%get3A_27, %get3A_28, %get3A_29] : memref<2x2048x256xf32, #tpu.memory_space<vmem>>, vector<1x2048x256xf32>
    %get3A_31 = vector.shape_cast %get3A_30 : vector<1x2048x256xf32> to vector<2048x256xf32>
    %dot_general3A_32 = arith.constant dense<0.000000e+00> : vector<256x2048xf32>
    %dot_general3A_33 = tpu.matmul %get3A_26, %get3A_31, %dot_general3A_32 {dimension_numbers = #tpu.dot_dimension_numbers<[1], [1], [0], [0], [0, 0, 1, 0], [], []>, transpose_lhs_hint = false} : vector<256x256xf32>, vector<2048x256xf32>, vector<256x2048xf32> -> vector<256x2048xf32>
    %get3A_34 = arith.constant 1 : index
    %get3A_35 = arith.constant 0 : index
    %get3A_36 = vector.load %arg4[%get3A_34, %get3A_35] : memref<2x2048xf32, #tpu.memory_space<vmem>>, vector<1x2048xf32>
    %get3A_37 = vector.shape_cast %get3A_36 : vector<1x2048xf32> to vector<2048xf32>
    %broadcast_in_dim3A_38 = vector.shape_cast %get3A_37 : vector<2048xf32> to vector<1x2048xf32>
    %add3A_39 = vector.broadcast %broadcast_in_dim3A_38 : vector<1x2048xf32> to vector<256x2048xf32>
    %add3A_40 = arith.addf %dot_general3A_33, %add3A_39 : vector<256x2048xf32>
    %max3A_41 = arith.constant 0.000000e+00 : f32
    %max3A_42 = vector.broadcast %max3A_41 : f32 to vector<256x2048xf32>
    %max3A_43 = arith.maximumf %add3A_40, %max3A_42 : vector<256x2048xf32>
    %swap3A_44 = arith.constant 0 : index
    %swap3A_45 = arith.constant 1 : index
    %swap3A_46 = arith.constant 0 : index
    %swap3A_47 = vector.load %arg5[%swap3A_44, %swap3A_45, %swap3A_46] : memref<256x2x2048xf32, #tpu.memory_space<vmem>>, vector<256x1x2048xf32>
    %swap3A_48 = vector.shape_cast %swap3A_47 : vector<256x1x2048xf32> to vector<256x2048xf32>
    %swap3A_49 = vector.shape_cast %max3A_43 : vector<256x2048xf32> to vector<256x1x2048xf32>
    tpu.vector_store %arg5[%swap3A_44, %swap3A_45, %swap3A_46], %swap3A_49 {strides = array<i32>} : memref<256x2x2048xf32, #tpu.memory_space<vmem>>, vector<256x1x2048xf32>,
    return
  }
  func.func @transform_0(%arg0: i32, %arg1: i32) -> (i32, i32, i32) {
    %c0_i32 = arith.constant 0 : i32
    %c0_i32_0 = arith.constant 0 : i32
    %c0_i32_1 = arith.constant 0 : i32
    return %arg0, %c0_i32, %c0_i32_0 : i32, i32, i32
  }
  func.func @transform_1(%arg0: i32, %arg1: i32) -> (i32, i32, i32) {
    %c0_i32 = arith.constant 0 : i32
    %c0_i32_0 = arith.constant 0 : i32
    %c0_i32_1 = arith.constant 0 : i32
    return %c0_i32, %arg1, %c0_i32_0 : i32, i32, i32
  }
  func.func @transform_2(%arg0: i32, %arg1: i32) -> (i32, i32) {
    %c0_i32 = arith.constant 0 : i32
    %c0_i32_0 = arith.constant 0 : i32
    return %c0_i32, %arg1 : i32, i32
  }
  func.func @transform_3(%arg0: i32, %arg1: i32) -> (i32, i32, i32) {
    %c0_i32 = arith.constant 0 : i32
    %c0_i32_0 = arith.constant 0 : i32
    return %arg0, %c0_i32, %arg1 : i32, i32, i32
  }
}

module attributes {stable_mosaic.version = 14 : i64} {
  func.func @_dec_body(%arg0: i32, %arg1: i32, %arg2: memref<256x2x2048xf32, #tpu.memory_space<vmem>>, %arg3: memref<2x256x2048xf32, #tpu.memory_space<vmem>>, %arg4: memref<2x256xf32, #tpu.memory_space<vmem>>, %arg5: memref<1x1xf32, #tpu.memory_space<vmem>>, %arg6: memref<256x2x2048xf32, #tpu.memory_space<vmem>>, %arg7: memref<256x2x256xf32, #tpu.memory_space<vmem>>) attributes {dimension_semantics = [#tpu.dimension_semantics<arbitrary>, #tpu.dimension_semantics<arbitrary>], iteration_bounds = array<i64: 2, 8>, scalar_prefetch = 0 : i64, scratch_operands = 0 : i64, tpu.core_type = #tpu.core_type<tc>, window_params = [{transform_indices = @transform_0, window_bounds = array<i64: 256, 2, 2048>}, {transform_indices = @transform_1, window_bounds = array<i64: 2, 256, 2048>}, {pipeline_mode = #tpu.pipeline_mode<synchronous>, transform_indices = @transform_2, window_bounds = array<i64: 2, 256>}, {pipeline_mode = #tpu.pipeline_mode<synchronous>, transform_indices = @transform_3, window_bounds = array<i64: 1, 1>}, {transform_indices = @transform_4, window_bounds = array<i64: 256, 2, 2048>}, {transform_indices = @transform_5, window_bounds = array<i64: 256, 2, 256>}]} {
    %get3A = arith.constant 0 : index
    %get3A_0 = arith.constant 0 : index
    %get3A_1 = vector.load %arg5[%get3A, %get3A_0] : memref<1x1xf32, #tpu.memory_space<vmem>>, vector<1x1xf32>
    %get3A_2 = vector.extract %get3A_1[0, 0] : f32 from vector<1x1xf32>
    %get3A_3 = arith.constant 0 : index
    %get3A_4 = arith.constant 0 : index
    %get3A_5 = arith.constant 0 : index
    %get3A_6 = vector.load %arg2[%get3A_3, %get3A_4, %get3A_5] : memref<256x2x2048xf32, #tpu.memory_space<vmem>>, vector<256x1x2048xf32>
    %get3A_7 = vector.shape_cast %get3A_6 : vector<256x1x2048xf32> to vector<256x2048xf32>
    %ge3A = vector.broadcast %get3A_2 : f32 to vector<256x2048xf32>
    %ge3A_8 = arith.cmpf oge, %get3A_7, %ge3A : vector<256x2048xf32>
    %jit3A = arith.constant 0.000000e+00 : f32
    %broadcast_in_dim3A = vector.broadcast %jit3A : f32 to vector<256x2048xf32>
    %select_n3A = arith.select %ge3A_8, %get3A_7, %broadcast_in_dim3A : vector<256x2048xi1>, vector<256x2048xf32>
    %swap3A = arith.constant 0 : index
    %swap3A_9 = arith.constant 0 : index
    %swap3A_10 = arith.constant 0 : index
    %swap3A_11 = vector.load %arg6[%swap3A, %swap3A_9, %swap3A_10] : memref<256x2x2048xf32, #tpu.memory_space<vmem>>, vector<256x1x2048xf32>
    %swap3A_12 = vector.shape_cast %swap3A_11 : vector<256x1x2048xf32> to vector<256x2048xf32>
    %swap3A_13 = vector.shape_cast %select_n3A : vector<256x2048xf32> to vector<256x1x2048xf32>
    tpu.vector_store %arg6[%swap3A, %swap3A_9, %swap3A_10], %swap3A_13 {strides = array<i32>} : memref<256x2x2048xf32, #tpu.memory_space<vmem>>, vector<256x1x2048xf32>,
    %get3A_14 = arith.constant 0 : index
    %get3A_15 = arith.constant 0 : index
    %get3A_16 = arith.constant 0 : index
    %get3A_17 = vector.load %arg3[%get3A_14, %get3A_15, %get3A_16] : memref<2x256x2048xf32, #tpu.memory_space<vmem>>, vector<1x256x2048xf32>
    %get3A_18 = vector.shape_cast %get3A_17 : vector<1x256x2048xf32> to vector<256x2048xf32>
    %dot_general3A = arith.constant dense<0.000000e+00> : vector<256x256xf32>
    %dot_general3A_19 = tpu.matmul %select_n3A, %get3A_18, %dot_general3A {dimension_numbers = #tpu.dot_dimension_numbers<[1], [1], [0], [0], [0, 0, 1, 0], [], []>, transpose_lhs_hint = false} : vector<256x2048xf32>, vector<256x2048xf32>, vector<256x256xf32> -> vector<256x256xf32>
    %eq3A = arith.constant 0 : i32
    %eq3A_20 = arith.cmpi eq, %arg1, %eq3A : i32
    %convert_element_type3A = arith.extui %eq3A_20 : i1 to i32
    %cond3A = arith.constant 0 : i32
    %cond3A_21 = arith.cmpi ne, %convert_element_type3A, %cond3A : i32
    scf.if %cond3A_21 {
      %swap3A_69 = arith.constant 0 : index
      %swap3A_70 = arith.constant 0 : index
      %swap3A_71 = arith.constant 0 : index
      %swap3A_72 = vector.load %arg7[%swap3A_69, %swap3A_70, %swap3A_71] : memref<256x2x256xf32, #tpu.memory_space<vmem>>, vector<256x1x256xf32>
      %swap3A_73 = vector.shape_cast %swap3A_72 : vector<256x1x256xf32> to vector<256x256xf32>
      %swap3A_74 = vector.shape_cast %dot_general3A_19 : vector<256x256xf32> to vector<256x1x256xf32>
      tpu.vector_store %arg7[%swap3A_69, %swap3A_70, %swap3A_71], %swap3A_74 {strides = array<i32>} : memref<256x2x256xf32, #tpu.memory_space<vmem>>, vector<256x1x256xf32>,
    } else {
    }
    %gt3A = arith.constant 0 : i32
    %gt3A_22 = arith.cmpi sgt, %arg1, %gt3A : i32
    %convert_element_type3A_23 = arith.extui %gt3A_22 : i1 to i32
    %cond3A_24 = arith.constant 0 : i32
    %cond3A_25 = arith.cmpi ne, %convert_element_type3A_23, %cond3A_24 : i32
    scf.if %cond3A_25 {
      %get3A_69 = arith.constant 0 : index
      %get3A_70 = arith.constant 0 : index
      %get3A_71 = arith.constant 0 : index
      %get3A_72 = vector.load %arg7[%get3A_69, %get3A_70, %get3A_71] : memref<256x2x256xf32, #tpu.memory_space<vmem>>, vector<256x1x256xf32>
      %get3A_73 = vector.shape_cast %get3A_72 : vector<256x1x256xf32> to vector<256x256xf32>
      %add3A = arith.addf %get3A_73, %dot_general3A_19 : vector<256x256xf32>
      %swap3A_74 = arith.constant 0 : index
      %swap3A_75 = arith.constant 0 : index
      %swap3A_76 = arith.constant 0 : index
      %swap3A_77 = vector.load %arg7[%swap3A_74, %swap3A_75, %swap3A_76] : memref<256x2x256xf32, #tpu.memory_space<vmem>>, vector<256x1x256xf32>
      %swap3A_78 = vector.shape_cast %swap3A_77 : vector<256x1x256xf32> to vector<256x256xf32>
      %swap3A_79 = vector.shape_cast %add3A : vector<256x256xf32> to vector<256x1x256xf32>
      tpu.vector_store %arg7[%swap3A_74, %swap3A_75, %swap3A_76], %swap3A_79 {strides = array<i32>} : memref<256x2x256xf32, #tpu.memory_space<vmem>>, vector<256x1x256xf32>,
    } else {
    }
    %eq3A_26 = arith.constant 7 : i32
    %eq3A_27 = arith.cmpi eq, %arg1, %eq3A_26 : i32
    %convert_element_type3A_28 = arith.extui %eq3A_27 : i1 to i32
    %cond3A_29 = arith.constant 0 : i32
    %cond3A_30 = arith.cmpi ne, %convert_element_type3A_28, %cond3A_29 : i32
    scf.if %cond3A_30 {
      %get3A_69 = arith.constant 0 : index
      %get3A_70 = arith.constant 0 : index
      %get3A_71 = arith.constant 0 : index
      %get3A_72 = vector.load %arg7[%get3A_69, %get3A_70, %get3A_71] : memref<256x2x256xf32, #tpu.memory_space<vmem>>, vector<256x1x256xf32>
      %get3A_73 = vector.shape_cast %get3A_72 : vector<256x1x256xf32> to vector<256x256xf32>
      %get3A_74 = arith.constant 0 : index
      %get3A_75 = arith.constant 0 : index
      %get3A_76 = vector.load %arg4[%get3A_74, %get3A_75] : memref<2x256xf32, #tpu.memory_space<vmem>>, vector<1x256xf32>
      %get3A_77 = vector.shape_cast %get3A_76 : vector<1x256xf32> to vector<256xf32>
      %broadcast_in_dim3A_78 = vector.shape_cast %get3A_77 : vector<256xf32> to vector<1x256xf32>
      %add3A = vector.broadcast %broadcast_in_dim3A_78 : vector<1x256xf32> to vector<256x256xf32>
      %add3A_79 = arith.addf %get3A_73, %add3A : vector<256x256xf32>
      %max3A = arith.constant 0.000000e+00 : f32
      %max3A_80 = vector.broadcast %max3A : f32 to vector<256x256xf32>
      %max3A_81 = arith.maximumf %add3A_79, %max3A_80 : vector<256x256xf32>
      %swap3A_82 = arith.constant 0 : index
      %swap3A_83 = arith.constant 0 : index
      %swap3A_84 = arith.constant 0 : index
      %swap3A_85 = vector.load %arg7[%swap3A_82, %swap3A_83, %swap3A_84] : memref<256x2x256xf32, #tpu.memory_space<vmem>>, vector<256x1x256xf32>
      %swap3A_86 = vector.shape_cast %swap3A_85 : vector<256x1x256xf32> to vector<256x256xf32>
      %swap3A_87 = vector.shape_cast %max3A_81 : vector<256x256xf32> to vector<256x1x256xf32>
      tpu.vector_store %arg7[%swap3A_82, %swap3A_83, %swap3A_84], %swap3A_87 {strides = array<i32>} : memref<256x2x256xf32, #tpu.memory_space<vmem>>, vector<256x1x256xf32>,
    } else {
    }
    %get3A_31 = arith.constant 0 : index
    %get3A_32 = arith.constant 1 : index
    %get3A_33 = arith.constant 0 : index
    %get3A_34 = vector.load %arg2[%get3A_31, %get3A_32, %get3A_33] : memref<256x2x2048xf32, #tpu.memory_space<vmem>>, vector<256x1x2048xf32>
    %get3A_35 = vector.shape_cast %get3A_34 : vector<256x1x2048xf32> to vector<256x2048xf32>
    %ge3A_36 = vector.broadcast %get3A_2 : f32 to vector<256x2048xf32>
    %ge3A_37 = arith.cmpf oge, %get3A_35, %ge3A_36 : vector<256x2048xf32>
    %jit3A_38 = arith.constant 0.000000e+00 : f32
    %broadcast_in_dim3A_39 = vector.broadcast %jit3A_38 : f32 to vector<256x2048xf32>
    %select_n3A_40 = arith.select %ge3A_37, %get3A_35, %broadcast_in_dim3A_39 : vector<256x2048xi1>, vector<256x2048xf32>
    %swap3A_41 = arith.constant 0 : index
    %swap3A_42 = arith.constant 1 : index
    %swap3A_43 = arith.constant 0 : index
    %swap3A_44 = vector.load %arg6[%swap3A_41, %swap3A_42, %swap3A_43] : memref<256x2x2048xf32, #tpu.memory_space<vmem>>, vector<256x1x2048xf32>
    %swap3A_45 = vector.shape_cast %swap3A_44 : vector<256x1x2048xf32> to vector<256x2048xf32>
    %swap3A_46 = vector.shape_cast %select_n3A_40 : vector<256x2048xf32> to vector<256x1x2048xf32>
    tpu.vector_store %arg6[%swap3A_41, %swap3A_42, %swap3A_43], %swap3A_46 {strides = array<i32>} : memref<256x2x2048xf32, #tpu.memory_space<vmem>>, vector<256x1x2048xf32>,
    %get3A_47 = arith.constant 1 : index
    %get3A_48 = arith.constant 0 : index
    %get3A_49 = arith.constant 0 : index
    %get3A_50 = vector.load %arg3[%get3A_47, %get3A_48, %get3A_49] : memref<2x256x2048xf32, #tpu.memory_space<vmem>>, vector<1x256x2048xf32>
    %get3A_51 = vector.shape_cast %get3A_50 : vector<1x256x2048xf32> to vector<256x2048xf32>
    %dot_general3A_52 = arith.constant dense<0.000000e+00> : vector<256x256xf32>
    %dot_general3A_53 = tpu.matmul %select_n3A_40, %get3A_51, %dot_general3A_52 {dimension_numbers = #tpu.dot_dimension_numbers<[1], [1], [0], [0], [0, 0, 1, 0], [], []>, transpose_lhs_hint = false} : vector<256x2048xf32>, vector<256x2048xf32>, vector<256x256xf32> -> vector<256x256xf32>
    %eq3A_54 = arith.constant 0 : i32
    %eq3A_55 = arith.cmpi eq, %arg1, %eq3A_54 : i32
    %convert_element_type3A_56 = arith.extui %eq3A_55 : i1 to i32
    %cond3A_57 = arith.constant 0 : i32
    %cond3A_58 = arith.cmpi ne, %convert_element_type3A_56, %cond3A_57 : i32
    scf.if %cond3A_58 {
      %swap3A_69 = arith.constant 0 : index
      %swap3A_70 = arith.constant 1 : index
      %swap3A_71 = arith.constant 0 : index
      %swap3A_72 = vector.load %arg7[%swap3A_69, %swap3A_70, %swap3A_71] : memref<256x2x256xf32, #tpu.memory_space<vmem>>, vector<256x1x256xf32>
      %swap3A_73 = vector.shape_cast %swap3A_72 : vector<256x1x256xf32> to vector<256x256xf32>
      %swap3A_74 = vector.shape_cast %dot_general3A_53 : vector<256x256xf32> to vector<256x1x256xf32>
      tpu.vector_store %arg7[%swap3A_69, %swap3A_70, %swap3A_71], %swap3A_74 {strides = array<i32>} : memref<256x2x256xf32, #tpu.memory_space<vmem>>, vector<256x1x256xf32>,
    } else {
    }
    %gt3A_59 = arith.constant 0 : i32
    %gt3A_60 = arith.cmpi sgt, %arg1, %gt3A_59 : i32
    %convert_element_type3A_61 = arith.extui %gt3A_60 : i1 to i32
    %cond3A_62 = arith.constant 0 : i32
    %cond3A_63 = arith.cmpi ne, %convert_element_type3A_61, %cond3A_62 : i32
    scf.if %cond3A_63 {
      %get3A_69 = arith.constant 0 : index
      %get3A_70 = arith.constant 1 : index
      %get3A_71 = arith.constant 0 : index
      %get3A_72 = vector.load %arg7[%get3A_69, %get3A_70, %get3A_71] : memref<256x2x256xf32, #tpu.memory_space<vmem>>, vector<256x1x256xf32>
      %get3A_73 = vector.shape_cast %get3A_72 : vector<256x1x256xf32> to vector<256x256xf32>
      %add3A = arith.addf %get3A_73, %dot_general3A_53 : vector<256x256xf32>
      %swap3A_74 = arith.constant 0 : index
      %swap3A_75 = arith.constant 1 : index
      %swap3A_76 = arith.constant 0 : index
      %swap3A_77 = vector.load %arg7[%swap3A_74, %swap3A_75, %swap3A_76] : memref<256x2x256xf32, #tpu.memory_space<vmem>>, vector<256x1x256xf32>
      %swap3A_78 = vector.shape_cast %swap3A_77 : vector<256x1x256xf32> to vector<256x256xf32>
      %swap3A_79 = vector.shape_cast %add3A : vector<256x256xf32> to vector<256x1x256xf32>
      tpu.vector_store %arg7[%swap3A_74, %swap3A_75, %swap3A_76], %swap3A_79 {strides = array<i32>} : memref<256x2x256xf32, #tpu.memory_space<vmem>>, vector<256x1x256xf32>,
    } else {
    }
    %eq3A_64 = arith.constant 7 : i32
    %eq3A_65 = arith.cmpi eq, %arg1, %eq3A_64 : i32
    %convert_element_type3A_66 = arith.extui %eq3A_65 : i1 to i32
    %cond3A_67 = arith.constant 0 : i32
    %cond3A_68 = arith.cmpi ne, %convert_element_type3A_66, %cond3A_67 : i32
    scf.if %cond3A_68 {
      %get3A_69 = arith.constant 0 : index
      %get3A_70 = arith.constant 1 : index
      %get3A_71 = arith.constant 0 : index
      %get3A_72 = vector.load %arg7[%get3A_69, %get3A_70, %get3A_71] : memref<256x2x256xf32, #tpu.memory_space<vmem>>, vector<256x1x256xf32>
      %get3A_73 = vector.shape_cast %get3A_72 : vector<256x1x256xf32> to vector<256x256xf32>
      %get3A_74 = arith.constant 1 : index
      %get3A_75 = arith.constant 0 : index
      %get3A_76 = vector.load %arg4[%get3A_74, %get3A_75] : memref<2x256xf32, #tpu.memory_space<vmem>>, vector<1x256xf32>
      %get3A_77 = vector.shape_cast %get3A_76 : vector<1x256xf32> to vector<256xf32>
      %broadcast_in_dim3A_78 = vector.shape_cast %get3A_77 : vector<256xf32> to vector<1x256xf32>
      %add3A = vector.broadcast %broadcast_in_dim3A_78 : vector<1x256xf32> to vector<256x256xf32>
      %add3A_79 = arith.addf %get3A_73, %add3A : vector<256x256xf32>
      %max3A = arith.constant 0.000000e+00 : f32
      %max3A_80 = vector.broadcast %max3A : f32 to vector<256x256xf32>
      %max3A_81 = arith.maximumf %add3A_79, %max3A_80 : vector<256x256xf32>
      %swap3A_82 = arith.constant 0 : index
      %swap3A_83 = arith.constant 1 : index
      %swap3A_84 = arith.constant 0 : index
      %swap3A_85 = vector.load %arg7[%swap3A_82, %swap3A_83, %swap3A_84] : memref<256x2x256xf32, #tpu.memory_space<vmem>>, vector<256x1x256xf32>
      %swap3A_86 = vector.shape_cast %swap3A_85 : vector<256x1x256xf32> to vector<256x256xf32>
      %swap3A_87 = vector.shape_cast %max3A_81 : vector<256x256xf32> to vector<256x1x256xf32>
      tpu.vector_store %arg7[%swap3A_82, %swap3A_83, %swap3A_84], %swap3A_87 {strides = array<i32>} : memref<256x2x256xf32, #tpu.memory_space<vmem>>, vector<256x1x256xf32>,
    } else {
    }
    return
  }
  func.func @transform_0(%arg0: i32, %arg1: i32) -> (i32, i32, i32) {
    %c0_i32 = arith.constant 0 : i32
    %c0_i32_0 = arith.constant 0 : i32
    return %arg0, %c0_i32, %arg1 : i32, i32, i32
  }
  func.func @transform_1(%arg0: i32, %arg1: i32) -> (i32, i32, i32) {
    %c0_i32 = arith.constant 0 : i32
    %c0_i32_0 = arith.constant 0 : i32
    %c0_i32_1 = arith.constant 0 : i32
    return %c0_i32, %c0_i32_0, %arg1 : i32, i32, i32
  }
  func.func @transform_2(%arg0: i32, %arg1: i32) -> (i32, i32) {
    %c0_i32 = arith.constant 0 : i32
    %c0_i32_0 = arith.constant 0 : i32
    %c0_i32_1 = arith.constant 0 : i32
    return %c0_i32, %c0_i32_0 : i32, i32
  }
  func.func @transform_3(%arg0: i32, %arg1: i32) -> (i32, i32) {
    %c0_i32 = arith.constant 0 : i32
    %c0_i32_0 = arith.constant 0 : i32
    %c0_i32_1 = arith.constant 0 : i32
    return %c0_i32, %c0_i32_0 : i32, i32
  }
  func.func @transform_4(%arg0: i32, %arg1: i32) -> (i32, i32, i32) {
    %c0_i32 = arith.constant 0 : i32
    %c0_i32_0 = arith.constant 0 : i32
    return %arg0, %c0_i32, %arg1 : i32, i32, i32
  }
  func.func @transform_5(%arg0: i32, %arg1: i32) -> (i32, i32, i32) {
    %c0_i32 = arith.constant 0 : i32
    %c0_i32_0 = arith.constant 0 : i32
    %c0_i32_1 = arith.constant 0 : i32
    return %arg0, %c0_i32, %c0_i32_0 : i32, i32, i32
  }
}

</mosaic_0001>

<sc_bundles>
// kernel: kernel.6.cloned.1.call-start
scs
__scs_entry_jumppad:
0x0: {  	(pc) =	sbr.rel $0x88, $3  }
0x1: {  	(tag) =	ssettag $0x0;
	lr =	simm.s32 $0x1  }
0x2: {  	[smem:$0x3F9C] =	sst lr;
	_ =	strace $0xD0000000  }
0x3: {  	_ = 	snop  }
0x4: {  	_ = 	snop  }
0x5: {  	_ = 	snop  }
0x6: {  	_ = 	snop  }
0x7: {  	_ = 	snop  }
__scs_overlays_trampoline_lowered:
0x8: {  	[smem:$0x3FAB] =	sst s0  }
0x9: {  	[smem:$0x3FAC] =	sst s1  }
0xa: {  	[smem:$0x3FAD] =	sst s2  }
0xb: {  	[smem:$0x3FAE] =	sst s3  }
0xc: {  	[smem:$0x3FAF] =	sst s4  }
0xd: {  	[smem:$0x3FB0] =	sst s5  }
0xe: {  	[smem:$0x3FB1] =	sst s6  }
0xf: {  	[smem:$0x3FB2] =	sst s7  }
0x10: {  	[smem:$0x3FB3] =	sst s8  }
0x11: {  	[smem:$0x3FB4] =	sst s9;
	s0 =	simm.s32 @!p0 $0x0  }
0x12: {  	s1 =	sld [smem:$0x3F9A];
	s0 =	simm.s32 @p0 $0x1  }
0x13: {  	[smem:$0x3FB5] =	sst s0;
	s0 =	simm.s32 @!p1 $0x0  }
0x14: {  	s2 =	sld [smem:$0x3F99];
	s0 =	simm.s32 @p1 $0x1  }
0x15: {  	[smem:$0x3FB6] =	sst s0;
	s0 =	simm.s32 @!p2 $0x0  }
0x16: {  	s3 =	sld [smem:$0x3FDB];
	s0 =	simm.s32 @p2 $0x1  }
0x17: {  	s4 =	simm.s32 $0x1BF5;
	[smem:$0x3FB8] =	sst s0  }
0x18: {  	s0 =	sld [smem:$0x3F9B];
	_ =	swait.ge [sflag:s4], $0x0  }
0x19: {  	s7 =	sld [smem:$0x3F9C]  }
0x1a: {  	s8 =	sadd.s32 $0xFFFFE003, lr  }
0x1b: {  	s9 =	sadd.s32 $0xFFFFFEF7, lr;
	s5 =	simm.s32 $0xFFFFFFFF;
	p2 =	slt.u32 s8, $0xFFFFF086  }
0x1c: {  	p1 =	slt.u32 s9, $0xF7A;
	s5 =	simm.s32 @!p2 $0x0  }
0x1d: {  	s5 =	simm.s32 @p1 $0x1;
	p0 =	seq.s32 s7, s2  }
0x1e: {  	s7 =	smul.u32 @!p0 $0xF7A, s2;
	p2 =	seq.s32 @!p0 s5, $0x0  }
0x1f: {  	s9 =	smul.u32 $0xF7A, s1;
	s8 =	simm.s32 @!p0 $0x1BF5;
	p2 =	por !p2, p0  }
0x20: {  	[sflag:s8] =	ssyncset.s32 @!p0 $0xFFFFF086;
	s6 =	sadd.s32 @!p0 s3, s7;
	s7 =	simm.s32 @!p0 $0x108  }
0x21: {  	s3 =	sadd.s32 s3, s9;
	s6 =	sadd.s32 @!p0 $0x88, s6;
	s7 =	simm.s32 @p2 $0x1082  }
0x22: {  	[simem:s7], [sflag:s8] =	dma.local @!p0 [hbm:s6], $0xF7A  }
0x23: {  	s9 =	sor.u32 $0xD0000000, s2;
	s6 =	simm.s32 $0x108;
	_ =	swait.ge @!p0 [sflag:s8], $0x0  }
0x24: {  	s3 =	sadd.s32 $0x88, s3;
	s6 =	simm.s32 @!p1 $0x1082;
	[sflag:s4] =	ssyncset.s32 $0xFFFFF086  }
0x25: {  	[simem:s6], [sflag:s4] =	dma.local [hbm:s3], $0xF7A  }
0x26: {  	[smem:$0x3F9C] =	sst s1;
	(tag) =	ssettag s2;
	_ =	strace s9  }
0x27: {  	s1 =	sld [smem:$0x3FAC]  }
0x28: {  	s2 =	sld [smem:$0x3FAD]  }
0x29: {  	s4 =	sld [smem:$0x3FAF]  }
0x2a: {  	p0 =	seq.s32 s5, $0x0;
	s5 =	sld [smem:$0x3FB0]  }
0x2b: {  	s6 =	sld [smem:$0x3FB1]  }
0x2c: {  	s7 =	sld [smem:$0x3FB2]  }
0x2d: {  	s3 =	simm.s32 $0x108;
	s8 =	sld [smem:$0x3FB3]  }
0x2e: {  	s3 =	simm.s32 @!p0 $0x1082;
	s9 =	sld [smem:$0x3FB4]  }
0x2f: {  	lr =	sadd.s32 s0, s3;
	s0 =	sld [smem:$0x3FAB]  }
0x30: {  	s3 =	sld [smem:$0x3FAE]  }
0x31: {  	[smem:$0x3FB7] =	sst s10  }
0x32: {  	s10 =	sld [smem:$0x3FB5];
	_ =	sdelay $0x3  }
0x33: {  	p0 =	seq.s32 s10, $0x1;
	s10 =	sld [smem:$0x3FB7];
	_ =	sdelay $0x3  }
0x34: {  	[smem:$0x3FB7] =	sst s10  }
0x35: {  	s10 =	sld [smem:$0x3FB6];
	_ =	sdelay $0x3  }
0x36: {  	p1 =	seq.s32 s10, $0x1;
	s10 =	sld [smem:$0x3FB7];
	_ =	sdelay $0x3  }
0x37: {  	[smem:$0x3FB7] =	sst s10  }
0x38: {  	s10 =	sld [smem:$0x3FB8]  }
0x39: {  	_ = 	snop;
	(pc) =	sbr.ind lr, $3  }
0x3a: {  	_ = 	snop  }
0x3b: {  	_ = 	snop  }
0x3c: {  	p2 =	seq.s32 s10, $0x1;
	s10 =	sld [smem:$0x3FB7]  }
0x3d: {  	_ =	shalt  }
0x3e: {  	_ =	shalt  }
0x3f: {  	_ =	shalt  }
0x40: {  	_ =	shalt  }
0x41: {  	_ =	shalt  }
0x42: {  	_ =	shalt  }
0x43: {  	_ =	shalt  }
0x44: {  	_ =	shalt  }
0x45: {  	_ =	shalt  }
0x46: {  	_ =	shalt  }
0x47: {  	_ =	shalt  }
0x48: {  	_ =	shalt  }
0x49: {  	_ =	shalt  }
0x4a: {  	_ =	shalt  }
0x4b: {  	_ =	shalt  }
0x4c: {  	_ =	shalt  }
0x4d: {  	_ =	shalt  }
0x4e: {  	_ =	shalt  }
0x4f: {  	_ =	shalt  }
0x50: {  	_ =	shalt  }
0x51: {  	_ =	shalt  }
0x52: {  	_ =	shalt  }
0x53: {  	_ =	shalt  }
0x54: {  	_ =	shalt  }
0x55: {  	_ =	shalt  }
0x56: {  	_ =	shalt  }
0x57: {  	_ =	shalt  }
0x58: {  	_ =	shalt  }
0x59: {  	_ =	shalt  }
0x5a: {  	_ =	shalt  }
0x5b: {  	_ =	shalt  }
0x5c: {  	_ =	shalt  }
0x5d: {  	_ =	shalt  }
0x5e: {  	_ =	shalt  }
0x5f: {  	_ =	shalt  }
0x60: {  	_ =	shalt  }
0x61: {  	_ =	shalt  }
0x62: {  	_ =	shalt  }
0x63: {  	_ =	shalt  }
0x64: {  	_ =	shalt  }
0x65: {  	_ =	shalt  }
0x66: {  	_ =	shalt  }
0x67: {  	_ =	shalt  }
0x68: {  	_ =	shalt  }
0x69: {  	_ =	shalt  }
0x6a: {  	_ =	shalt  }
0x6b: {  	_ =	shalt  }
0x6c: {  	_ =	shalt  }
0x6d: {  	_ =	shalt  }
0x6e: {  	_ =	shalt  }
0x6f: {  	_ =	shalt  }
0x70: {  	_ =	shalt  }
0x71: {  	_ =	shalt  }
0x72: {  	_ =	shalt  }
0x73: {  	_ =	shalt  }
0x74: {  	_ =	shalt  }
0x75: {  	_ =	shalt  }
0x76: {  	_ =	shalt  }
0x77: {  	_ =	shalt  }
0x78: {  	_ =	shalt  }
0x79: {  	_ =	shalt  }
0x7a: {  	_ =	shalt  }
0x7b: {  	_ =	shalt  }
0x7c: {  	_ =	shalt  }
0x7d: {  	_ =	shalt  }
0x7e: {  	_ =	shalt  }
0x7f: {  	_ =	shalt  }
0x80: {  	_ =	shalt  }
0x81: {  	_ =	shalt  }
0x82: {  	_ =	shalt  }
0x83: {  	_ =	shalt  }
0x84: {  	_ =	shalt  }
0x85: {  	_ =	shalt  }
0x86: {  	_ =	shalt  }
0x87: {  	_ =	shalt  }
.Lfunc_end0:
.L_simem_size_0:
called_computation_lowered:
.L_overlay_start_0:
0x88: {  	s2 =	sld [smem:$0x3FD9]  }
0x89: {  	s3 =	sld [smem:$0x3FFE];
	_ =	sdelay $0x1  }
0x8a: {  	s1 =	srdreg.scid  }
0x8b: {  	s0 =	sand.u32 $0x1, s1  }
0x8c: {  	s15 =	sshll.u32 s0, $0xA;
	s2 =	sadd.s32 s3, s2  }
0x8d: {  	s2 =	sadd.s32 s2, s15  }
0x8e: {  	[smem:$0x3FC3] =	sst s2  }
0x8f: {  	_ = 	snop  }
0x90: {  	s2 =	sld [smem:$0x3FD0];
	_ =	sdelay $0x2  }
0x91: {  	s16 =	simm.s32 $0xA;
	s4 =	simm.s32 $0x10  }
0x92: {  	[smem:s4], [sflag:s16] =	dma.local [hbm:s2], $0x1  }
0x93: {  	_ =	swait.eq [sflag:s16], $0x1  }
0x94: {  	s17 =	sld [smem:$0x11];
	[sflag:s16] =	ssyncset.done $0x0  }
0x95: {  	s18 =	sld [smem:$0x12];
	[sflag:s16] =	ssyncadd.s32 $0xFFFFFFFF  }
0x96: {  	s19 =	sld [smem:$0x13];
	(tm) =	ssettm $0x1  }
0x97: {  	s5 =	sld [smem:$0x3FFB];
	_ =	sdelay $0x3  }
0x98: {  	_ =	strace s5  }
0x99: {  	s5 =	sld [smem:$0x3FFC];
	_ =	sdelay $0x3  }
0x9a: {  	_ =	strace s5  }
0x9b: {  	s5 =	sld [smem:$0x3FFD];
	_ =	sdelay $0x3  }
0x9c: {  	_ =	strace s5  }
0x9d: {  	_ =	strace $0x8FFFFFFF  }
0x9e: {  	s20 =	sld [smem:$0x3FDB];
	_ =	sdelay $0x1  }
0x9f: {  	s6 =	simm.s32 $_scs_section_size  }
0xa0: {  	s7 =	simm.s32 $_size__tile_overlayer_lowered;
	s8 =	simm.s32 $_tile_overlayer_lowered  }
0xa1: {  	s23 =	simm.s32 $0x1BFF;
	s22 =	sshll.u32 s8, $0x1;
	s5 =	sadd.s32 s6, s20  }
0xa2: {  	s9 =	simm.s32 $0x0;
	s21 =	sshll.u32 s7, $0x1;
	s7 =	sadd.s32 s22, s5  }
0xa3: {  	[timem:s9], [sflag:s23] =	dma.local [hbm:s7], s21  }
0xa4: {  	_ =	swait.ge [sflag:s23], s21  }
0xa5: {  	s6 =	ssub.s32 $0x0, s21;
	[sflag:s23] =	ssyncset.done $0x0  }
0xa6: {  	[sflag:s23] =	ssyncadd.s32 s6;
	_ =	sdelay $0x1  }
0xa7: {  	s24 =	simm.s32 $0x1B8B  }
0xa8: {  	_ =	swait.ge [sflag:s24], $0x1  }
0xa9: {  	[sflag:s24] =	ssyncset.done $0x0  }
0xaa: {  	s25 =	simm.s32 $0x1B8E;
	[sflag:s24] =	ssyncadd.s32 $0xFFFFFFFF  }
0xab: {  	s26 =	simm.s32 $execute0_lowered;
	[smem:$0x3FD2] =	sst s25  }
0xac: {  	s6 =	sshll.u32 s26, $0x1;
	_ =	strace $0x80000046;
	[dreg:$0x1] =	wrdreg $0xFFFFFFFF  }
0xad: {  	s28 =	simm.s32 $_size_execute0_lowered;
	s5 =	sadd.s32 s5, s6;
	[dreg:$0x0] =	wrdreg $0x0  }
0xae: {  	s6 =	sshll.u32 s28, $0x1;
	[dreg:$0x2] =	wrdreg s5  }
0xaf: {  	[dreg:$0x3] =	wrdreg s6  }
0xb0: {  	[dreg:$0x4] =	wrdreg $0xC0  }
0xb1: {  	_ =	task [dreg:s9], $0x5FFFF  }
0xb2: {  	[dreg:$0x1] =	wrdreg $0xFFFFFFFF  }
0xb3: {  	[dreg:$0x0] =	wrdreg $0x60  }
0xb4: {  	[dreg:$0x2] =	wrdreg s19  }
0xb5: {  	[dreg:$0x3] =	wrdreg s17  }
0xb6: {  	[dreg:$0x4] =	wrdreg s18  }
0xb7: {  	[dreg:$0x5] =	wrdreg $0x9  }
0xb8: {  	_ =	task.clear_ibuf [dreg:s9], $0x6FFFF;
	_ =	strace $0x90000046  }
0xb9: {  	s29 =	simm.s32 $0x9;
	_ =	strace $0x80000048  }
0xba: {  	_ =	swait.ge [sflag:s29], $0x1  }
0xbb: {  	[sflag:s29] =	ssyncadd.s32 $0xFFFFFFFF  }
0xbc: {  	_ =	strace $0x90000048  }
0xbd: {  	_ =	sfence  }
0xbe: {  	s30 =	sld [smem:$0x0];
	_ =	sdelay $0x2  }
0xbf: {  	s31 =	sshll.u32 s1, $0xD;
	s1 =	sshrl.u32 s1, $0x2  }
0xc0: {  	s3 =	sand.u32 $0x4000, s31;
	s1 =	sadd.s32 s1, s30  }
0xc1: {  	s0 =	sor.u32 s3, s0;
	s1 =	sshll.u32 s1, $0x11  }
0xc2: {  	s0 =	sor.u32 s1, s0  }
0xc3: {  	s0 =	sadd.s32 $0x8F2B, s0  }
0xc4: {  	[sflag:s0] =	ssyncadd.remote.s32 $0x1  }
0xc5: {  	_ =	sfence.sel $0xFFFF  }
0xc6: {  	[dreg:$0x0] =	wrdreg $0xFFFFFFFF;
	(pc) =	sbr.abs _section_cstart, $3  }
0xc7: {  	[dreg:$0x1] =	wrdreg $0xFFFFFFFF  }
0xc8: {  	_ =	task.clear_ibuf [dreg:s9], $0x2FFFF;
	_ =	strace $0x9FFFFFFF  }
0xc9: {  	(tm) =	ssettm $0x7FFFFFFF  }
tec
execute0_lowered:
.L_overlay_start_1:
0x0: {  	(tag) =	ssettag $0x1  }
0x1: {  	s0 =	rddreg [dreg:$0x0]  }
0x2: {  	s1 =	rddreg [dreg:$0x1]  }
0x3: {  	s2 =	rddreg [dreg:$0x2];
	s12 =	simm.s32 $0x0;
	s3 =	srdreg.scid  }
0x4: {  	s11 =	stileid.u32;
	[smem:$0x7FF] =	sst s12;
	s3 =	sand.u32 $0x1, s3  }
0x5: {  	s9 =	smul.u32 $0x18000, s11;
	s23 =	sshll.u32 s11, $0x11;
	s13 =	sshll.u32 s11, $0xC  }
0x6: {  	s10 =	sshll.u32 s11, $0x7;
	_ =	strace $0x80000047;
	s6 =	ssub.s32 $0x2, s3  }
0x7: {  	p0 =	seq.s32 s3, $0x0;
	s8 =	smul.u32 $0x180000, s3;
	[dreg:$0x4] =	wrdreg s13  }
0x8: {  	s25 =	sor.u32 s10, s13;
	s3 =	sshll.u32 s3, $0x4;
	s7 =	sshrl.u32 s6, $0x1  }
0x9: {  	s1 =	sadd.s32 s1, s3;
	s6 =	ssub.s32 s6, s7;
	s24 =	sadd.s32 s9, s8  }
0xa: {  	s7 =	sadd.s32 s0, s23;
	s26 =	sshrl.u32 s8, $0x3;
	s0 =	sshrl.u32 s24, $0x3  }
0xb: {  	[dreg:$0x12] =	wrdreg s1;
	s13 =	sadd.s32 s2, s0;
	s0 =	sadd.s32 s26, s2  }
0xc: {  	s28 =	sadd.s32 $0x2000, s0;
	[dreg:$0x5] =	wrdreg s13  }
0xd: {  	s30 =	sadd.s32 $0x5000, s0;
	[dreg:$0x6] =	wrdreg s28  }
0xe: {  	s10 =	sadd.s32 $0x8000, s0;
	[dreg:$0x7] =	wrdreg s30  }
0xf: {  	s14 =	sadd.s32 $0xB000, s0;
	[dreg:$0x8] =	wrdreg s10  }
0x10: {  	s15 =	sadd.s32 $0xE000, s0;
	[dreg:$0x9] =	wrdreg s14  }
0x11: {  	s16 =	sadd.s32 $0x11000, s0;
	[dreg:$0xa] =	wrdreg s15  }
0x12: {  	s17 =	sadd.s32 $0x14000, s0;
	[dreg:$0xb] =	wrdreg s16  }
0x13: {  	s18 =	sadd.s32 $0x17000, s0;
	[dreg:$0xc] =	wrdreg s17  }
0x14: {  	s4 =	simm.s32 $0x40;
	s19 =	sadd.s32 $0x1A000, s0;
	[dreg:$0xd] =	wrdreg s18  }
0x15: {  	s5 =	simm.s32 $0x8000;
	s20 =	sadd.s32 $0x1D000, s0;
	[dreg:$0xe] =	wrdreg s19  }
0x16: {  	s31 =	simm.s32 $0x80;
	s21 =	sadd.s32 $0x20000, s0;
	[dreg:$0xf] =	wrdreg s20  }
0x17: {  	s29 =	simm.s32 $0x4000;
	s22 =	sadd.s32 $0x23000, s0;
	[dreg:$0x10] =	wrdreg s21  }
0x18: {  	s4 =	simm.s32 @!p0 $0x100;
	s23 =	sadd.s32 $0x26000, s0;
	[dreg:$0x11] =	wrdreg s22  }
0x19: {  	s5 =	simm.s32 @!p0 $0x10000;
	s24 =	sadd.s32 $0x29000, s0;
	[dreg:$0x13] =	wrdreg s23  }
0x1a: {  	s9 =	sand.u32 $0x8380, s25;
	s25 =	sadd.s32 $0x2C000, s0;
	[dreg:$0x14] =	wrdreg s24  }
0x1b: {  	p0 =	sne.s32 s11, $0x0;
	s26 =	sadd.s32 $0x2F000, s0;
	[dreg:$0x15] =	wrdreg s25  }
0x1c: {  	v0 =	vlaneseq.u32;
	s3 =	simm.s32 $0x0;
	s0 =	sadd.s32 $0x2002, s0;
	[dreg:$0x16] =	wrdreg s26  }
0x1d: {  	v3 =	vmul.u32 $0xFFFFFFFF, v0;
	s9 =	sor.u32 s8, s9;
	[dreg:$0x17] =	wrdreg s0;
	s28 =	smax.u32 s6, $0x1  }
0x1e: {  	v2 =	vimm.s32 $0x0;
	vm0 =	vmmov $0x1;
	vm1 =	vcmask $0x308;
	s30 =	sadd.s32 $0x2000, s13;
	s0 =	simm.s32 $0x400;
	[dreg:$0x18] =	wrdreg s28  }
0x1f: {  	vm2 =	vcmask $0x70C;
	v3 =	vadd.s32 $0xF, v3;
	v1 =	vmov s5;
	s22 =	simm.s32 $0x1;
	s13 =	simm.s32 $0x15000;
	[dreg:$0x19] =	wrdreg s30  }
.LBB2_1:
0x20: {  	s1 =	sand.u32 $0x70, s12;
	s30 =	sand.u32 $0x7C00, s12  }
0x21: {  	s1 =	sor.u32 s1, s30  }
0x22: {  	[dreg:$0x1a] =	wrdreg s3;
	s3 =	simm.s32 $0x10;
	s6 =	simm.s32 $0x0;
	[tilespmem:s1+$0x4000] =	vst v2  }
.LBB2_2:
0x23: {  	p1 =	sne.s32 s3, $0xFF0  }
.Ltmp0:
0x24: {  	_ = 	snop;
	(pc) =	sbr.rel @p1 .LBB2_2-.Ltmp0, $4  }
0x25: {  	s6 =	sadd.s32 $0x80, s6  }
0x26: {  	s1 =	sand.u32 $0x70, s3;
	s8 =	sand.u32 $0x7C00, s6  }
0x27: {  	s1 =	sor.u32 s1, s8  }
0x28: {  	s3 =	sadd.s32 $0x10, s3;
	[tilespmem:s1+$0x4000] =	vst v2;
	s1 =	simm.s32 $0x0  }
0x29: {  	s3 =	sand.u32 $0x70, s1;
	s6 =	sand.u32 $0x7C00, s1  }
0x2a: {  	s3 =	sor.u32 s3, s6  }
0x2b: {  	s8 =	simm.s32 $0x0;
	s6 =	simm.s32 $0x10;
	[tilespmem:s3+$0x4080] =	vst v2  }
.LBB2_4:
0x2c: {  	p1 =	sne.s32 s6, $0xFF0  }
.Ltmp1:
0x2d: {  	_ = 	snop;
	(pc) =	sbr.rel @p1 .LBB2_4-.Ltmp1, $4  }
0x2e: {  	s8 =	sadd.s32 $0x80, s8  }
0x2f: {  	s10 =	sand.u32 $0x70, s6;
	s11 =	sand.u32 $0x7C00, s8  }
0x30: {  	s10 =	sor.u32 s10, s11  }
0x31: {  	s6 =	sadd.s32 $0x10, s6;
	[tilespmem:s10+$0x4080] =	vst v2  }
0x32: {  	s6 =	simm.s32 $0x10;
	[tilespmem:s3+$0x4100] =	vst v2  }
.LBB2_6:
0x33: {  	p1 =	sne.s32 s6, $0xFF0  }
.Ltmp2:
0x34: {  	_ = 	snop;
	(pc) =	sbr.rel @p1 .LBB2_6-.Ltmp2, $4  }
0x35: {  	s1 =	sadd.s32 $0x80, s1  }
0x36: {  	s3 =	sand.u32 $0x70, s6;
	s8 =	sand.u32 $0x7C00, s1  }
0x37: {  	s3 =	sor.u32 s3, s8  }
0x38: {  	s6 =	sadd.s32 $0x10, s6;
	[tilespmem:s3+$0x4100] =	vst v2;
	s3 =	simm.s32 $0x0  }
0x39: {  	s1 =	sand.u32 $0x70, s3;
	s6 =	sand.u32 $0x7C00, s3  }
0x3a: {  	s1 =	sor.u32 s1, s6  }
0x3b: {  	s8 =	simm.s32 $0x0;
	s6 =	simm.s32 $0x10;
	[tilespmem:s1+$0x4180] =	vst v2  }
.LBB2_8:
0x3c: {  	p1 =	sne.s32 s6, $0xFF0  }
.Ltmp3:
0x3d: {  	_ = 	snop;
	(pc) =	sbr.rel @p1 .LBB2_8-.Ltmp3, $4  }
0x3e: {  	s8 =	sadd.s32 $0x80, s8  }
0x3f: {  	s10 =	sand.u32 $0x70, s6;
	s11 =	sand.u32 $0x7C00, s8  }
0x40: {  	s10 =	sor.u32 s10, s11  }
0x41: {  	s6 =	sadd.s32 $0x10, s6;
	[tilespmem:s10+$0x4180] =	vst v2  }
0x42: {  	s8 =	simm.s32 $0x10;
	[tilespmem:s1+$0x4200] =	vst v2  }
.LBB2_10:
0x43: {  	p1 =	sne.s32 s8, $0xFF0  }
.Ltmp4:
0x44: {  	_ = 	snop;
	(pc) =	sbr.rel @p1 .LBB2_10-.Ltmp4, $4  }
0x45: {  	s3 =	sadd.s32 $0x80, s3  }
0x46: {  	s1 =	sand.u32 $0x70, s8;
	s6 =	sand.u32 $0x7C00, s3  }
0x47: {  	s1 =	sor.u32 s1, s6  }
0x48: {  	s8 =	sadd.s32 $0x10, s8;
	s6 =	simm.s32 $0x0;
	[tilespmem:s1+$0x4200] =	vst v2  }
0x49: {  	s1 =	sand.u32 $0x70, s6;
	s3 =	sand.u32 $0x7C00, s6  }
0x4a: {  	s1 =	sor.u32 s1, s3  }
0x4b: {  	s8 =	simm.s32 $0x0;
	s3 =	simm.s32 $0x10;
	[tilespmem:s1+$0x4280] =	vst v2  }
.LBB2_12:
0x4c: {  	p1 =	sne.s32 s3, $0xFF0  }
.Ltmp5:
0x4d: {  	_ = 	snop;
	(pc) =	sbr.rel @p1 .LBB2_12-.Ltmp5, $4  }
0x4e: {  	s8 =	sadd.s32 $0x80, s8  }
0x4f: {  	s10 =	sand.u32 $0x70, s3;
	s11 =	sand.u32 $0x7C00, s8  }
0x50: {  	s10 =	sor.u32 s10, s11  }
0x51: {  	s3 =	sadd.s32 $0x10, s3;
	[tilespmem:s10+$0x4280] =	vst v2  }
0x52: {  	s3 =	simm.s32 $0x10;
	[tilespmem:s1+$0x4300] =	vst v2  }
.LBB2_14:
0x53: {  	p1 =	sne.s32 s3, $0xFF0  }
.Ltmp6:
0x54: {  	_ = 	snop;
	(pc) =	sbr.rel @p1 .LBB2_14-.Ltmp6, $4  }
0x55: {  	s6 =	sadd.s32 $0x80, s6  }
0x56: {  	s1 =	sand.u32 $0x70, s3;
	s8 =	sand.u32 $0x7C00, s6  }
0x57: {  	s1 =	sor.u32 s1, s8  }
0x58: {  	s3 =	sadd.s32 $0x10, s3;
	[tilespmem:s1+$0x4300] =	vst v2;
	s1 =	simm.s32 $0x0  }
0x59: {  	s3 =	sand.u32 $0x7, s1  }
0x5a: {  	s3 =	sshll.u32 s3, $0x4  }
0x5b: {  	s3 =	sadd.s32 $0x0, s3  }
0x5c: {  	s6 =	sor.u32 $0x380, s3  }
0x5d: {  	s8 =	simm.s32 $0x0;
	s3 =	simm.s32 $0x10;
	[tilespmem:s6+$0x4000] =	vst v2;
	s6 =	simm.s32 $0x1  }
.LBB2_16:
0x5e: {  	s10 =	sand.u32 $0x7, s6;
	p1 =	sne.s32 s3, $0xFF0;
	s3 =	sadd.s32 $0x10, s3  }
.Ltmp7:
0x5f: {  	s8 =	sadd.s32 $0x80, s8;
	s10 =	sshll.u32 s10, $0x4;
	(pc) =	sbr.rel @p1 .LBB2_16-.Ltmp7, $4  }
0x60: {  	s10 =	sadd.s32 s10, s8  }
0x61: {  	s10 =	sor.u32 $0x380, s10  }
0x62: {  	[tilespmem:s10+$0x4000] =	vst v2  }
0x63: {  	s6 =	sadd.s32 $0x1, s6  }
0x64: {  	s3 =	sand.u32 $0x70, s1;
	s6 =	sand.u32 $0x7C00, s1  }
0x65: {  	s3 =	sor.u32 s3, s6  }
0x66: {  	s6 =	simm.s32 $0x10;
	[tilespmem:s3+$0xC000] =	vst v2  }
.LBB2_18:
0x67: {  	p1 =	sne.s32 s6, $0xFF0  }
.Ltmp8:
0x68: {  	_ = 	snop;
	(pc) =	sbr.rel @p1 .LBB2_18-.Ltmp8, $4  }
0x69: {  	s1 =	sadd.s32 $0x80, s1  }
0x6a: {  	s3 =	sand.u32 $0x70, s6;
	s8 =	sand.u32 $0x7C00, s1  }
0x6b: {  	s3 =	sor.u32 s3, s8  }
0x6c: {  	s6 =	sadd.s32 $0x10, s6;
	[tilespmem:s3+$0xC000] =	vst v2;
	s3 =	simm.s32 $0x0  }
0x6d: {  	s1 =	sand.u32 $0x70, s3;
	s6 =	sand.u32 $0x7C00, s3  }
0x6e: {  	s1 =	sor.u32 s1, s6  }
0x6f: {  	s8 =	simm.s32 $0x0;
	s6 =	simm.s32 $0x10;
	[tilespmem:s1+$0xC080] =	vst v2  }
.LBB2_20:
0x70: {  	p1 =	sne.s32 s6, $0xFF0  }
.Ltmp9:
0x71: {  	_ = 	snop;
	(pc) =	sbr.rel @p1 .LBB2_20-.Ltmp9, $4  }
0x72: {  	s8 =	sadd.s32 $0x80, s8  }
0x73: {  	s10 =	sand.u32 $0x70, s6;
	s11 =	sand.u32 $0x7C00, s8  }
0x74: {  	s10 =	sor.u32 s10, s11  }
0x75: {  	s6 =	sadd.s32 $0x10, s6;
	[tilespmem:s10+$0xC080] =	vst v2  }
0x76: {  	s6 =	simm.s32 $0x10;
	[tilespmem:s1+$0xC100] =	vst v2  }
.LBB2_22:
0x77: {  	p1 =	sne.s32 s6, $0xFF0  }
.Ltmp10:
0x78: {  	_ = 	snop;
	(pc) =	sbr.rel @p1 .LBB2_22-.Ltmp10, $4  }
0x79: {  	s3 =	sadd.s32 $0x80, s3  }
0x7a: {  	s1 =	sand.u32 $0x70, s6;
	s8 =	sand.u32 $0x7C00, s3  }
0x7b: {  	s1 =	sor.u32 s1, s8  }
0x7c: {  	s6 =	sadd.s32 $0x10, s6;
	[tilespmem:s1+$0xC100] =	vst v2;
	s1 =	simm.s32 $0x0  }
0x7d: {  	s3 =	sand.u32 $0x70, s1;
	s6 =	sand.u32 $0x7C00, s1  }
0x7e: {  	s3 =	sor.u32 s3, s6  }
0x7f: {  	s8 =	simm.s32 $0x0;
	s6 =	simm.s32 $0x10;
	[tilespmem:s3+$0xC180] =	vst v2  }
.LBB2_24:
0x80: {  	p1 =	sne.s32 s6, $0xFF0  }
.Ltmp11:
0x81: {  	_ = 	snop;
	(pc) =	sbr.rel @p1 .LBB2_24-.Ltmp11, $4  }
0x82: {  	s8 =	sadd.s32 $0x80, s8  }
0x83: {  	s10 =	sand.u32 $0x70, s6;
	s11 =	sand.u32 $0x7C00, s8  }
0x84: {  	s10 =	sor.u32 s10, s11  }
0x85: {  	s6 =	sadd.s32 $0x10, s6;
	[tilespmem:s10+$0xC180] =	vst v2  }
0x86: {  	s6 =	simm.s32 $0x10;
	[tilespmem:s3+$0xC200] =	vst v2  }
.LBB2_26:
0x87: {  	p1 =	sne.s32 s6, $0xFF0  }
.Ltmp12:
0x88: {  	_ = 	snop;
	(pc) =	sbr.rel @p1 .LBB2_26-.Ltmp12, $4  }
0x89: {  	s1 =	sadd.s32 $0x80, s1  }
0x8a: {  	s3 =	sand.u32 $0x70, s6;
	s8 =	sand.u32 $0x7C00, s1  }
0x8b: {  	s3 =	sor.u32 s3, s8  }
0x8c: {  	s6 =	sadd.s32 $0x10, s6;
	[tilespmem:s3+$0xC200] =	vst v2;
	s3 =	simm.s32 $0x0  }
0x8d: {  	s1 =	sand.u32 $0x70, s3;
	s6 =	sand.u32 $0x7C00, s3  }
0x8e: {  	s1 =	sor.u32 s1, s6  }
0x8f: {  	s8 =	simm.s32 $0x0;
	s6 =	simm.s32 $0x10;
	[tilespmem:s1+$0xC280] =	vst v2  }
.LBB2_28:
0x90: {  	p1 =	sne.s32 s6, $0xFF0  }
.Ltmp13:
0x91: {  	_ = 	snop;
	(pc) =	sbr.rel @p1 .LBB2_28-.Ltmp13, $4  }
0x92: {  	s8 =	sadd.s32 $0x80, s8  }
0x93: {  	s10 =	sand.u32 $0x70, s6;
	s11 =	sand.u32 $0x7C00, s8  }
0x94: {  	s10 =	sor.u32 s10, s11  }
0x95: {  	s6 =	sadd.s32 $0x10, s6;
	[tilespmem:s10+$0xC280] =	vst v2  }
0x96: {  	s6 =	simm.s32 $0x10;
	[tilespmem:s1+$0xC300] =	vst v2  }
.LBB2_30:
0x97: {  	p1 =	sne.s32 s6, $0xFF0  }
.Ltmp14:
0x98: {  	_ = 	snop;
	(pc) =	sbr.rel @p1 .LBB2_30-.Ltmp14, $4  }
0x99: {  	s3 =	sadd.s32 $0x80, s3  }
0x9a: {  	s1 =	sand.u32 $0x70, s6;
	s8 =	sand.u32 $0x7C00, s3  }
0x9b: {  	s1 =	sor.u32 s1, s8  }
0x9c: {  	s6 =	sadd.s32 $0x10, s6;
	s11 =	simm.s32 $0x0;
	[tilespmem:s1+$0xC300] =	vst v2  }
0x9d: {  	s1 =	sand.u32 $0x70, s11;
	s3 =	sand.u32 $0x7C00, s11  }
0x9e: {  	s3 =	sor.u32 s1, s3  }
0x9f: {  	s1 =	simm.s32 $0x10;
	[tilespmem:s3+$0xC380] =	vst v2;
	s3 =	simm.s32 $0x0  }
.LBB2_32:
0xa0: {  	p1 =	sne.s32 s1, $0xFF0  }
.Ltmp15:
0xa1: {  	_ = 	snop;
	(pc) =	sbr.rel @p1 .LBB2_32-.Ltmp15, $4  }
0xa2: {  	s3 =	sadd.s32 $0x80, s3  }
0xa3: {  	s6 =	sand.u32 $0x70, s1;
	s8 =	sand.u32 $0x7C00, s3  }
0xa4: {  	s6 =	sor.u32 s6, s8  }
0xa5: {  	s1 =	sadd.s32 $0x10, s1;
	[tilespmem:s6+$0xC380] =	vst v2  }
.LBB2_33:
0xa6: {  	s1 =	sshll.u32 s11, $0xB  }
0xa7: {  	s3 =	sshll.u32 s11, $0x4;
	s1 =	sand.u32 $0x1C000, s1  }
0xa8: {  	s3 =	sand.u32 $0x70, s3;
	s1 =	sadd.s32 s1, s7  }
0xa9: {  	s1 =	sadd.s32 s3, s1  }
0xaa: {  	[tilespmem:s12], [sflag:$0x1] =	stream.strided.gather [hbm4b:s1+s31], $0x4000, s0, s31, $0x38;
	[tilespmem:$0x16980] =	vst v63  }
0xab: {  	_ =	swait.ge [sflag:s22], $0x4000  }
0xac: {  	[sflag:s22] =	ssyncset.done $0x0  }
0xad: {  	s3 =	smov.u32 s4;
	s1 =	simm.s32 $0x20;
	[sflag:s22] =	ssyncadd.s32 $0xFFFFC000  }
.LBB2_34:
0xae: {  	v4 =	vld [tilespmem:s1+$0xFFFFFFE0];
	_ =	sdelay $0x4  }
0xaf: {  	vm3 =	vgt.f32 v4, $0.0e+00;
	v5 =	vshrl.u32 v4, $0x10  }
0xb0: {  	(xrf1) =	vunique.msk.u32 vm3, v5;
	_ =	sdelay $0xa  }
0xb1: {  	v6 =	vshrl.u32 v4, $0xD  }
0xb2: {  	v4 =	vshrl.u32 v4, $0x15;
	v7 =	vand.u32 $0x8000, v5;
	v6 =	vand.u32 $0x7C00, v6  }
0xb3: {  	v4 =	vand.u32 $0x380, v4;
	v6 =	vor.u32 v6, v7  }
0xb4: {  	v5 =	vand.u32 $0x7F, v5;
	v4 =	vor.u32 v4, v6;
	_, v54, vm3 =	vpop (xrf1)  }
0xb5: {  	v4 =	vor.u32 v5, v4;
	_ =	sdelay $0x4  }
0xb6: {  	[tilespmem:v4+s29+$0x0] =	vst.idx.add.s32.msk vm3, v54  }
0xb7: {  	v4 =	vld [tilespmem:s1+$0xFFFFFFF0];
	_ =	sdelay $0x4  }
0xb8: {  	vm3 =	vgt.f32 v4, $0.0e+00;
	v5 =	vshrl.u32 v4, $0x10  }
0xb9: {  	(xrf1) =	vunique.msk.u32 vm3, v5;
	_ =	sdelay $0xa  }
0xba: {  	v55 =	vshrl.u32 v4, $0xD  }
0xbb: {  	v4 =	vshrl.u32 v4, $0x15;
	v56 =	vand.u32 $0x8000, v5;
	v6 =	vand.u32 $0x7C00, v55  }
0xbc: {  	v4 =	vand.u32 $0x380, v4;
	v6 =	vor.u32 v6, v56  }
0xbd: {  	v5 =	vand.u32 $0x7F, v5;
	v4 =	vor.u32 v4, v6;
	_, v57, vm3 =	vpop (xrf1)  }
0xbe: {  	v4 =	vor.u32 v5, v4;
	_ =	sdelay $0x4  }
0xbf: {  	[tilespmem:v4+s29+$0x0] =	vst.idx.add.s32.msk vm3, v57  }
0xc0: {  	v4 =	vld [tilespmem:s1+$0x0];
	_ =	sdelay $0x4  }
0xc1: {  	vm3 =	vgt.f32 v4, $0.0e+00;
	v5 =	vshrl.u32 v4, $0x10  }
0xc2: {  	(xrf1) =	vunique.msk.u32 vm3, v5;
	_ =	sdelay $0xa  }
0xc3: {  	v58 =	vshrl.u32 v4, $0xD  }
0xc4: {  	v4 =	vshrl.u32 v4, $0x15;
	v59 =	vand.u32 $0x8000, v5;
	v6 =	vand.u32 $0x7C00, v58  }
0xc5: {  	v4 =	vand.u32 $0x380, v4;
	v6 =	vor.u32 v6, v59  }
0xc6: {  	v5 =	vand.u32 $0x7F, v5;
	v4 =	vor.u32 v4, v6;
	_, v60, vm3 =	vpop (xrf1)  }
0xc7: {  	v4 =	vor.u32 v5, v4;
	_ =	sdelay $0x4  }
0xc8: {  	[tilespmem:v4+s29+$0x0] =	vst.idx.add.s32.msk vm3, v60  }
0xc9: {  	v4 =	vld [tilespmem:s1+$0x10];
	_ =	sdelay $0x4  }
0xca: {  	vm3 =	vgt.f32 v4, $0.0e+00;
	v5 =	vshrl.u32 v4, $0x10  }
0xcb: {  	(xrf1) =	vunique.msk.u32 vm3, v5;
	_ =	sdelay $0xa  }
0xcc: {  	v61 =	vshrl.u32 v4, $0xD  }
0xcd: {  	v4 =	vshrl.u32 v4, $0x15;
	v62 =	vand.u32 $0x8000, v5;
	v6 =	vand.u32 $0x7C00, v61  }
0xce: {  	v4 =	vand.u32 $0x380, v4;
	v6 =	vor.u32 v6, v62  }
0xcf: {  	v5 =	vand.u32 $0x7F, v5;
	v4 =	vor.u32 v4, v6;
	_, v63, vm3 =	vpop (xrf1)  }
0xd0: {  	p1 =	sne.s32 s3, $0x1;
	v4 =	vor.u32 v5, v4  }
.Ltmp16:
0xd1: {  	_ = 	snop;
	(pc) =	sbr.rel @p1 .LBB2_34-.Ltmp16, $2  }
0xd2: {  	_ =	sdelay $0x2  }
0xd3: {  	s3 =	sadd.s32 $0xFFFFFFFF, s3;
	s1 =	sadd.s32 $0x40, s1;
	[tilespmem:v4+s29+$0x0] =	vst.idx.add.s32.msk vm3, v63  }
0xd4: {  	s11 =	sadd.s32 $0x1, s11  }
0xd5: {  	p1 =	sne.s32 s11, $0x40  }
.Ltmp17:
0xd6: {  	_ = 	snop;
	(pc) =	sbr.rel @p1 .LBB2_33-.Ltmp17, $1  }
0xd7: {  	_ =	sdelay $0x3  }
0xd8: {  	s1 =	simm.s32 $0x0;
	s3 =	rddreg [dreg:$0x5]  }
0xd9: {  	[hbm4b:s3+s1] =	stream.linear.scatter [tilespmem:s29], [sflag:$0x1], $0x10000, $0x38;
	[tilespmem:$0x16980] =	vst v63  }
0xda: {  	_ =	swait.ge [sflag:s22], $0x10000  }
0xdb: {  	[sflag:s22] =	ssyncset.done $0x0  }
0xdc: {  	[sflag:s22] =	ssyncadd.s32 $0xFFFF0000  }
0xdd: {  	s6 =	simm.s32 $0x0;
	s3 =	simm.s32 $0x40;
	[bflag:$0x0] =	sbarrier.arrive $0xFFFF  }
.LBB2_37:
0xde: {  	p1 =	sne.s32 s3, $0x3FC0;
	[tilespmem:s6+$0x14000] =	vst v2;
	s6 =	smov.u32 s3;
	s3 =	sadd.s32 $0x40, s3  }
.Ltmp18:
0xdf: {  	(pc) =	sbr.rel @p1 .LBB2_37-.Ltmp18, $2  }
0xe0: {  	_ =	sdelay $0x2  }
0xe1: {  	s6 =	sshra.s32 s6, $0x2  }
0xe2: {  	[tilespmem:s6+$0x14000] =	vst v2  }
.LBB2_39:
0xe3: {  	s3 =	smul.u32 $0x18000, s1;
	_ =	sdelay $0x1  }
0xe4: {  	s3 =	sadd.s32 s3, s9  }
0xe5: {  	s3 =	sshrl.u32 s3, $0x3  }
0xe6: {  	s3 =	sadd.s32 s2, s3  }
0xe7: {  	[tilespmem:s13], [sflag:$0x1] =	stream.strided.gather [hbm4b:s3+s31], $0x1000, s0, s31, $0x38;
	[tilespmem:$0x16980] =	vst v63  }
0xe8: {  	_ =	swait.ge [sflag:s22], $0x1000  }
0xe9: {  	[sflag:s22] =	ssyncset.done $0x0  }
0xea: {  	s3 =	simm.s32 $0x0;
	[sflag:s22] =	ssyncadd.s32 $0xFFFFF000  }
0xeb: {  	s6 =	simm.s32 $0x40;
	v4 =	vld [tilespmem:s3+$0x15000]  }
.LBB2_40:
0xec: {  	p1 =	sne.s32 s6, $0x3FC0;
	v5 =	vld [tilespmem:s3+$0x14000];
	_ =	sdelay $0x1  }
.Ltmp19:
0xed: {  	(pc) =	sbr.rel @p1 .LBB2_40-.Ltmp19, $3  }
0xee: {  	_ =	sdelay $0x1  }
0xef: {  	s8 =	sshra.s32 s6, $0x2;
	v5 =	vadd.s32 v5, v4  }
0xf0: {  	s6 =	sadd.s32 $0x40, s6;
	v4 =	vld [tilespmem:s8+$0x15000];
	[tilespmem:s3+$0x14000] =	vst v5;
	s3 =	smov.u32 s8  }
0xf1: {  	v5 =	vld [tilespmem:s3+$0x14000];
	s1 =	sadd.s32 $0x1, s1  }
0xf2: {  	p1 =	sne.s32 s1, $0x10  }
.Ltmp20:
0xf3: {  	_ = 	snop;
	(pc) =	sbr.rel @p1 .LBB2_39-.Ltmp20, $3  }
0xf4: {  	_ =	sdelay $0x1  }
0xf5: {  	v4 =	vadd.s32 v5, v4  }
0xf6: {  	[tilespmem:s3+$0x14000] =	vst v4  }
0xf7: {  	s3 =	simm.s32 $0x0  }
0xf8: {  	v4 =	vimm.s32 $0x0;
	s1 =	simm.s32 $0x40;
	v5 =	vld [tilespmem:s3+$0x14000]  }
.LBB2_43:
0xf9: {  	p1 =	sne.s32 s1, $0x3FC0  }
.Ltmp21:
0xfa: {  	_ = 	snop;
	(pc) =	sbr.rel @p1 .LBB2_43-.Ltmp21, $3  }
0xfb: {  	_ =	sdelay $0x1  }
0xfc: {  	s3 =	sshra.s32 s1, $0x2;
	s1 =	sadd.s32 $0x40, s1;
	v4 =	vadd.s32 v4, v5  }
0xfd: {  	v5 =	vld [tilespmem:s3+$0x14000]  }
0xfe: {  	_ =	sdelay $0x3  }
0xff: {  	v4 =	vadd.s32 v4, v5  }
0x100: {  	(xrf0) =	vadd.scan.msk.s32 $0xffff, v4;
	_ =	sdelay $0x5  }
0x101: {  	v4, _, _ =	vpop (xrf0)  }
0x102: {  	v4 =	vbroadcast v4, $0xF;
	_ =	sdelay $0x1  }
0x103: {  	s11 =	simm.s32 $0x0;
	s1 =	rddreg [dreg:$0x19];
	s2 =	simm.s32 $0x16000;
	[tilespmem:$0x16000] =	vst v4  }
0x104: {  	[hbm4b:s1+s11] =	stream.linear.scatter [tilespmem:s2], [sflag:$0x1], $0x10, $0x38;
	[tilespmem:$0x16980] =	vst v63  }
0x105: {  	_ =	swait.ge [sflag:s22], $0x10  }
0x106: {  	[sflag:s22] =	ssyncset.done $0x0  }
0x107: {  	[sflag:s22] =	ssyncadd.s32 $0xFFFFFFF0  }
0x108: {  	[bflag:$0x0] =	sbarrier.arrive $0xFFFF  }
0x109: {  	s13 =	simm.s32 $0x16080;
	s12 =	rddreg [dreg:$0x6]  }
0x10a: {  	[tilespmem:s13], [sflag:$0x1] =	stream.linear.gather [hbm4b:s12+s11], $0x10, $0x38;
	[tilespmem:$0x16980] =	vst v63  }
0x10b: {  	_ =	swait.ge [sflag:s22], $0x10  }
0x10c: {  	[sflag:s22] =	ssyncset.done $0x0  }
0x10d: {  	s15 =	simm.s32 $0x16100;
	s14 =	rddreg [dreg:$0x7];
	[sflag:s22] =	ssyncadd.s32 $0xFFFFFFF0  }
0x10e: {  	[tilespmem:s15], [sflag:$0x1] =	stream.linear.gather [hbm4b:s14+s11], $0x10, $0x38;
	[tilespmem:$0x16980] =	vst v63  }
0x10f: {  	_ =	swait.ge [sflag:s22], $0x10  }
0x110: {  	[sflag:s22] =	ssyncset.done $0x0  }
0x111: {  	s17 =	simm.s32 $0x16180;
	s16 =	rddreg [dreg:$0x8];
	[sflag:s22] =	ssyncadd.s32 $0xFFFFFFF0  }
0x112: {  	[tilespmem:s17], [sflag:$0x1] =	stream.linear.gather [hbm4b:s16+s11], $0x10, $0x38;
	[tilespmem:$0x16980] =	vst v63  }
0x113: {  	_ =	swait.ge [sflag:s22], $0x10  }
0x114: {  	[sflag:s22] =	ssyncset.done $0x0  }
0x115: {  	s19 =	simm.s32 $0x16200;
	s18 =	rddreg [dreg:$0x9];
	[sflag:s22] =	ssyncadd.s32 $0xFFFFFFF0  }
0x116: {  	[tilespmem:s19], [sflag:$0x1] =	stream.linear.gather [hbm4b:s18+s11], $0x10, $0x38;
	[tilespmem:$0x16980] =	vst v63  }
0x117: {  	_ =	swait.ge [sflag:s22], $0x10  }
0x118: {  	[sflag:s22] =	ssyncset.done $0x0  }
0x119: {  	s21 =	simm.s32 $0x16280;
	s20 =	rddreg [dreg:$0xa];
	[sflag:s22] =	ssyncadd.s32 $0xFFFFFFF0  }
0x11a: {  	[tilespmem:s21], [sflag:$0x1] =	stream.linear.gather [hbm4b:s20+s11], $0x10, $0x38;
	[tilespmem:$0x16980] =	vst v63  }
0x11b: {  	_ =	swait.ge [sflag:s22], $0x10  }
0x11c: {  	[sflag:s22] =	ssyncset.done $0x0  }
0x11d: {  	s24 =	simm.s32 $0x16300;
	s23 =	rddreg [dreg:$0xb];
	[sflag:s22] =	ssyncadd.s32 $0xFFFFFFF0  }
0x11e: {  	[tilespmem:s24], [sflag:$0x1] =	stream.linear.gather [hbm4b:s23+s11], $0x10, $0x38;
	[tilespmem:$0x16980] =	vst v63  }
0x11f: {  	_ =	swait.ge [sflag:s22], $0x10  }
0x120: {  	[sflag:s22] =	ssyncset.done $0x0  }
0x121: {  	s26 =	simm.s32 $0x16380;
	s25 =	rddreg [dreg:$0xc];
	[sflag:s22] =	ssyncadd.s32 $0xFFFFFFF0  }
0x122: {  	[tilespmem:s26], [sflag:$0x1] =	stream.linear.gather [hbm4b:s25+s11], $0x10, $0x38;
	[tilespmem:$0x16980] =	vst v63  }
0x123: {  	_ =	swait.ge [sflag:s22], $0x10  }
0x124: {  	[sflag:s22] =	ssyncset.done $0x0  }
0x125: {  	s30 =	simm.s32 $0x16400;
	s28 =	rddreg [dreg:$0xd];
	[sflag:s22] =	ssyncadd.s32 $0xFFFFFFF0  }
0x126: {  	[tilespmem:s30], [sflag:$0x1] =	stream.linear.gather [hbm4b:s28+s11], $0x10, $0x38;
	[tilespmem:$0x16980] =	vst v63  }
0x127: {  	_ =	swait.ge [sflag:s22], $0x10  }
0x128: {  	[sflag:s22] =	ssyncset.done $0x0  }
0x129: {  	s6 =	simm.s32 $0x16480;
	s3 =	rddreg [dreg:$0xe];
	[sflag:s22] =	ssyncadd.s32 $0xFFFFFFF0  }
0x12a: {  	[tilespmem:s6], [sflag:$0x1] =	stream.linear.gather [hbm4b:s3+s11], $0x10, $0x38;
	[tilespmem:$0x16980] =	vst v63  }
0x12b: {  	_ =	swait.ge [sflag:s22], $0x10  }
0x12c: {  	[sflag:s22] =	ssyncset.done $0x0  }
0x12d: {  	s10 =	simm.s32 $0x16500;
	s8 =	rddreg [dreg:$0xf];
	[sflag:s22] =	ssyncadd.s32 $0xFFFFFFF0  }
0x12e: {  	[tilespmem:s10], [sflag:$0x1] =	stream.linear.gather [hbm4b:s8+s11], $0x10, $0x38;
	[tilespmem:$0x16980] =	vst v63  }
0x12f: {  	_ =	swait.ge [sflag:s22], $0x10  }
0x130: {  	[sflag:s22] =	ssyncset.done $0x0  }
0x131: {  	s13 =	simm.s32 $0x16580;
	s12 =	rddreg [dreg:$0x10];
	[sflag:s22] =	ssyncadd.s32 $0xFFFFFFF0  }
0x132: {  	[tilespmem:s13], [sflag:$0x1] =	stream.linear.gather [hbm4b:s12+s11], $0x10, $0x38;
	[tilespmem:$0x16980] =	vst v63  }
0x133: {  	_ =	swait.ge [sflag:s22], $0x10  }
0x134: {  	[sflag:s22] =	ssyncset.done $0x0  }
0x135: {  	s15 =	simm.s32 $0x16600;
	s14 =	rddreg [dreg:$0x11];
	[sflag:s22] =	ssyncadd.s32 $0xFFFFFFF0  }
0x136: {  	[tilespmem:s15], [sflag:$0x1] =	stream.linear.gather [hbm4b:s14+s11], $0x10, $0x38;
	[tilespmem:$0x16980] =	vst v63  }
0x137: {  	_ =	swait.ge [sflag:s22], $0x10  }
0x138: {  	[sflag:s22] =	ssyncset.done $0x0  }
0x139: {  	s17 =	simm.s32 $0x16680;
	s16 =	rddreg [dreg:$0x13];
	[sflag:s22] =	ssyncadd.s32 $0xFFFFFFF0  }
0x13a: {  	[tilespmem:s17], [sflag:$0x1] =	stream.linear.gather [hbm4b:s16+s11], $0x10, $0x38;
	[tilespmem:$0x16980] =	vst v63  }
0x13b: {  	_ =	swait.ge [sflag:s22], $0x10  }
0x13c: {  	[sflag:s22] =	ssyncset.done $0x0  }
0x13d: {  	s19 =	simm.s32 $0x16700;
	s18 =	rddreg [dreg:$0x14];
	[sflag:s22] =	ssyncadd.s32 $0xFFFFFFF0  }
0x13e: {  	[tilespmem:s19], [sflag:$0x1] =	stream.linear.gather [hbm4b:s18+s11], $0x10, $0x38;
	[tilespmem:$0x16980] =	vst v63  }
0x13f: {  	_ =	swait.ge [sflag:s22], $0x10  }
0x140: {  	[sflag:s22] =	ssyncset.done $0x0  }
0x141: {  	s21 =	simm.s32 $0x16780;
	s20 =	rddreg [dreg:$0x15];
	[sflag:s22] =	ssyncadd.s32 $0xFFFFFFF0  }
0x142: {  	[tilespmem:s21], [sflag:$0x1] =	stream.linear.gather [hbm4b:s20+s11], $0x10, $0x38;
	[tilespmem:$0x16980] =	vst v63  }
0x143: {  	_ =	swait.ge [sflag:s22], $0x10  }
0x144: {  	[sflag:s22] =	ssyncset.done $0x0  }
0x145: {  	s23 =	simm.s32 $0x16800;
	s24 =	rddreg [dreg:$0x16];
	[sflag:s22] =	ssyncadd.s32 $0xFFFFFFF0  }
0x146: {  	[tilespmem:s23], [sflag:$0x1] =	stream.linear.gather [hbm4b:s24+s11], $0x10, $0x38;
	[tilespmem:$0x16980] =	vst v63  }
0x147: {  	_ =	swait.ge [sflag:s22], $0x10  }
0x148: {  	[sflag:s22] =	ssyncset.done $0x0  }
0x149: {  	[sflag:s22] =	ssyncadd.s32 $0xFFFFFFF0  }
0x14a: {  	v4 =	vld [tilespmem:s23+$0x0];
	_ =	sdelay $0x4  }
0x14b: {  	v4 =	vnsel vm0, $0x0, v4  }
0x14c: {  	(xrf0) =	vadd.scan.msk.s32 $0xffff, v4;
	_ =	sdelay $0x5  }
0x14d: {  	v4, _, _ =	vpop (xrf0)  }
0x14e: {  	(v2sf) =	vpush v4, $0xF  }
0x14f: {  	s25 =	simm.s32 $0x16780  }
0x150: {  	v4 =	vld [tilespmem:s25+$0x0];
	_ =	sdelay $0x2  }
0x151: {  	s26 =	simm.s32 $0x16700  }
0x152: {  	v5 =	vld [tilespmem:s26+$0x0]  }
0x153: {  	v4 =	vnsel vm0, $0x0, v4  }
0x154: {  	(xrf0) =	vadd.scan.msk.s32 $0xffff, v4;
	_ =	sdelay $0x2  }
0x155: {  	v4 =	vnsel vm0, $0x0, v5  }
0x156: {  	(xrf0) =	vadd.scan.msk.s32 $0xffff, v4;
	_ =	sdelay $0x1  }
0x157: {  	v5, _, _ =	vpop (xrf0)  }
0x158: {  	s30 =	spop (v2sf);
	(v2sf) =	vpush v5, $0xF;
	_ =	sdelay $0x1  }
0x159: {  	s28 =	simm.s32 $0x16680  }
0x15a: {  	v4 =	vld [tilespmem:s28+$0x0];
	v5, _, _ =	vpop (xrf0)  }
0x15b: {  	(v2sf) =	vpush v5, $0xF  }
0x15c: {  	p1 =	por $0x1, $0x1  }
0x15d: {  	s1 =	simm.s32 $0xD;
	s6 =	simm.s32 $0xE;
	s3 =	simm.s32 $0x0  }
0x15e: {  	s8 =	simm.s32 $0xF;
	s10 =	simm.s32 $0xA;
	s16 =	sadd.s32 $0x0, s30  }
0x15f: {  	s12 =	simm.s32 $0xFFFFFFFF;
	s13 =	simm.s32 $0xFFFFFFFF;
	v4 =	vnsel vm0, $0x0, v4;
	p2 =	sge.s32 s16, s5  }
0x160: {  	s14 =	simm.s32 $0xB;
	s18 =	simm.s32 $0x16600;
	(xrf0) =	vadd.scan.msk.s32 $0xffff, v4;
	p2 =	por !p1, !p2  }
0x161: {  	s15 =	simm.s32 $0x0;
	s17 =	simm.s32 $0xC;
	v4 =	vld [tilespmem:s18+$0x0];
	p2 =	por !p2, !p2  }
.LBB2_45:
0x162: {  	p3 =	sne.s32 s10, $0x0;
	s13 =	smov.u32 @p2 s8;
	s15 =	smov.u32 @p2 s3  }
0x163: {  	s8 =	smov.u32 s6;
	s6 =	smov.u32 s1;
	s1 =	smov.u32 s17  }
0x164: {  	s17 =	smov.u32 s14;
	s14 =	smov.u32 s10;
	s10 =	sadd.s32 $0xFFFFFFFF, s10  }
0x165: {  	s3 =	smov.u32 s16  }
.Ltmp22:
0x166: {  	v5, _, _ =	vpop (xrf0);
	s19 =	spop (v2sf);
	(pc) =	sbr.rel @p3 .LBB2_45-.Ltmp22, $4  }
0x167: {  	v4 =	vnsel vm0, $0x0, v4;
	(v2sf) =	vpush v5, $0xF;
	s16 =	sadd.s32 s16, s19  }
0x168: {  	p2 =	slt.s32 s13, $0x0;
	(xrf0) =	vadd.scan.msk.s32 $0xffff, v4;
	p4 =	sge.s32 s16, s5  }
0x169: {  	s18 =	sadd.s32 $0xFFFFFF80, s18;
	p2 =	por !p2, !p4  }
0x16a: {  	v4 =	vld [tilespmem:s18+$0x0];
	p2 =	por !p2, !p2  }
0x16b: {  	_ =	sdelay $0x3  }
0x16c: {  	v4 =	vnsel vm0, $0x0, v4;
	_ =	sdelay $0x1  }
0x16d: {  	(xrf0) =	vadd.scan.msk.s32 $0xffff, v4  }
0x16e: {  	s10 =	simm.s32 $0x14FF0;
	v4, _, _ =	vpop (xrf0)  }
0x16f: {  	(v2sf) =	vpush v4, $0xF;
	v4 =	vld [tilespmem:s10+$0x0];
	_ =	sdelay $0x3  }
0x170: {  	v5, _, _ =	vpop (xrf0)  }
0x171: {  	(v2sf) =	vpush v5, $0xF;
	v4 =	vperm.xlane v4, v3;
	_ =	sdelay $0x1  }
0x172: {  	s24 =	simm.s32 $0x14FE0;
	(xrf0) =	vadd.scan.msk.s32 $0xffff, v4  }
0x173: {  	s23 =	spop (v2sf);
	v5 =	vld [tilespmem:s24+$0x0]  }
0x174: {  	s13 =	smov.u32 @p2 s8;
	s8 =	sadd.s32 s16, s23  }
0x175: {  	p3 =	slt.s32 s13, $0x0;
	p4 =	sge.s32 s8, s5  }
0x176: {  	p3 =	por !p3, !p4  }
0x177: {  	p3 =	por !p3, !p3;
	s25 =	spop (v2sf)  }
0x178: {  	s13 =	smov.u32 @p3 s6;
	s6 =	sadd.s32 s8, s25;
	v6 =	vperm.xlane v5, v3;
	v5, _, _ =	vpop (xrf0)  }
0x179: {  	p6 =	slt.s32 s13, $0x0;
	p5 =	sge.s32 s6, s5;
	(v2sf) =	vpush v5, $0xF  }
0x17a: {  	p4 =	por !p6, !p5  }
0x17b: {  	p4 =	por !p4, !p4;
	(xrf0) =	vadd.scan.msk.s32 $0xffff, v6;
	s26 =	spop (v2sf)  }
0x17c: {  	s13 =	smov.u32 @p4 s1;
	s1 =	sadd.s32 s6, s26  }
0x17d: {  	s28 =	simm.s32 $0x14FD0;
	p5 =	slt.s32 s13, $0x0;
	p6 =	sge.s32 s1, s5  }
0x17e: {  	v7 =	vld [tilespmem:s28+$0x0];
	p5 =	por !p5, !p6  }
0x17f: {  	p5 =	por !p5, !p5;
	s30 =	spop (v2sf)  }
0x180: {  	s15 =	smov.u32 @p2 s3;
	s13 =	smov.u32 @p5 s17;
	s2 =	sadd.s32 s1, s30  }
0x181: {  	s15 =	smov.u32 @p3 s16;
	v8, _, _ =	vpop (xrf0);
	p3 =	slt.s32 s13, $0x0;
	p6 =	sge.s32 s2, s5  }
0x182: {  	s15 =	smov.u32 @p4 s8;
	(v2sf) =	vpush v8, $0xF;
	p2 =	por !p3, !p6  }
0x183: {  	v7 =	vperm.xlane v7, v3;
	s15 =	smov.u32 @p5 s6;
	p2 =	por !p2, !p2  }
0x184: {  	s15 =	smov.u32 @p2 s1  }
0x185: {  	(xrf0) =	vadd.scan.msk.s32 $0xffff, v7;
	v10 =	vadd.s32 s15, v5  }
0x186: {  	s8 =	simm.s32 $0x14FC0;
	vm3 =	vge.s32 v10, v1  }
0x187: {  	v5 =	vld [tilespmem:s8+$0x0];
	v9 =	vsel vm3, $0x1, v2;
	v11 =	vmctz.xlane vm3  }
0x188: {  	v9 =	vor.u32 $0x80000000, v9;
	s10 =	spop (v2sf)  }
0x189: {  	(xrf0) =	vmax.scan.msk.u32 $0xffff, v9;
	v9 =	vnsel vm0, $0x0, v11;
	s1 =	sadd.s32 s15, s10  }
0x18a: {  	(xrf0) =	vadd.scan.msk.s32 $0xffff, v9;
	v8 =	vadd.s32 s1, v8  }
0x18b: {  	v11, _, _ =	vpop (xrf0);
	vm3 =	vge.s32 v8, v1  }
0x18c: {  	s16 =	simm.s32 $0x14FB0;
	v9 =	vperm.xlane v5, v3;
	(v2sf) =	vpush v11, $0xF;
	v12 =	vsel vm3, $0x1, v2  }
0x18d: {  	v5 =	vld [tilespmem:s16+$0x0];
	v12 =	vor.u32 $0x80000000, v12  }
0x18e: {  	(xrf0) =	vadd.scan.msk.s32 $0xffff, v9  }
0x18f: {  	v13, _, _ =	vpop (xrf0)  }
0x190: {  	v14 =	vmctz.xlane vm3;
	(xrf0) =	vmax.scan.msk.u32 $0xffff, v12;
	v12, _, _ =	vpop (xrf0)  }
0x191: {  	s17 =	spop (v2sf);
	v15 =	vbroadcast v12, $0xF  }
0x192: {  	s1 =	sadd.s32 s1, s17;
	v14 =	vnsel vm0, $0x0, v14;
	v5 =	vperm.xlane v5, v3  }
0x193: {  	v11 =	vadd.s32 s1, v11;
	(v2sf) =	vpush v13, $0xF;
	(xrf0) =	vadd.scan.msk.s32 $0xffff, v14;
	vm3 =	veq.s32 v15, v0  }
0x194: {  	vm4 =	vge.s32 v11, v1;
	(v2sf) =	vpush v12, $0xF;
	v12, _, _ =	vpop (xrf0);
	(xrf0) =	vadd.scan.msk.s32 $0xffff, v5;
	v4 =	vnsel vm3, $0x0, v4  }
0x195: {  	v13 =	vsel vm4, $0x1, v2;
	(xrf0) =	vadd.scan.msk.s32 $0xffff, v4;
	v4 =	vnsel vm3, $0x0, v10  }
0x196: {  	s18 =	simm.s32 $0x14FA0;
	(xrf0) =	vadd.scan.msk.s32 $0xffff, v4;
	v4 =	vor.u32 $0x80000000, v13  }
0x197: {  	(v2sf) =	vpush v12, $0xF;
	v15 =	vmctz.xlane vm4;
	v10 =	vld [tilespmem:s18+$0x0]  }
0x198: {  	v14, _, _ =	vpop (xrf0)  }
0x199: {  	(v2sf) =	vpush v14, $0xF;
	v13 =	vnsel vm0, $0x0, v15;
	(xrf0) =	vmax.scan.msk.u32 $0xffff, v4;
	v4, _, _ =	vpop (xrf0)  }
0x19a: {  	(xrf0) =	vadd.scan.msk.s32 $0xffff, v13;
	v13 =	vbroadcast v4, $0xF  }
0x19b: {  	(v2sf) =	vpush v4, $0xF;
	v14, _, _ =	vpop (xrf0);
	s19 =	spop (v2sf)  }
0x19c: {  	s20 =	simm.s32 $0x14F90;
	v4 =	vperm.xlane v10, v3;
	(v2sf) =	vpush v14, $0xF;
	s1 =	sadd.s32 s1, s19;
	vm3 =	veq.s32 v13, v0  }
0x19d: {  	v10, _, _ =	vpop (xrf0);
	v12 =	vadd.s32 s1, v12;
	v13 =	vld [tilespmem:s20+$0x0];
	v8 =	vnsel vm3, $0x0, v8  }
0x19e: {  	(v2sf) =	vpush v10, $0xF;
	(xrf0) =	vadd.scan.msk.s32 $0xffff, v4;
	v10, _, _ =	vpop (xrf0);
	v6 =	vnsel vm3, $0x0, v6;
	vm15 =	vge.s32 v12, v1  }
0x19f: {  	v15, _, _ =	vpop (xrf0);
	(xrf0) =	vadd.scan.msk.s32 $0xffff, v6;
	v6 =	vsel vm15, $0x1, v2;
	v16 =	vmctz.xlane vm15  }
0x1a0: {  	(xrf0) =	vadd.scan.msk.s32 $0xffff, v8;
	v6 =	vor.u32 $0x80000000, v6;
	v8, _, _ =	vpop (xrf0)  }
0x1a1: {  	(xrf0) =	vmax.scan.msk.u32 $0xffff, v6;
	v6 =	vnsel vm0, $0x0, v16;
	v62 =	vbroadcast v8, $0xF  }
0x1a2: {  	(xrf0) =	vadd.scan.msk.s32 $0xffff, v6;
	v6 =	vperm.xlane v13, v3  }
0x1a3: {  	(v2sf) =	vpush v10, $0xF;
	vm3 =	veq.s32 v62, v0  }
0x1a4: {  	s21 =	spop (v2sf);
	(v2sf) =	vpush v15, $0xF;
	(xrf0) =	vadd.scan.msk.s32 $0xffff, v6;
	v7 =	vnsel vm3, $0x0, v7  }
0x1a5: {  	s23 =	spop (v2sf);
	(v2sf) =	vpush v8, $0xF;
	v10, _, _ =	vpop (xrf0);
	v11 =	vnsel vm3, $0x0, v11  }
0x1a6: {  	s24 =	spop (v2sf);
	(v2sf) =	vpush v10, $0xF;
	v13, _, _ =	vpop (xrf0)  }
0x1a7: {  	s25 =	simm.s32 $0x14F80;
	s1 =	sadd.s32 s1, s24;
	(xrf0) =	vadd.scan.msk.s32 $0xffff, v7;
	(v2sf) =	vpush v13, $0xF;
	v7, _, _ =	vpop (xrf0)  }
0x1a8: {  	s6 =	simm.s32 $0xF6F;
	s13 =	smov.u32 @p2 s14;
	v8 =	vadd.s32 s1, v14;
	s26 =	spop (v2sf);
	(xrf0) =	vadd.scan.msk.s32 $0xffff, v11;
	v11, _, _ =	vpop (xrf0);
	(v2sf) =	vpush v7, $0xF  }
0x1a9: {  	s14 =	simm.s32 $0xF8F;
	s16 =	simm.s32 $0xF9F;
	v15 =	vld [tilespmem:s25+$0x0];
	p4 =	sgt.u32 s21, $0x80000000;
	vm3 =	vge.s32 v8, v1;
	v14, _, _ =	vpop (xrf0);
	(v2sf) =	vpush v11, $0xF  }
0x1aa: {  	s15 =	simm.s32 $0xF7F;
	p1 =	por !p1, !p4;
	v13 =	vsel vm3, $0x1, v2;
	v7 =	vmctz.xlane vm3;
	s28 =	spop (v2sf);
	(v2sf) =	vpush v14, $0xF;
	v11, _, _ =	vpop (xrf0)  }
0x1ab: {  	p1 =	por !p1, !p1;
	s3 =	ssub.s32 $0xFFF, s23;
	v13 =	vor.u32 $0x80000000, v13;
	s30 =	spop (v2sf);
	(v2sf) =	vpush v11, $0xF  }
0x1ac: {  	s17 =	simm.s32 $0xFAF;
	s18 =	simm.s32 $0xFBF;
	s12 =	smov.u32 @p1 s3;
	(xrf0) =	vmax.scan.msk.u32 $0xffff, v13;
	v13 =	vnsel vm0, $0x0, v7  }
0x1ad: {  	s19 =	simm.s32 $0xFCF;
	p6 =	slt.s32 s12, $0x0;
	p5 =	sgt.u32 s26, $0x80000000;
	v63 =	vbroadcast v14, $0xF  }
0x1ae: {  	s20 =	simm.s32 $0xFDF;
	p1 =	por p1, p1;
	p2 =	por !p6, !p5;
	v7 =	vperm.xlane v15, v3  }
0x1af: {  	p2 =	por !p2, !p2;
	s3 =	ssub.s32 $0xFEF, s28;
	(xrf0) =	vadd.scan.msk.s32 $0xffff, v13;
	s23 =	sadd.s32 s1, s30;
	vm3 =	veq.s32 v63, v0;
	v13, _, _ =	vpop (xrf0)  }
0x1b0: {  	s24 =	simm.s32 $0x14F70;
	s12 =	smov.u32 @p2 s3;
	s21 =	spop (v2sf);
	v10 =	vadd.s32 s23, v10;
	(xrf0) =	vadd.scan.msk.s32 $0xffff, v7;
	v14 =	vnsel vm3, $0x0, v9;
	v9 =	vnsel vm3, $0x0, v12;
	v12, _, _ =	vpop (xrf0)  }
.LBB2_47:
0x1b1: {  	p3 =	sne.s32 s6, $0xF  }
0x1b2: {  	vm3 =	vge.s32 v10, v1;
	(xrf0) =	vadd.scan.msk.s32 $0xffff, v14;
	(v2sf) =	vpush v13, $0xF;
	s1 =	spop (v2sf);
	v14 =	vmovc v5;
	v5 =	vmov v4;
	s3 =	smov.u32 s16;
	s16 =	smov.u32 s14  }
0x1b3: {  	v15 =	vld [tilespmem:s24+$0x0];
	v4 =	vmovc v6;
	v6 =	vmovc v7;
	v16 =	vmov v11;
	v17 =	vmov v8;
	v8 =	vmov v10;
	s14 =	smov.u32 s15;
	p4 =	por p1, p1;
	p1 =	por p2, p2  }
0x1b4: {  	s15 =	smov.u32 s6;
	v13 =	vsel vm3, $0x1, v2;
	v10, _, _ =	vpop (xrf0);
	(xrf0) =	vadd.scan.msk.s32 $0xffff, v9;
	s8 =	spop (v2sf);
	(v2sf) =	vpush v12, $0xF;
	s1 =	ssub.s32 s1, s21  }
0x1b5: {  	p5 =	slt.s32 s12, $0x0;
	v9 =	vmctz.xlane vm3;
	v11 =	vor.u32 $0x80000000, v13;
	(v2sf) =	vpush v10, $0xF;
	p2 =	sgt.u32 s8, $0x80000000;
	s11 =	smov.u32 @p4 s1  }
.Ltmp23:
0x1b6: {  	(xrf0) =	vmax.scan.msk.u32 $0xffff, v11;
	v7, _, _ =	vpop (xrf0);
	p2 =	por !p5, !p2;
	s1 =	spop (v2sf);
	(pc) =	sbr.rel @p3 .LBB2_47-.Ltmp23, $4  }
0x1b7: {  	v9 =	vnsel vm0, $0x0, v9;
	v10 =	vbroadcast v7, $0xF;
	(v2sf) =	vpush v7, $0xF;
	p2 =	por !p2, !p2;
	s1 =	ssub.s32 s20, s1;
	s20 =	smov.u32 s19  }
0x1b8: {  	s19 =	smov.u32 s18;
	v7 =	vperm.xlane v15, v3;
	v11, _, _ =	vpop (xrf0);
	(xrf0) =	vadd.scan.msk.s32 $0xffff, v9;
	s8 =	spop (v2sf);
	s12 =	smov.u32 @p2 s1  }
0x1b9: {  	s18 =	smov.u32 s17;
	s17 =	smov.u32 s3;
	(v2sf) =	vpush v11, $0xF;
	s23 =	sadd.s32 s23, s8;
	vm3 =	veq.s32 v10, v0;
	v13, _, _ =	vpop (xrf0)  }
0x1ba: {  	s6 =	sadd.s32 $0xFFFFFFF0, s6;
	s24 =	sadd.s32 $0xFFFFFFF0, s24;
	(xrf0) =	vadd.scan.msk.s32 $0xffff, v7;
	v10 =	vadd.s32 s23, v16;
	v14 =	vnsel vm3, $0x0, v14;
	v9 =	vnsel vm3, $0x0, v17;
	v12, _, _ =	vpop (xrf0);
	s21 =	spop (v2sf)  }
0x1bb: {  	_ =	sdelay $0x1  }
0x1bc: {  	(v2sf) =	vpush v13, $0xF;
	v41 =	vld [tilespmem:s24+$0x0]  }
0x1bd: {  	s1 =	spop (v2sf);
	v40, _, _ =	vpop (xrf0);
	(v2sf) =	vpush v12, $0xF  }
0x1be: {  	vm3 =	vge.s32 v10, v1;
	s8 =	spop (v2sf);
	(v2sf) =	vpush v40, $0xF;
	v42, _, _ =	vpop (xrf0)  }
0x1bf: {  	(xrf0) =	vadd.scan.msk.s32 $0xffff, v14;
	v43 =	vsel vm3, $0x1, v2;
	v16 =	vmctz.xlane vm3;
	s25 =	spop (v2sf);
	(v2sf) =	vpush v42, $0xF;
	v15, _, _ =	vpop (xrf0)  }
0x1c0: {  	v44 =	vor.u32 $0x80000000, v43;
	(xrf0) =	vadd.scan.msk.s32 $0xffff, v9;
	s10 =	spop (v2sf);
	v13 =	vbroadcast v42, $0xF;
	(v2sf) =	vpush v15, $0xF  }
0x1c1: {  	v45 =	vnsel vm0, $0x0, v16;
	s23 =	sadd.s32 s23, s10;
	(xrf0) =	vmax.scan.msk.u32 $0xffff, v44;
	v46 =	vperm.xlane v41, v3  }
0x1c2: {  	v11 =	vadd.s32 s23, v11;
	(xrf0) =	vadd.scan.msk.s32 $0xffff, v45;
	vm3 =	veq.s32 v13, v0  }
0x1c3: {  	vm4 =	vge.s32 v11, v1;
	(xrf0) =	vadd.scan.msk.s32 $0xffff, v46;
	v5 =	vnsel vm3, $0x0, v5  }
0x1c4: {  	v8 =	vnsel vm3, $0x0, v8;
	v47 =	vmctz.xlane vm4;
	(xrf0) =	vadd.scan.msk.s32 $0xffff, v5;
	v5 =	vsel vm4, $0x1, v2  }
0x1c5: {  	v48, _, _ =	vpop (xrf0);
	(xrf0) =	vadd.scan.msk.s32 $0xffff, v8;
	v5 =	vor.u32 $0x80000000, v5  }
0x1c6: {  	s10 =	spop (v2sf);
	v49, _, _ =	vpop (xrf0);
	(xrf0) =	vmax.scan.msk.u32 $0xffff, v5;
	v5 =	vnsel vm0, $0x0, v47  }
0x1c7: {  	s3 =	spop (v2sf)  }
0x1c8: {  	s30 =	spop (v2sf);
	v50, _, _ =	vpop (xrf0);
	(xrf0) =	vadd.scan.msk.s32 $0xffff, v5  }
0x1c9: {  	[dreg:$0x1c] =	wrdreg s1;
	s1 =	spop (v2sf);
	v5, _, _ =	vpop (xrf0)  }
0x1ca: {  	(v2sf) =	vpush v48, $0xF;
	s28 =	spop (v2sf);
	v51, _, _ =	vpop (xrf0)  }
0x1cb: {  	(v2sf) =	vpush v49, $0xF;
	v52 =	vbroadcast v5, $0xF;
	s6 =	spop (v2sf);
	v53, _, _ =	vpop (xrf0)  }
0x1cc: {  	(v2sf) =	vpush v50, $0xF;
	s2 =	sadd.s32 s23, s28;
	s26 =	spop (v2sf);
	v54, _, _ =	vpop (xrf0)  }
0x1cd: {  	(v2sf) =	vpush v5, $0xF;
	v5 =	vadd.s32 s2, v15;
	vm3 =	veq.s32 v52, v0;
	s28 =	spop (v2sf);
	v55, _, _ =	vpop (xrf0)  }
0x1ce: {  	v4 =	vnsel vm3, $0x0, v4;
	v56 =	vnsel vm3, $0x0, v10;
	vm3 =	vge.s32 v5, v1;
	v57, _, _ =	vpop (xrf0);
	s23 =	spop (v2sf)  }
0x1cf: {  	(xrf0) =	vadd.scan.msk.s32 $0xffff, v4;
	v4 =	vsel vm3, $0x1, v2;
	v58 =	vmctz.xlane vm3;
	v17 =	vbroadcast v57, $0xF;
	s24 =	spop (v2sf)  }
0x1d0: {  	(xrf0) =	vadd.scan.msk.s32 $0xffff, v56;
	v4 =	vor.u32 $0x80000000, v4;
	s2 =	sadd.s32 s2, s24  }
0x1d1: {  	(xrf0) =	vmax.scan.msk.u32 $0xffff, v4;
	v4 =	vnsel vm0, $0x0, v58;
	vm3 =	veq.s32 v17, v0;
	v18 =	vadd.s32 s2, v51  }
0x1d2: {  	(xrf0) =	vadd.scan.msk.s32 $0xffff, v4;
	v4 =	vnsel vm3, $0x0, v6;
	v6 =	vnsel vm3, $0x0, v11;
	vm3 =	vge.s32 v18, v1  }
0x1d3: {  	(xrf0) =	vadd.scan.msk.s32 $0xffff, v4;
	v4 =	vsel vm3, $0x1, v2;
	v59 =	vmctz.xlane vm3  }
0x1d4: {  	(v2sf) =	vpush v51, $0xF;
	(xrf0) =	vadd.scan.msk.s32 $0xffff, v6;
	v4 =	vor.u32 $0x80000000, v4  }
0x1d5: {  	v6, _, _ =	vpop (xrf0);
	(xrf0) =	vmax.scan.msk.u32 $0xffff, v4;
	v4 =	vnsel vm0, $0x0, v59  }
0x1d6: {  	(v2sf) =	vpush v53, $0xF  }
0x1d7: {  	(v2sf) =	vpush v54, $0xF;
	v60, _, _ =	vpop (xrf0)  }
0x1d8: {  	p4 =	slt.s32 s12, $0x0;
	p3 =	sgt.u32 s8, $0x80000000;
	(v2sf) =	vpush v55, $0xF;
	(xrf0) =	vadd.scan.msk.s32 $0xffff, v4;
	v4, _, _ =	vpop (xrf0)  }
0x1d9: {  	p1 =	por p1, p1;
	p3 =	por !p4, !p3;
	p4 =	por p2, p2;
	(v2sf) =	vpush v57, $0xF;
	v61, _, _ =	vpop (xrf0)  }
0x1da: {  	p3 =	por !p3, !p3;
	p5 =	sgt.u32 s30, $0x80000000;
	s24 =	rddreg [dreg:$0x1c];
	(v2sf) =	vpush v6, $0xF;
	v6 =	vbroadcast v61, $0xF  }
0x1db: {  	s1 =	ssub.s32 s19, s1;
	s2 =	ssub.s32 s24, s21;
	s30 =	spop (v2sf)  }
0x1dc: {  	s11 =	smov.u32 @p1 s2;
	s2 =	ssub.s32 s20, s25;
	p1 =	por p4, p4;
	v62, _, _ =	vpop (xrf0)  }
0x1dd: {  	p4 =	por p3, p3;
	s12 =	smov.u32 @p3 s2;
	s2 =	ssub.s32 s3, s10;
	v63, _, _ =	vpop (xrf0)  }
0x1de: {  	s8 =	spop (v2sf);
	s3 =	ssub.s32 s26, s6;
	p6 =	slt.s32 s12, $0x0;
	(v2sf) =	vpush v60, $0xF;
	vm3 =	veq.s32 v6, v0;
	v6, _, _ =	vpop (xrf0)  }
0x1df: {  	s10 =	ssub.s32 s18, s23;
	s11 =	smov.u32 @p1 s2;
	p2 =	por !p6, !p5;
	(v2sf) =	vpush v4, $0xF;
	v4 =	vnsel vm3, $0x0, v7;
	v7, _, _ =	vpop (xrf0)  }
0x1e0: {  	s19 =	spop (v2sf);
	p5 =	sgt.u32 s28, $0x80000000;
	p1 =	por !p2, !p2;
	(xrf0) =	vadd.scan.msk.s32 $0xffff, v4;
	v4 =	vbroadcast v7, $0xF  }
0x1e1: {  	p2 =	por p4, p4;
	s12 =	smov.u32 @p1 s1;
	s20 =	spop (v2sf);
	(v2sf) =	vpush v61, $0xF;
	v5 =	vnsel vm3, $0x0, v5  }
0x1e2: {  	s11 =	smov.u32 @p2 s3;
	p1 =	por p1, p1;
	p6 =	slt.s32 s12, $0x0;
	(v2sf) =	vpush v62, $0xF;
	(xrf0) =	vadd.scan.msk.s32 $0xffff, v5;
	vm3 =	veq.s32 v4, v0  }
0x1e3: {  	s1 =	ssub.s32 s8, s30;
	s21 =	spop (v2sf);
	p4 =	por !p6, !p5;
	(v2sf) =	vpush v63, $0xF;
	v4 =	vnsel vm3, $0x0, v46  }
0x1e4: {  	p3 =	por p1, p1;
	s6 =	ssub.s32 s17, s20;
	p2 =	por !p4, !p4;
	v5 =	vnsel vm3, $0x0, v18;
	(xrf0) =	vadd.scan.msk.s32 $0xffff, v4  }
0x1e5: {  	s3 =	spop (v2sf);
	p5 =	sgt.u32 s19, $0x80000000;
	s12 =	smov.u32 @p2 s10;
	(xrf0) =	vadd.scan.msk.s32 $0xffff, v5  }
0x1e6: {  	s11 =	smov.u32 @p3 s1;
	s24 =	spop (v2sf);
	p6 =	slt.s32 s12, $0x0;
	(v2sf) =	vpush v6, $0xF  }
0x1e7: {  	s25 =	spop (v2sf);
	p2 =	por p2, p2;
	p1 =	por !p6, !p5;
	(v2sf) =	vpush v7, $0xF;
	v4, _, _ =	vpop (xrf0)  }
0x1e8: {  	s1 =	ssub.s32 s24, s3;
	s24 =	stileid.u32;
	p1 =	por !p1, !p1;
	v5, _, _ =	vpop (xrf0);
	(v2sf) =	vpush v4, $0xF  }
0x1e9: {  	s26 =	spop (v2sf);
	p3 =	por p2, p2;
	s12 =	smov.u32 @p1 s6;
	(v2sf) =	vpush v5, $0xF  }
0x1ea: {  	p5 =	sgt.u32 s25, $0x80000000;
	s3 =	ssub.s32 s16, s26;
	p6 =	slt.s32 s12, $0x0;
	v4, _, _ =	vpop (xrf0)  }
0x1eb: {  	s11 =	smov.u32 @p3 s1;
	p1 =	por p1, p1;
	p2 =	por !p6, !p5;
	v5, _, _ =	vpop (xrf0);
	(v2sf) =	vpush v4, $0xF  }
0x1ec: {  	s6 =	rddreg [dreg:$0x4];
	p2 =	por !p2, !p2;
	s28 =	spop (v2sf);
	(v2sf) =	vpush v5, $0xF  }
0x1ed: {  	p1 =	por p1, p1;
	s12 =	smov.u32 @p2 s3;
	p2 =	por p2, p2  }
0x1ee: {  	s3 =	simm.s32 @!p0 $0x16880;
	s30 =	spop (v2sf);
	p6 =	slt.s32 s12, $0x0  }
0x1ef: {  	p2 =	por p2, p2;
	s2 =	ssub.s32 s30, s28;
	s8 =	spop (v2sf)  }
0x1f0: {  	s11 =	smov.u32 @p1 s2;
	p5 =	sgt.u32 s8, $0x80000000;
	s10 =	spop (v2sf)  }
0x1f1: {  	s2 =	simm.s32 @!p0 $0x0;
	p4 =	por !p6, !p5;
	s16 =	spop (v2sf)  }
0x1f2: {  	s1 =	ssub.s32 s14, s10;
	p1 =	por !p4, !p4;
	s17 =	spop (v2sf);
	v4 =	vimm.s32 @!p0 $0x0  }
0x1f3: {  	s8 =	rddreg [dreg:$0x17];
	s12 =	smov.u32 @p1 s1;
	s1 =	ssub.s32 s17, s16;
	[tilespmem:$0x16880] =	vst @!p0 v4  }
0x1f4: {  	[hbm4b:s8+s2] =	stream.linear.scatter @!p0 [tilespmem:s3], [sflag:$0x1], $0x10, $0x38;
	[tilespmem:$0x16980] =	vst v63  }
0x1f5: {  	p1 =	por p1, p1;
	p6 =	slt.s32 s12, $0x0;
	s18 =	spop (v2sf)  }
0x1f6: {  	s11 =	smov.u32 @p2 s1;
	p5 =	sgt.u32 s18, $0x80000000;
	s19 =	spop (v2sf)  }
0x1f7: {  	p1 =	por p1, p1;
	p3 =	por !p6, !p5;
	s20 =	spop (v2sf)  }
0x1f8: {  	s1 =	ssub.s32 s15, s19;
	p2 =	por !p3, !p3;
	s21 =	spop (v2sf)  }
0x1f9: {  	s3 =	simm.s32 @!p0 $0x1;
	s12 =	smov.u32 @p2 s1;
	s1 =	ssub.s32 s21, s20  }
0x1fa: {  	s11 =	smov.u32 @p1 s1;
	p1 =	sne.s32 s24, s13;
	s23 =	spop (v2sf)  }
0x1fb: {  	p2 =	por p2, p2;
	s6 =	sadd.s32 @!p1 s6, s12;
	s25 =	spop (v2sf)  }
0x1fc: {  	p2 =	por p2, p2;
	vm3 =	vcmask @!p1 $0x300;
	v4 =	vmov @!p1 s6;
	s1 =	ssub.s32 s25, s23;
	_ =	swait.ge @!p0 [sflag:s3], $0x10  }
0x1fd: {  	v4 =	vnsel @!p1 vm3, $0x0, v4;
	vm3 =	vcmask @!p1 $0x704;
	s11 =	smov.u32 @p2 s1;
	[sflag:s3] =	ssyncset.done @!p0 $0x0  }
0x1fe: {  	[sflag:s3] =	ssyncadd.s32 @!p0 $0xFFFFFFF0;
	v4 =	vsel @!p1 vm3, s11, v4;
	vm3 =	vcmask @!p1 $0xB08  }
0x1ff: {  	[bflag:$0x0] =	sbarrier.arrive $0xFFFF;
	v4 =	vsel @!p1 vm3, $0x1, v4  }
0x200: {  	s2 =	simm.s32 @!p1 $0x16880;
	s1 =	simm.s32 @!p1 $0x0;
	[tilespmem:$0x16880] =	vst @!p1 v4  }
0x201: {  	[hbm4b:s8+s1] =	stream.linear.scatter @!p1 [tilespmem:s2], [sflag:$0x1], $0x10, $0x38;
	[tilespmem:$0x16980] =	vst v63  }
0x202: {  	s1 =	simm.s32 @!p1 $0x1  }
0x203: {  	_ =	swait.ge @!p1 [sflag:s1], $0x10  }
0x204: {  	[sflag:s1] =	ssyncset.done @!p1 $0x0  }
0x205: {  	[sflag:s1] =	ssyncadd.s32 @!p1 $0xFFFFFFF0  }
0x206: {  	s26 =	simm.s32 $0x16880;
	s1 =	simm.s32 $0x0;
	[bflag:$0x0] =	sbarrier.arrive $0xFFFF  }
0x207: {  	[tilespmem:s26], [sflag:$0x1] =	stream.linear.gather [hbm4b:s8+s1], $0x10, $0x38;
	[tilespmem:$0x16980] =	vst v63  }
0x208: {  	_ =	swait.ge [sflag:s22], $0x10  }
0x209: {  	s28 =	sand.u32 $0x70, s1;
	s30 =	sand.u32 $0x7C00, s1;
	[sflag:s22] =	ssyncset.done $0x0  }
0x20a: {  	s3 =	sor.u32 s28, s30;
	[sflag:s22] =	ssyncadd.s32 $0xFFFFFFF0  }
0x20b: {  	s6 =	simm.s32 $0x10;
	s8 =	simm.s32 $0x0;
	v4 =	vld [tilespmem:$0x16880];
	[tilespmem:s3+$0x4000] =	vst v2  }
.LBB2_49:
0x20c: {  	p1 =	sne.s32 s6, $0xFF0  }
.Ltmp24:
0x20d: {  	_ = 	snop;
	(pc) =	sbr.rel @p1 .LBB2_49-.Ltmp24, $4  }
0x20e: {  	s8 =	sadd.s32 $0x80, s8  }
0x20f: {  	s2 =	sand.u32 $0x70, s6;
	s10 =	sand.u32 $0x7C00, s8  }
0x210: {  	s2 =	sor.u32 s2, s10  }
0x211: {  	s6 =	sadd.s32 $0x10, s6;
	[tilespmem:s2+$0x4000] =	vst v2  }
0x212: {  	s6 =	simm.s32 $0x10  }
0x213: {  	[tilespmem:s3+$0x4080] =	vst v2;
	s11 =	rddreg [dreg:$0x2];
	s12 =	simm.s32 $0x0;
	s13 =	simm.s32 $0x15000  }
.LBB2_51:
0x214: {  	p1 =	sne.s32 s6, $0xFF0  }
.Ltmp25:
0x215: {  	_ = 	snop;
	(pc) =	sbr.rel @p1 .LBB2_51-.Ltmp25, $4  }
0x216: {  	s1 =	sadd.s32 $0x80, s1  }
0x217: {  	s2 =	sand.u32 $0x70, s6;
	s3 =	sand.u32 $0x7C00, s1  }
0x218: {  	s2 =	sor.u32 s2, s3  }
0x219: {  	s6 =	sadd.s32 $0x10, s6;
	s3 =	simm.s32 $0x0;
	[tilespmem:s2+$0x4080] =	vst v2  }
0x21a: {  	s1 =	sand.u32 $0x70, s3;
	s2 =	sand.u32 $0x7C00, s3  }
0x21b: {  	s1 =	sor.u32 s1, s2  }
0x21c: {  	s6 =	simm.s32 $0x10;
	s8 =	simm.s32 $0x0;
	[tilespmem:s1+$0x4100] =	vst v2  }
.LBB2_53:
0x21d: {  	p1 =	sne.s32 s6, $0xFF0  }
.Ltmp26:
0x21e: {  	_ = 	snop;
	(pc) =	sbr.rel @p1 .LBB2_53-.Ltmp26, $4  }
0x21f: {  	s8 =	sadd.s32 $0x80, s8  }
0x220: {  	s2 =	sand.u32 $0x70, s6;
	s10 =	sand.u32 $0x7C00, s8  }
0x221: {  	s2 =	sor.u32 s2, s10  }
0x222: {  	s6 =	sadd.s32 $0x10, s6;
	[tilespmem:s2+$0x4100] =	vst v2  }
0x223: {  	s8 =	simm.s32 $0x10;
	[tilespmem:s1+$0x4180] =	vst v2  }
.LBB2_55:
0x224: {  	p1 =	sne.s32 s8, $0xFF0  }
.Ltmp27:
0x225: {  	_ = 	snop;
	(pc) =	sbr.rel @p1 .LBB2_55-.Ltmp27, $4  }
0x226: {  	s3 =	sadd.s32 $0x80, s3  }
0x227: {  	s1 =	sand.u32 $0x70, s8;
	s2 =	sand.u32 $0x7C00, s3  }
0x228: {  	s1 =	sor.u32 s1, s2  }
0x229: {  	s8 =	sadd.s32 $0x10, s8;
	s6 =	simm.s32 $0x0;
	[tilespmem:s1+$0x4180] =	vst v2  }
0x22a: {  	s1 =	sand.u32 $0x70, s6;
	s2 =	sand.u32 $0x7C00, s6  }
0x22b: {  	s1 =	sor.u32 s1, s2  }
0x22c: {  	s3 =	simm.s32 $0x10;
	s8 =	simm.s32 $0x0;
	[tilespmem:s1+$0x4200] =	vst v2  }
.LBB2_57:
0x22d: {  	p1 =	sne.s32 s3, $0xFF0  }
.Ltmp28:
0x22e: {  	_ = 	snop;
	(pc) =	sbr.rel @p1 .LBB2_57-.Ltmp28, $4  }
0x22f: {  	s8 =	sadd.s32 $0x80, s8  }
0x230: {  	s2 =	sand.u32 $0x70, s3;
	s10 =	sand.u32 $0x7C00, s8  }
0x231: {  	s2 =	sor.u32 s2, s10  }
0x232: {  	s3 =	sadd.s32 $0x10, s3;
	[tilespmem:s2+$0x4200] =	vst v2  }
0x233: {  	s3 =	simm.s32 $0x10;
	[tilespmem:s1+$0x4280] =	vst v2  }
.LBB2_59:
0x234: {  	p1 =	sne.s32 s3, $0xFF0  }
.Ltmp29:
0x235: {  	_ = 	snop;
	(pc) =	sbr.rel @p1 .LBB2_59-.Ltmp29, $4  }
0x236: {  	s6 =	sadd.s32 $0x80, s6  }
0x237: {  	s1 =	sand.u32 $0x70, s3;
	s2 =	sand.u32 $0x7C00, s6  }
0x238: {  	s1 =	sor.u32 s1, s2  }
0x239: {  	s3 =	sadd.s32 $0x10, s3;
	[tilespmem:s1+$0x4280] =	vst v2;
	s1 =	simm.s32 $0x0  }
0x23a: {  	s2 =	sand.u32 $0x70, s1;
	s3 =	sand.u32 $0x7C00, s1  }
0x23b: {  	s2 =	sor.u32 s2, s3  }
0x23c: {  	s6 =	simm.s32 $0x0;
	s3 =	simm.s32 $0x10;
	[tilespmem:s2+$0x4300] =	vst v2  }
.LBB2_61:
0x23d: {  	p1 =	sne.s32 s3, $0xFF0  }
.Ltmp30:
0x23e: {  	_ = 	snop;
	(pc) =	sbr.rel @p1 .LBB2_61-.Ltmp30, $4  }
0x23f: {  	s6 =	sadd.s32 $0x80, s6  }
0x240: {  	s2 =	sand.u32 $0x70, s3;
	s8 =	sand.u32 $0x7C00, s6  }
0x241: {  	s2 =	sor.u32 s2, s8  }
0x242: {  	s3 =	sadd.s32 $0x10, s3;
	[tilespmem:s2+$0x4300] =	vst v2  }
0x243: {  	s2 =	sand.u32 $0x7, s1  }
0x244: {  	s2 =	sshll.u32 s2, $0x4  }
0x245: {  	s2 =	sadd.s32 $0x0, s2  }
0x246: {  	s2 =	sor.u32 $0x380, s2  }
0x247: {  	s6 =	simm.s32 $0x10;
	s8 =	simm.s32 $0x1;
	[tilespmem:s2+$0x4000] =	vst v2  }
.LBB2_63:
0x248: {  	s2 =	sand.u32 $0x7, s8;
	p1 =	sne.s32 s6, $0xFF0;
	s6 =	sadd.s32 $0x10, s6  }
.Ltmp31:
0x249: {  	s1 =	sadd.s32 $0x80, s1;
	s2 =	sshll.u32 s2, $0x4;
	(pc) =	sbr.rel @p1 .LBB2_63-.Ltmp31, $4  }
0x24a: {  	s2 =	sadd.s32 s2, s1  }
0x24b: {  	s2 =	sor.u32 $0x380, s2  }
0x24c: {  	s3 =	simm.s32 $0x0;
	[tilespmem:s2+$0x4000] =	vst v2  }
0x24d: {  	s8 =	sadd.s32 $0x1, s8  }
0x24e: {  	s1 =	sand.u32 $0x70, s3;
	s2 =	sand.u32 $0x7C00, s3  }
0x24f: {  	s1 =	sor.u32 s1, s2  }
0x250: {  	s6 =	simm.s32 $0x10;
	s8 =	simm.s32 $0x0;
	[tilespmem:s1+$0xC000] =	vst v2  }
.LBB2_65:
0x251: {  	p1 =	sne.s32 s6, $0xFF0  }
.Ltmp32:
0x252: {  	_ = 	snop;
	(pc) =	sbr.rel @p1 .LBB2_65-.Ltmp32, $4  }
0x253: {  	s8 =	sadd.s32 $0x80, s8  }
0x254: {  	s2 =	sand.u32 $0x70, s6;
	s10 =	sand.u32 $0x7C00, s8  }
0x255: {  	s2 =	sor.u32 s2, s10  }
0x256: {  	s6 =	sadd.s32 $0x10, s6;
	[tilespmem:s2+$0xC000] =	vst v2  }
0x257: {  	s6 =	simm.s32 $0x10;
	[tilespmem:s1+$0xC080] =	vst v2  }
.LBB2_67:
0x258: {  	p1 =	sne.s32 s6, $0xFF0  }
.Ltmp33:
0x259: {  	_ = 	snop;
	(pc) =	sbr.rel @p1 .LBB2_67-.Ltmp33, $4  }
0x25a: {  	s3 =	sadd.s32 $0x80, s3  }
0x25b: {  	s1 =	sand.u32 $0x70, s6;
	s2 =	sand.u32 $0x7C00, s3  }
0x25c: {  	s1 =	sor.u32 s1, s2  }
0x25d: {  	s6 =	sadd.s32 $0x10, s6;
	[tilespmem:s1+$0xC080] =	vst v2;
	s1 =	simm.s32 $0x0  }
0x25e: {  	s2 =	sand.u32 $0x70, s1;
	s3 =	sand.u32 $0x7C00, s1  }
0x25f: {  	s3 =	sor.u32 s2, s3  }
0x260: {  	s6 =	simm.s32 $0x10;
	s8 =	simm.s32 $0x0;
	[tilespmem:s3+$0xC100] =	vst v2  }
.LBB2_69:
0x261: {  	p1 =	sne.s32 s6, $0xFF0  }
.Ltmp34:
0x262: {  	_ = 	snop;
	(pc) =	sbr.rel @p1 .LBB2_69-.Ltmp34, $4  }
0x263: {  	s8 =	sadd.s32 $0x80, s8  }
0x264: {  	s2 =	sand.u32 $0x70, s6;
	s10 =	sand.u32 $0x7C00, s8  }
0x265: {  	s2 =	sor.u32 s2, s10  }
0x266: {  	s6 =	sadd.s32 $0x10, s6;
	[tilespmem:s2+$0xC100] =	vst v2  }
0x267: {  	s6 =	simm.s32 $0x10;
	[tilespmem:s3+$0xC180] =	vst v2  }
.LBB2_71:
0x268: {  	p1 =	sne.s32 s6, $0xFF0  }
.Ltmp35:
0x269: {  	_ = 	snop;
	(pc) =	sbr.rel @p1 .LBB2_71-.Ltmp35, $4  }
0x26a: {  	s1 =	sadd.s32 $0x80, s1  }
0x26b: {  	s2 =	sand.u32 $0x70, s6;
	s3 =	sand.u32 $0x7C00, s1  }
0x26c: {  	s2 =	sor.u32 s2, s3  }
0x26d: {  	s6 =	sadd.s32 $0x10, s6;
	s3 =	simm.s32 $0x0;
	[tilespmem:s2+$0xC180] =	vst v2  }
0x26e: {  	s1 =	sand.u32 $0x70, s3;
	s2 =	sand.u32 $0x7C00, s3  }
0x26f: {  	s1 =	sor.u32 s1, s2  }
0x270: {  	s6 =	simm.s32 $0x10;
	s8 =	simm.s32 $0x0;
	[tilespmem:s1+$0xC200] =	vst v2  }
.LBB2_73:
0x271: {  	p1 =	sne.s32 s6, $0xFF0  }
.Ltmp36:
0x272: {  	_ = 	snop;
	(pc) =	sbr.rel @p1 .LBB2_73-.Ltmp36, $4  }
0x273: {  	s8 =	sadd.s32 $0x80, s8  }
0x274: {  	s2 =	sand.u32 $0x70, s6;
	s10 =	sand.u32 $0x7C00, s8  }
0x275: {  	s2 =	sor.u32 s2, s10  }
0x276: {  	s6 =	sadd.s32 $0x10, s6;
	[tilespmem:s2+$0xC200] =	vst v2  }
0x277: {  	s6 =	simm.s32 $0x10;
	[tilespmem:s1+$0xC280] =	vst v2  }
.LBB2_75:
0x278: {  	p1 =	sne.s32 s6, $0xFF0  }
.Ltmp37:
0x279: {  	_ = 	snop;
	(pc) =	sbr.rel @p1 .LBB2_75-.Ltmp37, $4  }
0x27a: {  	s3 =	sadd.s32 $0x80, s3  }
0x27b: {  	s1 =	sand.u32 $0x70, s6;
	s2 =	sand.u32 $0x7C00, s3  }
0x27c: {  	s1 =	sor.u32 s1, s2  }
0x27d: {  	s6 =	sadd.s32 $0x10, s6;
	[tilespmem:s1+$0xC280] =	vst v2;
	s1 =	simm.s32 $0x0  }
0x27e: {  	s2 =	sand.u32 $0x70, s1;
	s3 =	sand.u32 $0x7C00, s1  }
0x27f: {  	s3 =	sor.u32 s2, s3  }
0x280: {  	s6 =	simm.s32 $0x10;
	s8 =	simm.s32 $0x0;
	[tilespmem:s3+$0xC300] =	vst v2  }
.LBB2_77:
0x281: {  	p1 =	sne.s32 s6, $0xFF0  }
.Ltmp38:
0x282: {  	_ = 	snop;
	(pc) =	sbr.rel @p1 .LBB2_77-.Ltmp38, $4  }
0x283: {  	s8 =	sadd.s32 $0x80, s8  }
0x284: {  	s2 =	sand.u32 $0x70, s6;
	s10 =	sand.u32 $0x7C00, s8  }
0x285: {  	s2 =	sor.u32 s2, s10  }
0x286: {  	s6 =	sadd.s32 $0x10, s6;
	[tilespmem:s2+$0xC300] =	vst v2  }
0x287: {  	s6 =	simm.s32 $0x10;
	[tilespmem:s3+$0xC380] =	vst v2  }
.LBB2_79:
0x288: {  	p1 =	sne.s32 s6, $0xFF0  }
.Ltmp39:
0x289: {  	_ = 	snop;
	(pc) =	sbr.rel @p1 .LBB2_79-.Ltmp39, $4  }
0x28a: {  	s1 =	sadd.s32 $0x80, s1  }
0x28b: {  	s2 =	sand.u32 $0x70, s6;
	s3 =	sand.u32 $0x7C00, s1  }
0x28c: {  	s2 =	sor.u32 s2, s3  }
0x28d: {  	s6 =	sadd.s32 $0x10, s6;
	[tilespmem:s2+$0xC380] =	vst v2  }
0x28e: {  	v5 =	vnsel vm0, $0x0, v4  }
0x28f: {  	(xrf0) =	vadd.scan.msk.s32 $0xffff, v5;
	_ =	sdelay $0x5  }
0x290: {  	v5, _, _ =	vpop (xrf0)  }
0x291: {  	s6 =	simm.s32 $0x0;
	v6 =	vbroadcast v5, $0xF  }
.LBB2_81:
0x292: {  	s1 =	sshll.u32 s6, $0xB  }
0x293: {  	s2 =	sshll.u32 s6, $0x4;
	s1 =	sand.u32 $0x1C000, s1  }
0x294: {  	s2 =	sand.u32 $0x70, s2;
	s1 =	sadd.s32 s1, s7  }
0x295: {  	s1 =	sadd.s32 s2, s1  }
0x296: {  	[tilespmem:s12], [sflag:$0x1] =	stream.strided.gather [hbm4b:s1+s31], $0x4000, s0, s31, $0x38;
	[tilespmem:$0x16980] =	vst v63  }
0x297: {  	_ =	swait.ge [sflag:s22], $0x4000  }
0x298: {  	[sflag:s22] =	ssyncset.done $0x0  }
0x299: {  	s3 =	smov.u32 s4;
	s1 =	simm.s32 $0x20;
	[sflag:s22] =	ssyncadd.s32 $0xFFFFC000  }
.LBB2_82:
0x29a: {  	v7 =	vld [tilespmem:s1+$0xFFFFFFE0];
	_ =	sdelay $0x4  }
0x29b: {  	v8 =	vshrl.u32 v7, $0x10  }
0x29c: {  	vm3 =	vgt.f32 v7, $0.0e+00;
	vm4 =	veq.s32 v8, v6  }
0x29d: {  	v8 =	vand.u32 $0xFFFF, v7;
	vm3 =	vmand vm3, vm4  }
0x29e: {  	(xrf1) =	vunique.msk.u32 vm3, v8;
	_ =	sdelay $0xb  }
0x29f: {  	v8 =	vshll.u32 v7, $0x3  }
0x2a0: {  	v9 =	vshrl.u32 v7, $0x5;
	v7 =	vand.u32 $0x807F, v7;
	v8 =	vand.u32 $0x7C00, v8  }
0x2a1: {  	v9 =	vand.u32 $0x380, v9;
	v7 =	vor.u32 v8, v7;
	_, v10, vm3 =	vpop (xrf1)  }
0x2a2: {  	v7 =	vor.u32 v9, v7;
	_ =	sdelay $0x4  }
0x2a3: {  	[tilespmem:v7+s29+$0x0] =	vst.idx.add.s32.msk vm3, v10  }
0x2a4: {  	v7 =	vld [tilespmem:s1+$0xFFFFFFF0];
	_ =	sdelay $0x4  }
0x2a5: {  	v8 =	vshrl.u32 v7, $0x10  }
0x2a6: {  	vm3 =	vgt.f32 v7, $0.0e+00;
	vm13 =	veq.s32 v8, v6  }
0x2a7: {  	v8 =	vand.u32 $0xFFFF, v7;
	vm3 =	vmand vm3, vm13  }
0x2a8: {  	(xrf1) =	vunique.msk.u32 vm3, v8;
	_ =	sdelay $0xb  }
0x2a9: {  	v8 =	vshll.u32 v7, $0x3  }
0x2aa: {  	v58 =	vshrl.u32 v7, $0x5;
	v7 =	vand.u32 $0x807F, v7;
	v8 =	vand.u32 $0x7C00, v8  }
0x2ab: {  	v9 =	vand.u32 $0x380, v58;
	v7 =	vor.u32 v8, v7;
	_, v59, vm3 =	vpop (xrf1)  }
0x2ac: {  	v7 =	vor.u32 v9, v7;
	_ =	sdelay $0x4  }
0x2ad: {  	[tilespmem:v7+s29+$0x0] =	vst.idx.add.s32.msk vm3, v59  }
0x2ae: {  	v7 =	vld [tilespmem:s1+$0x0];
	_ =	sdelay $0x4  }
0x2af: {  	v8 =	vshrl.u32 v7, $0x10  }
0x2b0: {  	vm3 =	vgt.f32 v7, $0.0e+00;
	vm14 =	veq.s32 v8, v6  }
0x2b1: {  	v8 =	vand.u32 $0xFFFF, v7;
	vm3 =	vmand vm3, vm14  }
0x2b2: {  	(xrf1) =	vunique.msk.u32 vm3, v8;
	_ =	sdelay $0xb  }
0x2b3: {  	v8 =	vshll.u32 v7, $0x3  }
0x2b4: {  	v60 =	vshrl.u32 v7, $0x5;
	v7 =	vand.u32 $0x807F, v7;
	v8 =	vand.u32 $0x7C00, v8  }
0x2b5: {  	v9 =	vand.u32 $0x380, v60;
	v7 =	vor.u32 v8, v7;
	_, v61, vm3 =	vpop (xrf1)  }
0x2b6: {  	v7 =	vor.u32 v9, v7;
	_ =	sdelay $0x4  }
0x2b7: {  	[tilespmem:v7+s29+$0x0] =	vst.idx.add.s32.msk vm3, v61  }
0x2b8: {  	v7 =	vld [tilespmem:s1+$0x10];
	_ =	sdelay $0x4  }
0x2b9: {  	v8 =	vshrl.u32 v7, $0x10  }
0x2ba: {  	vm3 =	vgt.f32 v7, $0.0e+00;
	vm15 =	veq.s32 v8, v6  }
0x2bb: {  	v8 =	vand.u32 $0xFFFF, v7;
	vm3 =	vmand vm3, vm15  }
0x2bc: {  	(xrf1) =	vunique.msk.u32 vm3, v8;
	_ =	sdelay $0xb  }
0x2bd: {  	v8 =	vshll.u32 v7, $0x3  }
0x2be: {  	v62 =	vshrl.u32 v7, $0x5;
	v7 =	vand.u32 $0x807F, v7;
	v8 =	vand.u32 $0x7C00, v8  }
0x2bf: {  	v9 =	vand.u32 $0x380, v62;
	v7 =	vor.u32 v8, v7;
	_, v63, vm3 =	vpop (xrf1)  }
0x2c0: {  	p1 =	sne.s32 s3, $0x1;
	v7 =	vor.u32 v9, v7  }
.Ltmp40:
0x2c1: {  	_ = 	snop;
	(pc) =	sbr.rel @p1 .LBB2_82-.Ltmp40, $2  }
0x2c2: {  	_ =	sdelay $0x2  }
0x2c3: {  	s3 =	sadd.s32 $0xFFFFFFFF, s3;
	s1 =	sadd.s32 $0x40, s1;
	[tilespmem:v7+s29+$0x0] =	vst.idx.add.s32.msk vm3, v63  }
0x2c4: {  	s6 =	sadd.s32 $0x1, s6  }
0x2c5: {  	p1 =	sne.s32 s6, $0x40  }
.Ltmp41:
0x2c6: {  	_ = 	snop;
	(pc) =	sbr.rel @p1 .LBB2_81-.Ltmp41, $1  }
0x2c7: {  	_ =	sdelay $0x3  }
0x2c8: {  	s1 =	simm.s32 $0x0;
	s2 =	rddreg [dreg:$0x5]  }
0x2c9: {  	[hbm4b:s2+s1] =	stream.linear.scatter [tilespmem:s29], [sflag:$0x1], $0x10000, $0x38;
	[tilespmem:$0x16980] =	vst v63  }
0x2ca: {  	_ =	swait.ge [sflag:s22], $0x10000  }
0x2cb: {  	[sflag:s22] =	ssyncset.done $0x0  }
0x2cc: {  	[sflag:s22] =	ssyncadd.s32 $0xFFFF0000  }
0x2cd: {  	s3 =	simm.s32 $0x40;
	s6 =	simm.s32 $0x0;
	[bflag:$0x0] =	sbarrier.arrive $0xFFFF  }
.LBB2_85:
0x2ce: {  	p1 =	sne.s32 s3, $0x3FC0;
	[tilespmem:s6+$0x14000] =	vst v2;
	s2 =	smov.u32 s3;
	s3 =	sadd.s32 $0x40, s3  }
.Ltmp42:
0x2cf: {  	(pc) =	sbr.rel @p1 .LBB2_85-.Ltmp42, $2  }
0x2d0: {  	_ =	sdelay $0x2  }
0x2d1: {  	s6 =	sshra.s32 s2, $0x2  }
0x2d2: {  	[tilespmem:s6+$0x14000] =	vst v2  }
.LBB2_87:
0x2d3: {  	s2 =	smul.u32 $0x18000, s1;
	_ =	sdelay $0x1  }
0x2d4: {  	s2 =	sadd.s32 s2, s9  }
0x2d5: {  	s2 =	sshrl.u32 s2, $0x3  }
0x2d6: {  	s2 =	sadd.s32 s11, s2  }
0x2d7: {  	[tilespmem:s13], [sflag:$0x1] =	stream.strided.gather [hbm4b:s2+s31], $0x1000, s0, s31, $0x38;
	[tilespmem:$0x16980] =	vst v63  }
0x2d8: {  	_ =	swait.ge [sflag:s22], $0x1000  }
0x2d9: {  	[sflag:s22] =	ssyncset.done $0x0  }
0x2da: {  	s3 =	simm.s32 $0x0;
	[sflag:s22] =	ssyncadd.s32 $0xFFFFF000  }
0x2db: {  	s6 =	simm.s32 $0x40;
	v6 =	vld [tilespmem:s3+$0x15000]  }
.LBB2_88:
0x2dc: {  	p1 =	sne.s32 s6, $0x3FC0;
	v7 =	vld [tilespmem:s3+$0x14000];
	_ =	sdelay $0x1  }
.Ltmp43:
0x2dd: {  	(pc) =	sbr.rel @p1 .LBB2_88-.Ltmp43, $3  }
0x2de: {  	_ =	sdelay $0x1  }
0x2df: {  	s2 =	sshra.s32 s6, $0x2;
	v7 =	vadd.s32 v7, v6  }
0x2e0: {  	s6 =	sadd.s32 $0x40, s6;
	v6 =	vld [tilespmem:s2+$0x15000];
	[tilespmem:s3+$0x14000] =	vst v7;
	s3 =	smov.u32 s2  }
0x2e1: {  	v7 =	vld [tilespmem:s3+$0x14000];
	s1 =	sadd.s32 $0x1, s1  }
0x2e2: {  	p1 =	sne.s32 s1, $0x10  }
.Ltmp44:
0x2e3: {  	_ = 	snop;
	(pc) =	sbr.rel @p1 .LBB2_87-.Ltmp44, $3  }
0x2e4: {  	_ =	sdelay $0x1  }
0x2e5: {  	v6 =	vadd.s32 v7, v6  }
0x2e6: {  	[tilespmem:s3+$0x14000] =	vst v6  }
0x2e7: {  	s2 =	simm.s32 $0x0  }
0x2e8: {  	v6 =	vimm.s32 $0x0;
	s1 =	simm.s32 $0x40;
	v7 =	vld [tilespmem:s2+$0x14000]  }
.LBB2_91:
0x2e9: {  	p1 =	sne.s32 s1, $0x3FC0  }
.Ltmp45:
0x2ea: {  	_ = 	snop;
	(pc) =	sbr.rel @p1 .LBB2_91-.Ltmp45, $3  }
0x2eb: {  	_ =	sdelay $0x1  }
0x2ec: {  	s2 =	sshra.s32 s1, $0x2;
	s1 =	sadd.s32 $0x40, s1;
	v6 =	vadd.s32 v6, v7  }
0x2ed: {  	v7 =	vld [tilespmem:s2+$0x14000]  }
0x2ee: {  	v8 =	vsel vm1, $0x0, v4  }
0x2ef: {  	(xrf0) =	vadd.scan.msk.s32 $0xffff, v8;
	_ =	sdelay $0x5  }
0x2f0: {  	v8, _, _ =	vpop (xrf0)  }
0x2f1: {  	(v2sf) =	vpush v8, $0xF;
	_ =	sdelay $0x2  }
0x2f2: {  	v6 =	vadd.s32 v6, v7  }
0x2f3: {  	(xrf0) =	vadd.scan.msk.s32 $0xffff, v6;
	_ =	sdelay $0x5  }
0x2f4: {  	v6, _, _ =	vpop (xrf0)  }
0x2f5: {  	v6 =	vbroadcast v6, $0xF;
	_ =	sdelay $0x1  }
0x2f6: {  	s14 =	simm.s32 $0x0;
	s2 =	rddreg [dreg:$0x19];
	s3 =	simm.s32 $0x16000;
	[tilespmem:$0x16000] =	vst v6  }
0x2f7: {  	[hbm4b:s2+s14] =	stream.linear.scatter [tilespmem:s3], [sflag:$0x1], $0x10, $0x38;
	[tilespmem:$0x16980] =	vst v63  }
0x2f8: {  	s1 =	spop (v2sf)  }
0x2f9: {  	_ =	swait.ge [sflag:s22], $0x10  }
0x2fa: {  	[sflag:s22] =	ssyncset.done $0x0  }
0x2fb: {  	[sflag:s22] =	ssyncadd.s32 $0xFFFFFFF0  }
0x2fc: {  	[bflag:$0x0] =	sbarrier.arrive $0xFFFF  }
0x2fd: {  	s12 =	simm.s32 $0x16080;
	s11 =	rddreg [dreg:$0x6]  }
0x2fe: {  	[tilespmem:s12], [sflag:$0x1] =	stream.linear.gather [hbm4b:s11+s14], $0x10, $0x38;
	[tilespmem:$0x16980] =	vst v63  }
0x2ff: {  	_ =	swait.ge [sflag:s22], $0x10  }
0x300: {  	[sflag:s22] =	ssyncset.done $0x0  }
0x301: {  	s15 =	simm.s32 $0x16100;
	s13 =	rddreg [dreg:$0x7];
	[sflag:s22] =	ssyncadd.s32 $0xFFFFFFF0  }
0x302: {  	[tilespmem:s15], [sflag:$0x1] =	stream.linear.gather [hbm4b:s13+s14], $0x10, $0x38;
	[tilespmem:$0x16980] =	vst v63  }
0x303: {  	_ =	swait.ge [sflag:s22], $0x10  }
0x304: {  	[sflag:s22] =	ssyncset.done $0x0  }
0x305: {  	s17 =	simm.s32 $0x16180;
	s16 =	rddreg [dreg:$0x8];
	[sflag:s22] =	ssyncadd.s32 $0xFFFFFFF0  }
0x306: {  	[tilespmem:s17], [sflag:$0x1] =	stream.linear.gather [hbm4b:s16+s14], $0x10, $0x38;
	[tilespmem:$0x16980] =	vst v63  }
0x307: {  	_ =	swait.ge [sflag:s22], $0x10  }
0x308: {  	[sflag:s22] =	ssyncset.done $0x0  }
0x309: {  	s19 =	simm.s32 $0x16200;
	s18 =	rddreg [dreg:$0x9];
	[sflag:s22] =	ssyncadd.s32 $0xFFFFFFF0  }
0x30a: {  	[tilespmem:s19], [sflag:$0x1] =	stream.linear.gather [hbm4b:s18+s14], $0x10, $0x38;
	[tilespmem:$0x16980] =	vst v63  }
0x30b: {  	_ =	swait.ge [sflag:s22], $0x10  }
0x30c: {  	[sflag:s22] =	ssyncset.done $0x0  }
0x30d: {  	s21 =	simm.s32 $0x16280;
	s20 =	rddreg [dreg:$0xa];
	[sflag:s22] =	ssyncadd.s32 $0xFFFFFFF0  }
0x30e: {  	[tilespmem:s21], [sflag:$0x1] =	stream.linear.gather [hbm4b:s20+s14], $0x10, $0x38;
	[tilespmem:$0x16980] =	vst v63  }
0x30f: {  	_ =	swait.ge [sflag:s22], $0x10  }
0x310: {  	[sflag:s22] =	ssyncset.done $0x0  }
0x311: {  	s24 =	simm.s32 $0x16300;
	s23 =	rddreg [dreg:$0xb];
	[sflag:s22] =	ssyncadd.s32 $0xFFFFFFF0  }
0x312: {  	[tilespmem:s24], [sflag:$0x1] =	stream.linear.gather [hbm4b:s23+s14], $0x10, $0x38;
	[tilespmem:$0x16980] =	vst v63  }
0x313: {  	_ =	swait.ge [sflag:s22], $0x10  }
0x314: {  	[sflag:s22] =	ssyncset.done $0x0  }
0x315: {  	s26 =	simm.s32 $0x16380;
	s25 =	rddreg [dreg:$0xc];
	[sflag:s22] =	ssyncadd.s32 $0xFFFFFFF0  }
0x316: {  	[tilespmem:s26], [sflag:$0x1] =	stream.linear.gather [hbm4b:s25+s14], $0x10, $0x38;
	[tilespmem:$0x16980] =	vst v63  }
0x317: {  	_ =	swait.ge [sflag:s22], $0x10  }
0x318: {  	[sflag:s22] =	ssyncset.done $0x0  }
0x319: {  	s30 =	simm.s32 $0x16400;
	s28 =	rddreg [dreg:$0xd];
	[sflag:s22] =	ssyncadd.s32 $0xFFFFFFF0  }
0x31a: {  	[tilespmem:s30], [sflag:$0x1] =	stream.linear.gather [hbm4b:s28+s14], $0x10, $0x38;
	[tilespmem:$0x16980] =	vst v63  }
0x31b: {  	_ =	swait.ge [sflag:s22], $0x10  }
0x31c: {  	[sflag:s22] =	ssyncset.done $0x0  }
0x31d: {  	s6 =	simm.s32 $0x16480;
	s3 =	rddreg [dreg:$0xe];
	[sflag:s22] =	ssyncadd.s32 $0xFFFFFFF0  }
0x31e: {  	[tilespmem:s6], [sflag:$0x1] =	stream.linear.gather [hbm4b:s3+s14], $0x10, $0x38;
	[tilespmem:$0x16980] =	vst v63  }
0x31f: {  	_ =	swait.ge [sflag:s22], $0x10  }
0x320: {  	[sflag:s22] =	ssyncset.done $0x0  }
0x321: {  	s10 =	simm.s32 $0x16500;
	s8 =	rddreg [dreg:$0xf];
	[sflag:s22] =	ssyncadd.s32 $0xFFFFFFF0  }
0x322: {  	[tilespmem:s10], [sflag:$0x1] =	stream.linear.gather [hbm4b:s8+s14], $0x10, $0x38;
	[tilespmem:$0x16980] =	vst v63  }
0x323: {  	_ =	swait.ge [sflag:s22], $0x10  }
0x324: {  	[sflag:s22] =	ssyncset.done $0x0  }
0x325: {  	s12 =	simm.s32 $0x16580;
	s11 =	rddreg [dreg:$0x10];
	[sflag:s22] =	ssyncadd.s32 $0xFFFFFFF0  }
0x326: {  	[tilespmem:s12], [sflag:$0x1] =	stream.linear.gather [hbm4b:s11+s14], $0x10, $0x38;
	[tilespmem:$0x16980] =	vst v63  }
0x327: {  	_ =	swait.ge [sflag:s22], $0x10  }
0x328: {  	[sflag:s22] =	ssyncset.done $0x0  }
0x329: {  	s15 =	simm.s32 $0x16600;
	s13 =	rddreg [dreg:$0x11];
	[sflag:s22] =	ssyncadd.s32 $0xFFFFFFF0  }
0x32a: {  	[tilespmem:s15], [sflag:$0x1] =	stream.linear.gather [hbm4b:s13+s14], $0x10, $0x38;
	[tilespmem:$0x16980] =	vst v63  }
0x32b: {  	_ =	swait.ge [sflag:s22], $0x10  }
0x32c: {  	[sflag:s22] =	ssyncset.done $0x0  }
0x32d: {  	s17 =	simm.s32 $0x16680;
	s16 =	rddreg [dreg:$0x13];
	[sflag:s22] =	ssyncadd.s32 $0xFFFFFFF0  }
0x32e: {  	[tilespmem:s17], [sflag:$0x1] =	stream.linear.gather [hbm4b:s16+s14], $0x10, $0x38;
	[tilespmem:$0x16980] =	vst v63  }
0x32f: {  	_ =	swait.ge [sflag:s22], $0x10  }
0x330: {  	[sflag:s22] =	ssyncset.done $0x0  }
0x331: {  	s19 =	simm.s32 $0x16700;
	s18 =	rddreg [dreg:$0x14];
	[sflag:s22] =	ssyncadd.s32 $0xFFFFFFF0  }
0x332: {  	[tilespmem:s19], [sflag:$0x1] =	stream.linear.gather [hbm4b:s18+s14], $0x10, $0x38;
	[tilespmem:$0x16980] =	vst v63  }
0x333: {  	_ =	swait.ge [sflag:s22], $0x10  }
0x334: {  	[sflag:s22] =	ssyncset.done $0x0  }
0x335: {  	s21 =	simm.s32 $0x16780;
	s20 =	rddreg [dreg:$0x15];
	[sflag:s22] =	ssyncadd.s32 $0xFFFFFFF0  }
0x336: {  	[tilespmem:s21], [sflag:$0x1] =	stream.linear.gather [hbm4b:s20+s14], $0x10, $0x38;
	[tilespmem:$0x16980] =	vst v63  }
0x337: {  	_ =	swait.ge [sflag:s22], $0x10  }
0x338: {  	[sflag:s22] =	ssyncset.done $0x0  }
0x339: {  	s23 =	simm.s32 $0x16800;
	s24 =	rddreg [dreg:$0x16];
	[sflag:s22] =	ssyncadd.s32 $0xFFFFFFF0  }
0x33a: {  	[tilespmem:s23], [sflag:$0x1] =	stream.linear.gather [hbm4b:s24+s14], $0x10, $0x38;
	[tilespmem:$0x16980] =	vst v63  }
0x33b: {  	_ =	swait.ge [sflag:s22], $0x10  }
0x33c: {  	[sflag:s22] =	ssyncset.done $0x0  }
0x33d: {  	[sflag:s22] =	ssyncadd.s32 $0xFFFFFFF0  }
0x33e: {  	v6 =	vld [tilespmem:s23+$0x0];
	_ =	sdelay $0x4  }
0x33f: {  	v6 =	vnsel vm0, $0x0, v6  }
0x340: {  	(xrf0) =	vadd.scan.msk.s32 $0xffff, v6;
	_ =	sdelay $0x5  }
0x341: {  	s25 =	simm.s32 $0x16780;
	v6, _, _ =	vpop (xrf0)  }
0x342: {  	(v2sf) =	vpush v6, $0xF;
	v6 =	vld [tilespmem:s25+$0x0];
	_ =	sdelay $0x2  }
0x343: {  	s26 =	simm.s32 $0x16700  }
0x344: {  	v7 =	vld [tilespmem:s26+$0x0]  }
0x345: {  	v6 =	vnsel vm0, $0x0, v6  }
0x346: {  	(xrf0) =	vadd.scan.msk.s32 $0xffff, v6;
	_ =	sdelay $0x2  }
0x347: {  	v6 =	vnsel vm0, $0x0, v7  }
0x348: {  	(xrf0) =	vadd.scan.msk.s32 $0xffff, v6;
	_ =	sdelay $0x1  }
0x349: {  	v7, _, _ =	vpop (xrf0)  }
0x34a: {  	(v2sf) =	vpush v7, $0xF;
	_ =	sdelay $0x1  }
0x34b: {  	s28 =	simm.s32 $0x16680  }
0x34c: {  	v6 =	vld [tilespmem:s28+$0x0];
	v7, _, _ =	vpop (xrf0)  }
0x34d: {  	s30 =	spop (v2sf);
	(v2sf) =	vpush v7, $0xF;
	_ =	sdelay $0x1  }
0x34e: {  	p1 =	por $0x1, $0x1;
	s3 =	simm.s32 $0xD;
	s6 =	simm.s32 $0xB  }
0x34f: {  	s8 =	simm.s32 $0xF;
	s12 =	ssub.s32 s5, s1;
	s1 =	sadd.s32 $0x0, s30  }
0x350: {  	s10 =	simm.s32 $0xC;
	s11 =	simm.s32 $0xFFFFFFFF;
	v6 =	vnsel vm0, $0x0, v6;
	p2 =	sge.s32 s1, s12  }
0x351: {  	s13 =	simm.s32 $0xE;
	s16 =	simm.s32 $0x16600;
	(xrf0) =	vadd.scan.msk.s32 $0xffff, v6;
	p1 =	por !p1, !p2  }
0x352: {  	s15 =	simm.s32 $0x0;
	s17 =	simm.s32 $0xA;
	v6 =	vld [tilespmem:s16+$0x0];
	p1 =	por !p1, !p1  }
.LBB2_93:
0x353: {  	p2 =	seq.s32 s17, $0x0;
	s11 =	smov.u32 @p1 s8;
	s14 =	smov.u32 @p1 s15  }
0x354: {  	s8 =	smov.u32 s13;
	s13 =	smov.u32 s3;
	s3 =	smov.u32 s10  }
0x355: {  	s10 =	smov.u32 s6;
	s6 =	smov.u32 s17;
	s17 =	sadd.s32 $0xFFFFFFFF, s17  }
0x356: {  	s15 =	smov.u32 s1  }
.Ltmp46:
0x357: {  	v7, _, _ =	vpop (xrf0);
	s2 =	spop (v2sf);
	(pc) =	sbr.rel @!p2 .LBB2_93-.Ltmp46, $4  }
0x358: {  	v6 =	vnsel vm0, $0x0, v6;
	(v2sf) =	vpush v7, $0xF;
	s1 =	sadd.s32 s1, s2  }
0x359: {  	p1 =	slt.s32 s11, $0x0;
	(xrf0) =	vadd.scan.msk.s32 $0xffff, v6;
	p3 =	sge.s32 s1, s12  }
0x35a: {  	s16 =	sadd.s32 $0xFFFFFF80, s16;
	p1 =	por !p1, !p3  }
0x35b: {  	v6 =	vld [tilespmem:s16+$0x0];
	p1 =	por !p1, !p1  }
0x35c: {  	_ =	sdelay $0x3  }
0x35d: {  	v6 =	vnsel vm0, $0x0, v6  }
0x35e: {  	(xrf0) =	vadd.scan.msk.s32 $0xffff, v6;
	_ =	sdelay $0x1  }
0x35f: {  	v6, _, _ =	vpop (xrf0)  }
0x360: {  	(v2sf) =	vpush v6, $0xF;
	_ =	sdelay $0x2  }
0x361: {  	v6, _, _ =	vpop (xrf0)  }
0x362: {  	(v2sf) =	vpush v6, $0xF;
	_ =	sdelay $0x2  }
0x363: {  	s2 =	spop (v2sf)  }
0x364: {  	s11 =	smov.u32 @p1 s8;
	s2 =	sadd.s32 s1, s2  }
0x365: {  	p2 =	slt.s32 s11, $0x0;
	p3 =	sge.s32 s2, s12  }
0x366: {  	p2 =	por !p2, !p3  }
0x367: {  	p2 =	por !p2, !p2;
	s25 =	spop (v2sf)  }
0x368: {  	s11 =	smov.u32 @p2 s13;
	s8 =	sadd.s32 s2, s25  }
0x369: {  	p5 =	slt.s32 s11, $0x0;
	p4 =	sge.s32 s8, s12  }
0x36a: {  	p3 =	por !p5, !p4  }
0x36b: {  	p3 =	por !p3, !p3;
	s26 =	spop (v2sf)  }
0x36c: {  	s11 =	smov.u32 @p3 s3;
	s3 =	sadd.s32 s8, s26  }
0x36d: {  	p6 =	slt.s32 s11, $0x0;
	p5 =	sge.s32 s3, s12  }
0x36e: {  	p4 =	por !p6, !p5  }
0x36f: {  	p4 =	por !p4, !p4;
	s28 =	spop (v2sf)  }
0x370: {  	s14 =	smov.u32 @p1 s15;
	s11 =	smov.u32 @p4 s10;
	s30 =	sadd.s32 s3, s28  }
0x371: {  	s14 =	smov.u32 @p2 s1;
	p5 =	slt.s32 s11, $0x0;
	p6 =	sge.s32 s30, s12  }
0x372: {  	s14 =	smov.u32 @p3 s2;
	p1 =	por !p5, !p6  }
0x373: {  	s14 =	smov.u32 @p4 s8;
	p1 =	por !p1, !p1  }
0x374: {  	s14 =	smov.u32 @p1 s3;
	s3 =	simm.s32 $0x14FF0  }
0x375: {  	v7 =	vld [tilespmem:s3+$0x0];
	_ =	sdelay $0x4  }
0x376: {  	v7 =	vperm.xlane v7, v3;
	_ =	sdelay $0x1  }
0x377: {  	s11 =	smov.u32 @p1 s6;
	s6 =	simm.s32 $0x14FE0;
	(xrf0) =	vadd.scan.msk.s32 $0xffff, v7  }
0x378: {  	v8 =	vld [tilespmem:s6+$0x0];
	_ =	sdelay $0x4  }
0x379: {  	v9 =	vperm.xlane v8, v3;
	v8, _, _ =	vpop (xrf0)  }
0x37a: {  	(v2sf) =	vpush v8, $0xF;
	_ =	sdelay $0x1  }
0x37b: {  	(xrf0) =	vadd.scan.msk.s32 $0xffff, v9;
	_ =	sdelay $0x1  }
0x37c: {  	s8 =	simm.s32 $0x14FD0  }
0x37d: {  	v10 =	vld [tilespmem:s8+$0x0];
	_ =	sdelay $0x2  }
0x37e: {  	v11, _, _ =	vpop (xrf0)  }
0x37f: {  	(v2sf) =	vpush v11, $0xF  }
0x380: {  	v10 =	vperm.xlane v10, v3;
	_ =	sdelay $0x1  }
0x381: {  	v6 =	vmov s12;
	(xrf0) =	vadd.scan.msk.s32 $0xffff, v10;
	v13 =	vadd.s32 s14, v8  }
0x382: {  	s10 =	simm.s32 $0x14FC0;
	vm3 =	vge.s32 v13, v6  }
0x383: {  	v8 =	vld [tilespmem:s10+$0x0];
	v12 =	vsel vm3, $0x1, v2;
	v14 =	vmctz.xlane vm3  }
0x384: {  	v12 =	vor.u32 $0x80000000, v12;
	s15 =	spop (v2sf)  }
0x385: {  	(xrf0) =	vmax.scan.msk.u32 $0xffff, v12;
	v12 =	vnsel vm0, $0x0, v14;
	s1 =	sadd.s32 s14, s15  }
0x386: {  	(xrf0) =	vadd.scan.msk.s32 $0xffff, v12;
	v11 =	vadd.s32 s1, v11  }
0x387: {  	v14, _, _ =	vpop (xrf0);
	vm3 =	vge.s32 v11, v6  }
0x388: {  	s16 =	simm.s32 $0x14FB0;
	v12 =	vperm.xlane v8, v3;
	(v2sf) =	vpush v14, $0xF;
	v15 =	vsel vm3, $0x1, v2  }
0x389: {  	v8 =	vld [tilespmem:s16+$0x0];
	v15 =	vor.u32 $0x80000000, v15  }
0x38a: {  	(xrf0) =	vadd.scan.msk.s32 $0xffff, v12  }
0x38b: {  	v16, _, _ =	vpop (xrf0)  }
0x38c: {  	v17 =	vmctz.xlane vm3;
	(xrf0) =	vmax.scan.msk.u32 $0xffff, v15;
	v15, _, _ =	vpop (xrf0)  }
0x38d: {  	s17 =	spop (v2sf);
	v18 =	vbroadcast v15, $0xF  }
0x38e: {  	v8 =	vperm.xlane v8, v3;
	s1 =	sadd.s32 s1, s17;
	v17 =	vnsel vm0, $0x0, v17  }
0x38f: {  	(v2sf) =	vpush v16, $0xF;
	v14 =	vadd.s32 s1, v14;
	(xrf0) =	vadd.scan.msk.s32 $0xffff, v17;
	vm3 =	veq.s32 v18, v0  }
0x390: {  	vm4 =	vge.s32 v14, v6;
	(v2sf) =	vpush v15, $0xF;
	v15, _, _ =	vpop (xrf0);
	(xrf0) =	vadd.scan.msk.s32 $0xffff, v8;
	v7 =	vnsel vm3, $0x0, v7  }
0x391: {  	v16 =	vsel vm4, $0x1, v2;
	(xrf0) =	vadd.scan.msk.s32 $0xffff, v7;
	v7 =	vnsel vm3, $0x0, v13  }
0x392: {  	s18 =	simm.s32 $0x14FA0;
	(xrf0) =	vadd.scan.msk.s32 $0xffff, v7;
	v7 =	vor.u32 $0x80000000, v16  }
0x393: {  	(v2sf) =	vpush v15, $0xF;
	v18 =	vmctz.xlane vm4;
	v13 =	vld [tilespmem:s18+$0x0]  }
0x394: {  	v17, _, _ =	vpop (xrf0)  }
0x395: {  	(v2sf) =	vpush v17, $0xF;
	v16 =	vnsel vm0, $0x0, v18;
	(xrf0) =	vmax.scan.msk.u32 $0xffff, v7;
	v7, _, _ =	vpop (xrf0)  }
0x396: {  	(xrf0) =	vadd.scan.msk.s32 $0xffff, v16;
	v16 =	vbroadcast v7, $0xF  }
0x397: {  	s19 =	spop (v2sf);
	(v2sf) =	vpush v7, $0xF;
	v17, _, _ =	vpop (xrf0)  }
0x398: {  	s20 =	simm.s32 $0x14F90;
	s1 =	sadd.s32 s1, s19;
	v7 =	vperm.xlane v13, v3;
	(v2sf) =	vpush v17, $0xF;
	vm3 =	veq.s32 v16, v0  }
0x399: {  	v15 =	vadd.s32 s1, v15;
	v13, _, _ =	vpop (xrf0);
	v16 =	vld [tilespmem:s20+$0x0];
	v11 =	vnsel vm3, $0x0, v11  }
0x39a: {  	vm15 =	vge.s32 v15, v6;
	(v2sf) =	vpush v13, $0xF;
	(xrf0) =	vadd.scan.msk.s32 $0xffff, v7;
	v13, _, _ =	vpop (xrf0);
	v9 =	vnsel vm3, $0x0, v9  }
0x39b: {  	v19 =	vmctz.xlane vm15;
	v18, _, _ =	vpop (xrf0);
	(xrf0) =	vadd.scan.msk.s32 $0xffff, v9;
	v9 =	vsel vm15, $0x1, v2  }
0x39c: {  	(xrf0) =	vadd.scan.msk.s32 $0xffff, v11;
	v9 =	vor.u32 $0x80000000, v9;
	v11, _, _ =	vpop (xrf0)  }
0x39d: {  	(xrf0) =	vmax.scan.msk.u32 $0xffff, v9;
	v9 =	vnsel vm0, $0x0, v19;
	v19 =	vbroadcast v11, $0xF  }
0x39e: {  	(xrf0) =	vadd.scan.msk.s32 $0xffff, v9;
	v9 =	vperm.xlane v16, v3  }
0x39f: {  	(v2sf) =	vpush v13, $0xF;
	vm3 =	veq.s32 v19, v0  }
0x3a0: {  	s21 =	spop (v2sf);
	(v2sf) =	vpush v18, $0xF;
	(xrf0) =	vadd.scan.msk.s32 $0xffff, v9;
	v10 =	vnsel vm3, $0x0, v10  }
0x3a1: {  	s23 =	spop (v2sf);
	(v2sf) =	vpush v11, $0xF;
	v13, _, _ =	vpop (xrf0);
	v14 =	vnsel vm3, $0x0, v14  }
0x3a2: {  	s13 =	simm.s32 $0xFFFFFFFF;
	s24 =	spop (v2sf);
	(v2sf) =	vpush v13, $0xF;
	v16, _, _ =	vpop (xrf0)  }
0x3a3: {  	s25 =	simm.s32 $0x14F80;
	p4 =	por $0x1, $0x1;
	s1 =	sadd.s32 s1, s24;
	(xrf0) =	vadd.scan.msk.s32 $0xffff, v10;
	(v2sf) =	vpush v16, $0xF;
	v10, _, _ =	vpop (xrf0)  }
0x3a4: {  	s12 =	simm.s32 $0x0;
	s6 =	simm.s32 $0xF6F;
	v11 =	vadd.s32 s1, v17;
	s26 =	spop (v2sf);
	(xrf0) =	vadd.scan.msk.s32 $0xffff, v14;
	v14, _, _ =	vpop (xrf0);
	(v2sf) =	vpush v10, $0xF  }
0x3a5: {  	s16 =	simm.s32 $0xF9F;
	s14 =	simm.s32 $0xF8F;
	p3 =	sgt.u32 s21, $0x80000000;
	v18 =	vld [tilespmem:s25+$0x0];
	vm3 =	vge.s32 v11, v6;
	v17, _, _ =	vpop (xrf0);
	(v2sf) =	vpush v14, $0xF  }
0x3a6: {  	s15 =	simm.s32 $0xF7F;
	p1 =	por !p4, !p3;
	v16 =	vsel vm3, $0x1, v2;
	v10 =	vmctz.xlane vm3;
	s28 =	spop (v2sf);
	(v2sf) =	vpush v17, $0xF;
	v14, _, _ =	vpop (xrf0)  }
0x3a7: {  	p1 =	por !p1, !p1;
	s2 =	ssub.s32 $0xFFF, s23;
	v16 =	vor.u32 $0x80000000, v16;
	s30 =	spop (v2sf);
	(v2sf) =	vpush v14, $0xF  }
0x3a8: {  	s17 =	simm.s32 $0xFAF;
	s19 =	simm.s32 $0xFCF;
	s13 =	smov.u32 @p1 s2;
	(xrf0) =	vmax.scan.msk.u32 $0xffff, v16;
	v16 =	vnsel vm0, $0x0, v10  }
0x3a9: {  	s18 =	simm.s32 $0xFBF;
	p6 =	slt.s32 s13, $0x0;
	p5 =	sgt.u32 s26, $0x80000000;
	v19 =	vbroadcast v17, $0xF  }
0x3aa: {  	s20 =	simm.s32 $0xFDF;
	p1 =	por p1, p1;
	p2 =	por !p6, !p5;
	v10 =	vperm.xlane v18, v3  }
0x3ab: {  	p2 =	por !p2, !p2;
	s2 =	ssub.s32 $0xFEF, s28;
	(xrf0) =	vadd.scan.msk.s32 $0xffff, v16;
	s23 =	sadd.s32 s1, s30;
	vm3 =	veq.s32 v19, v0;
	v16, _, _ =	vpop (xrf0)  }
0x3ac: {  	s24 =	simm.s32 $0x14F70;
	s13 =	smov.u32 @p2 s2;
	s21 =	spop (v2sf);
	v13 =	vadd.s32 s23, v13;
	(xrf0) =	vadd.scan.msk.s32 $0xffff, v10;
	v17 =	vnsel vm3, $0x0, v12;
	v12 =	vnsel vm3, $0x0, v15;
	v15, _, _ =	vpop (xrf0)  }
.LBB2_95:
0x3ad: {  	p3 =	sne.s32 s6, $0xF  }
0x3ae: {  	vm3 =	vge.s32 v13, v6;
	(xrf0) =	vadd.scan.msk.s32 $0xffff, v17;
	(v2sf) =	vpush v16, $0xF;
	s1 =	spop (v2sf);
	v17 =	vmovc v8;
	v8 =	vmov v7;
	s2 =	smov.u32 s16;
	s16 =	smov.u32 s14  }
0x3af: {  	v18 =	vld [tilespmem:s24+$0x0];
	v7 =	vmovc v9;
	v9 =	vmovc v10;
	v19 =	vmov v14;
	v20 =	vmov v11;
	v11 =	vmov v13;
	s14 =	smov.u32 s15;
	p4 =	por p1, p1;
	p1 =	por p2, p2  }
0x3b0: {  	s15 =	smov.u32 s6;
	v16 =	vsel vm3, $0x1, v2;
	v13, _, _ =	vpop (xrf0);
	(xrf0) =	vadd.scan.msk.s32 $0xffff, v12;
	s3 =	spop (v2sf);
	(v2sf) =	vpush v15, $0xF;
	s1 =	ssub.s32 s1, s21  }
0x3b1: {  	p5 =	slt.s32 s13, $0x0;
	v12 =	vmctz.xlane vm3;
	v14 =	vor.u32 $0x80000000, v16;
	(v2sf) =	vpush v13, $0xF;
	p2 =	sgt.u32 s3, $0x80000000;
	s12 =	smov.u32 @p4 s1  }
.Ltmp47:
0x3b2: {  	(xrf0) =	vmax.scan.msk.u32 $0xffff, v14;
	v10, _, _ =	vpop (xrf0);
	p2 =	por !p5, !p2;
	s1 =	spop (v2sf);
	(pc) =	sbr.rel @p3 .LBB2_95-.Ltmp47, $4  }
0x3b3: {  	v12 =	vnsel vm0, $0x0, v12;
	v13 =	vbroadcast v10, $0xF;
	(v2sf) =	vpush v10, $0xF;
	p2 =	por !p2, !p2;
	s1 =	ssub.s32 s20, s1;
	s20 =	smov.u32 s19  }
0x3b4: {  	s19 =	smov.u32 s18;
	v10 =	vperm.xlane v18, v3;
	v14, _, _ =	vpop (xrf0);
	(xrf0) =	vadd.scan.msk.s32 $0xffff, v12;
	s3 =	spop (v2sf);
	s13 =	smov.u32 @p2 s1  }
0x3b5: {  	s18 =	smov.u32 s17;
	s17 =	smov.u32 s2;
	(v2sf) =	vpush v14, $0xF;
	s23 =	sadd.s32 s23, s3;
	vm3 =	veq.s32 v13, v0;
	v16, _, _ =	vpop (xrf0)  }
0x3b6: {  	s6 =	sadd.s32 $0xFFFFFFF0, s6;
	s24 =	sadd.s32 $0xFFFFFFF0, s24;
	(xrf0) =	vadd.scan.msk.s32 $0xffff, v10;
	v13 =	vadd.s32 s23, v19;
	v17 =	vnsel vm3, $0x0, v17;
	v12 =	vnsel vm3, $0x0, v20;
	v15, _, _ =	vpop (xrf0);
	s21 =	spop (v2sf)  }
0x3b7: {  	_ =	sdelay $0x1  }
0x3b8: {  	(v2sf) =	vpush v16, $0xF  }
0x3b9: {  	v26 =	vld [tilespmem:s24+$0x0];
	v25, _, _ =	vpop (xrf0);
	(v2sf) =	vpush v15, $0xF  }
0x3ba: {  	s25 =	spop (v2sf);
	(v2sf) =	vpush v25, $0xF;
	v27, _, _ =	vpop (xrf0)  }
0x3bb: {  	vm3 =	vge.s32 v13, v6;
	s8 =	spop (v2sf);
	(v2sf) =	vpush v27, $0xF;
	v18, _, _ =	vpop (xrf0)  }
0x3bc: {  	(xrf0) =	vadd.scan.msk.s32 $0xffff, v17;
	v28 =	vsel vm3, $0x1, v2;
	v19 =	vmctz.xlane vm3;
	s30 =	spop (v2sf);
	(v2sf) =	vpush v18, $0xF  }
0x3bd: {  	v29 =	vor.u32 $0x80000000, v28;
	(xrf0) =	vadd.scan.msk.s32 $0xffff, v12;
	s1 =	spop (v2sf);
	v16 =	vbroadcast v27, $0xF  }
0x3be: {  	v30 =	vnsel vm0, $0x0, v19;
	s2 =	sadd.s32 s23, s1;
	(xrf0) =	vmax.scan.msk.u32 $0xffff, v29;
	v15 =	vperm.xlane v26, v3  }
0x3bf: {  	v31 =	vadd.s32 s2, v14;
	(xrf0) =	vadd.scan.msk.s32 $0xffff, v30;
	vm3 =	veq.s32 v16, v0  }
0x3c0: {  	vm4 =	vge.s32 v31, v6;
	(xrf0) =	vadd.scan.msk.s32 $0xffff, v15;
	v8 =	vnsel vm3, $0x0, v8  }
0x3c1: {  	v11 =	vnsel vm3, $0x0, v11;
	v32 =	vsel vm4, $0x1, v2;
	v33 =	vmctz.xlane vm4;
	(xrf0) =	vadd.scan.msk.s32 $0xffff, v8  }
0x3c2: {  	s6 =	spop (v2sf);
	v34, _, _ =	vpop (xrf0);
	v8 =	vor.u32 $0x80000000, v32;
	(xrf0) =	vadd.scan.msk.s32 $0xffff, v11  }
0x3c3: {  	s10 =	spop (v2sf);
	v35, _, _ =	vpop (xrf0);
	v36 =	vnsel vm0, $0x0, v33;
	(xrf0) =	vmax.scan.msk.u32 $0xffff, v8  }
0x3c4: {  	s3 =	spop (v2sf);
	v37, _, _ =	vpop (xrf0);
	(xrf0) =	vadd.scan.msk.s32 $0xffff, v36  }
0x3c5: {  	s1 =	spop (v2sf);
	v38, _, _ =	vpop (xrf0)  }
0x3c6: {  	s26 =	spop (v2sf);
	v39, _, _ =	vpop (xrf0);
	v40 =	vbroadcast v38, $0xF  }
0x3c7: {  	v20, _, _ =	vpop (xrf0);
	s2 =	sadd.s32 s2, s26;
	s28 =	spop (v2sf)  }
0x3c8: {  	v21, _, _ =	vpop (xrf0);
	vm3 =	veq.s32 v40, v0;
	v41 =	vadd.s32 s2, v18;
	s24 =	spop (v2sf)  }
0x3c9: {  	[dreg:$0x1b] =	wrdreg s28;
	v42, _, _ =	vpop (xrf0);
	v7 =	vnsel vm3, $0x0, v7;
	v43 =	vnsel vm3, $0x0, v13;
	vm3 =	vge.s32 v41, v6;
	s28 =	spop (v2sf)  }
0x3ca: {  	(v2sf) =	vpush v34, $0xF;
	v44, _, _ =	vpop (xrf0);
	v22 =	vmctz.xlane vm3;
	s26 =	spop (v2sf)  }
0x3cb: {  	(xrf0) =	vadd.scan.msk.s32 $0xffff, v7;
	v45 =	vsel vm3, $0x1, v2;
	v23 =	vbroadcast v44, $0xF;
	s23 =	spop (v2sf)  }
0x3cc: {  	(xrf0) =	vadd.scan.msk.s32 $0xffff, v43;
	v7 =	vor.u32 $0x80000000, v45;
	(v2sf) =	vpush v35, $0xF;
	v46 =	vnsel vm0, $0x0, v22;
	s2 =	sadd.s32 s2, s23  }
0x3cd: {  	(xrf0) =	vmax.scan.msk.u32 $0xffff, v7;
	vm3 =	veq.s32 v23, v0;
	(v2sf) =	vpush v37, $0xF;
	v24 =	vadd.s32 s2, v39  }
0x3ce: {  	(xrf0) =	vadd.scan.msk.s32 $0xffff, v46;
	v47 =	vnsel vm3, $0x0, v9;
	v48 =	vnsel vm3, $0x0, v31;
	vm3 =	vge.s32 v24, v6  }
0x3cf: {  	(v2sf) =	vpush v38, $0xF;
	(xrf0) =	vadd.scan.msk.s32 $0xffff, v47;
	v6 =	vsel vm3, $0x1, v2;
	v49 =	vmctz.xlane vm3  }
0x3d0: {  	p4 =	slt.s32 s13, $0x0;
	p3 =	sgt.u32 s8, $0x80000000;
	(xrf0) =	vadd.scan.msk.s32 $0xffff, v48;
	v6 =	vor.u32 $0x80000000, v6  }
0x3d1: {  	p3 =	por !p4, !p3;
	(v2sf) =	vpush v39, $0xF;
	v50, _, _ =	vpop (xrf0);
	(xrf0) =	vmax.scan.msk.u32 $0xffff, v6;
	v51 =	vnsel vm0, $0x0, v49  }
0x3d2: {  	s8 =	ssub.s32 s20, s30;
	p4 =	por p1, p1;
	p1 =	por !p3, !p3;
	(v2sf) =	vpush v20, $0xF;
	v52, _, _ =	vpop (xrf0);
	(xrf0) =	vadd.scan.msk.s32 $0xffff, v51  }
0x3d3: {  	s13 =	smov.u32 @p1 s8;
	v53, _, _ =	vpop (xrf0);
	(v2sf) =	vpush v21, $0xF  }
0x3d4: {  	p6 =	slt.s32 s13, $0x0;
	p5 =	sgt.u32 s3, $0x80000000;
	v54, _, _ =	vpop (xrf0)  }
0x3d5: {  	p3 =	por !p6, !p5;
	(v2sf) =	vpush v42, $0xF;
	v55, _, _ =	vpop (xrf0)  }
0x3d6: {  	p2 =	por p2, p2;
	p3 =	por !p3, !p3;
	s1 =	ssub.s32 s19, s1;
	(v2sf) =	vpush v44, $0xF;
	v57 =	vbroadcast v54, $0xF;
	v56, _, _ =	vpop (xrf0)  }
0x3d7: {  	p2 =	por p2, p2;
	p1 =	por p1, p1;
	s13 =	smov.u32 @p3 s1;
	(v2sf) =	vpush v50, $0xF;
	v58, _, _ =	vpop (xrf0)  }
0x3d8: {  	p6 =	slt.s32 s13, $0x0;
	p5 =	sgt.u32 s28, $0x80000000;
	s2 =	ssub.s32 s25, s21;
	(v2sf) =	vpush v52, $0xF;
	vm3 =	veq.s32 v57, v0;
	v59, _, _ =	vpop (xrf0)  }
0x3d9: {  	s30 =	spop (v2sf);
	s12 =	smov.u32 @p4 s2;
	s2 =	ssub.s32 s10, s6;
	(v2sf) =	vpush v53, $0xF;
	v10 =	vnsel vm3, $0x0, v10;
	v60 =	vbroadcast v59, $0xF  }
0x3da: {  	s10 =	rddreg [dreg:$0x1b];
	s12 =	smov.u32 @p2 s2;
	p2 =	por p1, p1;
	(xrf0) =	vadd.scan.msk.s32 $0xffff, v10  }
0x3db: {  	p1 =	por p3, p3;
	s6 =	ssub.s32 s24, s10;
	v12 =	vnsel vm3, $0x0, v41;
	s3 =	spop (v2sf);
	(v2sf) =	vpush v54, $0xF;
	vm3 =	veq.s32 v60, v0  }
0x3dc: {  	p3 =	por !p6, !p5;
	s10 =	ssub.s32 s18, s26;
	(xrf0) =	vadd.scan.msk.s32 $0xffff, v12;
	s8 =	spop (v2sf);
	(v2sf) =	vpush v55, $0xF;
	v6 =	vnsel vm3, $0x0, v15  }
0x3dd: {  	p3 =	por !p3, !p3;
	s12 =	smov.u32 @p2 s6;
	p2 =	por p1, p1;
	(v2sf) =	vpush v56, $0xF;
	v61 =	vnsel vm3, $0x0, v24;
	(xrf0) =	vadd.scan.msk.s32 $0xffff, v6  }
0x3de: {  	s13 =	smov.u32 @p3 s10;
	s1 =	ssub.s32 s3, s30;
	s19 =	spop (v2sf);
	(v2sf) =	vpush v58, $0xF;
	(xrf0) =	vadd.scan.msk.s32 $0xffff, v61  }
0x3df: {  	v4 =	vsel vm2, $0x0, v4;
	p1 =	por p3, p3;
	p6 =	slt.s32 s13, $0x0;
	s12 =	smov.u32 @p2 s1  }
0x3e0: {  	p2 =	por p1, p1;
	p5 =	sgt.u32 s8, $0x80000000;
	s20 =	spop (v2sf);
	(v2sf) =	vpush v59, $0xF;
	v62, _, _ =	vpop (xrf0);
	(xrf0) =	vadd.scan.msk.s32 $0xffff, v4  }
0x3e1: {  	s8 =	simm.s32 @!p0 $0x16880;
	p4 =	por !p6, !p5;
	s21 =	spop (v2sf);
	(v2sf) =	vpush v62, $0xF  }
0x3e2: {  	s6 =	ssub.s32 s17, s19;
	p3 =	por !p4, !p4;
	s23 =	spop (v2sf);
	v4, _, _ =	vpop (xrf0)  }
0x3e3: {  	s13 =	smov.u32 @p3 s6;
	p3 =	por p3, p3;
	s6 =	simm.s32 @!p0 $0x0;
	(v2sf) =	vpush v4, $0xF;
	v4, _, _ =	vpop (xrf0)  }
0x3e4: {  	s24 =	spop (v2sf);
	p6 =	slt.s32 s13, $0x0;
	s1 =	ssub.s32 s23, s21;
	v63, _, _ =	vpop (xrf0);
	(v2sf) =	vpush v4, $0xF  }
0x3e5: {  	s25 =	spop (v2sf);
	p5 =	sgt.u32 s24, $0x80000000;
	s12 =	smov.u32 @p2 s1;
	(v2sf) =	vpush v63, $0xF  }
0x3e6: {  	p2 =	por p3, p3;
	s26 =	spop (v2sf);
	p1 =	por !p6, !p5;
	v4, _, _ =	vpop (xrf0);
	(v2sf) =	vpush v5, $0xF  }
0x3e7: {  	s3 =	ssub.s32 s16, s25;
	s28 =	spop (v2sf);
	p1 =	por !p1, !p1;
	(v2sf) =	vpush v4, $0xF  }
0x3e8: {  	s25 =	stileid.u32;
	s30 =	spop (v2sf);
	s13 =	smov.u32 @p1 s3  }
0x3e9: {  	s1 =	ssub.s32 s28, s26;
	p1 =	por p1, p1;
	p5 =	sgt.u32 s30, $0x80000000  }
0x3ea: {  	p6 =	slt.s32 s13, $0x0;
	s12 =	smov.u32 @p2 s1;
	s10 =	spop (v2sf)  }
0x3eb: {  	p1 =	por p1, p1;
	p4 =	por !p6, !p5;
	s16 =	spop (v2sf)  }
0x3ec: {  	p2 =	por !p4, !p4;
	s1 =	ssub.s32 s14, s10;
	s17 =	spop (v2sf)  }
0x3ed: {  	s10 =	rddreg [dreg:$0x4];
	s13 =	smov.u32 @p2 s1;
	s18 =	spop (v2sf)  }
0x3ee: {  	p6 =	slt.s32 s13, $0x0;
	s1 =	ssub.s32 s17, s16;
	p5 =	sgt.u32 s18, $0x80000000  }
0x3ef: {  	v4 =	vimm.s32 @!p0 $0x0;
	s12 =	smov.u32 @p1 s1;
	s19 =	spop (v2sf);
	p4 =	por !p6, !p5  }
0x3f0: {  	[tilespmem:$0x16880] =	vst @!p0 v4;
	s1 =	ssub.s32 s15, s19;
	s20 =	spop (v2sf);
	s15 =	rddreg [dreg:$0x17]  }
0x3f1: {  	[hbm4b:s15+s6] =	stream.linear.scatter @!p0 [tilespmem:s8], [sflag:$0x1], $0x10, $0x38;
	[tilespmem:$0x16980] =	vst v63  }
0x3f2: {  	p2 =	por p2, p2;
	p1 =	por !p4, !p4;
	s21 =	spop (v2sf)  }
0x3f3: {  	p3 =	por p2, p2;
	s13 =	smov.u32 @p1 s1;
	s23 =	spop (v2sf)  }
0x3f4: {  	p5 =	por p1, p1;
	s1 =	ssub.s32 s21, s20;
	s24 =	spop (v2sf)  }
0x3f5: {  	p1 =	sne.s32 s25, s11;
	s12 =	smov.u32 @p3 s1;
	s1 =	spop (v2sf)  }
0x3f6: {  	s8 =	simm.s32 @!p0 $0x1;
	s10 =	sadd.s32 @!p1 s10, s13;
	s6 =	spop (v2sf)  }
0x3f7: {  	p2 =	por p5, p5;
	vm3 =	vcmask @!p1 $0x300;
	v4 =	vmov @!p1 s10;
	s2 =	ssub.s32 s24, s23;
	_ =	swait.ge @!p0 [sflag:s8], $0x10  }
0x3f8: {  	v4 =	vnsel @!p1 vm3, $0x0, v4;
	vm3 =	vcmask @!p1 $0x704;
	s12 =	smov.u32 @p2 s2;
	[sflag:s8] =	ssyncset.done @!p0 $0x0  }
0x3f9: {  	v4 =	vsel @!p1 vm3, s12, v4;
	vm3 =	vcmask @!p1 $0xB08;
	[sflag:s8] =	ssyncadd.s32 @!p0 $0xFFFFFFF0  }
0x3fa: {  	v4 =	vsel @!p1 vm3, $0x1, v4;
	[bflag:$0x0] =	sbarrier.arrive $0xFFFF  }
0x3fb: {  	s3 =	simm.s32 @!p1 $0x16880;
	s2 =	simm.s32 @!p1 $0x0;
	[tilespmem:$0x16880] =	vst @!p1 v4  }
0x3fc: {  	[hbm4b:s15+s2] =	stream.linear.scatter @!p1 [tilespmem:s3], [sflag:$0x1], $0x10, $0x38;
	[tilespmem:$0x16980] =	vst v63  }
0x3fd: {  	s2 =	simm.s32 @!p1 $0x1  }
0x3fe: {  	_ =	swait.ge @!p1 [sflag:s2], $0x10  }
0x3ff: {  	[sflag:s2] =	ssyncset.done @!p1 $0x0  }
0x400: {  	[sflag:s2] =	ssyncadd.s32 @!p1 $0xFFFFFFF0  }
0x401: {  	s26 =	simm.s32 $0x16880;
	s12 =	simm.s32 $0x0;
	[bflag:$0x0] =	sbarrier.arrive $0xFFFF  }
0x402: {  	[tilespmem:s26], [sflag:$0x1] =	stream.linear.gather [hbm4b:s15+s12], $0x10, $0x38;
	[tilespmem:$0x16980] =	vst v63  }
0x403: {  	p1 =	sgt.s32 s11, $0x0;
	_ =	swait.ge [sflag:s22], $0x10  }
0x404: {  	s11 =	simm.s32 @!p1 $0x0;
	[sflag:s22] =	ssyncset.done $0x0  }
0x405: {  	p1 =	sne.s32 s25, s11;
	[sflag:s22] =	ssyncadd.s32 $0xFFFFFFF0  }
0x406: {  	v4 =	vld @!p1 [tilespmem:$0x16880];
	_ =	sdelay $0x3  }
0x407: {  	vm3 =	vcmask @!p1 $0x70C  }
0x408: {  	v5 =	vsel @!p1 vm3, $0x0, v4;
	vm3 =	vmmov @!p1 $0x1  }
0x409: {  	(xrf0) =	vadd.scan.msk.s32 @!p1 $0xffff, v5;
	v4 =	vnsel @!p1 vm3, $0x0, v4  }
0x40a: {  	(xrf0) =	vadd.scan.msk.s32 @!p1 $0xffff, v4;
	_ =	sdelay $0x4  }
0x40b: {  	v4, _, _ =	vpop @!p1 (xrf0)  }
0x40c: {  	(v2sf) =	vpush @!p1 v4, $0xF;
	v4, _, _ =	vpop @!p1 (xrf0)  }
0x40d: {  	(v2sf) =	vpush @!p1 v4, $0xF;
	_ =	sdelay $0xd  }
0x40e: {  	s2 =	spop @!p1 (v2sf)  }
0x40f: {  	s1 =	sshll.u32 @!p1 s1, $0x10;
	s3 =	spop @!p1 (v2sf)  }
0x410: {  	s1 =	sor.u32 @!p1 s1, s3  }
0x411: {  	v4 =	vmov @!p1 s1  }
0x412: {  	p2 =	sgt.s32 @!p1 s2, $0x0;
	v4 =	vbroadcast @!p1 v4, $0x0  }
0x413: {  	p3 =	sgt.s32 @!p1 s6, $0x0;
	p2 =	por !p2, p1  }
0x414: {  	p6 =	por !p3, p1;
	v4 =	vpsel p2, $0x0, v4  }
0x415: {  	v4 =	vpsel p6, $0x0, v4  }
0x416: {  	s2 =	simm.s32 @!p1 $0x16900;
	s3 =	rddreg [dreg:$0x12];
	s1 =	simm.s32 @!p1 $0x0;
	[tilespmem:$0x16900] =	vst @!p1 v4  }
0x417: {  	[hbm4b:s3+s1] =	stream.linear.scatter @!p1 [tilespmem:s2], [sflag:$0x1], $0x80, $0x38;
	[tilespmem:$0x16980] =	vst v63  }
0x418: {  	s1 =	simm.s32 @!p1 $0x1  }
0x419: {  	_ =	swait.ge @!p1 [sflag:s1], $0x80  }
0x41a: {  	s28 =	rddreg [dreg:$0x1a]  }
0x41b: {  	s30 =	rddreg [dreg:$0x18];
	s3 =	sadd.s32 $0x1, s28  }
0x41c: {  	p2 =	sne.s32 s3, s30  }
.Ltmp48:
0x41d: {  	_ = 	snop;
	(pc) =	sbr.rel @p2 .LBB2_1-.Ltmp48, $4  }
0x41e: {  	_ = 	snop  }
0x41f: {  	[sflag:s1] =	ssyncset.done @!p1 $0x0  }
0x420: {  	[sflag:s1] =	ssyncadd.s32 @!p1 $0xFFFFFF80  }
0x421: {  	s13 =	simm.s32 $0x15000;
	s2 =	rddreg [dreg:$0x2]  }
0x422: {  	_ =	sfence.sel $0x180000  }
0x423: {  	[bflag:$0x0] =	sbarrier.arrive $0xFFFF  }
0x424: {  	_ =	strace $0x90000047  }
0x425: {  	[bflag:$0x2] =	sbarrier.arrive $0xFFFF  }
0x426: {  	s0 =	rddreg [dreg:$0x3]  }
0x427: {  	s0 =	sadd.s32 @!p0 $0x100000, s0  }
0x428: {  	[sflag:s0] =	ssyncadd.tile.s32 @!p0 $0x1;
	_ =	shalt  }
.Lfunc_end2:
_tile_overlayer_lowered:
.L_overlay_start_2:
0x429: {  	(tag) =	ssettag $0x2  }
0x42a: {  	s0 =	rddreg [dreg:$0x0];
	s2 =	stileid.u32  }
0x42b: {  	s1 =	rddreg [dreg:$0x1];
	p0 =	sne.s32 s2, $0x0  }
0x42c: {  	s3 =	rddreg [dreg:$0x2];
	[bflag:$0x3] =	sbarrier.arrive $0xFFFF;
	s2 =	simm.s32 @!p0 $0x1C01  }
0x42d: {  	[timem:s3], [sflag:s2] =	dma.local @!p0 [hbm:s0], s1  }
0x42e: {  	s0 =	simm.s32 @!p0 $0x1  }
0x42f: {  	_ =	swait.ge @!p0 [sflag:s0], s1  }
0x430: {  	s1 =	ssub.s32 @!p0 $0x0, s1;
	[sflag:s0] =	ssyncset.done @!p0 $0x0  }
0x431: {  	[sflag:s0] =	ssyncadd.s32 @!p0 s1  }
0x432: {  	[bflag:$0x3] =	sbarrier.arrive $0xFFFF  }
0x433: {  	_ =	shalt  }

</sc_bundles>
